<compile_context>
chip_gen: v7x
topology: tpu7x:2x2x1
jax: 0.10.2.dev20260603
libtpu: 0.0.44.dev20260713+nightly
codegen_flags: <defaults>
</compile_context>

<pallas_src>
import dataclasses

import jax
import jax.numpy as jnp
from jax import lax
from jax.experimental import pallas as pl
from jax.experimental.pallas import tpu as pltpu
from jax.experimental.pallas import tpu_sc as plsc

N = 10000
E = 320000
IN_DIM = 128
HID_DIM = 128
OUT_DIM = 64
NODE = 500

NC = 2
NS = 16
NW = NC * NS
L = 16
HR = 80
EW = E // NW
CS = 80
CPS = EW // CS
NRB = 4

_mesh = plsc.VectorSubcoreMesh(core_axis_name="c", subcore_axis_name="s")

_cp = pltpu.CompilerParams()
if "needs_layout_passes" in pltpu.CompilerParams.__dataclass_fields__:
    _cp = dataclasses.replace(_cp, needs_layout_passes=False)


def _deg_body(src_hbm, dst_hbm, outs_hbm, outd_hbm,
              idxs_v, idxd_v, hs_v, hd_v, id_v, accs_sh, accd_sh, sem):
    cid = lax.axis_index("c")
    sid = lax.axis_index("s")
    wid = cid * NS + sid
    zvec = jnp.zeros((L,), jnp.float32)
    ones = jnp.ones((L,), jnp.float32)

    i1 = pltpu.async_copy(src_hbm.at[pl.ds(wid * EW, EW)], idxs_v, sem)
    i2 = pltpu.async_copy(dst_hbm.at[pl.ds(wid * EW, EW)], idxd_v, sem)

    @pl.loop(0, HR)
    def _(r):
        for cc in range(128 // L):
            hs_v[r, pl.ds(cc * L, L)] = zvec
            hd_v[r, pl.ds(cc * L, L)] = zvec

    for k in range(HR // L):
        id_v[pl.ds(k * L, L)] = lax.iota(jnp.int32, L) + k * L

    @pl.loop(sid * 8, HR, step=NS * 8)
    def _(r0):
        pltpu.sync_copy(hs_v.at[pl.ds(0, 8)], accs_sh.at[pl.ds(r0, 8)])
        pltpu.sync_copy(hd_v.at[pl.ds(0, 8)], accd_sh.at[pl.ds(r0, 8)])

    i1.wait()
    i2.wait()

    @pl.loop(0, EW, step=L)
    def _(o):
        v = idxs_v[pl.ds(o, L)]
        plsc.addupdate_scatter(hs_v, [v >> 7, v & 127], ones)
        w = idxd_v[pl.ds(o, L)]
        plsc.addupdate_scatter(hd_v, [w >> 7, w & 127], ones)

    plsc.subcore_barrier()
    pltpu.sync_copy(hs_v, accs_sh.at[id_v], add=True)
    pltpu.sync_copy(hd_v, accd_sh.at[id_v], add=True)
    plsc.subcore_barrier()
    @pl.loop(sid * 8, HR, step=NS * 8)
    def _(r0):
        pltpu.sync_copy(accs_sh.at[pl.ds(r0, 8)], hs_v.at[pl.ds(0, 8)])
        pltpu.sync_copy(hs_v.at[pl.ds(0, 8)], outs_hbm.at[cid, pl.ds(r0, 8)])
        pltpu.sync_copy(accd_sh.at[pl.ds(r0, 8)], hd_v.at[pl.ds(0, 8)])
        pltpu.sync_copy(hd_v.at[pl.ds(0, 8)], outd_hbm.at[cid, pl.ds(r0, 8)])


_deg = pl.kernel(
    _deg_body,
    out_type=[jax.ShapeDtypeStruct((NC, HR, 128), jnp.float32),
              jax.ShapeDtypeStruct((NC, HR, 128), jnp.float32)],
    mesh=_mesh,
    scratch_types=[
        pltpu.VMEM((EW,), jnp.int32),
        pltpu.VMEM((EW,), jnp.int32),
        pltpu.VMEM((HR, 128), jnp.float32),
        pltpu.VMEM((HR, 128), jnp.float32),
        pltpu.VMEM((HR,), jnp.int32),
        pltpu.VMEM_SHARED((HR, 128), jnp.float32),
        pltpu.VMEM_SHARED((HR, 128), jnp.float32),
        pltpu.SemaphoreType.DMA,
    ],
    compiler_params=_cp,
)


def _spmm_body(h_hbm, src_hbm, dst_hbm, out_hbm, *rest):
    sbuf = rest[0:8]
    dbuf = rest[8:16]
    rows = rest[16:16 + NRB]
    acc_sh = rest[16 + NRB]
    isems = rest[17 + NRB:25 + NRB]
    gsems = rest[25 + NRB:25 + 2 * NRB]
    ssems = rest[25 + 2 * NRB:25 + 3 * NRB]
    cid = lax.axis_index("c")
    sid = lax.axis_index("s")
    wid = cid * NS + sid
    ebase = wid * EW
    zvec = jnp.zeros((L,), jnp.float32)

    def idx_issue(c, k):
        pltpu.async_copy(
            src_hbm.at[pl.ds(ebase + c * CS, CS)], sbuf[k], isems[k])
        pltpu.async_copy(
            dst_hbm.at[pl.ds(ebase + c * CS, CS)], dbuf[k], isems[k])

    def idx_drain(c, k):
        pltpu.make_async_copy(
            src_hbm.at[pl.ds(ebase + c * CS, CS)], sbuf[k],
            isems[k]).wait()
        pltpu.make_async_copy(
            dst_hbm.at[pl.ds(ebase + c * CS, CS)], dbuf[k],
            isems[k]).wait()

    def gather(k, b):
        pltpu.async_copy(h_hbm.at[sbuf[k]], rows[b], gsems[b])

    def gather_drain(k, b):
        pltpu.make_async_copy(h_hbm.at[sbuf[k]], rows[b], gsems[b]).wait()

    def scatter(k, b):
        return pltpu.async_copy(rows[b], acc_sh.at[dbuf[k]], ssems[b],
                                add=True)

    for k in range(8):
        idx_issue(k, k)

    @pl.loop(0, CS)
    def _(r):
        for cc in range(HID_DIM // L):
            rows[0][r, pl.ds(cc * L, L)] = zvec

    @pl.loop(sid * CS, N, step=NS * CS)
    def _(r0):
        pltpu.sync_copy(rows[0], acc_sh.at[pl.ds(r0, CS)])

    plsc.subcore_barrier()

    def _group(j, half, pre):
        for k in range(NRB):
            idx_drain(j + half * NRB + k, half * NRB + k)
            gather(half * NRB + k, k)
        ss = []
        for k in range(NRB):
            gather_drain(half * NRB + k, k)
            ss.append(scatter(half * NRB + k, k))
        for k in range(NRB):
            ss[k].wait()
            if k < pre:
                idx_issue(j + 8 + half * NRB + k, half * NRB + k)

    @pl.loop(0, CPS - 13, step=8)
    def _(j):
        _group(j, 0, NRB)
        _group(j, 1, NRB)

    _group(CPS - 13, 0, NRB)
    _group(CPS - 13, 1, 1)

    for k in range(5):
        b = k % NRB
        idx_drain(CPS - 5 + k, k)
        gather(k, b)
        gather_drain(k, b)
        scatter(k, b).wait()

    plsc.subcore_barrier()

    @pl.loop(sid * CS, N, step=NS * CS)
    def _(r0):
        pltpu.sync_copy(acc_sh.at[pl.ds(r0, CS)], rows[0])
        pltpu.sync_copy(rows[0], out_hbm.at[cid, pl.ds(r0, CS)])


_spmm = pl.kernel(
    _spmm_body,
    out_type=jax.ShapeDtypeStruct((NC, N, HID_DIM), jnp.float32),
    mesh=_mesh,
    scratch_types=(
        [pltpu.VMEM((CS,), jnp.int32) for _ in range(16)]
        + [pltpu.VMEM((CS, HID_DIM), jnp.float32) for _ in range(NRB)]
        + [pltpu.VMEM_SHARED((N, HID_DIM), jnp.float32)]
        + [pltpu.SemaphoreType.DMA for _ in range(8 + 2 * NRB)]
    ),
    compiler_params=_cp,
)


_RB = 2000


def _mm_body(x_ref, w_ref, s_ref, o_ref):
    o_ref[...] = jnp.dot(x_ref[...], w_ref[...],
                         preferred_element_type=jnp.float32) * s_ref[...]


_mm = pl.pallas_call(
    _mm_body,
    out_shape=jax.ShapeDtypeStruct((N, HID_DIM), jnp.float32),
    grid=(N // _RB,),
    in_specs=[pl.BlockSpec((_RB, IN_DIM), lambda i: (i, 0)),
              pl.BlockSpec((IN_DIM, HID_DIM), lambda i: (0, 0)),
              pl.BlockSpec((_RB, 1), lambda i: (i, 0))],
    out_specs=pl.BlockSpec((_RB, HID_DIM), lambda i: (i, 0)),
)


def _norm_body(ds_ref, dd_ref, ns_ref, nd_ref):
    ns_ref[...] = lax.rsqrt(jnp.maximum(ds_ref[0] + ds_ref[1], 1.0))
    nd_ref[...] = lax.rsqrt(jnp.maximum(dd_ref[0] + dd_ref[1], 1.0))


_norm = pl.pallas_call(
    _norm_body,
    out_shape=[jax.ShapeDtypeStruct((HR, 128), jnp.float32),
               jax.ShapeDtypeStruct((HR, 128), jnp.float32)],
)


def _mid_body(a_ref, nd_ref, ns_ref, b1_ref, o_ref):
    t = jnp.maximum((a_ref[0] + a_ref[1]) * nd_ref[...] + b1_ref[...], 0.0)
    o_ref[...] = t * ns_ref[...]


_mid = pl.pallas_call(
    _mid_body,
    out_shape=jax.ShapeDtypeStruct((N, HID_DIM), jnp.float32),
    grid=(N // _RB,),
    in_specs=[pl.BlockSpec((NC, _RB, HID_DIM), lambda i: (0, i, 0)),
              pl.BlockSpec((_RB, 1), lambda i: (i, 0)),
              pl.BlockSpec((_RB, 1), lambda i: (i, 0)),
              pl.BlockSpec((1, HID_DIM), lambda i: (0, 0))],
    out_specs=pl.BlockSpec((_RB, HID_DIM), lambda i: (i, 0)),
)


def _out_body(a_ref, w2_ref, nd_ref, b2_ref, o_ref):
    m = jnp.dot(a_ref[0] + a_ref[1], w2_ref[...],
                preferred_element_type=jnp.float32)
    o_ref[...] = m * nd_ref[...] + b2_ref[...]


_fin = pl.pallas_call(
    _out_body,
    out_shape=jax.ShapeDtypeStruct((N, OUT_DIM), jnp.float32),
    grid=(N // _RB,),
    in_specs=[pl.BlockSpec((NC, _RB, HID_DIM), lambda i: (0, i, 0)),
              pl.BlockSpec((HID_DIM, OUT_DIM), lambda i: (0, 0)),
              pl.BlockSpec((_RB, 1), lambda i: (i, 0)),
              pl.BlockSpec((1, OUT_DIM), lambda i: (0, 0))],
    out_specs=pl.BlockSpec((_RB, OUT_DIM), lambda i: (i, 0)),
)


def _split_body(ab_ref, s_ref, d_ref):
    s_ref[...] = ab_ref[0]
    d_ref[...] = ab_ref[1]


_split = pl.pallas_call(
    _split_body,
    out_shape=[jax.ShapeDtypeStruct((E,), jnp.int32),
               jax.ShapeDtypeStruct((E,), jnp.int32)],
)


def kernel(feature, attack_feature, W1, b1, W2, b2, edge_index):
    src, dst = _split(edge_index)
    x = jnp.concatenate([feature[:-NODE], attack_feature], axis=0)

    ds_p, dd_p = _deg(src, dst)
    ns8, nd8 = _norm(ds_p, dd_p)
    ns = ns8.reshape(-1)[:N, None]
    nd = nd8.reshape(-1)[:N, None]
    h = _mm(x, W1, ns)
    agg1 = _spmm(h, src, dst)
    t = _mid(agg1, nd, ns, b1.reshape(1, -1))
    agg2 = _spmm(t, src, dst)
    return _fin(agg2, W2, nd, b2.reshape(1, -1))

# --- scband reference (transcript-rebuilt; emitter-appended) ---
"""Pipeline reference for scband-feature-attack-54142357733521 (READ-ONLY COPY).

The authoritative reference and input builder live on the scoring server;
editing this copy changes nothing except your own understanding.
"""

import jax, jax.numpy as jnp
import numpy as np

N = 10000
E = 320000
IN_DIM = 128
HID_DIM = 128
OUT_DIM = 64
NODE = 500


def setup_inputs(seed: int = 0) -> dict:
    key = jax.random.key(seed)
    k1, k2, k3, k4, k5 = jax.random.split(key, 5)
    feature = jax.random.normal(k1, (N, IN_DIM), dtype=jnp.float32)
    edge_index = jax.random.randint(k2, (2, E), 0, N, dtype=jnp.int32)
    # learned adversarial feature parameter: normal_(mean=0.5, std=0.5)
    attack_feature = 0.5 + 0.5 * jax.random.normal(k3, (NODE, IN_DIM), dtype=jnp.float32)
    # 2-layer GCN weights
    W1 = jax.random.normal(k4, (IN_DIM, HID_DIM), dtype=jnp.float32) * 0.1
    b1 = jnp.zeros((HID_DIM,), dtype=jnp.float32)
    W2 = jax.random.normal(k5, (HID_DIM, OUT_DIM), dtype=jnp.float32) * 0.1
    b2 = jnp.zeros((OUT_DIM,), dtype=jnp.float32)
    return {
        "feature": feature,
        "attack_feature": attack_feature,
        "W1": W1,
        "b1": b1,
        "W2": W2,
        "b2": b2,
        "edge_index": edge_index,
    }


def gcn_layer(x, W, b, src, dst, n):
    # DGL GraphConv with norm='both': D^{-1/2} A D^{-1/2} X W + b
    ones = jnp.ones((src.shape[0],), dtype=x.dtype)
    deg_out = jax.ops.segment_sum(ones, src, num_segments=n)
    deg_in = jax.ops.segment_sum(ones, dst, num_segments=n)
    norm_src = jax.lax.rsqrt(jnp.maximum(deg_out, 1.0))
    norm_dst = jax.lax.rsqrt(jnp.maximum(deg_in, 1.0))
    h = (x * norm_src[:, None]) @ W
    msgs = h[src]
    agg = jax.ops.segment_sum(msgs, dst, num_segments=n)
    return agg * norm_dst[:, None] + b


def reference(feature, attack_feature, W1, b1, W2, b2, edge_index):
    src = edge_index[0]
    dst = edge_index[1]
    # forward: replace last `node` rows of graph features with learned attack features
    x = jnp.concatenate([feature[:-NODE], attack_feature], axis=0)
    h = jax.nn.relu(gcn_layer(x, W1, b1, src, dst, N))
    out = gcn_layer(h, W2, b2, src, dst, N)
    return out

if __name__ == "__main__":
    import jax
    _d = setup_inputs()
    print(jax.jit(kernel)(*tuple(_d.values())))

</pallas_src>

<mosaic_0001>
#map = affine_map<(d0, d1) -> (0, 0)>
#map1 = affine_map<(d0, d1) -> (0)>
#map2 = affine_map<(d0, d1) -> (0, 0, 0)>
module attributes {stable_mosaic.version = 14 : i64} {
  func.func @_spmm_body(%arg0: i32, %arg1: i32, %arg2: memref<10000x128xf32, #tpu.memory_space<hbm>>, %arg3: memref<320000xi32, #tpu.memory_space<hbm>>, %arg4: memref<320000xi32, #tpu.memory_space<hbm>>, %arg5: memref<2x10000x128xf32, #tpu.memory_space<hbm>>, %arg6: memref<80xi32, #tpu.memory_space<vmem>>, %arg7: memref<80xi32, #tpu.memory_space<vmem>>, %arg8: memref<80xi32, #tpu.memory_space<vmem>>, %arg9: memref<80xi32, #tpu.memory_space<vmem>>, %arg10: memref<80xi32, #tpu.memory_space<vmem>>, %arg11: memref<80xi32, #tpu.memory_space<vmem>>, %arg12: memref<80xi32, #tpu.memory_space<vmem>>, %arg13: memref<80xi32, #tpu.memory_space<vmem>>, %arg14: memref<80xi32, #tpu.memory_space<vmem>>, %arg15: memref<80xi32, #tpu.memory_space<vmem>>, %arg16: memref<80xi32, #tpu.memory_space<vmem>>, %arg17: memref<80xi32, #tpu.memory_space<vmem>>, %arg18: memref<80xi32, #tpu.memory_space<vmem>>, %arg19: memref<80xi32, #tpu.memory_space<vmem>>, %arg20: memref<80xi32, #tpu.memory_space<vmem>>, %arg21: memref<80xi32, #tpu.memory_space<vmem>>, %arg22: memref<80x128xf32, #tpu.memory_space<vmem>>, %arg23: memref<80x128xf32, #tpu.memory_space<vmem>>, %arg24: memref<80x128xf32, #tpu.memory_space<vmem>>, %arg25: memref<80x128xf32, #tpu.memory_space<vmem>>, %arg26: memref<10000x128xf32, #tpu.memory_space<vmem_shared>>, %arg27: memref<!tpu.dma_semaphore, #tpu.memory_space<semaphore_mem>>, %arg28: memref<!tpu.dma_semaphore, #tpu.memory_space<semaphore_mem>>, %arg29: memref<!tpu.dma_semaphore, #tpu.memory_space<semaphore_mem>>, %arg30: memref<!tpu.dma_semaphore, #tpu.memory_space<semaphore_mem>>, %arg31: memref<!tpu.dma_semaphore, #tpu.memory_space<semaphore_mem>>, %arg32: memref<!tpu.dma_semaphore, #tpu.memory_space<semaphore_mem>>, %arg33: memref<!tpu.dma_semaphore, #tpu.memory_space<semaphore_mem>>, %arg34: memref<!tpu.dma_semaphore, #tpu.memory_space<semaphore_mem>>, %arg35: memref<!tpu.dma_semaphore, #tpu.memory_space<semaphore_mem>>, %arg36: memref<!tpu.dma_semaphore, #tpu.memory_space<semaphore_mem>>, %arg37: memref<!tpu.dma_semaphore, #tpu.memory_space<semaphore_mem>>, %arg38: memref<!tpu.dma_semaphore, #tpu.memory_space<semaphore_mem>>, %arg39: memref<!tpu.dma_semaphore, #tpu.memory_space<semaphore_mem>>, %arg40: memref<!tpu.dma_semaphore, #tpu.memory_space<semaphore_mem>>, %arg41: memref<!tpu.dma_semaphore, #tpu.memory_space<semaphore_mem>>, %arg42: memref<!tpu.dma_semaphore, #tpu.memory_space<semaphore_mem>>) attributes {dimension_semantics = [#tpu.dimension_semantics<core_parallel>, #tpu.dimension_semantics<subcore_parallel>], iteration_bounds = array<i64: 2, 16>, scalar_prefetch = 0 : i64, scratch_operands = 37 : i64, tpu.core_type = #tpu.core_type<sc_vector_subcore>, window_params = [{transform_indices = #map}, {transform_indices = #map1}, {transform_indices = #map1}, {transform_indices = #map2}]} {
    %mul3A = arith.constant 16 : i32
    %mul3A_0 = arith.muli %arg0, %mul3A : i32
    %add3A = arith.addi %mul3A_0, %arg1 : i32
    %mul3A_1 = arith.constant 10000 : i32
    %mul3A_2 = arith.muli %add3A, %mul3A_1 : i32
    %broadcast_in_dim3A = arith.constant 0.000000e+00 : f32
    %broadcast_in_dim3A_3 = vector.broadcast %broadcast_in_dim3A : f32 to vector<16xf32>
    %add3A_4 = arith.constant 0 : i32
    %add3A_5 = arith.addi %mul3A_2, %add3A_4 : i32
    %dma_start3A = tpu.memref_slice %arg3[%add3A_5] : memref<320000xi32, #tpu.memory_space<hbm>> -> memref<80xi32, #tpu.memory_space<hbm>>
    %dma_start3A_6 = tpu.memref_slice %arg3[%add3A_5] : memref<320000xi32, #tpu.memory_space<hbm>> -> memref<80xi32, #tpu.memory_space<hbm>>
    tpu.enqueue_dma source(%dma_start3A_6 : memref<80xi32, #tpu.memory_space<hbm>>) target(%arg6 : memref<80xi32, #tpu.memory_space<vmem>>) target_semaphore(%arg27 : memref<!tpu.dma_semaphore, #tpu.memory_space<semaphore_mem>>)
    %add3A_7 = arith.constant 0 : i32
    %add3A_8 = arith.addi %mul3A_2, %add3A_7 : i32
    %dma_start3A_9 = tpu.memref_slice %arg4[%add3A_8] : memref<320000xi32, #tpu.memory_space<hbm>> -> memref<80xi32, #tpu.memory_space<hbm>>
    %dma_start3A_10 = tpu.memref_slice %arg4[%add3A_8] : memref<320000xi32, #tpu.memory_space<hbm>> -> memref<80xi32, #tpu.memory_space<hbm>>
    tpu.enqueue_dma source(%dma_start3A_10 : memref<80xi32, #tpu.memory_space<hbm>>) target(%arg14 : memref<80xi32, #tpu.memory_space<vmem>>) target_semaphore(%arg27 : memref<!tpu.dma_semaphore, #tpu.memory_space<semaphore_mem>>)
    %add3A_11 = arith.constant 80 : i32
    %add3A_12 = arith.addi %mul3A_2, %add3A_11 : i32
    %dma_start3A_13 = tpu.memref_slice %arg3[%add3A_12] : memref<320000xi32, #tpu.memory_space<hbm>> -> memref<80xi32, #tpu.memory_space<hbm>>
    %dma_start3A_14 = tpu.memref_slice %arg3[%add3A_12] : memref<320000xi32, #tpu.memory_space<hbm>> -> memref<80xi32, #tpu.memory_space<hbm>>
    tpu.enqueue_dma source(%dma_start3A_14 : memref<80xi32, #tpu.memory_space<hbm>>) target(%arg7 : memref<80xi32, #tpu.memory_space<vmem>>) target_semaphore(%arg28 : memref<!tpu.dma_semaphore, #tpu.memory_space<semaphore_mem>>)
    %add3A_15 = arith.constant 80 : i32
    %add3A_16 = arith.addi %mul3A_2, %add3A_15 : i32
    %dma_start3A_17 = tpu.memref_slice %arg4[%add3A_16] : memref<320000xi32, #tpu.memory_space<hbm>> -> memref<80xi32, #tpu.memory_space<hbm>>
    %dma_start3A_18 = tpu.memref_slice %arg4[%add3A_16] : memref<320000xi32, #tpu.memory_space<hbm>> -> memref<80xi32, #tpu.memory_space<hbm>>
    tpu.enqueue_dma source(%dma_start3A_18 : memref<80xi32, #tpu.memory_space<hbm>>) target(%arg15 : memref<80xi32, #tpu.memory_space<vmem>>) target_semaphore(%arg28 : memref<!tpu.dma_semaphore, #tpu.memory_space<semaphore_mem>>)
    %add3A_19 = arith.constant 160 : i32
    %add3A_20 = arith.addi %mul3A_2, %add3A_19 : i32
    %dma_start3A_21 = tpu.memref_slice %arg3[%add3A_20] : memref<320000xi32, #tpu.memory_space<hbm>> -> memref<80xi32, #tpu.memory_space<hbm>>
    %dma_start3A_22 = tpu.memref_slice %arg3[%add3A_20] : memref<320000xi32, #tpu.memory_space<hbm>> -> memref<80xi32, #tpu.memory_space<hbm>>
    tpu.enqueue_dma source(%dma_start3A_22 : memref<80xi32, #tpu.memory_space<hbm>>) target(%arg8 : memref<80xi32, #tpu.memory_space<vmem>>) target_semaphore(%arg29 : memref<!tpu.dma_semaphore, #tpu.memory_space<semaphore_mem>>)
    %add3A_23 = arith.constant 160 : i32
    %add3A_24 = arith.addi %mul3A_2, %add3A_23 : i32
    %dma_start3A_25 = tpu.memref_slice %arg4[%add3A_24] : memref<320000xi32, #tpu.memory_space<hbm>> -> memref<80xi32, #tpu.memory_space<hbm>>
    %dma_start3A_26 = tpu.memref_slice %arg4[%add3A_24] : memref<320000xi32, #tpu.memory_space<hbm>> -> memref<80xi32, #tpu.memory_space<hbm>>
    tpu.enqueue_dma source(%dma_start3A_26 : memref<80xi32, #tpu.memory_space<hbm>>) target(%arg16 : memref<80xi32, #tpu.memory_space<vmem>>) target_semaphore(%arg29 : memref<!tpu.dma_semaphore, #tpu.memory_space<semaphore_mem>>)
    %add3A_27 = arith.constant 240 : i32
    %add3A_28 = arith.addi %mul3A_2, %add3A_27 : i32
    %dma_start3A_29 = tpu.memref_slice %arg3[%add3A_28] : memref<320000xi32, #tpu.memory_space<hbm>> -> memref<80xi32, #tpu.memory_space<hbm>>
    %dma_start3A_30 = tpu.memref_slice %arg3[%add3A_28] : memref<320000xi32, #tpu.memory_space<hbm>> -> memref<80xi32, #tpu.memory_space<hbm>>
    tpu.enqueue_dma source(%dma_start3A_30 : memref<80xi32, #tpu.memory_space<hbm>>) target(%arg9 : memref<80xi32, #tpu.memory_space<vmem>>) target_semaphore(%arg30 : memref<!tpu.dma_semaphore, #tpu.memory_space<semaphore_mem>>)
    %add3A_31 = arith.constant 240 : i32
    %add3A_32 = arith.addi %mul3A_2, %add3A_31 : i32
    %dma_start3A_33 = tpu.memref_slice %arg4[%add3A_32] : memref<320000xi32, #tpu.memory_space<hbm>> -> memref<80xi32, #tpu.memory_space<hbm>>
    %dma_start3A_34 = tpu.memref_slice %arg4[%add3A_32] : memref<320000xi32, #tpu.memory_space<hbm>> -> memref<80xi32, #tpu.memory_space<hbm>>
    tpu.enqueue_dma source(%dma_start3A_34 : memref<80xi32, #tpu.memory_space<hbm>>) target(%arg17 : memref<80xi32, #tpu.memory_space<vmem>>) target_semaphore(%arg30 : memref<!tpu.dma_semaphore, #tpu.memory_space<semaphore_mem>>)
    %add3A_35 = arith.constant 320 : i32
    %add3A_36 = arith.addi %mul3A_2, %add3A_35 : i32
    %dma_start3A_37 = tpu.memref_slice %arg3[%add3A_36] : memref<320000xi32, #tpu.memory_space<hbm>> -> memref<80xi32, #tpu.memory_space<hbm>>
    %dma_start3A_38 = tpu.memref_slice %arg3[%add3A_36] : memref<320000xi32, #tpu.memory_space<hbm>> -> memref<80xi32, #tpu.memory_space<hbm>>
    tpu.enqueue_dma source(%dma_start3A_38 : memref<80xi32, #tpu.memory_space<hbm>>) target(%arg10 : memref<80xi32, #tpu.memory_space<vmem>>) target_semaphore(%arg31 : memref<!tpu.dma_semaphore, #tpu.memory_space<semaphore_mem>>)
    %add3A_39 = arith.constant 320 : i32
    %add3A_40 = arith.addi %mul3A_2, %add3A_39 : i32
    %dma_start3A_41 = tpu.memref_slice %arg4[%add3A_40] : memref<320000xi32, #tpu.memory_space<hbm>> -> memref<80xi32, #tpu.memory_space<hbm>>
    %dma_start3A_42 = tpu.memref_slice %arg4[%add3A_40] : memref<320000xi32, #tpu.memory_space<hbm>> -> memref<80xi32, #tpu.memory_space<hbm>>
    tpu.enqueue_dma source(%dma_start3A_42 : memref<80xi32, #tpu.memory_space<hbm>>) target(%arg18 : memref<80xi32, #tpu.memory_space<vmem>>) target_semaphore(%arg31 : memref<!tpu.dma_semaphore, #tpu.memory_space<semaphore_mem>>)
    %add3A_43 = arith.constant 400 : i32
    %add3A_44 = arith.addi %mul3A_2, %add3A_43 : i32
    %dma_start3A_45 = tpu.memref_slice %arg3[%add3A_44] : memref<320000xi32, #tpu.memory_space<hbm>> -> memref<80xi32, #tpu.memory_space<hbm>>
    %dma_start3A_46 = tpu.memref_slice %arg3[%add3A_44] : memref<320000xi32, #tpu.memory_space<hbm>> -> memref<80xi32, #tpu.memory_space<hbm>>
    tpu.enqueue_dma source(%dma_start3A_46 : memref<80xi32, #tpu.memory_space<hbm>>) target(%arg11 : memref<80xi32, #tpu.memory_space<vmem>>) target_semaphore(%arg32 : memref<!tpu.dma_semaphore, #tpu.memory_space<semaphore_mem>>)
    %add3A_47 = arith.constant 400 : i32
    %add3A_48 = arith.addi %mul3A_2, %add3A_47 : i32
    %dma_start3A_49 = tpu.memref_slice %arg4[%add3A_48] : memref<320000xi32, #tpu.memory_space<hbm>> -> memref<80xi32, #tpu.memory_space<hbm>>
    %dma_start3A_50 = tpu.memref_slice %arg4[%add3A_48] : memref<320000xi32, #tpu.memory_space<hbm>> -> memref<80xi32, #tpu.memory_space<hbm>>
    tpu.enqueue_dma source(%dma_start3A_50 : memref<80xi32, #tpu.memory_space<hbm>>) target(%arg19 : memref<80xi32, #tpu.memory_space<vmem>>) target_semaphore(%arg32 : memref<!tpu.dma_semaphore, #tpu.memory_space<semaphore_mem>>)
    %add3A_51 = arith.constant 480 : i32
    %add3A_52 = arith.addi %mul3A_2, %add3A_51 : i32
    %dma_start3A_53 = tpu.memref_slice %arg3[%add3A_52] : memref<320000xi32, #tpu.memory_space<hbm>> -> memref<80xi32, #tpu.memory_space<hbm>>
    %dma_start3A_54 = tpu.memref_slice %arg3[%add3A_52] : memref<320000xi32, #tpu.memory_space<hbm>> -> memref<80xi32, #tpu.memory_space<hbm>>
    tpu.enqueue_dma source(%dma_start3A_54 : memref<80xi32, #tpu.memory_space<hbm>>) target(%arg12 : memref<80xi32, #tpu.memory_space<vmem>>) target_semaphore(%arg33 : memref<!tpu.dma_semaphore, #tpu.memory_space<semaphore_mem>>)
    %add3A_55 = arith.constant 480 : i32
    %add3A_56 = arith.addi %mul3A_2, %add3A_55 : i32
    %dma_start3A_57 = tpu.memref_slice %arg4[%add3A_56] : memref<320000xi32, #tpu.memory_space<hbm>> -> memref<80xi32, #tpu.memory_space<hbm>>
    %dma_start3A_58 = tpu.memref_slice %arg4[%add3A_56] : memref<320000xi32, #tpu.memory_space<hbm>> -> memref<80xi32, #tpu.memory_space<hbm>>
    tpu.enqueue_dma source(%dma_start3A_58 : memref<80xi32, #tpu.memory_space<hbm>>) target(%arg20 : memref<80xi32, #tpu.memory_space<vmem>>) target_semaphore(%arg33 : memref<!tpu.dma_semaphore, #tpu.memory_space<semaphore_mem>>)
    %add3A_59 = arith.constant 560 : i32
    %add3A_60 = arith.addi %mul3A_2, %add3A_59 : i32
    %dma_start3A_61 = tpu.memref_slice %arg3[%add3A_60] : memref<320000xi32, #tpu.memory_space<hbm>> -> memref<80xi32, #tpu.memory_space<hbm>>
    %dma_start3A_62 = tpu.memref_slice %arg3[%add3A_60] : memref<320000xi32, #tpu.memory_space<hbm>> -> memref<80xi32, #tpu.memory_space<hbm>>
    tpu.enqueue_dma source(%dma_start3A_62 : memref<80xi32, #tpu.memory_space<hbm>>) target(%arg13 : memref<80xi32, #tpu.memory_space<vmem>>) target_semaphore(%arg34 : memref<!tpu.dma_semaphore, #tpu.memory_space<semaphore_mem>>)
    %add3A_63 = arith.constant 560 : i32
    %add3A_64 = arith.addi %mul3A_2, %add3A_63 : i32
    %dma_start3A_65 = tpu.memref_slice %arg4[%add3A_64] : memref<320000xi32, #tpu.memory_space<hbm>> -> memref<80xi32, #tpu.memory_space<hbm>>
    %dma_start3A_66 = tpu.memref_slice %arg4[%add3A_64] : memref<320000xi32, #tpu.memory_space<hbm>> -> memref<80xi32, #tpu.memory_space<hbm>>
    tpu.enqueue_dma source(%dma_start3A_66 : memref<80xi32, #tpu.memory_space<hbm>>) target(%arg21 : memref<80xi32, #tpu.memory_space<vmem>>) target_semaphore(%arg34 : memref<!tpu.dma_semaphore, #tpu.memory_space<semaphore_mem>>)
    %scan3A = arith.constant 0 : i32
    %scan3A_67 = arith.constant 80 : i32
    %scan3A_68 = arith.addi %scan3A, %scan3A_67 : i32
    %scan3A_69 = arith.constant 1 : i32
    scf.for %scan3A_413 = %scan3A to %scan3A_68 step %scan3A_69  : i32 {
      %mul3A_414 = arith.constant 1 : i32
      %mul3A_415 = arith.muli %scan3A_413, %mul3A_414 : i32
      %add3A_416 = arith.constant 0 : i32
      %add3A_417 = arith.addi %add3A_416, %mul3A_415 : i32
      %swap3A = arith.index_cast %add3A_417 : i32 to index
      %swap3A_418 = arith.constant 0 : index
      %swap3A_419 = tpu.vector_load %arg22[%swap3A, %swap3A_418] {strides = array<i32>} : memref<80x128xf32, #tpu.memory_space<vmem>>, vector<16xf32>,
      tpu.vector_store %arg22[%swap3A, %swap3A_418], %broadcast_in_dim3A_3 {strides = array<i32>} : memref<80x128xf32, #tpu.memory_space<vmem>>, vector<16xf32>,
      %swap3A_420 = arith.index_cast %add3A_417 : i32 to index
      %swap3A_421 = arith.constant 16 : index
      %swap3A_422 = tpu.vector_load %arg22[%swap3A_420, %swap3A_421] {strides = array<i32>} : memref<80x128xf32, #tpu.memory_space<vmem>>, vector<16xf32>,
      tpu.vector_store %arg22[%swap3A_420, %swap3A_421], %broadcast_in_dim3A_3 {strides = array<i32>} : memref<80x128xf32, #tpu.memory_space<vmem>>, vector<16xf32>,
      %swap3A_423 = arith.index_cast %add3A_417 : i32 to index
      %swap3A_424 = arith.constant 32 : index
      %swap3A_425 = tpu.vector_load %arg22[%swap3A_423, %swap3A_424] {strides = array<i32>} : memref<80x128xf32, #tpu.memory_space<vmem>>, vector<16xf32>,
      tpu.vector_store %arg22[%swap3A_423, %swap3A_424], %broadcast_in_dim3A_3 {strides = array<i32>} : memref<80x128xf32, #tpu.memory_space<vmem>>, vector<16xf32>,
      %swap3A_426 = arith.index_cast %add3A_417 : i32 to index
      %swap3A_427 = arith.constant 48 : index
      %swap3A_428 = tpu.vector_load %arg22[%swap3A_426, %swap3A_427] {strides = array<i32>} : memref<80x128xf32, #tpu.memory_space<vmem>>, vector<16xf32>,
      tpu.vector_store %arg22[%swap3A_426, %swap3A_427], %broadcast_in_dim3A_3 {strides = array<i32>} : memref<80x128xf32, #tpu.memory_space<vmem>>, vector<16xf32>,
      %swap3A_429 = arith.index_cast %add3A_417 : i32 to index
      %swap3A_430 = arith.constant 64 : index
      %swap3A_431 = tpu.vector_load %arg22[%swap3A_429, %swap3A_430] {strides = array<i32>} : memref<80x128xf32, #tpu.memory_space<vmem>>, vector<16xf32>,
      tpu.vector_store %arg22[%swap3A_429, %swap3A_430], %broadcast_in_dim3A_3 {strides = array<i32>} : memref<80x128xf32, #tpu.memory_space<vmem>>, vector<16xf32>,
      %swap3A_432 = arith.index_cast %add3A_417 : i32 to index
      %swap3A_433 = arith.constant 80 : index
      %swap3A_434 = tpu.vector_load %arg22[%swap3A_432, %swap3A_433] {strides = array<i32>} : memref<80x128xf32, #tpu.memory_space<vmem>>, vector<16xf32>,
      tpu.vector_store %arg22[%swap3A_432, %swap3A_433], %broadcast_in_dim3A_3 {strides = array<i32>} : memref<80x128xf32, #tpu.memory_space<vmem>>, vector<16xf32>,
      %swap3A_435 = arith.index_cast %add3A_417 : i32 to index
      %swap3A_436 = arith.constant 96 : index
      %swap3A_437 = tpu.vector_load %arg22[%swap3A_435, %swap3A_436] {strides = array<i32>} : memref<80x128xf32, #tpu.memory_space<vmem>>, vector<16xf32>,
      tpu.vector_store %arg22[%swap3A_435, %swap3A_436], %broadcast_in_dim3A_3 {strides = array<i32>} : memref<80x128xf32, #tpu.memory_space<vmem>>, vector<16xf32>,
      %swap3A_438 = arith.index_cast %add3A_417 : i32 to index
      %swap3A_439 = arith.constant 112 : index
      %swap3A_440 = tpu.vector_load %arg22[%swap3A_438, %swap3A_439] {strides = array<i32>} : memref<80x128xf32, #tpu.memory_space<vmem>>, vector<16xf32>,
      tpu.vector_store %arg22[%swap3A_438, %swap3A_439], %broadcast_in_dim3A_3 {strides = array<i32>} : memref<80x128xf32, #tpu.memory_space<vmem>>, vector<16xf32>,
    }
    %scan3A_70 = arith.constant 80 : i32
    %mul3A_71 = arith.constant 80 : i32
    %mul3A_72 = arith.muli %arg1, %mul3A_71 : i32
    %sub3A = arith.constant 10000 : i32
    %sub3A_73 = arith.subi %sub3A, %mul3A_72 : i32
    %sub3A_74 = arith.constant 1280 : i32
    %sub3A_75 = arith.constant 1 : i32
    %sub3A_76 = arith.subi %sub3A_74, %sub3A_75 : i32
    %add3A_77 = arith.addi %sub3A_73, %sub3A_76 : i32
    %div3A = arith.constant 1280 : i32
    %div3A_78 = arith.divsi %add3A_77, %div3A : i32
    %while3A = arith.constant 1280 : i32
    %while3A_79 = arith.constant 0 : i32
    %while3A_80 = arith.subi %div3A_78, %while3A_79 : i32
    %while3A_81 = arith.addi %while3A_79, %while3A_80 : i32
    %while3A_82 = arith.constant 1 : i32
    %while3A_83 = arith.divsi %while3A_80, %while3A_82 : i32
    %while3A_84 = arith.muli %while3A_83, %while3A_82 : i32
    %while3A_85 = arith.addi %while3A_79, %while3A_84 : i32
    %while3A_86 = arith.constant 1 : i32
    scf.for %while3A_413 = %while3A_79 to %while3A_85 step %while3A_86  : i32 {
      %mul3A_414 = arith.muli %while3A_413, %while3A : i32
      %add3A_415 = arith.addi %mul3A_72, %mul3A_414 : i32
      "tpu.region"() ({
        %run_scoped3A = tpu.sem_alloc : memref<!tpu.dma_semaphore, #tpu.memory_space<semaphore_mem>>
        %dma_start3A_416 = arith.constant 0 : i32
        %dma_start3A_417 = tpu.memref_slice %arg26[%add3A_415, %dma_start3A_416] : memref<10000x128xf32, #tpu.memory_space<vmem_shared>> -> memref<80x128xf32, #tpu.memory_space<vmem_shared>>
        %dma_start3A_418 = arith.constant 0 : i32
        %dma_start3A_419 = tpu.memref_slice %arg26[%add3A_415, %dma_start3A_418] : memref<10000x128xf32, #tpu.memory_space<vmem_shared>> -> memref<80x128xf32, #tpu.memory_space<vmem_shared>>
        tpu.enqueue_dma source(%arg22 : memref<80x128xf32, #tpu.memory_space<vmem>>) target(%dma_start3A_419 : memref<80x128xf32, #tpu.memory_space<vmem_shared>>) target_semaphore(%run_scoped3A : memref<!tpu.dma_semaphore, #tpu.memory_space<semaphore_mem>>)
        %dma_wait3A_420 = arith.constant 0 : i32
        %dma_wait3A_421 = tpu.memref_slice %arg26[%add3A_415, %dma_wait3A_420] : memref<10000x128xf32, #tpu.memory_space<vmem_shared>> -> memref<80x128xf32, #tpu.memory_space<vmem_shared>>
        %dma_wait3A_422 = arith.constant 0 : i32
        %dma_wait3A_423 = tpu.memref_slice %arg26[%add3A_415, %dma_wait3A_422] : memref<10000x128xf32, #tpu.memory_space<vmem_shared>> -> memref<80x128xf32, #tpu.memory_space<vmem_shared>>
        tpu.wait_dma2 semaphore(%run_scoped3A : memref<!tpu.dma_semaphore, #tpu.memory_space<semaphore_mem>>) src(%arg22 : memref<80x128xf32, #tpu.memory_space<vmem>>) dst(%dma_wait3A_423 : memref<80x128xf32, #tpu.memory_space<vmem_shared>>)
        tpu.yield
      }) : () -> ()
    }
    %while3A_87 = arith.constant 1 : i32
    scf.for %while3A_413 = %while3A_85 to %while3A_81 step %while3A_87  : i32 {
      %mul3A_414 = arith.muli %while3A_413, %while3A : i32
      %add3A_415 = arith.addi %mul3A_72, %mul3A_414 : i32
      "tpu.region"() ({
        %run_scoped3A = tpu.sem_alloc : memref<!tpu.dma_semaphore, #tpu.memory_space<semaphore_mem>>
        %dma_start3A_416 = arith.constant 0 : i32
        %dma_start3A_417 = tpu.memref_slice %arg26[%add3A_415, %dma_start3A_416] : memref<10000x128xf32, #tpu.memory_space<vmem_shared>> -> memref<80x128xf32, #tpu.memory_space<vmem_shared>>
        %dma_start3A_418 = arith.constant 0 : i32
        %dma_start3A_419 = tpu.memref_slice %arg26[%add3A_415, %dma_start3A_418] : memref<10000x128xf32, #tpu.memory_space<vmem_shared>> -> memref<80x128xf32, #tpu.memory_space<vmem_shared>>
        tpu.enqueue_dma source(%arg22 : memref<80x128xf32, #tpu.memory_space<vmem>>) target(%dma_start3A_419 : memref<80x128xf32, #tpu.memory_space<vmem_shared>>) target_semaphore(%run_scoped3A : memref<!tpu.dma_semaphore, #tpu.memory_space<semaphore_mem>>)
        %dma_wait3A_420 = arith.constant 0 : i32
        %dma_wait3A_421 = tpu.memref_slice %arg26[%add3A_415, %dma_wait3A_420] : memref<10000x128xf32, #tpu.memory_space<vmem_shared>> -> memref<80x128xf32, #tpu.memory_space<vmem_shared>>
        %dma_wait3A_422 = arith.constant 0 : i32
        %dma_wait3A_423 = tpu.memref_slice %arg26[%add3A_415, %dma_wait3A_422] : memref<10000x128xf32, #tpu.memory_space<vmem_shared>> -> memref<80x128xf32, #tpu.memory_space<vmem_shared>>
        tpu.wait_dma2 semaphore(%run_scoped3A : memref<!tpu.dma_semaphore, #tpu.memory_space<semaphore_mem>>) src(%arg22 : memref<80x128xf32, #tpu.memory_space<vmem>>) dst(%dma_wait3A_423 : memref<80x128xf32, #tpu.memory_space<vmem_shared>>)
        tpu.yield
      }) : () -> ()
    }
    %barrier3A = arith.constant 0 : index
    tpu.barrier barrier_id(%barrier3A)
    %scan3A_88 = arith.constant 0 : i32
    %scan3A_89 = arith.constant 14 : i32
    %scan3A_90 = arith.addi %scan3A_88, %scan3A_89 : i32
    %scan3A_91 = arith.constant 1 : i32
    scf.for %scan3A_413 = %scan3A_88 to %scan3A_90 step %scan3A_91  : i32 {
      %mul3A_414 = arith.constant 8 : i32
      %mul3A_415 = arith.muli %scan3A_413, %mul3A_414 : i32
      %add3A_416 = arith.constant 0 : i32
      %add3A_417 = arith.addi %add3A_416, %mul3A_415 : i32
      %add3A_418 = arith.constant 0 : i32
      %add3A_419 = arith.addi %add3A_417, %add3A_418 : i32
      %add3A_420 = arith.constant 0 : i32
      %add3A_421 = arith.addi %add3A_419, %add3A_420 : i32
      %mul3A_422 = arith.constant 80 : i32
      %mul3A_423 = arith.muli %add3A_421, %mul3A_422 : i32
      %add3A_424 = arith.addi %mul3A_2, %mul3A_423 : i32
      %dma_wait3A_425 = tpu.memref_slice %arg3[%add3A_424] : memref<320000xi32, #tpu.memory_space<hbm>> -> memref<80xi32, #tpu.memory_space<hbm>>
      %dma_wait3A_426 = tpu.memref_slice %arg3[%add3A_424] : memref<320000xi32, #tpu.memory_space<hbm>> -> memref<80xi32, #tpu.memory_space<hbm>>
      tpu.wait_dma2 semaphore(%arg27 : memref<!tpu.dma_semaphore, #tpu.memory_space<semaphore_mem>>) src(%dma_wait3A_426 : memref<80xi32, #tpu.memory_space<hbm>>) dst(%arg6 : memref<80xi32, #tpu.memory_space<vmem>>)
      %mul3A_427 = arith.constant 80 : i32
      %mul3A_428 = arith.muli %add3A_421, %mul3A_427 : i32
      %add3A_429 = arith.addi %mul3A_2, %mul3A_428 : i32
      %dma_wait3A_430 = tpu.memref_slice %arg4[%add3A_429] : memref<320000xi32, #tpu.memory_space<hbm>> -> memref<80xi32, #tpu.memory_space<hbm>>
      %dma_wait3A_431 = tpu.memref_slice %arg4[%add3A_429] : memref<320000xi32, #tpu.memory_space<hbm>> -> memref<80xi32, #tpu.memory_space<hbm>>
      tpu.wait_dma2 semaphore(%arg27 : memref<!tpu.dma_semaphore, #tpu.memory_space<semaphore_mem>>) src(%dma_wait3A_431 : memref<80xi32, #tpu.memory_space<hbm>>) dst(%arg14 : memref<80xi32, #tpu.memory_space<vmem>>)
      %dma_start3A_432 = arith.constant 0 : i32
      %dma_start3A_433 = arith.constant 0 : i32
      %dma_start3A_434 = tpu.memref_slice %arg2[%dma_start3A_432, %dma_start3A_433] : memref<10000x128xf32, #tpu.memory_space<hbm>> -> memref<10000x128xf32, #tpu.memory_space<hbm>>
      tpu.enqueue_indirect_dma source(%dma_start3A_434 : memref<10000x128xf32, #tpu.memory_space<hbm>>) target(%arg22 : memref<80x128xf32, #tpu.memory_space<vmem>>) offsets(%arg6 : memref<80xi32, #tpu.memory_space<vmem>>) semaphore(%arg35 : memref<!tpu.dma_semaphore, #tpu.memory_space<semaphore_mem>>)
      %add3A_435 = arith.constant 0 : i32
      %add3A_436 = arith.addi %add3A_417, %add3A_435 : i32
      %add3A_437 = arith.constant 1 : i32
      %add3A_438 = arith.addi %add3A_436, %add3A_437 : i32
      %mul3A_439 = arith.constant 80 : i32
      %mul3A_440 = arith.muli %add3A_438, %mul3A_439 : i32
      %add3A_441 = arith.addi %mul3A_2, %mul3A_440 : i32
      %dma_wait3A_442 = tpu.memref_slice %arg3[%add3A_441] : memref<320000xi32, #tpu.memory_space<hbm>> -> memref<80xi32, #tpu.memory_space<hbm>>
      %dma_wait3A_443 = tpu.memref_slice %arg3[%add3A_441] : memref<320000xi32, #tpu.memory_space<hbm>> -> memref<80xi32, #tpu.memory_space<hbm>>
      tpu.wait_dma2 semaphore(%arg28 : memref<!tpu.dma_semaphore, #tpu.memory_space<semaphore_mem>>) src(%dma_wait3A_443 : memref<80xi32, #tpu.memory_space<hbm>>) dst(%arg7 : memref<80xi32, #tpu.memory_space<vmem>>)
      %mul3A_444 = arith.constant 80 : i32
      %mul3A_445 = arith.muli %add3A_438, %mul3A_444 : i32
      %add3A_446 = arith.addi %mul3A_2, %mul3A_445 : i32
      %dma_wait3A_447 = tpu.memref_slice %arg4[%add3A_446] : memref<320000xi32, #tpu.memory_space<hbm>> -> memref<80xi32, #tpu.memory_space<hbm>>
      %dma_wait3A_448 = tpu.memref_slice %arg4[%add3A_446] : memref<320000xi32, #tpu.memory_space<hbm>> -> memref<80xi32, #tpu.memory_space<hbm>>
      tpu.wait_dma2 semaphore(%arg28 : memref<!tpu.dma_semaphore, #tpu.memory_space<semaphore_mem>>) src(%dma_wait3A_448 : memref<80xi32, #tpu.memory_space<hbm>>) dst(%arg15 : memref<80xi32, #tpu.memory_space<vmem>>)
      %dma_start3A_449 = arith.constant 0 : i32
      %dma_start3A_450 = arith.constant 0 : i32
      %dma_start3A_451 = tpu.memref_slice %arg2[%dma_start3A_449, %dma_start3A_450] : memref<10000x128xf32, #tpu.memory_space<hbm>> -> memref<10000x128xf32, #tpu.memory_space<hbm>>
      tpu.enqueue_indirect_dma source(%dma_start3A_451 : memref<10000x128xf32, #tpu.memory_space<hbm>>) target(%arg23 : memref<80x128xf32, #tpu.memory_space<vmem>>) offsets(%arg7 : memref<80xi32, #tpu.memory_space<vmem>>) semaphore(%arg36 : memref<!tpu.dma_semaphore, #tpu.memory_space<semaphore_mem>>)
      %add3A_452 = arith.constant 0 : i32
      %add3A_453 = arith.addi %add3A_417, %add3A_452 : i32
      %add3A_454 = arith.constant 2 : i32
      %add3A_455 = arith.addi %add3A_453, %add3A_454 : i32
      %mul3A_456 = arith.constant 80 : i32
      %mul3A_457 = arith.muli %add3A_455, %mul3A_456 : i32
      %add3A_458 = arith.addi %mul3A_2, %mul3A_457 : i32
      %dma_wait3A_459 = tpu.memref_slice %arg3[%add3A_458] : memref<320000xi32, #tpu.memory_space<hbm>> -> memref<80xi32, #tpu.memory_space<hbm>>
      %dma_wait3A_460 = tpu.memref_slice %arg3[%add3A_458] : memref<320000xi32, #tpu.memory_space<hbm>> -> memref<80xi32, #tpu.memory_space<hbm>>
      tpu.wait_dma2 semaphore(%arg29 : memref<!tpu.dma_semaphore, #tpu.memory_space<semaphore_mem>>) src(%dma_wait3A_460 : memref<80xi32, #tpu.memory_space<hbm>>) dst(%arg8 : memref<80xi32, #tpu.memory_space<vmem>>)
      %mul3A_461 = arith.constant 80 : i32
      %mul3A_462 = arith.muli %add3A_455, %mul3A_461 : i32
      %add3A_463 = arith.addi %mul3A_2, %mul3A_462 : i32
      %dma_wait3A_464 = tpu.memref_slice %arg4[%add3A_463] : memref<320000xi32, #tpu.memory_space<hbm>> -> memref<80xi32, #tpu.memory_space<hbm>>
      %dma_wait3A_465 = tpu.memref_slice %arg4[%add3A_463] : memref<320000xi32, #tpu.memory_space<hbm>> -> memref<80xi32, #tpu.memory_space<hbm>>
      tpu.wait_dma2 semaphore(%arg29 : memref<!tpu.dma_semaphore, #tpu.memory_space<semaphore_mem>>) src(%dma_wait3A_465 : memref<80xi32, #tpu.memory_space<hbm>>) dst(%arg16 : memref<80xi32, #tpu.memory_space<vmem>>)
      %dma_start3A_466 = arith.constant 0 : i32
      %dma_start3A_467 = arith.constant 0 : i32
      %dma_start3A_468 = tpu.memref_slice %arg2[%dma_start3A_466, %dma_start3A_467] : memref<10000x128xf32, #tpu.memory_space<hbm>> -> memref<10000x128xf32, #tpu.memory_space<hbm>>
      tpu.enqueue_indirect_dma source(%dma_start3A_468 : memref<10000x128xf32, #tpu.memory_space<hbm>>) target(%arg24 : memref<80x128xf32, #tpu.memory_space<vmem>>) offsets(%arg8 : memref<80xi32, #tpu.memory_space<vmem>>) semaphore(%arg37 : memref<!tpu.dma_semaphore, #tpu.memory_space<semaphore_mem>>)
      %add3A_469 = arith.constant 0 : i32
      %add3A_470 = arith.addi %add3A_417, %add3A_469 : i32
      %add3A_471 = arith.constant 3 : i32
      %add3A_472 = arith.addi %add3A_470, %add3A_471 : i32
      %mul3A_473 = arith.constant 80 : i32
      %mul3A_474 = arith.muli %add3A_472, %mul3A_473 : i32
      %add3A_475 = arith.addi %mul3A_2, %mul3A_474 : i32
      %dma_wait3A_476 = tpu.memref_slice %arg3[%add3A_475] : memref<320000xi32, #tpu.memory_space<hbm>> -> memref<80xi32, #tpu.memory_space<hbm>>
      %dma_wait3A_477 = tpu.memref_slice %arg3[%add3A_475] : memref<320000xi32, #tpu.memory_space<hbm>> -> memref<80xi32, #tpu.memory_space<hbm>>
      tpu.wait_dma2 semaphore(%arg30 : memref<!tpu.dma_semaphore, #tpu.memory_space<semaphore_mem>>) src(%dma_wait3A_477 : memref<80xi32, #tpu.memory_space<hbm>>) dst(%arg9 : memref<80xi32, #tpu.memory_space<vmem>>)
      %mul3A_478 = arith.constant 80 : i32
      %mul3A_479 = arith.muli %add3A_472, %mul3A_478 : i32
      %add3A_480 = arith.addi %mul3A_2, %mul3A_479 : i32
      %dma_wait3A_481 = tpu.memref_slice %arg4[%add3A_480] : memref<320000xi32, #tpu.memory_space<hbm>> -> memref<80xi32, #tpu.memory_space<hbm>>
      %dma_wait3A_482 = tpu.memref_slice %arg4[%add3A_480] : memref<320000xi32, #tpu.memory_space<hbm>> -> memref<80xi32, #tpu.memory_space<hbm>>
      tpu.wait_dma2 semaphore(%arg30 : memref<!tpu.dma_semaphore, #tpu.memory_space<semaphore_mem>>) src(%dma_wait3A_482 : memref<80xi32, #tpu.memory_space<hbm>>) dst(%arg17 : memref<80xi32, #tpu.memory_space<vmem>>)
      %dma_start3A_483 = arith.constant 0 : i32
      %dma_start3A_484 = arith.constant 0 : i32
      %dma_start3A_485 = tpu.memref_slice %arg2[%dma_start3A_483, %dma_start3A_484] : memref<10000x128xf32, #tpu.memory_space<hbm>> -> memref<10000x128xf32, #tpu.memory_space<hbm>>
      tpu.enqueue_indirect_dma source(%dma_start3A_485 : memref<10000x128xf32, #tpu.memory_space<hbm>>) target(%arg25 : memref<80x128xf32, #tpu.memory_space<vmem>>) offsets(%arg9 : memref<80xi32, #tpu.memory_space<vmem>>) semaphore(%arg38 : memref<!tpu.dma_semaphore, #tpu.memory_space<semaphore_mem>>)
      %dma_wait3A_486 = arith.constant 0 : i32
      %dma_wait3A_487 = arith.constant 0 : i32
      %dma_wait3A_488 = tpu.memref_slice %arg2[%dma_wait3A_486, %dma_wait3A_487] : memref<10000x128xf32, #tpu.memory_space<hbm>> -> memref<10000x128xf32, #tpu.memory_space<hbm>>
      tpu.wait_indirect_dma semaphore(%arg35 : memref<!tpu.dma_semaphore, #tpu.memory_space<semaphore_mem>>) src(%dma_wait3A_488 : memref<10000x128xf32, #tpu.memory_space<hbm>>) dst(%arg22 : memref<80x128xf32, #tpu.memory_space<vmem>>)
      %dma_start3A_489 = arith.constant 0 : i32
      %dma_start3A_490 = arith.constant 0 : i32
      %dma_start3A_491 = tpu.memref_slice %arg26[%dma_start3A_489, %dma_start3A_490] : memref<10000x128xf32, #tpu.memory_space<vmem_shared>> -> memref<10000x128xf32, #tpu.memory_space<vmem_shared>>
      tpu.enqueue_indirect_dma source(%arg22 : memref<80x128xf32, #tpu.memory_space<vmem>>) target(%dma_start3A_491 : memref<10000x128xf32, #tpu.memory_space<vmem_shared>>) offsets(%arg14 : memref<80xi32, #tpu.memory_space<vmem>>) semaphore(%arg39 : memref<!tpu.dma_semaphore, #tpu.memory_space<semaphore_mem>>) {add = true}
      %dma_wait3A_492 = arith.constant 0 : i32
      %dma_wait3A_493 = arith.constant 0 : i32
      %dma_wait3A_494 = tpu.memref_slice %arg2[%dma_wait3A_492, %dma_wait3A_493] : memref<10000x128xf32, #tpu.memory_space<hbm>> -> memref<10000x128xf32, #tpu.memory_space<hbm>>
      tpu.wait_indirect_dma semaphore(%arg36 : memref<!tpu.dma_semaphore, #tpu.memory_space<semaphore_mem>>) src(%dma_wait3A_494 : memref<10000x128xf32, #tpu.memory_space<hbm>>) dst(%arg23 : memref<80x128xf32, #tpu.memory_space<vmem>>)
      %dma_start3A_495 = arith.constant 0 : i32
      %dma_start3A_496 = arith.constant 0 : i32
      %dma_start3A_497 = tpu.memref_slice %arg26[%dma_start3A_495, %dma_start3A_496] : memref<10000x128xf32, #tpu.memory_space<vmem_shared>> -> memref<10000x128xf32, #tpu.memory_space<vmem_shared>>
      tpu.enqueue_indirect_dma source(%arg23 : memref<80x128xf32, #tpu.memory_space<vmem>>) target(%dma_start3A_497 : memref<10000x128xf32, #tpu.memory_space<vmem_shared>>) offsets(%arg15 : memref<80xi32, #tpu.memory_space<vmem>>) semaphore(%arg40 : memref<!tpu.dma_semaphore, #tpu.memory_space<semaphore_mem>>) {add = true}
      %dma_wait3A_498 = arith.constant 0 : i32
      %dma_wait3A_499 = arith.constant 0 : i32
      %dma_wait3A_500 = tpu.memref_slice %arg2[%dma_wait3A_498, %dma_wait3A_499] : memref<10000x128xf32, #tpu.memory_space<hbm>> -> memref<10000x128xf32, #tpu.memory_space<hbm>>
      tpu.wait_indirect_dma semaphore(%arg37 : memref<!tpu.dma_semaphore, #tpu.memory_space<semaphore_mem>>) src(%dma_wait3A_500 : memref<10000x128xf32, #tpu.memory_space<hbm>>) dst(%arg24 : memref<80x128xf32, #tpu.memory_space<vmem>>)
      %dma_start3A_501 = arith.constant 0 : i32
      %dma_start3A_502 = arith.constant 0 : i32
      %dma_start3A_503 = tpu.memref_slice %arg26[%dma_start3A_501, %dma_start3A_502] : memref<10000x128xf32, #tpu.memory_space<vmem_shared>> -> memref<10000x128xf32, #tpu.memory_space<vmem_shared>>
      tpu.enqueue_indirect_dma source(%arg24 : memref<80x128xf32, #tpu.memory_space<vmem>>) target(%dma_start3A_503 : memref<10000x128xf32, #tpu.memory_space<vmem_shared>>) offsets(%arg16 : memref<80xi32, #tpu.memory_space<vmem>>) semaphore(%arg41 : memref<!tpu.dma_semaphore, #tpu.memory_space<semaphore_mem>>) {add = true}
      %dma_wait3A_504 = arith.constant 0 : i32
      %dma_wait3A_505 = arith.constant 0 : i32
      %dma_wait3A_506 = tpu.memref_slice %arg2[%dma_wait3A_504, %dma_wait3A_505] : memref<10000x128xf32, #tpu.memory_space<hbm>> -> memref<10000x128xf32, #tpu.memory_space<hbm>>
      tpu.wait_indirect_dma semaphore(%arg38 : memref<!tpu.dma_semaphore, #tpu.memory_space<semaphore_mem>>) src(%dma_wait3A_506 : memref<10000x128xf32, #tpu.memory_space<hbm>>) dst(%arg25 : memref<80x128xf32, #tpu.memory_space<vmem>>)
      %dma_start3A_507 = arith.constant 0 : i32
      %dma_start3A_508 = arith.constant 0 : i32
      %dma_start3A_509 = tpu.memref_slice %arg26[%dma_start3A_507, %dma_start3A_508] : memref<10000x128xf32, #tpu.memory_space<vmem_shared>> -> memref<10000x128xf32, #tpu.memory_space<vmem_shared>>
      tpu.enqueue_indirect_dma source(%arg25 : memref<80x128xf32, #tpu.memory_space<vmem>>) target(%dma_start3A_509 : memref<10000x128xf32, #tpu.memory_space<vmem_shared>>) offsets(%arg17 : memref<80xi32, #tpu.memory_space<vmem>>) semaphore(%arg42 : memref<!tpu.dma_semaphore, #tpu.memory_space<semaphore_mem>>) {add = true}
      %dma_wait3A_510 = arith.constant 0 : i32
      %dma_wait3A_511 = arith.constant 0 : i32
      %dma_wait3A_512 = tpu.memref_slice %arg26[%dma_wait3A_510, %dma_wait3A_511] : memref<10000x128xf32, #tpu.memory_space<vmem_shared>> -> memref<10000x128xf32, #tpu.memory_space<vmem_shared>>
      tpu.wait_indirect_dma semaphore(%arg39 : memref<!tpu.dma_semaphore, #tpu.memory_space<semaphore_mem>>) src(%arg22 : memref<80x128xf32, #tpu.memory_space<vmem>>) dst(%dma_wait3A_512 : memref<10000x128xf32, #tpu.memory_space<vmem_shared>>)
      %add3A_513 = arith.constant 8 : i32
      %add3A_514 = arith.addi %add3A_417, %add3A_513 : i32
      %add3A_515 = arith.constant 0 : i32
      %add3A_516 = arith.addi %add3A_514, %add3A_515 : i32
      %add3A_517 = arith.constant 0 : i32
      %add3A_518 = arith.addi %add3A_516, %add3A_517 : i32
      %mul3A_519 = arith.constant 80 : i32
      %mul3A_520 = arith.muli %add3A_518, %mul3A_519 : i32
      %add3A_521 = arith.addi %mul3A_2, %mul3A_520 : i32
      %dma_start3A_522 = tpu.memref_slice %arg3[%add3A_521] : memref<320000xi32, #tpu.memory_space<hbm>> -> memref<80xi32, #tpu.memory_space<hbm>>
      %dma_start3A_523 = tpu.memref_slice %arg3[%add3A_521] : memref<320000xi32, #tpu.memory_space<hbm>> -> memref<80xi32, #tpu.memory_space<hbm>>
      tpu.enqueue_dma source(%dma_start3A_523 : memref<80xi32, #tpu.memory_space<hbm>>) target(%arg6 : memref<80xi32, #tpu.memory_space<vmem>>) target_semaphore(%arg27 : memref<!tpu.dma_semaphore, #tpu.memory_space<semaphore_mem>>)
      %mul3A_524 = arith.constant 80 : i32
      %mul3A_525 = arith.muli %add3A_518, %mul3A_524 : i32
      %add3A_526 = arith.addi %mul3A_2, %mul3A_525 : i32
      %dma_start3A_527 = tpu.memref_slice %arg4[%add3A_526] : memref<320000xi32, #tpu.memory_space<hbm>> -> memref<80xi32, #tpu.memory_space<hbm>>
      %dma_start3A_528 = tpu.memref_slice %arg4[%add3A_526] : memref<320000xi32, #tpu.memory_space<hbm>> -> memref<80xi32, #tpu.memory_space<hbm>>
      tpu.enqueue_dma source(%dma_start3A_528 : memref<80xi32, #tpu.memory_space<hbm>>) target(%arg14 : memref<80xi32, #tpu.memory_space<vmem>>) target_semaphore(%arg27 : memref<!tpu.dma_semaphore, #tpu.memory_space<semaphore_mem>>)
      %dma_wait3A_529 = arith.constant 0 : i32
      %dma_wait3A_530 = arith.constant 0 : i32
      %dma_wait3A_531 = tpu.memref_slice %arg26[%dma_wait3A_529, %dma_wait3A_530] : memref<10000x128xf32, #tpu.memory_space<vmem_shared>> -> memref<10000x128xf32, #tpu.memory_space<vmem_shared>>
      tpu.wait_indirect_dma semaphore(%arg40 : memref<!tpu.dma_semaphore, #tpu.memory_space<semaphore_mem>>) src(%arg23 : memref<80x128xf32, #tpu.memory_space<vmem>>) dst(%dma_wait3A_531 : memref<10000x128xf32, #tpu.memory_space<vmem_shared>>)
      %add3A_532 = arith.constant 8 : i32
      %add3A_533 = arith.addi %add3A_417, %add3A_532 : i32
      %add3A_534 = arith.constant 0 : i32
      %add3A_535 = arith.addi %add3A_533, %add3A_534 : i32
      %add3A_536 = arith.constant 1 : i32
      %add3A_537 = arith.addi %add3A_535, %add3A_536 : i32
      %mul3A_538 = arith.constant 80 : i32
      %mul3A_539 = arith.muli %add3A_537, %mul3A_538 : i32
      %add3A_540 = arith.addi %mul3A_2, %mul3A_539 : i32
      %dma_start3A_541 = tpu.memref_slice %arg3[%add3A_540] : memref<320000xi32, #tpu.memory_space<hbm>> -> memref<80xi32, #tpu.memory_space<hbm>>
      %dma_start3A_542 = tpu.memref_slice %arg3[%add3A_540] : memref<320000xi32, #tpu.memory_space<hbm>> -> memref<80xi32, #tpu.memory_space<hbm>>
      tpu.enqueue_dma source(%dma_start3A_542 : memref<80xi32, #tpu.memory_space<hbm>>) target(%arg7 : memref<80xi32, #tpu.memory_space<vmem>>) target_semaphore(%arg28 : memref<!tpu.dma_semaphore, #tpu.memory_space<semaphore_mem>>)
      %mul3A_543 = arith.constant 80 : i32
      %mul3A_544 = arith.muli %add3A_537, %mul3A_543 : i32
      %add3A_545 = arith.addi %mul3A_2, %mul3A_544 : i32
      %dma_start3A_546 = tpu.memref_slice %arg4[%add3A_545] : memref<320000xi32, #tpu.memory_space<hbm>> -> memref<80xi32, #tpu.memory_space<hbm>>
      %dma_start3A_547 = tpu.memref_slice %arg4[%add3A_545] : memref<320000xi32, #tpu.memory_space<hbm>> -> memref<80xi32, #tpu.memory_space<hbm>>
      tpu.enqueue_dma source(%dma_start3A_547 : memref<80xi32, #tpu.memory_space<hbm>>) target(%arg15 : memref<80xi32, #tpu.memory_space<vmem>>) target_semaphore(%arg28 : memref<!tpu.dma_semaphore, #tpu.memory_space<semaphore_mem>>)
      %dma_wait3A_548 = arith.constant 0 : i32
      %dma_wait3A_549 = arith.constant 0 : i32
      %dma_wait3A_550 = tpu.memref_slice %arg26[%dma_wait3A_548, %dma_wait3A_549] : memref<10000x128xf32, #tpu.memory_space<vmem_shared>> -> memref<10000x128xf32, #tpu.memory_space<vmem_shared>>
      tpu.wait_indirect_dma semaphore(%arg41 : memref<!tpu.dma_semaphore, #tpu.memory_space<semaphore_mem>>) src(%arg24 : memref<80x128xf32, #tpu.memory_space<vmem>>) dst(%dma_wait3A_550 : memref<10000x128xf32, #tpu.memory_space<vmem_shared>>)
      %add3A_551 = arith.constant 8 : i32
      %add3A_552 = arith.addi %add3A_417, %add3A_551 : i32
      %add3A_553 = arith.constant 0 : i32
      %add3A_554 = arith.addi %add3A_552, %add3A_553 : i32
      %add3A_555 = arith.constant 2 : i32
      %add3A_556 = arith.addi %add3A_554, %add3A_555 : i32
      %mul3A_557 = arith.constant 80 : i32
      %mul3A_558 = arith.muli %add3A_556, %mul3A_557 : i32
      %add3A_559 = arith.addi %mul3A_2, %mul3A_558 : i32
      %dma_start3A_560 = tpu.memref_slice %arg3[%add3A_559] : memref<320000xi32, #tpu.memory_space<hbm>> -> memref<80xi32, #tpu.memory_space<hbm>>
      %dma_start3A_561 = tpu.memref_slice %arg3[%add3A_559] : memref<320000xi32, #tpu.memory_space<hbm>> -> memref<80xi32, #tpu.memory_space<hbm>>
      tpu.enqueue_dma source(%dma_start3A_561 : memref<80xi32, #tpu.memory_space<hbm>>) target(%arg8 : memref<80xi32, #tpu.memory_space<vmem>>) target_semaphore(%arg29 : memref<!tpu.dma_semaphore, #tpu.memory_space<semaphore_mem>>)
      %mul3A_562 = arith.constant 80 : i32
      %mul3A_563 = arith.muli %add3A_556, %mul3A_562 : i32
      %add3A_564 = arith.addi %mul3A_2, %mul3A_563 : i32
      %dma_start3A_565 = tpu.memref_slice %arg4[%add3A_564] : memref<320000xi32, #tpu.memory_space<hbm>> -> memref<80xi32, #tpu.memory_space<hbm>>
      %dma_start3A_566 = tpu.memref_slice %arg4[%add3A_564] : memref<320000xi32, #tpu.memory_space<hbm>> -> memref<80xi32, #tpu.memory_space<hbm>>
      tpu.enqueue_dma source(%dma_start3A_566 : memref<80xi32, #tpu.memory_space<hbm>>) target(%arg16 : memref<80xi32, #tpu.memory_space<vmem>>) target_semaphore(%arg29 : memref<!tpu.dma_semaphore, #tpu.memory_space<semaphore_mem>>)
      %dma_wait3A_567 = arith.constant 0 : i32
      %dma_wait3A_568 = arith.constant 0 : i32
      %dma_wait3A_569 = tpu.memref_slice %arg26[%dma_wait3A_567, %dma_wait3A_568] : memref<10000x128xf32, #tpu.memory_space<vmem_shared>> -> memref<10000x128xf32, #tpu.memory_space<vmem_shared>>
      tpu.wait_indirect_dma semaphore(%arg42 : memref<!tpu.dma_semaphore, #tpu.memory_space<semaphore_mem>>) src(%arg25 : memref<80x128xf32, #tpu.memory_space<vmem>>) dst(%dma_wait3A_569 : memref<10000x128xf32, #tpu.memory_space<vmem_shared>>)
      %add3A_570 = arith.constant 8 : i32
      %add3A_571 = arith.addi %add3A_417, %add3A_570 : i32
      %add3A_572 = arith.constant 0 : i32
      %add3A_573 = arith.addi %add3A_571, %add3A_572 : i32
      %add3A_574 = arith.constant 3 : i32
      %add3A_575 = arith.addi %add3A_573, %add3A_574 : i32
      %mul3A_576 = arith.constant 80 : i32
      %mul3A_577 = arith.muli %add3A_575, %mul3A_576 : i32
      %add3A_578 = arith.addi %mul3A_2, %mul3A_577 : i32
      %dma_start3A_579 = tpu.memref_slice %arg3[%add3A_578] : memref<320000xi32, #tpu.memory_space<hbm>> -> memref<80xi32, #tpu.memory_space<hbm>>
      %dma_start3A_580 = tpu.memref_slice %arg3[%add3A_578] : memref<320000xi32, #tpu.memory_space<hbm>> -> memref<80xi32, #tpu.memory_space<hbm>>
      tpu.enqueue_dma source(%dma_start3A_580 : memref<80xi32, #tpu.memory_space<hbm>>) target(%arg9 : memref<80xi32, #tpu.memory_space<vmem>>) target_semaphore(%arg30 : memref<!tpu.dma_semaphore, #tpu.memory_space<semaphore_mem>>)
      %mul3A_581 = arith.constant 80 : i32
      %mul3A_582 = arith.muli %add3A_575, %mul3A_581 : i32
      %add3A_583 = arith.addi %mul3A_2, %mul3A_582 : i32
      %dma_start3A_584 = tpu.memref_slice %arg4[%add3A_583] : memref<320000xi32, #tpu.memory_space<hbm>> -> memref<80xi32, #tpu.memory_space<hbm>>
      %dma_start3A_585 = tpu.memref_slice %arg4[%add3A_583] : memref<320000xi32, #tpu.memory_space<hbm>> -> memref<80xi32, #tpu.memory_space<hbm>>
      tpu.enqueue_dma source(%dma_start3A_585 : memref<80xi32, #tpu.memory_space<hbm>>) target(%arg17 : memref<80xi32, #tpu.memory_space<vmem>>) target_semaphore(%arg30 : memref<!tpu.dma_semaphore, #tpu.memory_space<semaphore_mem>>)
      %add3A_586 = arith.constant 4 : i32
      %add3A_587 = arith.addi %add3A_417, %add3A_586 : i32
      %add3A_588 = arith.constant 0 : i32
      %add3A_589 = arith.addi %add3A_587, %add3A_588 : i32
      %mul3A_590 = arith.constant 80 : i32
      %mul3A_591 = arith.muli %add3A_589, %mul3A_590 : i32
      %add3A_592 = arith.addi %mul3A_2, %mul3A_591 : i32
      %dma_wait3A_593 = tpu.memref_slice %arg3[%add3A_592] : memref<320000xi32, #tpu.memory_space<hbm>> -> memref<80xi32, #tpu.memory_space<hbm>>
      %dma_wait3A_594 = tpu.memref_slice %arg3[%add3A_592] : memref<320000xi32, #tpu.memory_space<hbm>> -> memref<80xi32, #tpu.memory_space<hbm>>
      tpu.wait_dma2 semaphore(%arg31 : memref<!tpu.dma_semaphore, #tpu.memory_space<semaphore_mem>>) src(%dma_wait3A_594 : memref<80xi32, #tpu.memory_space<hbm>>) dst(%arg10 : memref<80xi32, #tpu.memory_space<vmem>>)
      %mul3A_595 = arith.constant 80 : i32
      %mul3A_596 = arith.muli %add3A_589, %mul3A_595 : i32
      %add3A_597 = arith.addi %mul3A_2, %mul3A_596 : i32
      %dma_wait3A_598 = tpu.memref_slice %arg4[%add3A_597] : memref<320000xi32, #tpu.memory_space<hbm>> -> memref<80xi32, #tpu.memory_space<hbm>>
      %dma_wait3A_599 = tpu.memref_slice %arg4[%add3A_597] : memref<320000xi32, #tpu.memory_space<hbm>> -> memref<80xi32, #tpu.memory_space<hbm>>
      tpu.wait_dma2 semaphore(%arg31 : memref<!tpu.dma_semaphore, #tpu.memory_space<semaphore_mem>>) src(%dma_wait3A_599 : memref<80xi32, #tpu.memory_space<hbm>>) dst(%arg18 : memref<80xi32, #tpu.memory_space<vmem>>)
      %dma_start3A_600 = arith.constant 0 : i32
      %dma_start3A_601 = arith.constant 0 : i32
      %dma_start3A_602 = tpu.memref_slice %arg2[%dma_start3A_600, %dma_start3A_601] : memref<10000x128xf32, #tpu.memory_space<hbm>> -> memref<10000x128xf32, #tpu.memory_space<hbm>>
      tpu.enqueue_indirect_dma source(%dma_start3A_602 : memref<10000x128xf32, #tpu.memory_space<hbm>>) target(%arg22 : memref<80x128xf32, #tpu.memory_space<vmem>>) offsets(%arg10 : memref<80xi32, #tpu.memory_space<vmem>>) semaphore(%arg35 : memref<!tpu.dma_semaphore, #tpu.memory_space<semaphore_mem>>)
      %add3A_603 = arith.constant 4 : i32
      %add3A_604 = arith.addi %add3A_417, %add3A_603 : i32
      %add3A_605 = arith.constant 1 : i32
      %add3A_606 = arith.addi %add3A_604, %add3A_605 : i32
      %mul3A_607 = arith.constant 80 : i32
      %mul3A_608 = arith.muli %add3A_606, %mul3A_607 : i32
      %add3A_609 = arith.addi %mul3A_2, %mul3A_608 : i32
      %dma_wait3A_610 = tpu.memref_slice %arg3[%add3A_609] : memref<320000xi32, #tpu.memory_space<hbm>> -> memref<80xi32, #tpu.memory_space<hbm>>
      %dma_wait3A_611 = tpu.memref_slice %arg3[%add3A_609] : memref<320000xi32, #tpu.memory_space<hbm>> -> memref<80xi32, #tpu.memory_space<hbm>>
      tpu.wait_dma2 semaphore(%arg32 : memref<!tpu.dma_semaphore, #tpu.memory_space<semaphore_mem>>) src(%dma_wait3A_611 : memref<80xi32, #tpu.memory_space<hbm>>) dst(%arg11 : memref<80xi32, #tpu.memory_space<vmem>>)
      %mul3A_612 = arith.constant 80 : i32
      %mul3A_613 = arith.muli %add3A_606, %mul3A_612 : i32
      %add3A_614 = arith.addi %mul3A_2, %mul3A_613 : i32
      %dma_wait3A_615 = tpu.memref_slice %arg4[%add3A_614] : memref<320000xi32, #tpu.memory_space<hbm>> -> memref<80xi32, #tpu.memory_space<hbm>>
      %dma_wait3A_616 = tpu.memref_slice %arg4[%add3A_614] : memref<320000xi32, #tpu.memory_space<hbm>> -> memref<80xi32, #tpu.memory_space<hbm>>
      tpu.wait_dma2 semaphore(%arg32 : memref<!tpu.dma_semaphore, #tpu.memory_space<semaphore_mem>>) src(%dma_wait3A_616 : memref<80xi32, #tpu.memory_space<hbm>>) dst(%arg19 : memref<80xi32, #tpu.memory_space<vmem>>)
      %dma_start3A_617 = arith.constant 0 : i32
      %dma_start3A_618 = arith.constant 0 : i32
      %dma_start3A_619 = tpu.memref_slice %arg2[%dma_start3A_617, %dma_start3A_618] : memref<10000x128xf32, #tpu.memory_space<hbm>> -> memref<10000x128xf32, #tpu.memory_space<hbm>>
      tpu.enqueue_indirect_dma source(%dma_start3A_619 : memref<10000x128xf32, #tpu.memory_space<hbm>>) target(%arg23 : memref<80x128xf32, #tpu.memory_space<vmem>>) offsets(%arg11 : memref<80xi32, #tpu.memory_space<vmem>>) semaphore(%arg36 : memref<!tpu.dma_semaphore, #tpu.memory_space<semaphore_mem>>)
      %add3A_620 = arith.constant 4 : i32
      %add3A_621 = arith.addi %add3A_417, %add3A_620 : i32
      %add3A_622 = arith.constant 2 : i32
      %add3A_623 = arith.addi %add3A_621, %add3A_622 : i32
      %mul3A_624 = arith.constant 80 : i32
      %mul3A_625 = arith.muli %add3A_623, %mul3A_624 : i32
      %add3A_626 = arith.addi %mul3A_2, %mul3A_625 : i32
      %dma_wait3A_627 = tpu.memref_slice %arg3[%add3A_626] : memref<320000xi32, #tpu.memory_space<hbm>> -> memref<80xi32, #tpu.memory_space<hbm>>
      %dma_wait3A_628 = tpu.memref_slice %arg3[%add3A_626] : memref<320000xi32, #tpu.memory_space<hbm>> -> memref<80xi32, #tpu.memory_space<hbm>>
      tpu.wait_dma2 semaphore(%arg33 : memref<!tpu.dma_semaphore, #tpu.memory_space<semaphore_mem>>) src(%dma_wait3A_628 : memref<80xi32, #tpu.memory_space<hbm>>) dst(%arg12 : memref<80xi32, #tpu.memory_space<vmem>>)
      %mul3A_629 = arith.constant 80 : i32
      %mul3A_630 = arith.muli %add3A_623, %mul3A_629 : i32
      %add3A_631 = arith.addi %mul3A_2, %mul3A_630 : i32
      %dma_wait3A_632 = tpu.memref_slice %arg4[%add3A_631] : memref<320000xi32, #tpu.memory_space<hbm>> -> memref<80xi32, #tpu.memory_space<hbm>>
      %dma_wait3A_633 = tpu.memref_slice %arg4[%add3A_631] : memref<320000xi32, #tpu.memory_space<hbm>> -> memref<80xi32, #tpu.memory_space<hbm>>
      tpu.wait_dma2 semaphore(%arg33 : memref<!tpu.dma_semaphore, #tpu.memory_space<semaphore_mem>>) src(%dma_wait3A_633 : memref<80xi32, #tpu.memory_space<hbm>>) dst(%arg20 : memref<80xi32, #tpu.memory_space<vmem>>)
      %dma_start3A_634 = arith.constant 0 : i32
      %dma_start3A_635 = arith.constant 0 : i32
      %dma_start3A_636 = tpu.memref_slice %arg2[%dma_start3A_634, %dma_start3A_635] : memref<10000x128xf32, #tpu.memory_space<hbm>> -> memref<10000x128xf32, #tpu.memory_space<hbm>>
      tpu.enqueue_indirect_dma source(%dma_start3A_636 : memref<10000x128xf32, #tpu.memory_space<hbm>>) target(%arg24 : memref<80x128xf32, #tpu.memory_space<vmem>>) offsets(%arg12 : memref<80xi32, #tpu.memory_space<vmem>>) semaphore(%arg37 : memref<!tpu.dma_semaphore, #tpu.memory_space<semaphore_mem>>)
      %add3A_637 = arith.constant 4 : i32
      %add3A_638 = arith.addi %add3A_417, %add3A_637 : i32
      %add3A_639 = arith.constant 3 : i32
      %add3A_640 = arith.addi %add3A_638, %add3A_639 : i32
      %mul3A_641 = arith.constant 80 : i32
      %mul3A_642 = arith.muli %add3A_640, %mul3A_641 : i32
      %add3A_643 = arith.addi %mul3A_2, %mul3A_642 : i32
      %dma_wait3A_644 = tpu.memref_slice %arg3[%add3A_643] : memref<320000xi32, #tpu.memory_space<hbm>> -> memref<80xi32, #tpu.memory_space<hbm>>
      %dma_wait3A_645 = tpu.memref_slice %arg3[%add3A_643] : memref<320000xi32, #tpu.memory_space<hbm>> -> memref<80xi32, #tpu.memory_space<hbm>>
      tpu.wait_dma2 semaphore(%arg34 : memref<!tpu.dma_semaphore, #tpu.memory_space<semaphore_mem>>) src(%dma_wait3A_645 : memref<80xi32, #tpu.memory_space<hbm>>) dst(%arg13 : memref<80xi32, #tpu.memory_space<vmem>>)
      %mul3A_646 = arith.constant 80 : i32
      %mul3A_647 = arith.muli %add3A_640, %mul3A_646 : i32
      %add3A_648 = arith.addi %mul3A_2, %mul3A_647 : i32
      %dma_wait3A_649 = tpu.memref_slice %arg4[%add3A_648] : memref<320000xi32, #tpu.memory_space<hbm>> -> memref<80xi32, #tpu.memory_space<hbm>>
      %dma_wait3A_650 = tpu.memref_slice %arg4[%add3A_648] : memref<320000xi32, #tpu.memory_space<hbm>> -> memref<80xi32, #tpu.memory_space<hbm>>
      tpu.wait_dma2 semaphore(%arg34 : memref<!tpu.dma_semaphore, #tpu.memory_space<semaphore_mem>>) src(%dma_wait3A_650 : memref<80xi32, #tpu.memory_space<hbm>>) dst(%arg21 : memref<80xi32, #tpu.memory_space<vmem>>)
      %dma_start3A_651 = arith.constant 0 : i32
      %dma_start3A_652 = arith.constant 0 : i32
      %dma_start3A_653 = tpu.memref_slice %arg2[%dma_start3A_651, %dma_start3A_652] : memref<10000x128xf32, #tpu.memory_space<hbm>> -> memref<10000x128xf32, #tpu.memory_space<hbm>>
      tpu.enqueue_indirect_dma source(%dma_start3A_653 : memref<10000x128xf32, #tpu.memory_space<hbm>>) target(%arg25 : memref<80x128xf32, #tpu.memory_space<vmem>>) offsets(%arg13 : memref<80xi32, #tpu.memory_space<vmem>>) semaphore(%arg38 : memref<!tpu.dma_semaphore, #tpu.memory_space<semaphore_mem>>)
      %dma_wait3A_654 = arith.constant 0 : i32
      %dma_wait3A_655 = arith.constant 0 : i32
      %dma_wait3A_656 = tpu.memref_slice %arg2[%dma_wait3A_654, %dma_wait3A_655] : memref<10000x128xf32, #tpu.memory_space<hbm>> -> memref<10000x128xf32, #tpu.memory_space<hbm>>
      tpu.wait_indirect_dma semaphore(%arg35 : memref<!tpu.dma_semaphore, #tpu.memory_space<semaphore_mem>>) src(%dma_wait3A_656 : memref<10000x128xf32, #tpu.memory_space<hbm>>) dst(%arg22 : memref<80x128xf32, #tpu.memory_space<vmem>>)
      %dma_start3A_657 = arith.constant 0 : i32
      %dma_start3A_658 = arith.constant 0 : i32
      %dma_start3A_659 = tpu.memref_slice %arg26[%dma_start3A_657, %dma_start3A_658] : memref<10000x128xf32, #tpu.memory_space<vmem_shared>> -> memref<10000x128xf32, #tpu.memory_space<vmem_shared>>
      tpu.enqueue_indirect_dma source(%arg22 : memref<80x128xf32, #tpu.memory_space<vmem>>) target(%dma_start3A_659 : memref<10000x128xf32, #tpu.memory_space<vmem_shared>>) offsets(%arg18 : memref<80xi32, #tpu.memory_space<vmem>>) semaphore(%arg39 : memref<!tpu.dma_semaphore, #tpu.memory_space<semaphore_mem>>) {add = true}
      %dma_wait3A_660 = arith.constant 0 : i32
      %dma_wait3A_661 = arith.constant 0 : i32
      %dma_wait3A_662 = tpu.memref_slice %arg2[%dma_wait3A_660, %dma_wait3A_661] : memref<10000x128xf32, #tpu.memory_space<hbm>> -> memref<10000x128xf32, #tpu.memory_space<hbm>>
      tpu.wait_indirect_dma semaphore(%arg36 : memref<!tpu.dma_semaphore, #tpu.memory_space<semaphore_mem>>) src(%dma_wait3A_662 : memref<10000x128xf32, #tpu.memory_space<hbm>>) dst(%arg23 : memref<80x128xf32, #tpu.memory_space<vmem>>)
      %dma_start3A_663 = arith.constant 0 : i32
      %dma_start3A_664 = arith.constant 0 : i32
      %dma_start3A_665 = tpu.memref_slice %arg26[%dma_start3A_663, %dma_start3A_664] : memref<10000x128xf32, #tpu.memory_space<vmem_shared>> -> memref<10000x128xf32, #tpu.memory_space<vmem_shared>>
      tpu.enqueue_indirect_dma source(%arg23 : memref<80x128xf32, #tpu.memory_space<vmem>>) target(%dma_start3A_665 : memref<10000x128xf32, #tpu.memory_space<vmem_shared>>) offsets(%arg19 : memref<80xi32, #tpu.memory_space<vmem>>) semaphore(%arg40 : memref<!tpu.dma_semaphore, #tpu.memory_space<semaphore_mem>>) {add = true}
      %dma_wait3A_666 = arith.constant 0 : i32
      %dma_wait3A_667 = arith.constant 0 : i32
      %dma_wait3A_668 = tpu.memref_slice %arg2[%dma_wait3A_666, %dma_wait3A_667] : memref<10000x128xf32, #tpu.memory_space<hbm>> -> memref<10000x128xf32, #tpu.memory_space<hbm>>
      tpu.wait_indirect_dma semaphore(%arg37 : memref<!tpu.dma_semaphore, #tpu.memory_space<semaphore_mem>>) src(%dma_wait3A_668 : memref<10000x128xf32, #tpu.memory_space<hbm>>) dst(%arg24 : memref<80x128xf32, #tpu.memory_space<vmem>>)
      %dma_start3A_669 = arith.constant 0 : i32
      %dma_start3A_670 = arith.constant 0 : i32
      %dma_start3A_671 = tpu.memref_slice %arg26[%dma_start3A_669, %dma_start3A_670] : memref<10000x128xf32, #tpu.memory_space<vmem_shared>> -> memref<10000x128xf32, #tpu.memory_space<vmem_shared>>
      tpu.enqueue_indirect_dma source(%arg24 : memref<80x128xf32, #tpu.memory_space<vmem>>) target(%dma_start3A_671 : memref<10000x128xf32, #tpu.memory_space<vmem_shared>>) offsets(%arg20 : memref<80xi32, #tpu.memory_space<vmem>>) semaphore(%arg41 : memref<!tpu.dma_semaphore, #tpu.memory_space<semaphore_mem>>) {add = true}
      %dma_wait3A_672 = arith.constant 0 : i32
      %dma_wait3A_673 = arith.constant 0 : i32
      %dma_wait3A_674 = tpu.memref_slice %arg2[%dma_wait3A_672, %dma_wait3A_673] : memref<10000x128xf32, #tpu.memory_space<hbm>> -> memref<10000x128xf32, #tpu.memory_space<hbm>>
      tpu.wait_indirect_dma semaphore(%arg38 : memref<!tpu.dma_semaphore, #tpu.memory_space<semaphore_mem>>) src(%dma_wait3A_674 : memref<10000x128xf32, #tpu.memory_space<hbm>>) dst(%arg25 : memref<80x128xf32, #tpu.memory_space<vmem>>)
      %dma_start3A_675 = arith.constant 0 : i32
      %dma_start3A_676 = arith.constant 0 : i32
      %dma_start3A_677 = tpu.memref_slice %arg26[%dma_start3A_675, %dma_start3A_676] : memref<10000x128xf32, #tpu.memory_space<vmem_shared>> -> memref<10000x128xf32, #tpu.memory_space<vmem_shared>>
      tpu.enqueue_indirect_dma source(%arg25 : memref<80x128xf32, #tpu.memory_space<vmem>>) target(%dma_start3A_677 : memref<10000x128xf32, #tpu.memory_space<vmem_shared>>) offsets(%arg21 : memref<80xi32, #tpu.memory_space<vmem>>) semaphore(%arg42 : memref<!tpu.dma_semaphore, #tpu.memory_space<semaphore_mem>>) {add = true}
      %dma_wait3A_678 = arith.constant 0 : i32
      %dma_wait3A_679 = arith.constant 0 : i32
      %dma_wait3A_680 = tpu.memref_slice %arg26[%dma_wait3A_678, %dma_wait3A_679] : memref<10000x128xf32, #tpu.memory_space<vmem_shared>> -> memref<10000x128xf32, #tpu.memory_space<vmem_shared>>
      tpu.wait_indirect_dma semaphore(%arg39 : memref<!tpu.dma_semaphore, #tpu.memory_space<semaphore_mem>>) src(%arg22 : memref<80x128xf32, #tpu.memory_space<vmem>>) dst(%dma_wait3A_680 : memref<10000x128xf32, #tpu.memory_space<vmem_shared>>)
      %add3A_681 = arith.constant 8 : i32
      %add3A_682 = arith.addi %add3A_417, %add3A_681 : i32
      %add3A_683 = arith.constant 4 : i32
      %add3A_684 = arith.addi %add3A_682, %add3A_683 : i32
      %add3A_685 = arith.constant 0 : i32
      %add3A_686 = arith.addi %add3A_684, %add3A_685 : i32
      %mul3A_687 = arith.constant 80 : i32
      %mul3A_688 = arith.muli %add3A_686, %mul3A_687 : i32
      %add3A_689 = arith.addi %mul3A_2, %mul3A_688 : i32
      %dma_start3A_690 = tpu.memref_slice %arg3[%add3A_689] : memref<320000xi32, #tpu.memory_space<hbm>> -> memref<80xi32, #tpu.memory_space<hbm>>
      %dma_start3A_691 = tpu.memref_slice %arg3[%add3A_689] : memref<320000xi32, #tpu.memory_space<hbm>> -> memref<80xi32, #tpu.memory_space<hbm>>
      tpu.enqueue_dma source(%dma_start3A_691 : memref<80xi32, #tpu.memory_space<hbm>>) target(%arg10 : memref<80xi32, #tpu.memory_space<vmem>>) target_semaphore(%arg31 : memref<!tpu.dma_semaphore, #tpu.memory_space<semaphore_mem>>)
      %mul3A_692 = arith.constant 80 : i32
      %mul3A_693 = arith.muli %add3A_686, %mul3A_692 : i32
      %add3A_694 = arith.addi %mul3A_2, %mul3A_693 : i32
      %dma_start3A_695 = tpu.memref_slice %arg4[%add3A_694] : memref<320000xi32, #tpu.memory_space<hbm>> -> memref<80xi32, #tpu.memory_space<hbm>>
      %dma_start3A_696 = tpu.memref_slice %arg4[%add3A_694] : memref<320000xi32, #tpu.memory_space<hbm>> -> memref<80xi32, #tpu.memory_space<hbm>>
      tpu.enqueue_dma source(%dma_start3A_696 : memref<80xi32, #tpu.memory_space<hbm>>) target(%arg18 : memref<80xi32, #tpu.memory_space<vmem>>) target_semaphore(%arg31 : memref<!tpu.dma_semaphore, #tpu.memory_space<semaphore_mem>>)
      %dma_wait3A_697 = arith.constant 0 : i32
      %dma_wait3A_698 = arith.constant 0 : i32
      %dma_wait3A_699 = tpu.memref_slice %arg26[%dma_wait3A_697, %dma_wait3A_698] : memref<10000x128xf32, #tpu.memory_space<vmem_shared>> -> memref<10000x128xf32, #tpu.memory_space<vmem_shared>>
      tpu.wait_indirect_dma semaphore(%arg40 : memref<!tpu.dma_semaphore, #tpu.memory_space<semaphore_mem>>) src(%arg23 : memref<80x128xf32, #tpu.memory_space<vmem>>) dst(%dma_wait3A_699 : memref<10000x128xf32, #tpu.memory_space<vmem_shared>>)
      %add3A_700 = arith.constant 8 : i32
      %add3A_701 = arith.addi %add3A_417, %add3A_700 : i32
      %add3A_702 = arith.constant 4 : i32
      %add3A_703 = arith.addi %add3A_701, %add3A_702 : i32
      %add3A_704 = arith.constant 1 : i32
      %add3A_705 = arith.addi %add3A_703, %add3A_704 : i32
      %mul3A_706 = arith.constant 80 : i32
      %mul3A_707 = arith.muli %add3A_705, %mul3A_706 : i32
      %add3A_708 = arith.addi %mul3A_2, %mul3A_707 : i32
      %dma_start3A_709 = tpu.memref_slice %arg3[%add3A_708] : memref<320000xi32, #tpu.memory_space<hbm>> -> memref<80xi32, #tpu.memory_space<hbm>>
      %dma_start3A_710 = tpu.memref_slice %arg3[%add3A_708] : memref<320000xi32, #tpu.memory_space<hbm>> -> memref<80xi32, #tpu.memory_space<hbm>>
      tpu.enqueue_dma source(%dma_start3A_710 : memref<80xi32, #tpu.memory_space<hbm>>) target(%arg11 : memref<80xi32, #tpu.memory_space<vmem>>) target_semaphore(%arg32 : memref<!tpu.dma_semaphore, #tpu.memory_space<semaphore_mem>>)
      %mul3A_711 = arith.constant 80 : i32
      %mul3A_712 = arith.muli %add3A_705, %mul3A_711 : i32
      %add3A_713 = arith.addi %mul3A_2, %mul3A_712 : i32
      %dma_start3A_714 = tpu.memref_slice %arg4[%add3A_713] : memref<320000xi32, #tpu.memory_space<hbm>> -> memref<80xi32, #tpu.memory_space<hbm>>
      %dma_start3A_715 = tpu.memref_slice %arg4[%add3A_713] : memref<320000xi32, #tpu.memory_space<hbm>> -> memref<80xi32, #tpu.memory_space<hbm>>
      tpu.enqueue_dma source(%dma_start3A_715 : memref<80xi32, #tpu.memory_space<hbm>>) target(%arg19 : memref<80xi32, #tpu.memory_space<vmem>>) target_semaphore(%arg32 : memref<!tpu.dma_semaphore, #tpu.memory_space<semaphore_mem>>)
      %dma_wait3A_716 = arith.constant 0 : i32
      %dma_wait3A_717 = arith.constant 0 : i32
      %dma_wait3A_718 = tpu.memref_slice %arg26[%dma_wait3A_716, %dma_wait3A_717] : memref<10000x128xf32, #tpu.memory_space<vmem_shared>> -> memref<10000x128xf32, #tpu.memory_space<vmem_shared>>
      tpu.wait_indirect_dma semaphore(%arg41 : memref<!tpu.dma_semaphore, #tpu.memory_space<semaphore_mem>>) src(%arg24 : memref<80x128xf32, #tpu.memory_space<vmem>>) dst(%dma_wait3A_718 : memref<10000x128xf32, #tpu.memory_space<vmem_shared>>)
      %add3A_719 = arith.constant 8 : i32
      %add3A_720 = arith.addi %add3A_417, %add3A_719 : i32
      %add3A_721 = arith.constant 4 : i32
      %add3A_722 = arith.addi %add3A_720, %add3A_721 : i32
      %add3A_723 = arith.constant 2 : i32
      %add3A_724 = arith.addi %add3A_722, %add3A_723 : i32
      %mul3A_725 = arith.constant 80 : i32
      %mul3A_726 = arith.muli %add3A_724, %mul3A_725 : i32
      %add3A_727 = arith.addi %mul3A_2, %mul3A_726 : i32
      %dma_start3A_728 = tpu.memref_slice %arg3[%add3A_727] : memref<320000xi32, #tpu.memory_space<hbm>> -> memref<80xi32, #tpu.memory_space<hbm>>
      %dma_start3A_729 = tpu.memref_slice %arg3[%add3A_727] : memref<320000xi32, #tpu.memory_space<hbm>> -> memref<80xi32, #tpu.memory_space<hbm>>
      tpu.enqueue_dma source(%dma_start3A_729 : memref<80xi32, #tpu.memory_space<hbm>>) target(%arg12 : memref<80xi32, #tpu.memory_space<vmem>>) target_semaphore(%arg33 : memref<!tpu.dma_semaphore, #tpu.memory_space<semaphore_mem>>)
      %mul3A_730 = arith.constant 80 : i32
      %mul3A_731 = arith.muli %add3A_724, %mul3A_730 : i32
      %add3A_732 = arith.addi %mul3A_2, %mul3A_731 : i32
      %dma_start3A_733 = tpu.memref_slice %arg4[%add3A_732] : memref<320000xi32, #tpu.memory_space<hbm>> -> memref<80xi32, #tpu.memory_space<hbm>>
      %dma_start3A_734 = tpu.memref_slice %arg4[%add3A_732] : memref<320000xi32, #tpu.memory_space<hbm>> -> memref<80xi32, #tpu.memory_space<hbm>>
      tpu.enqueue_dma source(%dma_start3A_734 : memref<80xi32, #tpu.memory_space<hbm>>) target(%arg20 : memref<80xi32, #tpu.memory_space<vmem>>) target_semaphore(%arg33 : memref<!tpu.dma_semaphore, #tpu.memory_space<semaphore_mem>>)
      %dma_wait3A_735 = arith.constant 0 : i32
      %dma_wait3A_736 = arith.constant 0 : i32
      %dma_wait3A_737 = tpu.memref_slice %arg26[%dma_wait3A_735, %dma_wait3A_736] : memref<10000x128xf32, #tpu.memory_space<vmem_shared>> -> memref<10000x128xf32, #tpu.memory_space<vmem_shared>>
      tpu.wait_indirect_dma semaphore(%arg42 : memref<!tpu.dma_semaphore, #tpu.memory_space<semaphore_mem>>) src(%arg25 : memref<80x128xf32, #tpu.memory_space<vmem>>) dst(%dma_wait3A_737 : memref<10000x128xf32, #tpu.memory_space<vmem_shared>>)
      %add3A_738 = arith.constant 8 : i32
      %add3A_739 = arith.addi %add3A_417, %add3A_738 : i32
      %add3A_740 = arith.constant 4 : i32
      %add3A_741 = arith.addi %add3A_739, %add3A_740 : i32
      %add3A_742 = arith.constant 3 : i32
      %add3A_743 = arith.addi %add3A_741, %add3A_742 : i32
      %mul3A_744 = arith.constant 80 : i32
      %mul3A_745 = arith.muli %add3A_743, %mul3A_744 : i32
      %add3A_746 = arith.addi %mul3A_2, %mul3A_745 : i32
      %dma_start3A_747 = tpu.memref_slice %arg3[%add3A_746] : memref<320000xi32, #tpu.memory_space<hbm>> -> memref<80xi32, #tpu.memory_space<hbm>>
      %dma_start3A_748 = tpu.memref_slice %arg3[%add3A_746] : memref<320000xi32, #tpu.memory_space<hbm>> -> memref<80xi32, #tpu.memory_space<hbm>>
      tpu.enqueue_dma source(%dma_start3A_748 : memref<80xi32, #tpu.memory_space<hbm>>) target(%arg13 : memref<80xi32, #tpu.memory_space<vmem>>) target_semaphore(%arg34 : memref<!tpu.dma_semaphore, #tpu.memory_space<semaphore_mem>>)
      %mul3A_749 = arith.constant 80 : i32
      %mul3A_750 = arith.muli %add3A_743, %mul3A_749 : i32
      %add3A_751 = arith.addi %mul3A_2, %mul3A_750 : i32
      %dma_start3A_752 = tpu.memref_slice %arg4[%add3A_751] : memref<320000xi32, #tpu.memory_space<hbm>> -> memref<80xi32, #tpu.memory_space<hbm>>
      %dma_start3A_753 = tpu.memref_slice %arg4[%add3A_751] : memref<320000xi32, #tpu.memory_space<hbm>> -> memref<80xi32, #tpu.memory_space<hbm>>
      tpu.enqueue_dma source(%dma_start3A_753 : memref<80xi32, #tpu.memory_space<hbm>>) target(%arg21 : memref<80xi32, #tpu.memory_space<vmem>>) target_semaphore(%arg34 : memref<!tpu.dma_semaphore, #tpu.memory_space<semaphore_mem>>)
    }
    %scan3A_92 = arith.constant 14 : i32
    %add3A_93 = arith.constant 8960 : i32
    %add3A_94 = arith.addi %mul3A_2, %add3A_93 : i32
    %dma_wait3A = tpu.memref_slice %arg3[%add3A_94] : memref<320000xi32, #tpu.memory_space<hbm>> -> memref<80xi32, #tpu.memory_space<hbm>>
    %dma_wait3A_95 = tpu.memref_slice %arg3[%add3A_94] : memref<320000xi32, #tpu.memory_space<hbm>> -> memref<80xi32, #tpu.memory_space<hbm>>
    tpu.wait_dma2 semaphore(%arg27 : memref<!tpu.dma_semaphore, #tpu.memory_space<semaphore_mem>>) src(%dma_wait3A_95 : memref<80xi32, #tpu.memory_space<hbm>>) dst(%arg6 : memref<80xi32, #tpu.memory_space<vmem>>)
    %add3A_96 = arith.constant 8960 : i32
    %add3A_97 = arith.addi %mul3A_2, %add3A_96 : i32
    %dma_wait3A_98 = tpu.memref_slice %arg4[%add3A_97] : memref<320000xi32, #tpu.memory_space<hbm>> -> memref<80xi32, #tpu.memory_space<hbm>>
    %dma_wait3A_99 = tpu.memref_slice %arg4[%add3A_97] : memref<320000xi32, #tpu.memory_space<hbm>> -> memref<80xi32, #tpu.memory_space<hbm>>
    tpu.wait_dma2 semaphore(%arg27 : memref<!tpu.dma_semaphore, #tpu.memory_space<semaphore_mem>>) src(%dma_wait3A_99 : memref<80xi32, #tpu.memory_space<hbm>>) dst(%arg14 : memref<80xi32, #tpu.memory_space<vmem>>)
    %dma_start3A_100 = arith.constant 0 : i32
    %dma_start3A_101 = arith.constant 0 : i32
    %dma_start3A_102 = tpu.memref_slice %arg2[%dma_start3A_100, %dma_start3A_101] : memref<10000x128xf32, #tpu.memory_space<hbm>> -> memref<10000x128xf32, #tpu.memory_space<hbm>>
    tpu.enqueue_indirect_dma source(%dma_start3A_102 : memref<10000x128xf32, #tpu.memory_space<hbm>>) target(%arg22 : memref<80x128xf32, #tpu.memory_space<vmem>>) offsets(%arg6 : memref<80xi32, #tpu.memory_space<vmem>>) semaphore(%arg35 : memref<!tpu.dma_semaphore, #tpu.memory_space<semaphore_mem>>)
    %add3A_103 = arith.constant 9040 : i32
    %add3A_104 = arith.addi %mul3A_2, %add3A_103 : i32
    %dma_wait3A_105 = tpu.memref_slice %arg3[%add3A_104] : memref<320000xi32, #tpu.memory_space<hbm>> -> memref<80xi32, #tpu.memory_space<hbm>>
    %dma_wait3A_106 = tpu.memref_slice %arg3[%add3A_104] : memref<320000xi32, #tpu.memory_space<hbm>> -> memref<80xi32, #tpu.memory_space<hbm>>
    tpu.wait_dma2 semaphore(%arg28 : memref<!tpu.dma_semaphore, #tpu.memory_space<semaphore_mem>>) src(%dma_wait3A_106 : memref<80xi32, #tpu.memory_space<hbm>>) dst(%arg7 : memref<80xi32, #tpu.memory_space<vmem>>)
    %add3A_107 = arith.constant 9040 : i32
    %add3A_108 = arith.addi %mul3A_2, %add3A_107 : i32
    %dma_wait3A_109 = tpu.memref_slice %arg4[%add3A_108] : memref<320000xi32, #tpu.memory_space<hbm>> -> memref<80xi32, #tpu.memory_space<hbm>>
    %dma_wait3A_110 = tpu.memref_slice %arg4[%add3A_108] : memref<320000xi32, #tpu.memory_space<hbm>> -> memref<80xi32, #tpu.memory_space<hbm>>
    tpu.wait_dma2 semaphore(%arg28 : memref<!tpu.dma_semaphore, #tpu.memory_space<semaphore_mem>>) src(%dma_wait3A_110 : memref<80xi32, #tpu.memory_space<hbm>>) dst(%arg15 : memref<80xi32, #tpu.memory_space<vmem>>)
    %dma_start3A_111 = arith.constant 0 : i32
    %dma_start3A_112 = arith.constant 0 : i32
    %dma_start3A_113 = tpu.memref_slice %arg2[%dma_start3A_111, %dma_start3A_112] : memref<10000x128xf32, #tpu.memory_space<hbm>> -> memref<10000x128xf32, #tpu.memory_space<hbm>>
    tpu.enqueue_indirect_dma source(%dma_start3A_113 : memref<10000x128xf32, #tpu.memory_space<hbm>>) target(%arg23 : memref<80x128xf32, #tpu.memory_space<vmem>>) offsets(%arg7 : memref<80xi32, #tpu.memory_space<vmem>>) semaphore(%arg36 : memref<!tpu.dma_semaphore, #tpu.memory_space<semaphore_mem>>)
    %add3A_114 = arith.constant 9120 : i32
    %add3A_115 = arith.addi %mul3A_2, %add3A_114 : i32
    %dma_wait3A_116 = tpu.memref_slice %arg3[%add3A_115] : memref<320000xi32, #tpu.memory_space<hbm>> -> memref<80xi32, #tpu.memory_space<hbm>>
    %dma_wait3A_117 = tpu.memref_slice %arg3[%add3A_115] : memref<320000xi32, #tpu.memory_space<hbm>> -> memref<80xi32, #tpu.memory_space<hbm>>
    tpu.wait_dma2 semaphore(%arg29 : memref<!tpu.dma_semaphore, #tpu.memory_space<semaphore_mem>>) src(%dma_wait3A_117 : memref<80xi32, #tpu.memory_space<hbm>>) dst(%arg8 : memref<80xi32, #tpu.memory_space<vmem>>)
    %add3A_118 = arith.constant 9120 : i32
    %add3A_119 = arith.addi %mul3A_2, %add3A_118 : i32
    %dma_wait3A_120 = tpu.memref_slice %arg4[%add3A_119] : memref<320000xi32, #tpu.memory_space<hbm>> -> memref<80xi32, #tpu.memory_space<hbm>>
    %dma_wait3A_121 = tpu.memref_slice %arg4[%add3A_119] : memref<320000xi32, #tpu.memory_space<hbm>> -> memref<80xi32, #tpu.memory_space<hbm>>
    tpu.wait_dma2 semaphore(%arg29 : memref<!tpu.dma_semaphore, #tpu.memory_space<semaphore_mem>>) src(%dma_wait3A_121 : memref<80xi32, #tpu.memory_space<hbm>>) dst(%arg16 : memref<80xi32, #tpu.memory_space<vmem>>)
    %dma_start3A_122 = arith.constant 0 : i32
    %dma_start3A_123 = arith.constant 0 : i32
    %dma_start3A_124 = tpu.memref_slice %arg2[%dma_start3A_122, %dma_start3A_123] : memref<10000x128xf32, #tpu.memory_space<hbm>> -> memref<10000x128xf32, #tpu.memory_space<hbm>>
    tpu.enqueue_indirect_dma source(%dma_start3A_124 : memref<10000x128xf32, #tpu.memory_space<hbm>>) target(%arg24 : memref<80x128xf32, #tpu.memory_space<vmem>>) offsets(%arg8 : memref<80xi32, #tpu.memory_space<vmem>>) semaphore(%arg37 : memref<!tpu.dma_semaphore, #tpu.memory_space<semaphore_mem>>)
    %add3A_125 = arith.constant 9200 : i32
    %add3A_126 = arith.addi %mul3A_2, %add3A_125 : i32
    %dma_wait3A_127 = tpu.memref_slice %arg3[%add3A_126] : memref<320000xi32, #tpu.memory_space<hbm>> -> memref<80xi32, #tpu.memory_space<hbm>>
    %dma_wait3A_128 = tpu.memref_slice %arg3[%add3A_126] : memref<320000xi32, #tpu.memory_space<hbm>> -> memref<80xi32, #tpu.memory_space<hbm>>
    tpu.wait_dma2 semaphore(%arg30 : memref<!tpu.dma_semaphore, #tpu.memory_space<semaphore_mem>>) src(%dma_wait3A_128 : memref<80xi32, #tpu.memory_space<hbm>>) dst(%arg9 : memref<80xi32, #tpu.memory_space<vmem>>)
    %add3A_129 = arith.constant 9200 : i32
    %add3A_130 = arith.addi %mul3A_2, %add3A_129 : i32
    %dma_wait3A_131 = tpu.memref_slice %arg4[%add3A_130] : memref<320000xi32, #tpu.memory_space<hbm>> -> memref<80xi32, #tpu.memory_space<hbm>>
    %dma_wait3A_132 = tpu.memref_slice %arg4[%add3A_130] : memref<320000xi32, #tpu.memory_space<hbm>> -> memref<80xi32, #tpu.memory_space<hbm>>
    tpu.wait_dma2 semaphore(%arg30 : memref<!tpu.dma_semaphore, #tpu.memory_space<semaphore_mem>>) src(%dma_wait3A_132 : memref<80xi32, #tpu.memory_space<hbm>>) dst(%arg17 : memref<80xi32, #tpu.memory_space<vmem>>)
    %dma_start3A_133 = arith.constant 0 : i32
    %dma_start3A_134 = arith.constant 0 : i32
    %dma_start3A_135 = tpu.memref_slice %arg2[%dma_start3A_133, %dma_start3A_134] : memref<10000x128xf32, #tpu.memory_space<hbm>> -> memref<10000x128xf32, #tpu.memory_space<hbm>>
    tpu.enqueue_indirect_dma source(%dma_start3A_135 : memref<10000x128xf32, #tpu.memory_space<hbm>>) target(%arg25 : memref<80x128xf32, #tpu.memory_space<vmem>>) offsets(%arg9 : memref<80xi32, #tpu.memory_space<vmem>>) semaphore(%arg38 : memref<!tpu.dma_semaphore, #tpu.memory_space<semaphore_mem>>)
    %dma_wait3A_136 = arith.constant 0 : i32
    %dma_wait3A_137 = arith.constant 0 : i32
    %dma_wait3A_138 = tpu.memref_slice %arg2[%dma_wait3A_136, %dma_wait3A_137] : memref<10000x128xf32, #tpu.memory_space<hbm>> -> memref<10000x128xf32, #tpu.memory_space<hbm>>
    tpu.wait_indirect_dma semaphore(%arg35 : memref<!tpu.dma_semaphore, #tpu.memory_space<semaphore_mem>>) src(%dma_wait3A_138 : memref<10000x128xf32, #tpu.memory_space<hbm>>) dst(%arg22 : memref<80x128xf32, #tpu.memory_space<vmem>>)
    %dma_start3A_139 = arith.constant 0 : i32
    %dma_start3A_140 = arith.constant 0 : i32
    %dma_start3A_141 = tpu.memref_slice %arg26[%dma_start3A_139, %dma_start3A_140] : memref<10000x128xf32, #tpu.memory_space<vmem_shared>> -> memref<10000x128xf32, #tpu.memory_space<vmem_shared>>
    tpu.enqueue_indirect_dma source(%arg22 : memref<80x128xf32, #tpu.memory_space<vmem>>) target(%dma_start3A_141 : memref<10000x128xf32, #tpu.memory_space<vmem_shared>>) offsets(%arg14 : memref<80xi32, #tpu.memory_space<vmem>>) semaphore(%arg39 : memref<!tpu.dma_semaphore, #tpu.memory_space<semaphore_mem>>) {add = true}
    %dma_wait3A_142 = arith.constant 0 : i32
    %dma_wait3A_143 = arith.constant 0 : i32
    %dma_wait3A_144 = tpu.memref_slice %arg2[%dma_wait3A_142, %dma_wait3A_143] : memref<10000x128xf32, #tpu.memory_space<hbm>> -> memref<10000x128xf32, #tpu.memory_space<hbm>>
    tpu.wait_indirect_dma semaphore(%arg36 : memref<!tpu.dma_semaphore, #tpu.memory_space<semaphore_mem>>) src(%dma_wait3A_144 : memref<10000x128xf32, #tpu.memory_space<hbm>>) dst(%arg23 : memref<80x128xf32, #tpu.memory_space<vmem>>)
    %dma_start3A_145 = arith.constant 0 : i32
    %dma_start3A_146 = arith.constant 0 : i32
    %dma_start3A_147 = tpu.memref_slice %arg26[%dma_start3A_145, %dma_start3A_146] : memref<10000x128xf32, #tpu.memory_space<vmem_shared>> -> memref<10000x128xf32, #tpu.memory_space<vmem_shared>>
    tpu.enqueue_indirect_dma source(%arg23 : memref<80x128xf32, #tpu.memory_space<vmem>>) target(%dma_start3A_147 : memref<10000x128xf32, #tpu.memory_space<vmem_shared>>) offsets(%arg15 : memref<80xi32, #tpu.memory_space<vmem>>) semaphore(%arg40 : memref<!tpu.dma_semaphore, #tpu.memory_space<semaphore_mem>>) {add = true}
    %dma_wait3A_148 = arith.constant 0 : i32
    %dma_wait3A_149 = arith.constant 0 : i32
    %dma_wait3A_150 = tpu.memref_slice %arg2[%dma_wait3A_148, %dma_wait3A_149] : memref<10000x128xf32, #tpu.memory_space<hbm>> -> memref<10000x128xf32, #tpu.memory_space<hbm>>
    tpu.wait_indirect_dma semaphore(%arg37 : memref<!tpu.dma_semaphore, #tpu.memory_space<semaphore_mem>>) src(%dma_wait3A_150 : memref<10000x128xf32, #tpu.memory_space<hbm>>) dst(%arg24 : memref<80x128xf32, #tpu.memory_space<vmem>>)
    %dma_start3A_151 = arith.constant 0 : i32
    %dma_start3A_152 = arith.constant 0 : i32
    %dma_start3A_153 = tpu.memref_slice %arg26[%dma_start3A_151, %dma_start3A_152] : memref<10000x128xf32, #tpu.memory_space<vmem_shared>> -> memref<10000x128xf32, #tpu.memory_space<vmem_shared>>
    tpu.enqueue_indirect_dma source(%arg24 : memref<80x128xf32, #tpu.memory_space<vmem>>) target(%dma_start3A_153 : memref<10000x128xf32, #tpu.memory_space<vmem_shared>>) offsets(%arg16 : memref<80xi32, #tpu.memory_space<vmem>>) semaphore(%arg41 : memref<!tpu.dma_semaphore, #tpu.memory_space<semaphore_mem>>) {add = true}
    %dma_wait3A_154 = arith.constant 0 : i32
    %dma_wait3A_155 = arith.constant 0 : i32
    %dma_wait3A_156 = tpu.memref_slice %arg2[%dma_wait3A_154, %dma_wait3A_155] : memref<10000x128xf32, #tpu.memory_space<hbm>> -> memref<10000x128xf32, #tpu.memory_space<hbm>>
    tpu.wait_indirect_dma semaphore(%arg38 : memref<!tpu.dma_semaphore, #tpu.memory_space<semaphore_mem>>) src(%dma_wait3A_156 : memref<10000x128xf32, #tpu.memory_space<hbm>>) dst(%arg25 : memref<80x128xf32, #tpu.memory_space<vmem>>)
    %dma_start3A_157 = arith.constant 0 : i32
    %dma_start3A_158 = arith.constant 0 : i32
    %dma_start3A_159 = tpu.memref_slice %arg26[%dma_start3A_157, %dma_start3A_158] : memref<10000x128xf32, #tpu.memory_space<vmem_shared>> -> memref<10000x128xf32, #tpu.memory_space<vmem_shared>>
    tpu.enqueue_indirect_dma source(%arg25 : memref<80x128xf32, #tpu.memory_space<vmem>>) target(%dma_start3A_159 : memref<10000x128xf32, #tpu.memory_space<vmem_shared>>) offsets(%arg17 : memref<80xi32, #tpu.memory_space<vmem>>) semaphore(%arg42 : memref<!tpu.dma_semaphore, #tpu.memory_space<semaphore_mem>>) {add = true}
    %dma_wait3A_160 = arith.constant 0 : i32
    %dma_wait3A_161 = arith.constant 0 : i32
    %dma_wait3A_162 = tpu.memref_slice %arg26[%dma_wait3A_160, %dma_wait3A_161] : memref<10000x128xf32, #tpu.memory_space<vmem_shared>> -> memref<10000x128xf32, #tpu.memory_space<vmem_shared>>
    tpu.wait_indirect_dma semaphore(%arg39 : memref<!tpu.dma_semaphore, #tpu.memory_space<semaphore_mem>>) src(%arg22 : memref<80x128xf32, #tpu.memory_space<vmem>>) dst(%dma_wait3A_162 : memref<10000x128xf32, #tpu.memory_space<vmem_shared>>)
    %add3A_163 = arith.constant 9600 : i32
    %add3A_164 = arith.addi %mul3A_2, %add3A_163 : i32
    %dma_start3A_165 = tpu.memref_slice %arg3[%add3A_164] : memref<320000xi32, #tpu.memory_space<hbm>> -> memref<80xi32, #tpu.memory_space<hbm>>
    %dma_start3A_166 = tpu.memref_slice %arg3[%add3A_164] : memref<320000xi32, #tpu.memory_space<hbm>> -> memref<80xi32, #tpu.memory_space<hbm>>
    tpu.enqueue_dma source(%dma_start3A_166 : memref<80xi32, #tpu.memory_space<hbm>>) target(%arg6 : memref<80xi32, #tpu.memory_space<vmem>>) target_semaphore(%arg27 : memref<!tpu.dma_semaphore, #tpu.memory_space<semaphore_mem>>)
    %add3A_167 = arith.constant 9600 : i32
    %add3A_168 = arith.addi %mul3A_2, %add3A_167 : i32
    %dma_start3A_169 = tpu.memref_slice %arg4[%add3A_168] : memref<320000xi32, #tpu.memory_space<hbm>> -> memref<80xi32, #tpu.memory_space<hbm>>
    %dma_start3A_170 = tpu.memref_slice %arg4[%add3A_168] : memref<320000xi32, #tpu.memory_space<hbm>> -> memref<80xi32, #tpu.memory_space<hbm>>
    tpu.enqueue_dma source(%dma_start3A_170 : memref<80xi32, #tpu.memory_space<hbm>>) target(%arg14 : memref<80xi32, #tpu.memory_space<vmem>>) target_semaphore(%arg27 : memref<!tpu.dma_semaphore, #tpu.memory_space<semaphore_mem>>)
    %dma_wait3A_171 = arith.constant 0 : i32
    %dma_wait3A_172 = arith.constant 0 : i32
    %dma_wait3A_173 = tpu.memref_slice %arg26[%dma_wait3A_171, %dma_wait3A_172] : memref<10000x128xf32, #tpu.memory_space<vmem_shared>> -> memref<10000x128xf32, #tpu.memory_space<vmem_shared>>
    tpu.wait_indirect_dma semaphore(%arg40 : memref<!tpu.dma_semaphore, #tpu.memory_space<semaphore_mem>>) src(%arg23 : memref<80x128xf32, #tpu.memory_space<vmem>>) dst(%dma_wait3A_173 : memref<10000x128xf32, #tpu.memory_space<vmem_shared>>)
    %add3A_174 = arith.constant 9680 : i32
    %add3A_175 = arith.addi %mul3A_2, %add3A_174 : i32
    %dma_start3A_176 = tpu.memref_slice %arg3[%add3A_175] : memref<320000xi32, #tpu.memory_space<hbm>> -> memref<80xi32, #tpu.memory_space<hbm>>
    %dma_start3A_177 = tpu.memref_slice %arg3[%add3A_175] : memref<320000xi32, #tpu.memory_space<hbm>> -> memref<80xi32, #tpu.memory_space<hbm>>
    tpu.enqueue_dma source(%dma_start3A_177 : memref<80xi32, #tpu.memory_space<hbm>>) target(%arg7 : memref<80xi32, #tpu.memory_space<vmem>>) target_semaphore(%arg28 : memref<!tpu.dma_semaphore, #tpu.memory_space<semaphore_mem>>)
    %add3A_178 = arith.constant 9680 : i32
    %add3A_179 = arith.addi %mul3A_2, %add3A_178 : i32
    %dma_start3A_180 = tpu.memref_slice %arg4[%add3A_179] : memref<320000xi32, #tpu.memory_space<hbm>> -> memref<80xi32, #tpu.memory_space<hbm>>
    %dma_start3A_181 = tpu.memref_slice %arg4[%add3A_179] : memref<320000xi32, #tpu.memory_space<hbm>> -> memref<80xi32, #tpu.memory_space<hbm>>
    tpu.enqueue_dma source(%dma_start3A_181 : memref<80xi32, #tpu.memory_space<hbm>>) target(%arg15 : memref<80xi32, #tpu.memory_space<vmem>>) target_semaphore(%arg28 : memref<!tpu.dma_semaphore, #tpu.memory_space<semaphore_mem>>)
    %dma_wait3A_182 = arith.constant 0 : i32
    %dma_wait3A_183 = arith.constant 0 : i32
    %dma_wait3A_184 = tpu.memref_slice %arg26[%dma_wait3A_182, %dma_wait3A_183] : memref<10000x128xf32, #tpu.memory_space<vmem_shared>> -> memref<10000x128xf32, #tpu.memory_space<vmem_shared>>
    tpu.wait_indirect_dma semaphore(%arg41 : memref<!tpu.dma_semaphore, #tpu.memory_space<semaphore_mem>>) src(%arg24 : memref<80x128xf32, #tpu.memory_space<vmem>>) dst(%dma_wait3A_184 : memref<10000x128xf32, #tpu.memory_space<vmem_shared>>)
    %add3A_185 = arith.constant 9760 : i32
    %add3A_186 = arith.addi %mul3A_2, %add3A_185 : i32
    %dma_start3A_187 = tpu.memref_slice %arg3[%add3A_186] : memref<320000xi32, #tpu.memory_space<hbm>> -> memref<80xi32, #tpu.memory_space<hbm>>
    %dma_start3A_188 = tpu.memref_slice %arg3[%add3A_186] : memref<320000xi32, #tpu.memory_space<hbm>> -> memref<80xi32, #tpu.memory_space<hbm>>
    tpu.enqueue_dma source(%dma_start3A_188 : memref<80xi32, #tpu.memory_space<hbm>>) target(%arg8 : memref<80xi32, #tpu.memory_space<vmem>>) target_semaphore(%arg29 : memref<!tpu.dma_semaphore, #tpu.memory_space<semaphore_mem>>)
    %add3A_189 = arith.constant 9760 : i32
    %add3A_190 = arith.addi %mul3A_2, %add3A_189 : i32
    %dma_start3A_191 = tpu.memref_slice %arg4[%add3A_190] : memref<320000xi32, #tpu.memory_space<hbm>> -> memref<80xi32, #tpu.memory_space<hbm>>
    %dma_start3A_192 = tpu.memref_slice %arg4[%add3A_190] : memref<320000xi32, #tpu.memory_space<hbm>> -> memref<80xi32, #tpu.memory_space<hbm>>
    tpu.enqueue_dma source(%dma_start3A_192 : memref<80xi32, #tpu.memory_space<hbm>>) target(%arg16 : memref<80xi32, #tpu.memory_space<vmem>>) target_semaphore(%arg29 : memref<!tpu.dma_semaphore, #tpu.memory_space<semaphore_mem>>)
    %dma_wait3A_193 = arith.constant 0 : i32
    %dma_wait3A_194 = arith.constant 0 : i32
    %dma_wait3A_195 = tpu.memref_slice %arg26[%dma_wait3A_193, %dma_wait3A_194] : memref<10000x128xf32, #tpu.memory_space<vmem_shared>> -> memref<10000x128xf32, #tpu.memory_space<vmem_shared>>
    tpu.wait_indirect_dma semaphore(%arg42 : memref<!tpu.dma_semaphore, #tpu.memory_space<semaphore_mem>>) src(%arg25 : memref<80x128xf32, #tpu.memory_space<vmem>>) dst(%dma_wait3A_195 : memref<10000x128xf32, #tpu.memory_space<vmem_shared>>)
    %add3A_196 = arith.constant 9840 : i32
    %add3A_197 = arith.addi %mul3A_2, %add3A_196 : i32
    %dma_start3A_198 = tpu.memref_slice %arg3[%add3A_197] : memref<320000xi32, #tpu.memory_space<hbm>> -> memref<80xi32, #tpu.memory_space<hbm>>
    %dma_start3A_199 = tpu.memref_slice %arg3[%add3A_197] : memref<320000xi32, #tpu.memory_space<hbm>> -> memref<80xi32, #tpu.memory_space<hbm>>
    tpu.enqueue_dma source(%dma_start3A_199 : memref<80xi32, #tpu.memory_space<hbm>>) target(%arg9 : memref<80xi32, #tpu.memory_space<vmem>>) target_semaphore(%arg30 : memref<!tpu.dma_semaphore, #tpu.memory_space<semaphore_mem>>)
    %add3A_200 = arith.constant 9840 : i32
    %add3A_201 = arith.addi %mul3A_2, %add3A_200 : i32
    %dma_start3A_202 = tpu.memref_slice %arg4[%add3A_201] : memref<320000xi32, #tpu.memory_space<hbm>> -> memref<80xi32, #tpu.memory_space<hbm>>
    %dma_start3A_203 = tpu.memref_slice %arg4[%add3A_201] : memref<320000xi32, #tpu.memory_space<hbm>> -> memref<80xi32, #tpu.memory_space<hbm>>
    tpu.enqueue_dma source(%dma_start3A_203 : memref<80xi32, #tpu.memory_space<hbm>>) target(%arg17 : memref<80xi32, #tpu.memory_space<vmem>>) target_semaphore(%arg30 : memref<!tpu.dma_semaphore, #tpu.memory_space<semaphore_mem>>)
    %add3A_204 = arith.constant 9280 : i32
    %add3A_205 = arith.addi %mul3A_2, %add3A_204 : i32
    %dma_wait3A_206 = tpu.memref_slice %arg3[%add3A_205] : memref<320000xi32, #tpu.memory_space<hbm>> -> memref<80xi32, #tpu.memory_space<hbm>>
    %dma_wait3A_207 = tpu.memref_slice %arg3[%add3A_205] : memref<320000xi32, #tpu.memory_space<hbm>> -> memref<80xi32, #tpu.memory_space<hbm>>
    tpu.wait_dma2 semaphore(%arg31 : memref<!tpu.dma_semaphore, #tpu.memory_space<semaphore_mem>>) src(%dma_wait3A_207 : memref<80xi32, #tpu.memory_space<hbm>>) dst(%arg10 : memref<80xi32, #tpu.memory_space<vmem>>)
    %add3A_208 = arith.constant 9280 : i32
    %add3A_209 = arith.addi %mul3A_2, %add3A_208 : i32
    %dma_wait3A_210 = tpu.memref_slice %arg4[%add3A_209] : memref<320000xi32, #tpu.memory_space<hbm>> -> memref<80xi32, #tpu.memory_space<hbm>>
    %dma_wait3A_211 = tpu.memref_slice %arg4[%add3A_209] : memref<320000xi32, #tpu.memory_space<hbm>> -> memref<80xi32, #tpu.memory_space<hbm>>
    tpu.wait_dma2 semaphore(%arg31 : memref<!tpu.dma_semaphore, #tpu.memory_space<semaphore_mem>>) src(%dma_wait3A_211 : memref<80xi32, #tpu.memory_space<hbm>>) dst(%arg18 : memref<80xi32, #tpu.memory_space<vmem>>)
    %dma_start3A_212 = arith.constant 0 : i32
    %dma_start3A_213 = arith.constant 0 : i32
    %dma_start3A_214 = tpu.memref_slice %arg2[%dma_start3A_212, %dma_start3A_213] : memref<10000x128xf32, #tpu.memory_space<hbm>> -> memref<10000x128xf32, #tpu.memory_space<hbm>>
    tpu.enqueue_indirect_dma source(%dma_start3A_214 : memref<10000x128xf32, #tpu.memory_space<hbm>>) target(%arg22 : memref<80x128xf32, #tpu.memory_space<vmem>>) offsets(%arg10 : memref<80xi32, #tpu.memory_space<vmem>>) semaphore(%arg35 : memref<!tpu.dma_semaphore, #tpu.memory_space<semaphore_mem>>)
    %add3A_215 = arith.constant 9360 : i32
    %add3A_216 = arith.addi %mul3A_2, %add3A_215 : i32
    %dma_wait3A_217 = tpu.memref_slice %arg3[%add3A_216] : memref<320000xi32, #tpu.memory_space<hbm>> -> memref<80xi32, #tpu.memory_space<hbm>>
    %dma_wait3A_218 = tpu.memref_slice %arg3[%add3A_216] : memref<320000xi32, #tpu.memory_space<hbm>> -> memref<80xi32, #tpu.memory_space<hbm>>
    tpu.wait_dma2 semaphore(%arg32 : memref<!tpu.dma_semaphore, #tpu.memory_space<semaphore_mem>>) src(%dma_wait3A_218 : memref<80xi32, #tpu.memory_space<hbm>>) dst(%arg11 : memref<80xi32, #tpu.memory_space<vmem>>)
    %add3A_219 = arith.constant 9360 : i32
    %add3A_220 = arith.addi %mul3A_2, %add3A_219 : i32
    %dma_wait3A_221 = tpu.memref_slice %arg4[%add3A_220] : memref<320000xi32, #tpu.memory_space<hbm>> -> memref<80xi32, #tpu.memory_space<hbm>>
    %dma_wait3A_222 = tpu.memref_slice %arg4[%add3A_220] : memref<320000xi32, #tpu.memory_space<hbm>> -> memref<80xi32, #tpu.memory_space<hbm>>
    tpu.wait_dma2 semaphore(%arg32 : memref<!tpu.dma_semaphore, #tpu.memory_space<semaphore_mem>>) src(%dma_wait3A_222 : memref<80xi32, #tpu.memory_space<hbm>>) dst(%arg19 : memref<80xi32, #tpu.memory_space<vmem>>)
    %dma_start3A_223 = arith.constant 0 : i32
    %dma_start3A_224 = arith.constant 0 : i32
    %dma_start3A_225 = tpu.memref_slice %arg2[%dma_start3A_223, %dma_start3A_224] : memref<10000x128xf32, #tpu.memory_space<hbm>> -> memref<10000x128xf32, #tpu.memory_space<hbm>>
    tpu.enqueue_indirect_dma source(%dma_start3A_225 : memref<10000x128xf32, #tpu.memory_space<hbm>>) target(%arg23 : memref<80x128xf32, #tpu.memory_space<vmem>>) offsets(%arg11 : memref<80xi32, #tpu.memory_space<vmem>>) semaphore(%arg36 : memref<!tpu.dma_semaphore, #tpu.memory_space<semaphore_mem>>)
    %add3A_226 = arith.constant 9440 : i32
    %add3A_227 = arith.addi %mul3A_2, %add3A_226 : i32
    %dma_wait3A_228 = tpu.memref_slice %arg3[%add3A_227] : memref<320000xi32, #tpu.memory_space<hbm>> -> memref<80xi32, #tpu.memory_space<hbm>>
    %dma_wait3A_229 = tpu.memref_slice %arg3[%add3A_227] : memref<320000xi32, #tpu.memory_space<hbm>> -> memref<80xi32, #tpu.memory_space<hbm>>
    tpu.wait_dma2 semaphore(%arg33 : memref<!tpu.dma_semaphore, #tpu.memory_space<semaphore_mem>>) src(%dma_wait3A_229 : memref<80xi32, #tpu.memory_space<hbm>>) dst(%arg12 : memref<80xi32, #tpu.memory_space<vmem>>)
    %add3A_230 = arith.constant 9440 : i32
    %add3A_231 = arith.addi %mul3A_2, %add3A_230 : i32
    %dma_wait3A_232 = tpu.memref_slice %arg4[%add3A_231] : memref<320000xi32, #tpu.memory_space<hbm>> -> memref<80xi32, #tpu.memory_space<hbm>>
    %dma_wait3A_233 = tpu.memref_slice %arg4[%add3A_231] : memref<320000xi32, #tpu.memory_space<hbm>> -> memref<80xi32, #tpu.memory_space<hbm>>
    tpu.wait_dma2 semaphore(%arg33 : memref<!tpu.dma_semaphore, #tpu.memory_space<semaphore_mem>>) src(%dma_wait3A_233 : memref<80xi32, #tpu.memory_space<hbm>>) dst(%arg20 : memref<80xi32, #tpu.memory_space<vmem>>)
    %dma_start3A_234 = arith.constant 0 : i32
    %dma_start3A_235 = arith.constant 0 : i32
    %dma_start3A_236 = tpu.memref_slice %arg2[%dma_start3A_234, %dma_start3A_235] : memref<10000x128xf32, #tpu.memory_space<hbm>> -> memref<10000x128xf32, #tpu.memory_space<hbm>>
    tpu.enqueue_indirect_dma source(%dma_start3A_236 : memref<10000x128xf32, #tpu.memory_space<hbm>>) target(%arg24 : memref<80x128xf32, #tpu.memory_space<vmem>>) offsets(%arg12 : memref<80xi32, #tpu.memory_space<vmem>>) semaphore(%arg37 : memref<!tpu.dma_semaphore, #tpu.memory_space<semaphore_mem>>)
    %add3A_237 = arith.constant 9520 : i32
    %add3A_238 = arith.addi %mul3A_2, %add3A_237 : i32
    %dma_wait3A_239 = tpu.memref_slice %arg3[%add3A_238] : memref<320000xi32, #tpu.memory_space<hbm>> -> memref<80xi32, #tpu.memory_space<hbm>>
    %dma_wait3A_240 = tpu.memref_slice %arg3[%add3A_238] : memref<320000xi32, #tpu.memory_space<hbm>> -> memref<80xi32, #tpu.memory_space<hbm>>
    tpu.wait_dma2 semaphore(%arg34 : memref<!tpu.dma_semaphore, #tpu.memory_space<semaphore_mem>>) src(%dma_wait3A_240 : memref<80xi32, #tpu.memory_space<hbm>>) dst(%arg13 : memref<80xi32, #tpu.memory_space<vmem>>)
    %add3A_241 = arith.constant 9520 : i32
    %add3A_242 = arith.addi %mul3A_2, %add3A_241 : i32
    %dma_wait3A_243 = tpu.memref_slice %arg4[%add3A_242] : memref<320000xi32, #tpu.memory_space<hbm>> -> memref<80xi32, #tpu.memory_space<hbm>>
    %dma_wait3A_244 = tpu.memref_slice %arg4[%add3A_242] : memref<320000xi32, #tpu.memory_space<hbm>> -> memref<80xi32, #tpu.memory_space<hbm>>
    tpu.wait_dma2 semaphore(%arg34 : memref<!tpu.dma_semaphore, #tpu.memory_space<semaphore_mem>>) src(%dma_wait3A_244 : memref<80xi32, #tpu.memory_space<hbm>>) dst(%arg21 : memref<80xi32, #tpu.memory_space<vmem>>)
    %dma_start3A_245 = arith.constant 0 : i32
    %dma_start3A_246 = arith.constant 0 : i32
    %dma_start3A_247 = tpu.memref_slice %arg2[%dma_start3A_245, %dma_start3A_246] : memref<10000x128xf32, #tpu.memory_space<hbm>> -> memref<10000x128xf32, #tpu.memory_space<hbm>>
    tpu.enqueue_indirect_dma source(%dma_start3A_247 : memref<10000x128xf32, #tpu.memory_space<hbm>>) target(%arg25 : memref<80x128xf32, #tpu.memory_space<vmem>>) offsets(%arg13 : memref<80xi32, #tpu.memory_space<vmem>>) semaphore(%arg38 : memref<!tpu.dma_semaphore, #tpu.memory_space<semaphore_mem>>)
    %dma_wait3A_248 = arith.constant 0 : i32
    %dma_wait3A_249 = arith.constant 0 : i32
    %dma_wait3A_250 = tpu.memref_slice %arg2[%dma_wait3A_248, %dma_wait3A_249] : memref<10000x128xf32, #tpu.memory_space<hbm>> -> memref<10000x128xf32, #tpu.memory_space<hbm>>
    tpu.wait_indirect_dma semaphore(%arg35 : memref<!tpu.dma_semaphore, #tpu.memory_space<semaphore_mem>>) src(%dma_wait3A_250 : memref<10000x128xf32, #tpu.memory_space<hbm>>) dst(%arg22 : memref<80x128xf32, #tpu.memory_space<vmem>>)
    %dma_start3A_251 = arith.constant 0 : i32
    %dma_start3A_252 = arith.constant 0 : i32
    %dma_start3A_253 = tpu.memref_slice %arg26[%dma_start3A_251, %dma_start3A_252] : memref<10000x128xf32, #tpu.memory_space<vmem_shared>> -> memref<10000x128xf32, #tpu.memory_space<vmem_shared>>
    tpu.enqueue_indirect_dma source(%arg22 : memref<80x128xf32, #tpu.memory_space<vmem>>) target(%dma_start3A_253 : memref<10000x128xf32, #tpu.memory_space<vmem_shared>>) offsets(%arg18 : memref<80xi32, #tpu.memory_space<vmem>>) semaphore(%arg39 : memref<!tpu.dma_semaphore, #tpu.memory_space<semaphore_mem>>) {add = true}
    %dma_wait3A_254 = arith.constant 0 : i32
    %dma_wait3A_255 = arith.constant 0 : i32
    %dma_wait3A_256 = tpu.memref_slice %arg2[%dma_wait3A_254, %dma_wait3A_255] : memref<10000x128xf32, #tpu.memory_space<hbm>> -> memref<10000x128xf32, #tpu.memory_space<hbm>>
    tpu.wait_indirect_dma semaphore(%arg36 : memref<!tpu.dma_semaphore, #tpu.memory_space<semaphore_mem>>) src(%dma_wait3A_256 : memref<10000x128xf32, #tpu.memory_space<hbm>>) dst(%arg23 : memref<80x128xf32, #tpu.memory_space<vmem>>)
    %dma_start3A_257 = arith.constant 0 : i32
    %dma_start3A_258 = arith.constant 0 : i32
    %dma_start3A_259 = tpu.memref_slice %arg26[%dma_start3A_257, %dma_start3A_258] : memref<10000x128xf32, #tpu.memory_space<vmem_shared>> -> memref<10000x128xf32, #tpu.memory_space<vmem_shared>>
    tpu.enqueue_indirect_dma source(%arg23 : memref<80x128xf32, #tpu.memory_space<vmem>>) target(%dma_start3A_259 : memref<10000x128xf32, #tpu.memory_space<vmem_shared>>) offsets(%arg19 : memref<80xi32, #tpu.memory_space<vmem>>) semaphore(%arg40 : memref<!tpu.dma_semaphore, #tpu.memory_space<semaphore_mem>>) {add = true}
    %dma_wait3A_260 = arith.constant 0 : i32
    %dma_wait3A_261 = arith.constant 0 : i32
    %dma_wait3A_262 = tpu.memref_slice %arg2[%dma_wait3A_260, %dma_wait3A_261] : memref<10000x128xf32, #tpu.memory_space<hbm>> -> memref<10000x128xf32, #tpu.memory_space<hbm>>
    tpu.wait_indirect_dma semaphore(%arg37 : memref<!tpu.dma_semaphore, #tpu.memory_space<semaphore_mem>>) src(%dma_wait3A_262 : memref<10000x128xf32, #tpu.memory_space<hbm>>) dst(%arg24 : memref<80x128xf32, #tpu.memory_space<vmem>>)
    %dma_start3A_263 = arith.constant 0 : i32
    %dma_start3A_264 = arith.constant 0 : i32
    %dma_start3A_265 = tpu.memref_slice %arg26[%dma_start3A_263, %dma_start3A_264] : memref<10000x128xf32, #tpu.memory_space<vmem_shared>> -> memref<10000x128xf32, #tpu.memory_space<vmem_shared>>
    tpu.enqueue_indirect_dma source(%arg24 : memref<80x128xf32, #tpu.memory_space<vmem>>) target(%dma_start3A_265 : memref<10000x128xf32, #tpu.memory_space<vmem_shared>>) offsets(%arg20 : memref<80xi32, #tpu.memory_space<vmem>>) semaphore(%arg41 : memref<!tpu.dma_semaphore, #tpu.memory_space<semaphore_mem>>) {add = true}
    %dma_wait3A_266 = arith.constant 0 : i32
    %dma_wait3A_267 = arith.constant 0 : i32
    %dma_wait3A_268 = tpu.memref_slice %arg2[%dma_wait3A_266, %dma_wait3A_267] : memref<10000x128xf32, #tpu.memory_space<hbm>> -> memref<10000x128xf32, #tpu.memory_space<hbm>>
    tpu.wait_indirect_dma semaphore(%arg38 : memref<!tpu.dma_semaphore, #tpu.memory_space<semaphore_mem>>) src(%dma_wait3A_268 : memref<10000x128xf32, #tpu.memory_space<hbm>>) dst(%arg25 : memref<80x128xf32, #tpu.memory_space<vmem>>)
    %dma_start3A_269 = arith.constant 0 : i32
    %dma_start3A_270 = arith.constant 0 : i32
    %dma_start3A_271 = tpu.memref_slice %arg26[%dma_start3A_269, %dma_start3A_270] : memref<10000x128xf32, #tpu.memory_space<vmem_shared>> -> memref<10000x128xf32, #tpu.memory_space<vmem_shared>>
    tpu.enqueue_indirect_dma source(%arg25 : memref<80x128xf32, #tpu.memory_space<vmem>>) target(%dma_start3A_271 : memref<10000x128xf32, #tpu.memory_space<vmem_shared>>) offsets(%arg21 : memref<80xi32, #tpu.memory_space<vmem>>) semaphore(%arg42 : memref<!tpu.dma_semaphore, #tpu.memory_space<semaphore_mem>>) {add = true}
    %dma_wait3A_272 = arith.constant 0 : i32
    %dma_wait3A_273 = arith.constant 0 : i32
    %dma_wait3A_274 = tpu.memref_slice %arg26[%dma_wait3A_272, %dma_wait3A_273] : memref<10000x128xf32, #tpu.memory_space<vmem_shared>> -> memref<10000x128xf32, #tpu.memory_space<vmem_shared>>
    tpu.wait_indirect_dma semaphore(%arg39 : memref<!tpu.dma_semaphore, #tpu.memory_space<semaphore_mem>>) src(%arg22 : memref<80x128xf32, #tpu.memory_space<vmem>>) dst(%dma_wait3A_274 : memref<10000x128xf32, #tpu.memory_space<vmem_shared>>)
    %add3A_275 = arith.constant 9920 : i32
    %add3A_276 = arith.addi %mul3A_2, %add3A_275 : i32
    %dma_start3A_277 = tpu.memref_slice %arg3[%add3A_276] : memref<320000xi32, #tpu.memory_space<hbm>> -> memref<80xi32, #tpu.memory_space<hbm>>
    %dma_start3A_278 = tpu.memref_slice %arg3[%add3A_276] : memref<320000xi32, #tpu.memory_space<hbm>> -> memref<80xi32, #tpu.memory_space<hbm>>
    tpu.enqueue_dma source(%dma_start3A_278 : memref<80xi32, #tpu.memory_space<hbm>>) target(%arg10 : memref<80xi32, #tpu.memory_space<vmem>>) target_semaphore(%arg31 : memref<!tpu.dma_semaphore, #tpu.memory_space<semaphore_mem>>)
    %add3A_279 = arith.constant 9920 : i32
    %add3A_280 = arith.addi %mul3A_2, %add3A_279 : i32
    %dma_start3A_281 = tpu.memref_slice %arg4[%add3A_280] : memref<320000xi32, #tpu.memory_space<hbm>> -> memref<80xi32, #tpu.memory_space<hbm>>
    %dma_start3A_282 = tpu.memref_slice %arg4[%add3A_280] : memref<320000xi32, #tpu.memory_space<hbm>> -> memref<80xi32, #tpu.memory_space<hbm>>
    tpu.enqueue_dma source(%dma_start3A_282 : memref<80xi32, #tpu.memory_space<hbm>>) target(%arg18 : memref<80xi32, #tpu.memory_space<vmem>>) target_semaphore(%arg31 : memref<!tpu.dma_semaphore, #tpu.memory_space<semaphore_mem>>)
    %dma_wait3A_283 = arith.constant 0 : i32
    %dma_wait3A_284 = arith.constant 0 : i32
    %dma_wait3A_285 = tpu.memref_slice %arg26[%dma_wait3A_283, %dma_wait3A_284] : memref<10000x128xf32, #tpu.memory_space<vmem_shared>> -> memref<10000x128xf32, #tpu.memory_space<vmem_shared>>
    tpu.wait_indirect_dma semaphore(%arg40 : memref<!tpu.dma_semaphore, #tpu.memory_space<semaphore_mem>>) src(%arg23 : memref<80x128xf32, #tpu.memory_space<vmem>>) dst(%dma_wait3A_285 : memref<10000x128xf32, #tpu.memory_space<vmem_shared>>)
    %dma_wait3A_286 = arith.constant 0 : i32
    %dma_wait3A_287 = arith.constant 0 : i32
    %dma_wait3A_288 = tpu.memref_slice %arg26[%dma_wait3A_286, %dma_wait3A_287] : memref<10000x128xf32, #tpu.memory_space<vmem_shared>> -> memref<10000x128xf32, #tpu.memory_space<vmem_shared>>
    tpu.wait_indirect_dma semaphore(%arg41 : memref<!tpu.dma_semaphore, #tpu.memory_space<semaphore_mem>>) src(%arg24 : memref<80x128xf32, #tpu.memory_space<vmem>>) dst(%dma_wait3A_288 : memref<10000x128xf32, #tpu.memory_space<vmem_shared>>)
    %dma_wait3A_289 = arith.constant 0 : i32
    %dma_wait3A_290 = arith.constant 0 : i32
    %dma_wait3A_291 = tpu.memref_slice %arg26[%dma_wait3A_289, %dma_wait3A_290] : memref<10000x128xf32, #tpu.memory_space<vmem_shared>> -> memref<10000x128xf32, #tpu.memory_space<vmem_shared>>
    tpu.wait_indirect_dma semaphore(%arg42 : memref<!tpu.dma_semaphore, #tpu.memory_space<semaphore_mem>>) src(%arg25 : memref<80x128xf32, #tpu.memory_space<vmem>>) dst(%dma_wait3A_291 : memref<10000x128xf32, #tpu.memory_space<vmem_shared>>)
    %add3A_292 = arith.constant 9600 : i32
    %add3A_293 = arith.addi %mul3A_2, %add3A_292 : i32
    %dma_wait3A_294 = tpu.memref_slice %arg3[%add3A_293] : memref<320000xi32, #tpu.memory_space<hbm>> -> memref<80xi32, #tpu.memory_space<hbm>>
    %dma_wait3A_295 = tpu.memref_slice %arg3[%add3A_293] : memref<320000xi32, #tpu.memory_space<hbm>> -> memref<80xi32, #tpu.memory_space<hbm>>
    tpu.wait_dma2 semaphore(%arg27 : memref<!tpu.dma_semaphore, #tpu.memory_space<semaphore_mem>>) src(%dma_wait3A_295 : memref<80xi32, #tpu.memory_space<hbm>>) dst(%arg6 : memref<80xi32, #tpu.memory_space<vmem>>)
    %add3A_296 = arith.constant 9600 : i32
    %add3A_297 = arith.addi %mul3A_2, %add3A_296 : i32
    %dma_wait3A_298 = tpu.memref_slice %arg4[%add3A_297] : memref<320000xi32, #tpu.memory_space<hbm>> -> memref<80xi32, #tpu.memory_space<hbm>>
    %dma_wait3A_299 = tpu.memref_slice %arg4[%add3A_297] : memref<320000xi32, #tpu.memory_space<hbm>> -> memref<80xi32, #tpu.memory_space<hbm>>
    tpu.wait_dma2 semaphore(%arg27 : memref<!tpu.dma_semaphore, #tpu.memory_space<semaphore_mem>>) src(%dma_wait3A_299 : memref<80xi32, #tpu.memory_space<hbm>>) dst(%arg14 : memref<80xi32, #tpu.memory_space<vmem>>)
    %dma_start3A_300 = arith.constant 0 : i32
    %dma_start3A_301 = arith.constant 0 : i32
    %dma_start3A_302 = tpu.memref_slice %arg2[%dma_start3A_300, %dma_start3A_301] : memref<10000x128xf32, #tpu.memory_space<hbm>> -> memref<10000x128xf32, #tpu.memory_space<hbm>>
    tpu.enqueue_indirect_dma source(%dma_start3A_302 : memref<10000x128xf32, #tpu.memory_space<hbm>>) target(%arg22 : memref<80x128xf32, #tpu.memory_space<vmem>>) offsets(%arg6 : memref<80xi32, #tpu.memory_space<vmem>>) semaphore(%arg35 : memref<!tpu.dma_semaphore, #tpu.memory_space<semaphore_mem>>)
    %dma_wait3A_303 = arith.constant 0 : i32
    %dma_wait3A_304 = arith.constant 0 : i32
    %dma_wait3A_305 = tpu.memref_slice %arg2[%dma_wait3A_303, %dma_wait3A_304] : memref<10000x128xf32, #tpu.memory_space<hbm>> -> memref<10000x128xf32, #tpu.memory_space<hbm>>
    tpu.wait_indirect_dma semaphore(%arg35 : memref<!tpu.dma_semaphore, #tpu.memory_space<semaphore_mem>>) src(%dma_wait3A_305 : memref<10000x128xf32, #tpu.memory_space<hbm>>) dst(%arg22 : memref<80x128xf32, #tpu.memory_space<vmem>>)
    %dma_start3A_306 = arith.constant 0 : i32
    %dma_start3A_307 = arith.constant 0 : i32
    %dma_start3A_308 = tpu.memref_slice %arg26[%dma_start3A_306, %dma_start3A_307] : memref<10000x128xf32, #tpu.memory_space<vmem_shared>> -> memref<10000x128xf32, #tpu.memory_space<vmem_shared>>
    tpu.enqueue_indirect_dma source(%arg22 : memref<80x128xf32, #tpu.memory_space<vmem>>) target(%dma_start3A_308 : memref<10000x128xf32, #tpu.memory_space<vmem_shared>>) offsets(%arg14 : memref<80xi32, #tpu.memory_space<vmem>>) semaphore(%arg39 : memref<!tpu.dma_semaphore, #tpu.memory_space<semaphore_mem>>) {add = true}
    %dma_wait3A_309 = arith.constant 0 : i32
    %dma_wait3A_310 = arith.constant 0 : i32
    %dma_wait3A_311 = tpu.memref_slice %arg26[%dma_wait3A_309, %dma_wait3A_310] : memref<10000x128xf32, #tpu.memory_space<vmem_shared>> -> memref<10000x128xf32, #tpu.memory_space<vmem_shared>>
    tpu.wait_indirect_dma semaphore(%arg39 : memref<!tpu.dma_semaphore, #tpu.memory_space<semaphore_mem>>) src(%arg22 : memref<80x128xf32, #tpu.memory_space<vmem>>) dst(%dma_wait3A_311 : memref<10000x128xf32, #tpu.memory_space<vmem_shared>>)
    %add3A_312 = arith.constant 9680 : i32
    %add3A_313 = arith.addi %mul3A_2, %add3A_312 : i32
    %dma_wait3A_314 = tpu.memref_slice %arg3[%add3A_313] : memref<320000xi32, #tpu.memory_space<hbm>> -> memref<80xi32, #tpu.memory_space<hbm>>
    %dma_wait3A_315 = tpu.memref_slice %arg3[%add3A_313] : memref<320000xi32, #tpu.memory_space<hbm>> -> memref<80xi32, #tpu.memory_space<hbm>>
    tpu.wait_dma2 semaphore(%arg28 : memref<!tpu.dma_semaphore, #tpu.memory_space<semaphore_mem>>) src(%dma_wait3A_315 : memref<80xi32, #tpu.memory_space<hbm>>) dst(%arg7 : memref<80xi32, #tpu.memory_space<vmem>>)
    %add3A_316 = arith.constant 9680 : i32
    %add3A_317 = arith.addi %mul3A_2, %add3A_316 : i32
    %dma_wait3A_318 = tpu.memref_slice %arg4[%add3A_317] : memref<320000xi32, #tpu.memory_space<hbm>> -> memref<80xi32, #tpu.memory_space<hbm>>
    %dma_wait3A_319 = tpu.memref_slice %arg4[%add3A_317] : memref<320000xi32, #tpu.memory_space<hbm>> -> memref<80xi32, #tpu.memory_space<hbm>>
    tpu.wait_dma2 semaphore(%arg28 : memref<!tpu.dma_semaphore, #tpu.memory_space<semaphore_mem>>) src(%dma_wait3A_319 : memref<80xi32, #tpu.memory_space<hbm>>) dst(%arg15 : memref<80xi32, #tpu.memory_space<vmem>>)
    %dma_start3A_320 = arith.constant 0 : i32
    %dma_start3A_321 = arith.constant 0 : i32
    %dma_start3A_322 = tpu.memref_slice %arg2[%dma_start3A_320, %dma_start3A_321] : memref<10000x128xf32, #tpu.memory_space<hbm>> -> memref<10000x128xf32, #tpu.memory_space<hbm>>
    tpu.enqueue_indirect_dma source(%dma_start3A_322 : memref<10000x128xf32, #tpu.memory_space<hbm>>) target(%arg23 : memref<80x128xf32, #tpu.memory_space<vmem>>) offsets(%arg7 : memref<80xi32, #tpu.memory_space<vmem>>) semaphore(%arg36 : memref<!tpu.dma_semaphore, #tpu.memory_space<semaphore_mem>>)
    %dma_wait3A_323 = arith.constant 0 : i32
    %dma_wait3A_324 = arith.constant 0 : i32
    %dma_wait3A_325 = tpu.memref_slice %arg2[%dma_wait3A_323, %dma_wait3A_324] : memref<10000x128xf32, #tpu.memory_space<hbm>> -> memref<10000x128xf32, #tpu.memory_space<hbm>>
    tpu.wait_indirect_dma semaphore(%arg36 : memref<!tpu.dma_semaphore, #tpu.memory_space<semaphore_mem>>) src(%dma_wait3A_325 : memref<10000x128xf32, #tpu.memory_space<hbm>>) dst(%arg23 : memref<80x128xf32, #tpu.memory_space<vmem>>)
    %dma_start3A_326 = arith.constant 0 : i32
    %dma_start3A_327 = arith.constant 0 : i32
    %dma_start3A_328 = tpu.memref_slice %arg26[%dma_start3A_326, %dma_start3A_327] : memref<10000x128xf32, #tpu.memory_space<vmem_shared>> -> memref<10000x128xf32, #tpu.memory_space<vmem_shared>>
    tpu.enqueue_indirect_dma source(%arg23 : memref<80x128xf32, #tpu.memory_space<vmem>>) target(%dma_start3A_328 : memref<10000x128xf32, #tpu.memory_space<vmem_shared>>) offsets(%arg15 : memref<80xi32, #tpu.memory_space<vmem>>) semaphore(%arg40 : memref<!tpu.dma_semaphore, #tpu.memory_space<semaphore_mem>>) {add = true}
    %dma_wait3A_329 = arith.constant 0 : i32
    %dma_wait3A_330 = arith.constant 0 : i32
    %dma_wait3A_331 = tpu.memref_slice %arg26[%dma_wait3A_329, %dma_wait3A_330] : memref<10000x128xf32, #tpu.memory_space<vmem_shared>> -> memref<10000x128xf32, #tpu.memory_space<vmem_shared>>
    tpu.wait_indirect_dma semaphore(%arg40 : memref<!tpu.dma_semaphore, #tpu.memory_space<semaphore_mem>>) src(%arg23 : memref<80x128xf32, #tpu.memory_space<vmem>>) dst(%dma_wait3A_331 : memref<10000x128xf32, #tpu.memory_space<vmem_shared>>)
    %add3A_332 = arith.constant 9760 : i32
    %add3A_333 = arith.addi %mul3A_2, %add3A_332 : i32
    %dma_wait3A_334 = tpu.memref_slice %arg3[%add3A_333] : memref<320000xi32, #tpu.memory_space<hbm>> -> memref<80xi32, #tpu.memory_space<hbm>>
    %dma_wait3A_335 = tpu.memref_slice %arg3[%add3A_333] : memref<320000xi32, #tpu.memory_space<hbm>> -> memref<80xi32, #tpu.memory_space<hbm>>
    tpu.wait_dma2 semaphore(%arg29 : memref<!tpu.dma_semaphore, #tpu.memory_space<semaphore_mem>>) src(%dma_wait3A_335 : memref<80xi32, #tpu.memory_space<hbm>>) dst(%arg8 : memref<80xi32, #tpu.memory_space<vmem>>)
    %add3A_336 = arith.constant 9760 : i32
    %add3A_337 = arith.addi %mul3A_2, %add3A_336 : i32
    %dma_wait3A_338 = tpu.memref_slice %arg4[%add3A_337] : memref<320000xi32, #tpu.memory_space<hbm>> -> memref<80xi32, #tpu.memory_space<hbm>>
    %dma_wait3A_339 = tpu.memref_slice %arg4[%add3A_337] : memref<320000xi32, #tpu.memory_space<hbm>> -> memref<80xi32, #tpu.memory_space<hbm>>
    tpu.wait_dma2 semaphore(%arg29 : memref<!tpu.dma_semaphore, #tpu.memory_space<semaphore_mem>>) src(%dma_wait3A_339 : memref<80xi32, #tpu.memory_space<hbm>>) dst(%arg16 : memref<80xi32, #tpu.memory_space<vmem>>)
    %dma_start3A_340 = arith.constant 0 : i32
    %dma_start3A_341 = arith.constant 0 : i32
    %dma_start3A_342 = tpu.memref_slice %arg2[%dma_start3A_340, %dma_start3A_341] : memref<10000x128xf32, #tpu.memory_space<hbm>> -> memref<10000x128xf32, #tpu.memory_space<hbm>>
    tpu.enqueue_indirect_dma source(%dma_start3A_342 : memref<10000x128xf32, #tpu.memory_space<hbm>>) target(%arg24 : memref<80x128xf32, #tpu.memory_space<vmem>>) offsets(%arg8 : memref<80xi32, #tpu.memory_space<vmem>>) semaphore(%arg37 : memref<!tpu.dma_semaphore, #tpu.memory_space<semaphore_mem>>)
    %dma_wait3A_343 = arith.constant 0 : i32
    %dma_wait3A_344 = arith.constant 0 : i32
    %dma_wait3A_345 = tpu.memref_slice %arg2[%dma_wait3A_343, %dma_wait3A_344] : memref<10000x128xf32, #tpu.memory_space<hbm>> -> memref<10000x128xf32, #tpu.memory_space<hbm>>
    tpu.wait_indirect_dma semaphore(%arg37 : memref<!tpu.dma_semaphore, #tpu.memory_space<semaphore_mem>>) src(%dma_wait3A_345 : memref<10000x128xf32, #tpu.memory_space<hbm>>) dst(%arg24 : memref<80x128xf32, #tpu.memory_space<vmem>>)
    %dma_start3A_346 = arith.constant 0 : i32
    %dma_start3A_347 = arith.constant 0 : i32
    %dma_start3A_348 = tpu.memref_slice %arg26[%dma_start3A_346, %dma_start3A_347] : memref<10000x128xf32, #tpu.memory_space<vmem_shared>> -> memref<10000x128xf32, #tpu.memory_space<vmem_shared>>
    tpu.enqueue_indirect_dma source(%arg24 : memref<80x128xf32, #tpu.memory_space<vmem>>) target(%dma_start3A_348 : memref<10000x128xf32, #tpu.memory_space<vmem_shared>>) offsets(%arg16 : memref<80xi32, #tpu.memory_space<vmem>>) semaphore(%arg41 : memref<!tpu.dma_semaphore, #tpu.memory_space<semaphore_mem>>) {add = true}
    %dma_wait3A_349 = arith.constant 0 : i32
    %dma_wait3A_350 = arith.constant 0 : i32
    %dma_wait3A_351 = tpu.memref_slice %arg26[%dma_wait3A_349, %dma_wait3A_350] : memref<10000x128xf32, #tpu.memory_space<vmem_shared>> -> memref<10000x128xf32, #tpu.memory_space<vmem_shared>>
    tpu.wait_indirect_dma semaphore(%arg41 : memref<!tpu.dma_semaphore, #tpu.memory_space<semaphore_mem>>) src(%arg24 : memref<80x128xf32, #tpu.memory_space<vmem>>) dst(%dma_wait3A_351 : memref<10000x128xf32, #tpu.memory_space<vmem_shared>>)
    %add3A_352 = arith.constant 9840 : i32
    %add3A_353 = arith.addi %mul3A_2, %add3A_352 : i32
    %dma_wait3A_354 = tpu.memref_slice %arg3[%add3A_353] : memref<320000xi32, #tpu.memory_space<hbm>> -> memref<80xi32, #tpu.memory_space<hbm>>
    %dma_wait3A_355 = tpu.memref_slice %arg3[%add3A_353] : memref<320000xi32, #tpu.memory_space<hbm>> -> memref<80xi32, #tpu.memory_space<hbm>>
    tpu.wait_dma2 semaphore(%arg30 : memref<!tpu.dma_semaphore, #tpu.memory_space<semaphore_mem>>) src(%dma_wait3A_355 : memref<80xi32, #tpu.memory_space<hbm>>) dst(%arg9 : memref<80xi32, #tpu.memory_space<vmem>>)
    %add3A_356 = arith.constant 9840 : i32
    %add3A_357 = arith.addi %mul3A_2, %add3A_356 : i32
    %dma_wait3A_358 = tpu.memref_slice %arg4[%add3A_357] : memref<320000xi32, #tpu.memory_space<hbm>> -> memref<80xi32, #tpu.memory_space<hbm>>
    %dma_wait3A_359 = tpu.memref_slice %arg4[%add3A_357] : memref<320000xi32, #tpu.memory_space<hbm>> -> memref<80xi32, #tpu.memory_space<hbm>>
    tpu.wait_dma2 semaphore(%arg30 : memref<!tpu.dma_semaphore, #tpu.memory_space<semaphore_mem>>) src(%dma_wait3A_359 : memref<80xi32, #tpu.memory_space<hbm>>) dst(%arg17 : memref<80xi32, #tpu.memory_space<vmem>>)
    %dma_start3A_360 = arith.constant 0 : i32
    %dma_start3A_361 = arith.constant 0 : i32
    %dma_start3A_362 = tpu.memref_slice %arg2[%dma_start3A_360, %dma_start3A_361] : memref<10000x128xf32, #tpu.memory_space<hbm>> -> memref<10000x128xf32, #tpu.memory_space<hbm>>
    tpu.enqueue_indirect_dma source(%dma_start3A_362 : memref<10000x128xf32, #tpu.memory_space<hbm>>) target(%arg25 : memref<80x128xf32, #tpu.memory_space<vmem>>) offsets(%arg9 : memref<80xi32, #tpu.memory_space<vmem>>) semaphore(%arg38 : memref<!tpu.dma_semaphore, #tpu.memory_space<semaphore_mem>>)
    %dma_wait3A_363 = arith.constant 0 : i32
    %dma_wait3A_364 = arith.constant 0 : i32
    %dma_wait3A_365 = tpu.memref_slice %arg2[%dma_wait3A_363, %dma_wait3A_364] : memref<10000x128xf32, #tpu.memory_space<hbm>> -> memref<10000x128xf32, #tpu.memory_space<hbm>>
    tpu.wait_indirect_dma semaphore(%arg38 : memref<!tpu.dma_semaphore, #tpu.memory_space<semaphore_mem>>) src(%dma_wait3A_365 : memref<10000x128xf32, #tpu.memory_space<hbm>>) dst(%arg25 : memref<80x128xf32, #tpu.memory_space<vmem>>)
    %dma_start3A_366 = arith.constant 0 : i32
    %dma_start3A_367 = arith.constant 0 : i32
    %dma_start3A_368 = tpu.memref_slice %arg26[%dma_start3A_366, %dma_start3A_367] : memref<10000x128xf32, #tpu.memory_space<vmem_shared>> -> memref<10000x128xf32, #tpu.memory_space<vmem_shared>>
    tpu.enqueue_indirect_dma source(%arg25 : memref<80x128xf32, #tpu.memory_space<vmem>>) target(%dma_start3A_368 : memref<10000x128xf32, #tpu.memory_space<vmem_shared>>) offsets(%arg17 : memref<80xi32, #tpu.memory_space<vmem>>) semaphore(%arg42 : memref<!tpu.dma_semaphore, #tpu.memory_space<semaphore_mem>>) {add = true}
    %dma_wait3A_369 = arith.constant 0 : i32
    %dma_wait3A_370 = arith.constant 0 : i32
    %dma_wait3A_371 = tpu.memref_slice %arg26[%dma_wait3A_369, %dma_wait3A_370] : memref<10000x128xf32, #tpu.memory_space<vmem_shared>> -> memref<10000x128xf32, #tpu.memory_space<vmem_shared>>
    tpu.wait_indirect_dma semaphore(%arg42 : memref<!tpu.dma_semaphore, #tpu.memory_space<semaphore_mem>>) src(%arg25 : memref<80x128xf32, #tpu.memory_space<vmem>>) dst(%dma_wait3A_371 : memref<10000x128xf32, #tpu.memory_space<vmem_shared>>)
    %add3A_372 = arith.constant 9920 : i32
    %add3A_373 = arith.addi %mul3A_2, %add3A_372 : i32
    %dma_wait3A_374 = tpu.memref_slice %arg3[%add3A_373] : memref<320000xi32, #tpu.memory_space<hbm>> -> memref<80xi32, #tpu.memory_space<hbm>>
    %dma_wait3A_375 = tpu.memref_slice %arg3[%add3A_373] : memref<320000xi32, #tpu.memory_space<hbm>> -> memref<80xi32, #tpu.memory_space<hbm>>
    tpu.wait_dma2 semaphore(%arg31 : memref<!tpu.dma_semaphore, #tpu.memory_space<semaphore_mem>>) src(%dma_wait3A_375 : memref<80xi32, #tpu.memory_space<hbm>>) dst(%arg10 : memref<80xi32, #tpu.memory_space<vmem>>)
    %add3A_376 = arith.constant 9920 : i32
    %add3A_377 = arith.addi %mul3A_2, %add3A_376 : i32
    %dma_wait3A_378 = tpu.memref_slice %arg4[%add3A_377] : memref<320000xi32, #tpu.memory_space<hbm>> -> memref<80xi32, #tpu.memory_space<hbm>>
    %dma_wait3A_379 = tpu.memref_slice %arg4[%add3A_377] : memref<320000xi32, #tpu.memory_space<hbm>> -> memref<80xi32, #tpu.memory_space<hbm>>
    tpu.wait_dma2 semaphore(%arg31 : memref<!tpu.dma_semaphore, #tpu.memory_space<semaphore_mem>>) src(%dma_wait3A_379 : memref<80xi32, #tpu.memory_space<hbm>>) dst(%arg18 : memref<80xi32, #tpu.memory_space<vmem>>)
    %dma_start3A_380 = arith.constant 0 : i32
    %dma_start3A_381 = arith.constant 0 : i32
    %dma_start3A_382 = tpu.memref_slice %arg2[%dma_start3A_380, %dma_start3A_381] : memref<10000x128xf32, #tpu.memory_space<hbm>> -> memref<10000x128xf32, #tpu.memory_space<hbm>>
    tpu.enqueue_indirect_dma source(%dma_start3A_382 : memref<10000x128xf32, #tpu.memory_space<hbm>>) target(%arg22 : memref<80x128xf32, #tpu.memory_space<vmem>>) offsets(%arg10 : memref<80xi32, #tpu.memory_space<vmem>>) semaphore(%arg35 : memref<!tpu.dma_semaphore, #tpu.memory_space<semaphore_mem>>)
    %dma_wait3A_383 = arith.constant 0 : i32
    %dma_wait3A_384 = arith.constant 0 : i32
    %dma_wait3A_385 = tpu.memref_slice %arg2[%dma_wait3A_383, %dma_wait3A_384] : memref<10000x128xf32, #tpu.memory_space<hbm>> -> memref<10000x128xf32, #tpu.memory_space<hbm>>
    tpu.wait_indirect_dma semaphore(%arg35 : memref<!tpu.dma_semaphore, #tpu.memory_space<semaphore_mem>>) src(%dma_wait3A_385 : memref<10000x128xf32, #tpu.memory_space<hbm>>) dst(%arg22 : memref<80x128xf32, #tpu.memory_space<vmem>>)
    %dma_start3A_386 = arith.constant 0 : i32
    %dma_start3A_387 = arith.constant 0 : i32
    %dma_start3A_388 = tpu.memref_slice %arg26[%dma_start3A_386, %dma_start3A_387] : memref<10000x128xf32, #tpu.memory_space<vmem_shared>> -> memref<10000x128xf32, #tpu.memory_space<vmem_shared>>
    tpu.enqueue_indirect_dma source(%arg22 : memref<80x128xf32, #tpu.memory_space<vmem>>) target(%dma_start3A_388 : memref<10000x128xf32, #tpu.memory_space<vmem_shared>>) offsets(%arg18 : memref<80xi32, #tpu.memory_space<vmem>>) semaphore(%arg39 : memref<!tpu.dma_semaphore, #tpu.memory_space<semaphore_mem>>) {add = true}
    %dma_wait3A_389 = arith.constant 0 : i32
    %dma_wait3A_390 = arith.constant 0 : i32
    %dma_wait3A_391 = tpu.memref_slice %arg26[%dma_wait3A_389, %dma_wait3A_390] : memref<10000x128xf32, #tpu.memory_space<vmem_shared>> -> memref<10000x128xf32, #tpu.memory_space<vmem_shared>>
    tpu.wait_indirect_dma semaphore(%arg39 : memref<!tpu.dma_semaphore, #tpu.memory_space<semaphore_mem>>) src(%arg22 : memref<80x128xf32, #tpu.memory_space<vmem>>) dst(%dma_wait3A_391 : memref<10000x128xf32, #tpu.memory_space<vmem_shared>>)
    %barrier3A_392 = arith.constant 0 : index
    tpu.barrier barrier_id(%barrier3A_392)
    %mul3A_393 = arith.constant 80 : i32
    %mul3A_394 = arith.muli %arg1, %mul3A_393 : i32
    %sub3A_395 = arith.constant 10000 : i32
    %sub3A_396 = arith.subi %sub3A_395, %mul3A_394 : i32
    %sub3A_397 = arith.constant 1280 : i32
    %sub3A_398 = arith.constant 1 : i32
    %sub3A_399 = arith.subi %sub3A_397, %sub3A_398 : i32
    %add3A_400 = arith.addi %sub3A_396, %sub3A_399 : i32
    %div3A_401 = arith.constant 1280 : i32
    %div3A_402 = arith.divsi %add3A_400, %div3A_401 : i32
    %while3A_403 = arith.constant 1280 : i32
    %while3A_404 = arith.constant 0 : i32
    %while3A_405 = arith.subi %div3A_402, %while3A_404 : i32
    %while3A_406 = arith.addi %while3A_404, %while3A_405 : i32
    %while3A_407 = arith.constant 1 : i32
    %while3A_408 = arith.divsi %while3A_405, %while3A_407 : i32
    %while3A_409 = arith.muli %while3A_408, %while3A_407 : i32
    %while3A_410 = arith.addi %while3A_404, %while3A_409 : i32
    %while3A_411 = arith.constant 1 : i32
    scf.for %while3A_413 = %while3A_404 to %while3A_410 step %while3A_411  : i32 {
      %mul3A_414 = arith.muli %while3A_413, %while3A_403 : i32
      %add3A_415 = arith.addi %mul3A_394, %mul3A_414 : i32
      "tpu.region"() ({
        %run_scoped3A = tpu.sem_alloc : memref<!tpu.dma_semaphore, #tpu.memory_space<semaphore_mem>>
        %dma_start3A_416 = arith.constant 0 : i32
        %dma_start3A_417 = tpu.memref_slice %arg26[%add3A_415, %dma_start3A_416] : memref<10000x128xf32, #tpu.memory_space<vmem_shared>> -> memref<80x128xf32, #tpu.memory_space<vmem_shared>>
        %dma_start3A_418 = arith.constant 0 : i32
        %dma_start3A_419 = tpu.memref_slice %arg26[%add3A_415, %dma_start3A_418] : memref<10000x128xf32, #tpu.memory_space<vmem_shared>> -> memref<80x128xf32, #tpu.memory_space<vmem_shared>>
        tpu.enqueue_dma source(%dma_start3A_419 : memref<80x128xf32, #tpu.memory_space<vmem_shared>>) target(%arg22 : memref<80x128xf32, #tpu.memory_space<vmem>>) target_semaphore(%run_scoped3A : memref<!tpu.dma_semaphore, #tpu.memory_space<semaphore_mem>>)
        %dma_wait3A_420 = arith.constant 0 : i32
        %dma_wait3A_421 = tpu.memref_slice %arg26[%add3A_415, %dma_wait3A_420] : memref<10000x128xf32, #tpu.memory_space<vmem_shared>> -> memref<80x128xf32, #tpu.memory_space<vmem_shared>>
        %dma_wait3A_422 = arith.constant 0 : i32
        %dma_wait3A_423 = tpu.memref_slice %arg26[%add3A_415, %dma_wait3A_422] : memref<10000x128xf32, #tpu.memory_space<vmem_shared>> -> memref<80x128xf32, #tpu.memory_space<vmem_shared>>
        tpu.wait_dma2 semaphore(%run_scoped3A : memref<!tpu.dma_semaphore, #tpu.memory_space<semaphore_mem>>) src(%dma_wait3A_423 : memref<80x128xf32, #tpu.memory_space<vmem_shared>>) dst(%arg22 : memref<80x128xf32, #tpu.memory_space<vmem>>)
        tpu.yield
      }) : () -> ()
      "tpu.region"() ({
        %run_scoped3A = tpu.sem_alloc : memref<!tpu.dma_semaphore, #tpu.memory_space<semaphore_mem>>
        %dma_start3A_416 = arith.constant 0 : i32
        %dma_start3A_417 = tpu.memref_slice %arg5[%arg0, %add3A_415, %dma_start3A_416] : memref<2x10000x128xf32, #tpu.memory_space<hbm>> -> memref<1x80x128xf32, #tpu.memory_space<hbm>>
        %dma_start3A_418 = tpu.memref_squeeze %dma_start3A_417 : memref<1x80x128xf32, #tpu.memory_space<hbm>> -> memref<80x128xf32, #tpu.memory_space<hbm>>
        %dma_start3A_419 = arith.constant 0 : i32
        %dma_start3A_420 = tpu.memref_slice %arg5[%arg0, %add3A_415, %dma_start3A_419] : memref<2x10000x128xf32, #tpu.memory_space<hbm>> -> memref<1x80x128xf32, #tpu.memory_space<hbm>>
        %dma_start3A_421 = tpu.memref_squeeze %dma_start3A_420 : memref<1x80x128xf32, #tpu.memory_space<hbm>> -> memref<80x128xf32, #tpu.memory_space<hbm>>
        tpu.enqueue_dma source(%arg22 : memref<80x128xf32, #tpu.memory_space<vmem>>) target(%dma_start3A_421 : memref<80x128xf32, #tpu.memory_space<hbm>>) target_semaphore(%run_scoped3A : memref<!tpu.dma_semaphore, #tpu.memory_space<semaphore_mem>>)
        %dma_wait3A_422 = arith.constant 0 : i32
        %dma_wait3A_423 = tpu.memref_slice %arg5[%arg0, %add3A_415, %dma_wait3A_422] : memref<2x10000x128xf32, #tpu.memory_space<hbm>> -> memref<1x80x128xf32, #tpu.memory_space<hbm>>
        %dma_wait3A_424 = tpu.memref_squeeze %dma_wait3A_423 : memref<1x80x128xf32, #tpu.memory_space<hbm>> -> memref<80x128xf32, #tpu.memory_space<hbm>>
        %dma_wait3A_425 = arith.constant 0 : i32
        %dma_wait3A_426 = tpu.memref_slice %arg5[%arg0, %add3A_415, %dma_wait3A_425] : memref<2x10000x128xf32, #tpu.memory_space<hbm>> -> memref<1x80x128xf32, #tpu.memory_space<hbm>>
        %dma_wait3A_427 = tpu.memref_squeeze %dma_wait3A_426 : memref<1x80x128xf32, #tpu.memory_space<hbm>> -> memref<80x128xf32, #tpu.memory_space<hbm>>
        tpu.wait_dma2 semaphore(%run_scoped3A : memref<!tpu.dma_semaphore, #tpu.memory_space<semaphore_mem>>) src(%arg22 : memref<80x128xf32, #tpu.memory_space<vmem>>) dst(%dma_wait3A_427 : memref<80x128xf32, #tpu.memory_space<hbm>>)
        tpu.yield
      }) : () -> ()
    }
    %while3A_412 = arith.constant 1 : i32
    scf.for %while3A_413 = %while3A_410 to %while3A_406 step %while3A_412  : i32 {
      %mul3A_414 = arith.muli %while3A_413, %while3A_403 : i32
      %add3A_415 = arith.addi %mul3A_394, %mul3A_414 : i32
      "tpu.region"() ({
        %run_scoped3A = tpu.sem_alloc : memref<!tpu.dma_semaphore, #tpu.memory_space<semaphore_mem>>
        %dma_start3A_416 = arith.constant 0 : i32
        %dma_start3A_417 = tpu.memref_slice %arg26[%add3A_415, %dma_start3A_416] : memref<10000x128xf32, #tpu.memory_space<vmem_shared>> -> memref<80x128xf32, #tpu.memory_space<vmem_shared>>
        %dma_start3A_418 = arith.constant 0 : i32
        %dma_start3A_419 = tpu.memref_slice %arg26[%add3A_415, %dma_start3A_418] : memref<10000x128xf32, #tpu.memory_space<vmem_shared>> -> memref<80x128xf32, #tpu.memory_space<vmem_shared>>
        tpu.enqueue_dma source(%dma_start3A_419 : memref<80x128xf32, #tpu.memory_space<vmem_shared>>) target(%arg22 : memref<80x128xf32, #tpu.memory_space<vmem>>) target_semaphore(%run_scoped3A : memref<!tpu.dma_semaphore, #tpu.memory_space<semaphore_mem>>)
        %dma_wait3A_420 = arith.constant 0 : i32
        %dma_wait3A_421 = tpu.memref_slice %arg26[%add3A_415, %dma_wait3A_420] : memref<10000x128xf32, #tpu.memory_space<vmem_shared>> -> memref<80x128xf32, #tpu.memory_space<vmem_shared>>
        %dma_wait3A_422 = arith.constant 0 : i32
        %dma_wait3A_423 = tpu.memref_slice %arg26[%add3A_415, %dma_wait3A_422] : memref<10000x128xf32, #tpu.memory_space<vmem_shared>> -> memref<80x128xf32, #tpu.memory_space<vmem_shared>>
        tpu.wait_dma2 semaphore(%run_scoped3A : memref<!tpu.dma_semaphore, #tpu.memory_space<semaphore_mem>>) src(%dma_wait3A_423 : memref<80x128xf32, #tpu.memory_space<vmem_shared>>) dst(%arg22 : memref<80x128xf32, #tpu.memory_space<vmem>>)
        tpu.yield
      }) : () -> ()
      "tpu.region"() ({
        %run_scoped3A = tpu.sem_alloc : memref<!tpu.dma_semaphore, #tpu.memory_space<semaphore_mem>>
        %dma_start3A_416 = arith.constant 0 : i32
        %dma_start3A_417 = tpu.memref_slice %arg5[%arg0, %add3A_415, %dma_start3A_416] : memref<2x10000x128xf32, #tpu.memory_space<hbm>> -> memref<1x80x128xf32, #tpu.memory_space<hbm>>
        %dma_start3A_418 = tpu.memref_squeeze %dma_start3A_417 : memref<1x80x128xf32, #tpu.memory_space<hbm>> -> memref<80x128xf32, #tpu.memory_space<hbm>>
        %dma_start3A_419 = arith.constant 0 : i32
        %dma_start3A_420 = tpu.memref_slice %arg5[%arg0, %add3A_415, %dma_start3A_419] : memref<2x10000x128xf32, #tpu.memory_space<hbm>> -> memref<1x80x128xf32, #tpu.memory_space<hbm>>
        %dma_start3A_421 = tpu.memref_squeeze %dma_start3A_420 : memref<1x80x128xf32, #tpu.memory_space<hbm>> -> memref<80x128xf32, #tpu.memory_space<hbm>>
        tpu.enqueue_dma source(%arg22 : memref<80x128xf32, #tpu.memory_space<vmem>>) target(%dma_start3A_421 : memref<80x128xf32, #tpu.memory_space<hbm>>) target_semaphore(%run_scoped3A : memref<!tpu.dma_semaphore, #tpu.memory_space<semaphore_mem>>)
        %dma_wait3A_422 = arith.constant 0 : i32
        %dma_wait3A_423 = tpu.memref_slice %arg5[%arg0, %add3A_415, %dma_wait3A_422] : memref<2x10000x128xf32, #tpu.memory_space<hbm>> -> memref<1x80x128xf32, #tpu.memory_space<hbm>>
        %dma_wait3A_424 = tpu.memref_squeeze %dma_wait3A_423 : memref<1x80x128xf32, #tpu.memory_space<hbm>> -> memref<80x128xf32, #tpu.memory_space<hbm>>
        %dma_wait3A_425 = arith.constant 0 : i32
        %dma_wait3A_426 = tpu.memref_slice %arg5[%arg0, %add3A_415, %dma_wait3A_425] : memref<2x10000x128xf32, #tpu.memory_space<hbm>> -> memref<1x80x128xf32, #tpu.memory_space<hbm>>
        %dma_wait3A_427 = tpu.memref_squeeze %dma_wait3A_426 : memref<1x80x128xf32, #tpu.memory_space<hbm>> -> memref<80x128xf32, #tpu.memory_space<hbm>>
        tpu.wait_dma2 semaphore(%run_scoped3A : memref<!tpu.dma_semaphore, #tpu.memory_space<semaphore_mem>>) src(%arg22 : memref<80x128xf32, #tpu.memory_space<vmem>>) dst(%dma_wait3A_427 : memref<80x128xf32, #tpu.memory_space<hbm>>)
        tpu.yield
      }) : () -> ()
    }
    return
  }
}

#map = affine_map<(d0, d1) -> (0)>
#map1 = affine_map<(d0, d1) -> (0, 0, 0)>
module attributes {stable_mosaic.version = 14 : i64} {
  func.func @_deg_body(%arg0: i32, %arg1: i32, %arg2: memref<320000xi32, #tpu.memory_space<hbm>>, %arg3: memref<320000xi32, #tpu.memory_space<hbm>>, %arg4: memref<2x80x128xf32, #tpu.memory_space<hbm>>, %arg5: memref<2x80x128xf32, #tpu.memory_space<hbm>>, %arg6: memref<10000xi32, #tpu.memory_space<vmem>>, %arg7: memref<10000xi32, #tpu.memory_space<vmem>>, %arg8: memref<80x128xf32, #tpu.memory_space<vmem>>, %arg9: memref<80x128xf32, #tpu.memory_space<vmem>>, %arg10: memref<80xi32, #tpu.memory_space<vmem>>, %arg11: memref<80x128xf32, #tpu.memory_space<vmem_shared>>, %arg12: memref<80x128xf32, #tpu.memory_space<vmem_shared>>, %arg13: memref<!tpu.dma_semaphore, #tpu.memory_space<semaphore_mem>>) attributes {dimension_semantics = [#tpu.dimension_semantics<core_parallel>, #tpu.dimension_semantics<subcore_parallel>], iteration_bounds = array<i64: 2, 16>, scalar_prefetch = 0 : i64, scratch_operands = 8 : i64, tpu.core_type = #tpu.core_type<sc_vector_subcore>, window_params = [{transform_indices = #map}, {transform_indices = #map}, {transform_indices = #map1}, {transform_indices = #map1}]} {
    %mul3A = arith.constant 16 : i32
    %mul3A_0 = arith.muli %arg0, %mul3A : i32
    %add3A = arith.addi %mul3A_0, %arg1 : i32
    %broadcast_in_dim3A = arith.constant 0.000000e+00 : f32
    %broadcast_in_dim3A_1 = vector.broadcast %broadcast_in_dim3A : f32 to vector<16xf32>
    %broadcast_in_dim3A_2 = arith.constant 1.000000e+00 : f32
    %broadcast_in_dim3A_3 = vector.broadcast %broadcast_in_dim3A_2 : f32 to vector<16xf32>
    %mul3A_4 = arith.constant 10000 : i32
    %mul3A_5 = arith.muli %add3A, %mul3A_4 : i32
    %dma_start3A = tpu.memref_slice %arg2[%mul3A_5] : memref<320000xi32, #tpu.memory_space<hbm>> -> memref<10000xi32, #tpu.memory_space<hbm>>
    %dma_start3A_6 = tpu.memref_slice %arg2[%mul3A_5] : memref<320000xi32, #tpu.memory_space<hbm>> -> memref<10000xi32, #tpu.memory_space<hbm>>
    tpu.enqueue_dma source(%dma_start3A_6 : memref<10000xi32, #tpu.memory_space<hbm>>) target(%arg6 : memref<10000xi32, #tpu.memory_space<vmem>>) target_semaphore(%arg13 : memref<!tpu.dma_semaphore, #tpu.memory_space<semaphore_mem>>)
    %mul3A_7 = arith.constant 10000 : i32
    %mul3A_8 = arith.muli %add3A, %mul3A_7 : i32
    %dma_start3A_9 = tpu.memref_slice %arg3[%mul3A_8] : memref<320000xi32, #tpu.memory_space<hbm>> -> memref<10000xi32, #tpu.memory_space<hbm>>
    %dma_start3A_10 = tpu.memref_slice %arg3[%mul3A_8] : memref<320000xi32, #tpu.memory_space<hbm>> -> memref<10000xi32, #tpu.memory_space<hbm>>
    tpu.enqueue_dma source(%dma_start3A_10 : memref<10000xi32, #tpu.memory_space<hbm>>) target(%arg7 : memref<10000xi32, #tpu.memory_space<vmem>>) target_semaphore(%arg13 : memref<!tpu.dma_semaphore, #tpu.memory_space<semaphore_mem>>)
    %scan3A = arith.constant 0 : i32
    %scan3A_11 = arith.constant 80 : i32
    %scan3A_12 = arith.addi %scan3A, %scan3A_11 : i32
    %scan3A_13 = arith.constant 1 : i32
    scf.for %scan3A_89 = %scan3A to %scan3A_12 step %scan3A_13  : i32 {
      %mul3A_90 = arith.constant 1 : i32
      %mul3A_91 = arith.muli %scan3A_89, %mul3A_90 : i32
      %add3A_92 = arith.constant 0 : i32
      %add3A_93 = arith.addi %add3A_92, %mul3A_91 : i32
      %swap3A_94 = arith.index_cast %add3A_93 : i32 to index
      %swap3A_95 = arith.constant 0 : index
      %swap3A_96 = tpu.vector_load %arg8[%swap3A_94, %swap3A_95] {strides = array<i32>} : memref<80x128xf32, #tpu.memory_space<vmem>>, vector<16xf32>,
      tpu.vector_store %arg8[%swap3A_94, %swap3A_95], %broadcast_in_dim3A_1 {strides = array<i32>} : memref<80x128xf32, #tpu.memory_space<vmem>>, vector<16xf32>,
      %swap3A_97 = arith.index_cast %add3A_93 : i32 to index
      %swap3A_98 = arith.constant 0 : index
      %swap3A_99 = tpu.vector_load %arg9[%swap3A_97, %swap3A_98] {strides = array<i32>} : memref<80x128xf32, #tpu.memory_space<vmem>>, vector<16xf32>,
      tpu.vector_store %arg9[%swap3A_97, %swap3A_98], %broadcast_in_dim3A_1 {strides = array<i32>} : memref<80x128xf32, #tpu.memory_space<vmem>>, vector<16xf32>,
      %swap3A_100 = arith.index_cast %add3A_93 : i32 to index
      %swap3A_101 = arith.constant 16 : index
      %swap3A_102 = tpu.vector_load %arg8[%swap3A_100, %swap3A_101] {strides = array<i32>} : memref<80x128xf32, #tpu.memory_space<vmem>>, vector<16xf32>,
      tpu.vector_store %arg8[%swap3A_100, %swap3A_101], %broadcast_in_dim3A_1 {strides = array<i32>} : memref<80x128xf32, #tpu.memory_space<vmem>>, vector<16xf32>,
      %swap3A_103 = arith.index_cast %add3A_93 : i32 to index
      %swap3A_104 = arith.constant 16 : index
      %swap3A_105 = tpu.vector_load %arg9[%swap3A_103, %swap3A_104] {strides = array<i32>} : memref<80x128xf32, #tpu.memory_space<vmem>>, vector<16xf32>,
      tpu.vector_store %arg9[%swap3A_103, %swap3A_104], %broadcast_in_dim3A_1 {strides = array<i32>} : memref<80x128xf32, #tpu.memory_space<vmem>>, vector<16xf32>,
      %swap3A_106 = arith.index_cast %add3A_93 : i32 to index
      %swap3A_107 = arith.constant 32 : index
      %swap3A_108 = tpu.vector_load %arg8[%swap3A_106, %swap3A_107] {strides = array<i32>} : memref<80x128xf32, #tpu.memory_space<vmem>>, vector<16xf32>,
      tpu.vector_store %arg8[%swap3A_106, %swap3A_107], %broadcast_in_dim3A_1 {strides = array<i32>} : memref<80x128xf32, #tpu.memory_space<vmem>>, vector<16xf32>,
      %swap3A_109 = arith.index_cast %add3A_93 : i32 to index
      %swap3A_110 = arith.constant 32 : index
      %swap3A_111 = tpu.vector_load %arg9[%swap3A_109, %swap3A_110] {strides = array<i32>} : memref<80x128xf32, #tpu.memory_space<vmem>>, vector<16xf32>,
      tpu.vector_store %arg9[%swap3A_109, %swap3A_110], %broadcast_in_dim3A_1 {strides = array<i32>} : memref<80x128xf32, #tpu.memory_space<vmem>>, vector<16xf32>,
      %swap3A_112 = arith.index_cast %add3A_93 : i32 to index
      %swap3A_113 = arith.constant 48 : index
      %swap3A_114 = tpu.vector_load %arg8[%swap3A_112, %swap3A_113] {strides = array<i32>} : memref<80x128xf32, #tpu.memory_space<vmem>>, vector<16xf32>,
      tpu.vector_store %arg8[%swap3A_112, %swap3A_113], %broadcast_in_dim3A_1 {strides = array<i32>} : memref<80x128xf32, #tpu.memory_space<vmem>>, vector<16xf32>,
      %swap3A_115 = arith.index_cast %add3A_93 : i32 to index
      %swap3A_116 = arith.constant 48 : index
      %swap3A_117 = tpu.vector_load %arg9[%swap3A_115, %swap3A_116] {strides = array<i32>} : memref<80x128xf32, #tpu.memory_space<vmem>>, vector<16xf32>,
      tpu.vector_store %arg9[%swap3A_115, %swap3A_116], %broadcast_in_dim3A_1 {strides = array<i32>} : memref<80x128xf32, #tpu.memory_space<vmem>>, vector<16xf32>,
      %swap3A_118 = arith.index_cast %add3A_93 : i32 to index
      %swap3A_119 = arith.constant 64 : index
      %swap3A_120 = tpu.vector_load %arg8[%swap3A_118, %swap3A_119] {strides = array<i32>} : memref<80x128xf32, #tpu.memory_space<vmem>>, vector<16xf32>,
      tpu.vector_store %arg8[%swap3A_118, %swap3A_119], %broadcast_in_dim3A_1 {strides = array<i32>} : memref<80x128xf32, #tpu.memory_space<vmem>>, vector<16xf32>,
      %swap3A_121 = arith.index_cast %add3A_93 : i32 to index
      %swap3A_122 = arith.constant 64 : index
      %swap3A_123 = tpu.vector_load %arg9[%swap3A_121, %swap3A_122] {strides = array<i32>} : memref<80x128xf32, #tpu.memory_space<vmem>>, vector<16xf32>,
      tpu.vector_store %arg9[%swap3A_121, %swap3A_122], %broadcast_in_dim3A_1 {strides = array<i32>} : memref<80x128xf32, #tpu.memory_space<vmem>>, vector<16xf32>,
      %swap3A_124 = arith.index_cast %add3A_93 : i32 to index
      %swap3A_125 = arith.constant 80 : index
      %swap3A_126 = tpu.vector_load %arg8[%swap3A_124, %swap3A_125] {strides = array<i32>} : memref<80x128xf32, #tpu.memory_space<vmem>>, vector<16xf32>,
      tpu.vector_store %arg8[%swap3A_124, %swap3A_125], %broadcast_in_dim3A_1 {strides = array<i32>} : memref<80x128xf32, #tpu.memory_space<vmem>>, vector<16xf32>,
      %swap3A_127 = arith.index_cast %add3A_93 : i32 to index
      %swap3A_128 = arith.constant 80 : index
      %swap3A_129 = tpu.vector_load %arg9[%swap3A_127, %swap3A_128] {strides = array<i32>} : memref<80x128xf32, #tpu.memory_space<vmem>>, vector<16xf32>,
      tpu.vector_store %arg9[%swap3A_127, %swap3A_128], %broadcast_in_dim3A_1 {strides = array<i32>} : memref<80x128xf32, #tpu.memory_space<vmem>>, vector<16xf32>,
      %swap3A_130 = arith.index_cast %add3A_93 : i32 to index
      %swap3A_131 = arith.constant 96 : index
      %swap3A_132 = tpu.vector_load %arg8[%swap3A_130, %swap3A_131] {strides = array<i32>} : memref<80x128xf32, #tpu.memory_space<vmem>>, vector<16xf32>,
      tpu.vector_store %arg8[%swap3A_130, %swap3A_131], %broadcast_in_dim3A_1 {strides = array<i32>} : memref<80x128xf32, #tpu.memory_space<vmem>>, vector<16xf32>,
      %swap3A_133 = arith.index_cast %add3A_93 : i32 to index
      %swap3A_134 = arith.constant 96 : index
      %swap3A_135 = tpu.vector_load %arg9[%swap3A_133, %swap3A_134] {strides = array<i32>} : memref<80x128xf32, #tpu.memory_space<vmem>>, vector<16xf32>,
      tpu.vector_store %arg9[%swap3A_133, %swap3A_134], %broadcast_in_dim3A_1 {strides = array<i32>} : memref<80x128xf32, #tpu.memory_space<vmem>>, vector<16xf32>,
      %swap3A_136 = arith.index_cast %add3A_93 : i32 to index
      %swap3A_137 = arith.constant 112 : index
      %swap3A_138 = tpu.vector_load %arg8[%swap3A_136, %swap3A_137] {strides = array<i32>} : memref<80x128xf32, #tpu.memory_space<vmem>>, vector<16xf32>,
      tpu.vector_store %arg8[%swap3A_136, %swap3A_137], %broadcast_in_dim3A_1 {strides = array<i32>} : memref<80x128xf32, #tpu.memory_space<vmem>>, vector<16xf32>,
      %swap3A_139 = arith.index_cast %add3A_93 : i32 to index
      %swap3A_140 = arith.constant 112 : index
      %swap3A_141 = tpu.vector_load %arg9[%swap3A_139, %swap3A_140] {strides = array<i32>} : memref<80x128xf32, #tpu.memory_space<vmem>>, vector<16xf32>,
      tpu.vector_store %arg9[%swap3A_139, %swap3A_140], %broadcast_in_dim3A_1 {strides = array<i32>} : memref<80x128xf32, #tpu.memory_space<vmem>>, vector<16xf32>,
    }
    %scan3A_14 = arith.constant 80 : i32
    %iota3A = tpu.iota {dimensions = array<i32: 0>} : vector<16xi32>
    %add3A_15 = arith.constant 0 : i32
    %add3A_16 = vector.broadcast %add3A_15 : i32 to vector<16xi32>
    %add3A_17 = arith.addi %iota3A, %add3A_16 : vector<16xi32>
    %swap3A = arith.constant 0 : index
    %swap3A_18 = tpu.vector_load %arg10[%swap3A] {strides = array<i32>} : memref<80xi32, #tpu.memory_space<vmem>>, vector<16xi32>,
    tpu.vector_store %arg10[%swap3A], %add3A_17 {strides = array<i32>} : memref<80xi32, #tpu.memory_space<vmem>>, vector<16xi32>,
    %iota3A_19 = tpu.iota {dimensions = array<i32: 0>} : vector<16xi32>
    %add3A_20 = arith.constant 16 : i32
    %add3A_21 = vector.broadcast %add3A_20 : i32 to vector<16xi32>
    %add3A_22 = arith.addi %iota3A_19, %add3A_21 : vector<16xi32>
    %swap3A_23 = arith.constant 16 : index
    %swap3A_24 = tpu.vector_load %arg10[%swap3A_23] {strides = array<i32>} : memref<80xi32, #tpu.memory_space<vmem>>, vector<16xi32>,
    tpu.vector_store %arg10[%swap3A_23], %add3A_22 {strides = array<i32>} : memref<80xi32, #tpu.memory_space<vmem>>, vector<16xi32>,
    %iota3A_25 = tpu.iota {dimensions = array<i32: 0>} : vector<16xi32>
    %add3A_26 = arith.constant 32 : i32
    %add3A_27 = vector.broadcast %add3A_26 : i32 to vector<16xi32>
    %add3A_28 = arith.addi %iota3A_25, %add3A_27 : vector<16xi32>
    %swap3A_29 = arith.constant 32 : index
    %swap3A_30 = tpu.vector_load %arg10[%swap3A_29] {strides = array<i32>} : memref<80xi32, #tpu.memory_space<vmem>>, vector<16xi32>,
    tpu.vector_store %arg10[%swap3A_29], %add3A_28 {strides = array<i32>} : memref<80xi32, #tpu.memory_space<vmem>>, vector<16xi32>,
    %iota3A_31 = tpu.iota {dimensions = array<i32: 0>} : vector<16xi32>
    %add3A_32 = arith.constant 48 : i32
    %add3A_33 = vector.broadcast %add3A_32 : i32 to vector<16xi32>
    %add3A_34 = arith.addi %iota3A_31, %add3A_33 : vector<16xi32>
    %swap3A_35 = arith.constant 48 : index
    %swap3A_36 = tpu.vector_load %arg10[%swap3A_35] {strides = array<i32>} : memref<80xi32, #tpu.memory_space<vmem>>, vector<16xi32>,
    tpu.vector_store %arg10[%swap3A_35], %add3A_34 {strides = array<i32>} : memref<80xi32, #tpu.memory_space<vmem>>, vector<16xi32>,
    %iota3A_37 = tpu.iota {dimensions = array<i32: 0>} : vector<16xi32>
    %add3A_38 = arith.constant 64 : i32
    %add3A_39 = vector.broadcast %add3A_38 : i32 to vector<16xi32>
    %add3A_40 = arith.addi %iota3A_37, %add3A_39 : vector<16xi32>
    %swap3A_41 = arith.constant 64 : index
    %swap3A_42 = tpu.vector_load %arg10[%swap3A_41] {strides = array<i32>} : memref<80xi32, #tpu.memory_space<vmem>>, vector<16xi32>,
    tpu.vector_store %arg10[%swap3A_41], %add3A_40 {strides = array<i32>} : memref<80xi32, #tpu.memory_space<vmem>>, vector<16xi32>,
    %mul3A_43 = arith.constant 8 : i32
    %mul3A_44 = arith.muli %arg1, %mul3A_43 : i32
    %sub3A = arith.constant 80 : i32
    %sub3A_45 = arith.subi %sub3A, %mul3A_44 : i32
    %sub3A_46 = arith.constant 128 : i32
    %sub3A_47 = arith.constant 1 : i32
    %sub3A_48 = arith.subi %sub3A_46, %sub3A_47 : i32
    %add3A_49 = arith.addi %sub3A_45, %sub3A_48 : i32
    %div3A = arith.constant 128 : i32
    %div3A_50 = arith.divsi %add3A_49, %div3A : i32
    %while3A = arith.constant 128 : i32
    %while3A_51 = arith.constant 0 : i32
    %while3A_52 = arith.subi %div3A_50, %while3A_51 : i32
    %while3A_53 = arith.addi %while3A_51, %while3A_52 : i32
    %while3A_54 = arith.constant 1 : i32
    %while3A_55 = arith.divsi %while3A_52, %while3A_54 : i32
    %while3A_56 = arith.muli %while3A_55, %while3A_54 : i32
    %while3A_57 = arith.addi %while3A_51, %while3A_56 : i32
    %while3A_58 = arith.constant 1 : i32
    scf.for %while3A_89 = %while3A_51 to %while3A_57 step %while3A_58  : i32 {
      %mul3A_90 = arith.muli %while3A_89, %while3A : i32
      %add3A_91 = arith.addi %mul3A_44, %mul3A_90 : i32
      "tpu.region"() ({
        %run_scoped3A = tpu.sem_alloc : memref<!tpu.dma_semaphore, #tpu.memory_space<semaphore_mem>>
        %dma_start3A_92 = arith.constant 0 : i32
        %dma_start3A_93 = arith.constant 0 : i32
        %dma_start3A_94 = tpu.memref_slice %arg8[%dma_start3A_92, %dma_start3A_93] : memref<80x128xf32, #tpu.memory_space<vmem>> -> memref<8x128xf32, #tpu.memory_space<vmem>>
        %dma_start3A_95 = arith.constant 0 : i32
        %dma_start3A_96 = tpu.memref_slice %arg11[%add3A_91, %dma_start3A_95] : memref<80x128xf32, #tpu.memory_space<vmem_shared>> -> memref<8x128xf32, #tpu.memory_space<vmem_shared>>
        %dma_start3A_97 = arith.constant 0 : i32
        %dma_start3A_98 = tpu.memref_slice %arg11[%add3A_91, %dma_start3A_97] : memref<80x128xf32, #tpu.memory_space<vmem_shared>> -> memref<8x128xf32, #tpu.memory_space<vmem_shared>>
        %dma_start3A_99 = arith.constant 0 : i32
        %dma_start3A_100 = arith.constant 0 : i32
        %dma_start3A_101 = tpu.memref_slice %arg8[%dma_start3A_99, %dma_start3A_100] : memref<80x128xf32, #tpu.memory_space<vmem>> -> memref<8x128xf32, #tpu.memory_space<vmem>>
        tpu.enqueue_dma source(%dma_start3A_101 : memref<8x128xf32, #tpu.memory_space<vmem>>) target(%dma_start3A_98 : memref<8x128xf32, #tpu.memory_space<vmem_shared>>) target_semaphore(%run_scoped3A : memref<!tpu.dma_semaphore, #tpu.memory_space<semaphore_mem>>)
        %dma_wait3A_102 = arith.constant 0 : i32
        %dma_wait3A_103 = arith.constant 0 : i32
        %dma_wait3A_104 = tpu.memref_slice %arg8[%dma_wait3A_102, %dma_wait3A_103] : memref<80x128xf32, #tpu.memory_space<vmem>> -> memref<8x128xf32, #tpu.memory_space<vmem>>
        %dma_wait3A_105 = arith.constant 0 : i32
        %dma_wait3A_106 = tpu.memref_slice %arg11[%add3A_91, %dma_wait3A_105] : memref<80x128xf32, #tpu.memory_space<vmem_shared>> -> memref<8x128xf32, #tpu.memory_space<vmem_shared>>
        %dma_wait3A_107 = arith.constant 0 : i32
        %dma_wait3A_108 = tpu.memref_slice %arg11[%add3A_91, %dma_wait3A_107] : memref<80x128xf32, #tpu.memory_space<vmem_shared>> -> memref<8x128xf32, #tpu.memory_space<vmem_shared>>
        %dma_wait3A_109 = arith.constant 0 : i32
        %dma_wait3A_110 = arith.constant 0 : i32
        %dma_wait3A_111 = tpu.memref_slice %arg8[%dma_wait3A_109, %dma_wait3A_110] : memref<80x128xf32, #tpu.memory_space<vmem>> -> memref<8x128xf32, #tpu.memory_space<vmem>>
        tpu.wait_dma2 semaphore(%run_scoped3A : memref<!tpu.dma_semaphore, #tpu.memory_space<semaphore_mem>>) src(%dma_wait3A_111 : memref<8x128xf32, #tpu.memory_space<vmem>>) dst(%dma_wait3A_108 : memref<8x128xf32, #tpu.memory_space<vmem_shared>>)
        tpu.yield
      }) : () -> ()
      "tpu.region"() ({
        %run_scoped3A = tpu.sem_alloc : memref<!tpu.dma_semaphore, #tpu.memory_space<semaphore_mem>>
        %dma_start3A_92 = arith.constant 0 : i32
        %dma_start3A_93 = arith.constant 0 : i32
        %dma_start3A_94 = tpu.memref_slice %arg9[%dma_start3A_92, %dma_start3A_93] : memref<80x128xf32, #tpu.memory_space<vmem>> -> memref<8x128xf32, #tpu.memory_space<vmem>>
        %dma_start3A_95 = arith.constant 0 : i32
        %dma_start3A_96 = tpu.memref_slice %arg12[%add3A_91, %dma_start3A_95] : memref<80x128xf32, #tpu.memory_space<vmem_shared>> -> memref<8x128xf32, #tpu.memory_space<vmem_shared>>
        %dma_start3A_97 = arith.constant 0 : i32
        %dma_start3A_98 = tpu.memref_slice %arg12[%add3A_91, %dma_start3A_97] : memref<80x128xf32, #tpu.memory_space<vmem_shared>> -> memref<8x128xf32, #tpu.memory_space<vmem_shared>>
        %dma_start3A_99 = arith.constant 0 : i32
        %dma_start3A_100 = arith.constant 0 : i32
        %dma_start3A_101 = tpu.memref_slice %arg9[%dma_start3A_99, %dma_start3A_100] : memref<80x128xf32, #tpu.memory_space<vmem>> -> memref<8x128xf32, #tpu.memory_space<vmem>>
        tpu.enqueue_dma source(%dma_start3A_101 : memref<8x128xf32, #tpu.memory_space<vmem>>) target(%dma_start3A_98 : memref<8x128xf32, #tpu.memory_space<vmem_shared>>) target_semaphore(%run_scoped3A : memref<!tpu.dma_semaphore, #tpu.memory_space<semaphore_mem>>)
        %dma_wait3A_102 = arith.constant 0 : i32
        %dma_wait3A_103 = arith.constant 0 : i32
        %dma_wait3A_104 = tpu.memref_slice %arg9[%dma_wait3A_102, %dma_wait3A_103] : memref<80x128xf32, #tpu.memory_space<vmem>> -> memref<8x128xf32, #tpu.memory_space<vmem>>
        %dma_wait3A_105 = arith.constant 0 : i32
        %dma_wait3A_106 = tpu.memref_slice %arg12[%add3A_91, %dma_wait3A_105] : memref<80x128xf32, #tpu.memory_space<vmem_shared>> -> memref<8x128xf32, #tpu.memory_space<vmem_shared>>
        %dma_wait3A_107 = arith.constant 0 : i32
        %dma_wait3A_108 = tpu.memref_slice %arg12[%add3A_91, %dma_wait3A_107] : memref<80x128xf32, #tpu.memory_space<vmem_shared>> -> memref<8x128xf32, #tpu.memory_space<vmem_shared>>
        %dma_wait3A_109 = arith.constant 0 : i32
        %dma_wait3A_110 = arith.constant 0 : i32
        %dma_wait3A_111 = tpu.memref_slice %arg9[%dma_wait3A_109, %dma_wait3A_110] : memref<80x128xf32, #tpu.memory_space<vmem>> -> memref<8x128xf32, #tpu.memory_space<vmem>>
        tpu.wait_dma2 semaphore(%run_scoped3A : memref<!tpu.dma_semaphore, #tpu.memory_space<semaphore_mem>>) src(%dma_wait3A_111 : memref<8x128xf32, #tpu.memory_space<vmem>>) dst(%dma_wait3A_108 : memref<8x128xf32, #tpu.memory_space<vmem_shared>>)
        tpu.yield
      }) : () -> ()
    }
    %while3A_59 = arith.constant 1 : i32
    scf.for %while3A_89 = %while3A_57 to %while3A_53 step %while3A_59  : i32 {
      %mul3A_90 = arith.muli %while3A_89, %while3A : i32
      %add3A_91 = arith.addi %mul3A_44, %mul3A_90 : i32
      "tpu.region"() ({
        %run_scoped3A = tpu.sem_alloc : memref<!tpu.dma_semaphore, #tpu.memory_space<semaphore_mem>>
        %dma_start3A_92 = arith.constant 0 : i32
        %dma_start3A_93 = arith.constant 0 : i32
        %dma_start3A_94 = tpu.memref_slice %arg8[%dma_start3A_92, %dma_start3A_93] : memref<80x128xf32, #tpu.memory_space<vmem>> -> memref<8x128xf32, #tpu.memory_space<vmem>>
        %dma_start3A_95 = arith.constant 0 : i32
        %dma_start3A_96 = tpu.memref_slice %arg11[%add3A_91, %dma_start3A_95] : memref<80x128xf32, #tpu.memory_space<vmem_shared>> -> memref<8x128xf32, #tpu.memory_space<vmem_shared>>
        %dma_start3A_97 = arith.constant 0 : i32
        %dma_start3A_98 = tpu.memref_slice %arg11[%add3A_91, %dma_start3A_97] : memref<80x128xf32, #tpu.memory_space<vmem_shared>> -> memref<8x128xf32, #tpu.memory_space<vmem_shared>>
        %dma_start3A_99 = arith.constant 0 : i32
        %dma_start3A_100 = arith.constant 0 : i32
        %dma_start3A_101 = tpu.memref_slice %arg8[%dma_start3A_99, %dma_start3A_100] : memref<80x128xf32, #tpu.memory_space<vmem>> -> memref<8x128xf32, #tpu.memory_space<vmem>>
        tpu.enqueue_dma source(%dma_start3A_101 : memref<8x128xf32, #tpu.memory_space<vmem>>) target(%dma_start3A_98 : memref<8x128xf32, #tpu.memory_space<vmem_shared>>) target_semaphore(%run_scoped3A : memref<!tpu.dma_semaphore, #tpu.memory_space<semaphore_mem>>)
        %dma_wait3A_102 = arith.constant 0 : i32
        %dma_wait3A_103 = arith.constant 0 : i32
        %dma_wait3A_104 = tpu.memref_slice %arg8[%dma_wait3A_102, %dma_wait3A_103] : memref<80x128xf32, #tpu.memory_space<vmem>> -> memref<8x128xf32, #tpu.memory_space<vmem>>
        %dma_wait3A_105 = arith.constant 0 : i32
        %dma_wait3A_106 = tpu.memref_slice %arg11[%add3A_91, %dma_wait3A_105] : memref<80x128xf32, #tpu.memory_space<vmem_shared>> -> memref<8x128xf32, #tpu.memory_space<vmem_shared>>
        %dma_wait3A_107 = arith.constant 0 : i32
        %dma_wait3A_108 = tpu.memref_slice %arg11[%add3A_91, %dma_wait3A_107] : memref<80x128xf32, #tpu.memory_space<vmem_shared>> -> memref<8x128xf32, #tpu.memory_space<vmem_shared>>
        %dma_wait3A_109 = arith.constant 0 : i32
        %dma_wait3A_110 = arith.constant 0 : i32
        %dma_wait3A_111 = tpu.memref_slice %arg8[%dma_wait3A_109, %dma_wait3A_110] : memref<80x128xf32, #tpu.memory_space<vmem>> -> memref<8x128xf32, #tpu.memory_space<vmem>>
        tpu.wait_dma2 semaphore(%run_scoped3A : memref<!tpu.dma_semaphore, #tpu.memory_space<semaphore_mem>>) src(%dma_wait3A_111 : memref<8x128xf32, #tpu.memory_space<vmem>>) dst(%dma_wait3A_108 : memref<8x128xf32, #tpu.memory_space<vmem_shared>>)
        tpu.yield
      }) : () -> ()
      "tpu.region"() ({
        %run_scoped3A = tpu.sem_alloc : memref<!tpu.dma_semaphore, #tpu.memory_space<semaphore_mem>>
        %dma_start3A_92 = arith.constant 0 : i32
        %dma_start3A_93 = arith.constant 0 : i32
        %dma_start3A_94 = tpu.memref_slice %arg9[%dma_start3A_92, %dma_start3A_93] : memref<80x128xf32, #tpu.memory_space<vmem>> -> memref<8x128xf32, #tpu.memory_space<vmem>>
        %dma_start3A_95 = arith.constant 0 : i32
        %dma_start3A_96 = tpu.memref_slice %arg12[%add3A_91, %dma_start3A_95] : memref<80x128xf32, #tpu.memory_space<vmem_shared>> -> memref<8x128xf32, #tpu.memory_space<vmem_shared>>
        %dma_start3A_97 = arith.constant 0 : i32
        %dma_start3A_98 = tpu.memref_slice %arg12[%add3A_91, %dma_start3A_97] : memref<80x128xf32, #tpu.memory_space<vmem_shared>> -> memref<8x128xf32, #tpu.memory_space<vmem_shared>>
        %dma_start3A_99 = arith.constant 0 : i32
        %dma_start3A_100 = arith.constant 0 : i32
        %dma_start3A_101 = tpu.memref_slice %arg9[%dma_start3A_99, %dma_start3A_100] : memref<80x128xf32, #tpu.memory_space<vmem>> -> memref<8x128xf32, #tpu.memory_space<vmem>>
        tpu.enqueue_dma source(%dma_start3A_101 : memref<8x128xf32, #tpu.memory_space<vmem>>) target(%dma_start3A_98 : memref<8x128xf32, #tpu.memory_space<vmem_shared>>) target_semaphore(%run_scoped3A : memref<!tpu.dma_semaphore, #tpu.memory_space<semaphore_mem>>)
        %dma_wait3A_102 = arith.constant 0 : i32
        %dma_wait3A_103 = arith.constant 0 : i32
        %dma_wait3A_104 = tpu.memref_slice %arg9[%dma_wait3A_102, %dma_wait3A_103] : memref<80x128xf32, #tpu.memory_space<vmem>> -> memref<8x128xf32, #tpu.memory_space<vmem>>
        %dma_wait3A_105 = arith.constant 0 : i32
        %dma_wait3A_106 = tpu.memref_slice %arg12[%add3A_91, %dma_wait3A_105] : memref<80x128xf32, #tpu.memory_space<vmem_shared>> -> memref<8x128xf32, #tpu.memory_space<vmem_shared>>
        %dma_wait3A_107 = arith.constant 0 : i32
        %dma_wait3A_108 = tpu.memref_slice %arg12[%add3A_91, %dma_wait3A_107] : memref<80x128xf32, #tpu.memory_space<vmem_shared>> -> memref<8x128xf32, #tpu.memory_space<vmem_shared>>
        %dma_wait3A_109 = arith.constant 0 : i32
        %dma_wait3A_110 = arith.constant 0 : i32
        %dma_wait3A_111 = tpu.memref_slice %arg9[%dma_wait3A_109, %dma_wait3A_110] : memref<80x128xf32, #tpu.memory_space<vmem>> -> memref<8x128xf32, #tpu.memory_space<vmem>>
        tpu.wait_dma2 semaphore(%run_scoped3A : memref<!tpu.dma_semaphore, #tpu.memory_space<semaphore_mem>>) src(%dma_wait3A_111 : memref<8x128xf32, #tpu.memory_space<vmem>>) dst(%dma_wait3A_108 : memref<8x128xf32, #tpu.memory_space<vmem_shared>>)
        tpu.yield
      }) : () -> ()
    }
    %dma_wait3A = tpu.memref_slice %arg2[%mul3A_5] : memref<320000xi32, #tpu.memory_space<hbm>> -> memref<10000xi32, #tpu.memory_space<hbm>>
    %dma_wait3A_60 = tpu.memref_slice %arg2[%mul3A_5] : memref<320000xi32, #tpu.memory_space<hbm>> -> memref<10000xi32, #tpu.memory_space<hbm>>
    tpu.wait_dma2 semaphore(%arg13 : memref<!tpu.dma_semaphore, #tpu.memory_space<semaphore_mem>>) src(%dma_wait3A_60 : memref<10000xi32, #tpu.memory_space<hbm>>) dst(%arg6 : memref<10000xi32, #tpu.memory_space<vmem>>)
    %dma_wait3A_61 = tpu.memref_slice %arg3[%mul3A_8] : memref<320000xi32, #tpu.memory_space<hbm>> -> memref<10000xi32, #tpu.memory_space<hbm>>
    %dma_wait3A_62 = tpu.memref_slice %arg3[%mul3A_8] : memref<320000xi32, #tpu.memory_space<hbm>> -> memref<10000xi32, #tpu.memory_space<hbm>>
    tpu.wait_dma2 semaphore(%arg13 : memref<!tpu.dma_semaphore, #tpu.memory_space<semaphore_mem>>) src(%dma_wait3A_62 : memref<10000xi32, #tpu.memory_space<hbm>>) dst(%arg7 : memref<10000xi32, #tpu.memory_space<vmem>>)
    %scan3A_63 = arith.constant 0 : i32
    %scan3A_64 = arith.constant 625 : i32
    %scan3A_65 = arith.addi %scan3A_63, %scan3A_64 : i32
    %scan3A_66 = arith.constant 1 : i32
    scf.for %scan3A_89 = %scan3A_63 to %scan3A_65 step %scan3A_66  : i32 {
      %mul3A_90 = arith.constant 16 : i32
      %mul3A_91 = arith.muli %scan3A_89, %mul3A_90 : i32
      %add3A_92 = arith.constant 0 : i32
      %add3A_93 = arith.addi %add3A_92, %mul3A_91 : i32
      %get3A = arith.index_cast %add3A_93 : i32 to index
      %get3A_94 = tpu.vector_load %arg6[%get3A] {strides = array<i32>} : memref<10000xi32, #tpu.memory_space<vmem>>, vector<16xi32>,
      %shift_right_arithmetic3A = arith.constant 7 : i32
      %shift_right_arithmetic3A_95 = vector.broadcast %shift_right_arithmetic3A : i32 to vector<16xi32>
      %shift_right_arithmetic3A_96 = arith.shrsi %get3A_94, %shift_right_arithmetic3A_95 : vector<16xi32>
      %and3A = arith.constant 127 : i32
      %and3A_97 = vector.broadcast %and3A : i32 to vector<16xi32>
      %and3A_98 = arith.andi %get3A_94, %and3A_97 : vector<16xi32>
      tpu.vector_store_idx %arg8[%shift_right_arithmetic3A_96, %and3A_98], %broadcast_in_dim3A_3 {add = true} : memref<80x128xf32, #tpu.memory_space<vmem>>[vector<16xi32>, vector<16xi32>], vector<16xf32>,
      %get3A_99 = arith.index_cast %add3A_93 : i32 to index
      %get3A_100 = tpu.vector_load %arg7[%get3A_99] {strides = array<i32>} : memref<10000xi32, #tpu.memory_space<vmem>>, vector<16xi32>,
      %shift_right_arithmetic3A_101 = arith.constant 7 : i32
      %shift_right_arithmetic3A_102 = vector.broadcast %shift_right_arithmetic3A_101 : i32 to vector<16xi32>
      %shift_right_arithmetic3A_103 = arith.shrsi %get3A_100, %shift_right_arithmetic3A_102 : vector<16xi32>
      %and3A_104 = arith.constant 127 : i32
      %and3A_105 = vector.broadcast %and3A_104 : i32 to vector<16xi32>
      %and3A_106 = arith.andi %get3A_100, %and3A_105 : vector<16xi32>
      tpu.vector_store_idx %arg9[%shift_right_arithmetic3A_103, %and3A_106], %broadcast_in_dim3A_3 {add = true} : memref<80x128xf32, #tpu.memory_space<vmem>>[vector<16xi32>, vector<16xi32>], vector<16xf32>,
    }
    %scan3A_67 = arith.constant 625 : i32
    %barrier3A = arith.constant 0 : index
    tpu.barrier barrier_id(%barrier3A)
    "tpu.region"() ({
      %run_scoped3A = tpu.sem_alloc : memref<!tpu.dma_semaphore, #tpu.memory_space<semaphore_mem>>
      %dma_start3A_89 = arith.constant 0 : i32
      %dma_start3A_90 = arith.constant 0 : i32
      %dma_start3A_91 = tpu.memref_slice %arg11[%dma_start3A_89, %dma_start3A_90] : memref<80x128xf32, #tpu.memory_space<vmem_shared>> -> memref<80x128xf32, #tpu.memory_space<vmem_shared>>
      tpu.enqueue_indirect_dma source(%arg8 : memref<80x128xf32, #tpu.memory_space<vmem>>) target(%dma_start3A_91 : memref<80x128xf32, #tpu.memory_space<vmem_shared>>) offsets(%arg10 : memref<80xi32, #tpu.memory_space<vmem>>) semaphore(%run_scoped3A : memref<!tpu.dma_semaphore, #tpu.memory_space<semaphore_mem>>) {add = true}
      %dma_wait3A_92 = arith.constant 0 : i32
      %dma_wait3A_93 = arith.constant 0 : i32
      %dma_wait3A_94 = tpu.memref_slice %arg11[%dma_wait3A_92, %dma_wait3A_93] : memref<80x128xf32, #tpu.memory_space<vmem_shared>> -> memref<80x128xf32, #tpu.memory_space<vmem_shared>>
      tpu.wait_indirect_dma semaphore(%run_scoped3A : memref<!tpu.dma_semaphore, #tpu.memory_space<semaphore_mem>>) src(%arg8 : memref<80x128xf32, #tpu.memory_space<vmem>>) dst(%dma_wait3A_94 : memref<80x128xf32, #tpu.memory_space<vmem_shared>>)
      tpu.yield
    }) : () -> ()
    "tpu.region"() ({
      %run_scoped3A = tpu.sem_alloc : memref<!tpu.dma_semaphore, #tpu.memory_space<semaphore_mem>>
      %dma_start3A_89 = arith.constant 0 : i32
      %dma_start3A_90 = arith.constant 0 : i32
      %dma_start3A_91 = tpu.memref_slice %arg12[%dma_start3A_89, %dma_start3A_90] : memref<80x128xf32, #tpu.memory_space<vmem_shared>> -> memref<80x128xf32, #tpu.memory_space<vmem_shared>>
      tpu.enqueue_indirect_dma source(%arg9 : memref<80x128xf32, #tpu.memory_space<vmem>>) target(%dma_start3A_91 : memref<80x128xf32, #tpu.memory_space<vmem_shared>>) offsets(%arg10 : memref<80xi32, #tpu.memory_space<vmem>>) semaphore(%run_scoped3A : memref<!tpu.dma_semaphore, #tpu.memory_space<semaphore_mem>>) {add = true}
      %dma_wait3A_92 = arith.constant 0 : i32
      %dma_wait3A_93 = arith.constant 0 : i32
      %dma_wait3A_94 = tpu.memref_slice %arg12[%dma_wait3A_92, %dma_wait3A_93] : memref<80x128xf32, #tpu.memory_space<vmem_shared>> -> memref<80x128xf32, #tpu.memory_space<vmem_shared>>
      tpu.wait_indirect_dma semaphore(%run_scoped3A : memref<!tpu.dma_semaphore, #tpu.memory_space<semaphore_mem>>) src(%arg9 : memref<80x128xf32, #tpu.memory_space<vmem>>) dst(%dma_wait3A_94 : memref<80x128xf32, #tpu.memory_space<vmem_shared>>)
      tpu.yield
    }) : () -> ()
    %barrier3A_68 = arith.constant 0 : index
    tpu.barrier barrier_id(%barrier3A_68)
    %mul3A_69 = arith.constant 8 : i32
    %mul3A_70 = arith.muli %arg1, %mul3A_69 : i32
    %sub3A_71 = arith.constant 80 : i32
    %sub3A_72 = arith.subi %sub3A_71, %mul3A_70 : i32
    %sub3A_73 = arith.constant 128 : i32
    %sub3A_74 = arith.constant 1 : i32
    %sub3A_75 = arith.subi %sub3A_73, %sub3A_74 : i32
    %add3A_76 = arith.addi %sub3A_72, %sub3A_75 : i32
    %div3A_77 = arith.constant 128 : i32
    %div3A_78 = arith.divsi %add3A_76, %div3A_77 : i32
    %while3A_79 = arith.constant 128 : i32
    %while3A_80 = arith.constant 0 : i32
    %while3A_81 = arith.subi %div3A_78, %while3A_80 : i32
    %while3A_82 = arith.addi %while3A_80, %while3A_81 : i32
    %while3A_83 = arith.constant 1 : i32
    %while3A_84 = arith.divsi %while3A_81, %while3A_83 : i32
    %while3A_85 = arith.muli %while3A_84, %while3A_83 : i32
    %while3A_86 = arith.addi %while3A_80, %while3A_85 : i32
    %while3A_87 = arith.constant 1 : i32
    scf.for %while3A_89 = %while3A_80 to %while3A_86 step %while3A_87  : i32 {
      %mul3A_90 = arith.muli %while3A_89, %while3A_79 : i32
      %add3A_91 = arith.addi %mul3A_70, %mul3A_90 : i32
      "tpu.region"() ({
        %run_scoped3A = tpu.sem_alloc : memref<!tpu.dma_semaphore, #tpu.memory_space<semaphore_mem>>
        %dma_start3A_92 = arith.constant 0 : i32
        %dma_start3A_93 = arith.constant 0 : i32
        %dma_start3A_94 = tpu.memref_slice %arg8[%dma_start3A_92, %dma_start3A_93] : memref<80x128xf32, #tpu.memory_space<vmem>> -> memref<8x128xf32, #tpu.memory_space<vmem>>
        %dma_start3A_95 = arith.constant 0 : i32
        %dma_start3A_96 = tpu.memref_slice %arg11[%add3A_91, %dma_start3A_95] : memref<80x128xf32, #tpu.memory_space<vmem_shared>> -> memref<8x128xf32, #tpu.memory_space<vmem_shared>>
        %dma_start3A_97 = arith.constant 0 : i32
        %dma_start3A_98 = arith.constant 0 : i32
        %dma_start3A_99 = tpu.memref_slice %arg8[%dma_start3A_97, %dma_start3A_98] : memref<80x128xf32, #tpu.memory_space<vmem>> -> memref<8x128xf32, #tpu.memory_space<vmem>>
        %dma_start3A_100 = arith.constant 0 : i32
        %dma_start3A_101 = tpu.memref_slice %arg11[%add3A_91, %dma_start3A_100] : memref<80x128xf32, #tpu.memory_space<vmem_shared>> -> memref<8x128xf32, #tpu.memory_space<vmem_shared>>
        tpu.enqueue_dma source(%dma_start3A_101 : memref<8x128xf32, #tpu.memory_space<vmem_shared>>) target(%dma_start3A_99 : memref<8x128xf32, #tpu.memory_space<vmem>>) target_semaphore(%run_scoped3A : memref<!tpu.dma_semaphore, #tpu.memory_space<semaphore_mem>>)
        %dma_wait3A_102 = arith.constant 0 : i32
        %dma_wait3A_103 = arith.constant 0 : i32
        %dma_wait3A_104 = tpu.memref_slice %arg8[%dma_wait3A_102, %dma_wait3A_103] : memref<80x128xf32, #tpu.memory_space<vmem>> -> memref<8x128xf32, #tpu.memory_space<vmem>>
        %dma_wait3A_105 = arith.constant 0 : i32
        %dma_wait3A_106 = tpu.memref_slice %arg11[%add3A_91, %dma_wait3A_105] : memref<80x128xf32, #tpu.memory_space<vmem_shared>> -> memref<8x128xf32, #tpu.memory_space<vmem_shared>>
        %dma_wait3A_107 = arith.constant 0 : i32
        %dma_wait3A_108 = arith.constant 0 : i32
        %dma_wait3A_109 = tpu.memref_slice %arg8[%dma_wait3A_107, %dma_wait3A_108] : memref<80x128xf32, #tpu.memory_space<vmem>> -> memref<8x128xf32, #tpu.memory_space<vmem>>
        %dma_wait3A_110 = arith.constant 0 : i32
        %dma_wait3A_111 = tpu.memref_slice %arg11[%add3A_91, %dma_wait3A_110] : memref<80x128xf32, #tpu.memory_space<vmem_shared>> -> memref<8x128xf32, #tpu.memory_space<vmem_shared>>
        tpu.wait_dma2 semaphore(%run_scoped3A : memref<!tpu.dma_semaphore, #tpu.memory_space<semaphore_mem>>) src(%dma_wait3A_111 : memref<8x128xf32, #tpu.memory_space<vmem_shared>>) dst(%dma_wait3A_109 : memref<8x128xf32, #tpu.memory_space<vmem>>)
        tpu.yield
      }) : () -> ()
      "tpu.region"() ({
        %run_scoped3A = tpu.sem_alloc : memref<!tpu.dma_semaphore, #tpu.memory_space<semaphore_mem>>
        %dma_start3A_92 = arith.constant 0 : i32
        %dma_start3A_93 = arith.constant 0 : i32
        %dma_start3A_94 = tpu.memref_slice %arg8[%dma_start3A_92, %dma_start3A_93] : memref<80x128xf32, #tpu.memory_space<vmem>> -> memref<8x128xf32, #tpu.memory_space<vmem>>
        %dma_start3A_95 = arith.constant 0 : i32
        %dma_start3A_96 = tpu.memref_slice %arg4[%arg0, %add3A_91, %dma_start3A_95] : memref<2x80x128xf32, #tpu.memory_space<hbm>> -> memref<1x8x128xf32, #tpu.memory_space<hbm>>
        %dma_start3A_97 = tpu.memref_squeeze %dma_start3A_96 : memref<1x8x128xf32, #tpu.memory_space<hbm>> -> memref<8x128xf32, #tpu.memory_space<hbm>>
        %dma_start3A_98 = arith.constant 0 : i32
        %dma_start3A_99 = tpu.memref_slice %arg4[%arg0, %add3A_91, %dma_start3A_98] : memref<2x80x128xf32, #tpu.memory_space<hbm>> -> memref<1x8x128xf32, #tpu.memory_space<hbm>>
        %dma_start3A_100 = tpu.memref_squeeze %dma_start3A_99 : memref<1x8x128xf32, #tpu.memory_space<hbm>> -> memref<8x128xf32, #tpu.memory_space<hbm>>
        %dma_start3A_101 = arith.constant 0 : i32
        %dma_start3A_102 = arith.constant 0 : i32
        %dma_start3A_103 = tpu.memref_slice %arg8[%dma_start3A_101, %dma_start3A_102] : memref<80x128xf32, #tpu.memory_space<vmem>> -> memref<8x128xf32, #tpu.memory_space<vmem>>
        tpu.enqueue_dma source(%dma_start3A_103 : memref<8x128xf32, #tpu.memory_space<vmem>>) target(%dma_start3A_100 : memref<8x128xf32, #tpu.memory_space<hbm>>) target_semaphore(%run_scoped3A : memref<!tpu.dma_semaphore, #tpu.memory_space<semaphore_mem>>)
        %dma_wait3A_104 = arith.constant 0 : i32
        %dma_wait3A_105 = arith.constant 0 : i32
        %dma_wait3A_106 = tpu.memref_slice %arg8[%dma_wait3A_104, %dma_wait3A_105] : memref<80x128xf32, #tpu.memory_space<vmem>> -> memref<8x128xf32, #tpu.memory_space<vmem>>
        %dma_wait3A_107 = arith.constant 0 : i32
        %dma_wait3A_108 = tpu.memref_slice %arg4[%arg0, %add3A_91, %dma_wait3A_107] : memref<2x80x128xf32, #tpu.memory_space<hbm>> -> memref<1x8x128xf32, #tpu.memory_space<hbm>>
        %dma_wait3A_109 = tpu.memref_squeeze %dma_wait3A_108 : memref<1x8x128xf32, #tpu.memory_space<hbm>> -> memref<8x128xf32, #tpu.memory_space<hbm>>
        %dma_wait3A_110 = arith.constant 0 : i32
        %dma_wait3A_111 = tpu.memref_slice %arg4[%arg0, %add3A_91, %dma_wait3A_110] : memref<2x80x128xf32, #tpu.memory_space<hbm>> -> memref<1x8x128xf32, #tpu.memory_space<hbm>>
        %dma_wait3A_112 = tpu.memref_squeeze %dma_wait3A_111 : memref<1x8x128xf32, #tpu.memory_space<hbm>> -> memref<8x128xf32, #tpu.memory_space<hbm>>
        %dma_wait3A_113 = arith.constant 0 : i32
        %dma_wait3A_114 = arith.constant 0 : i32
        %dma_wait3A_115 = tpu.memref_slice %arg8[%dma_wait3A_113, %dma_wait3A_114] : memref<80x128xf32, #tpu.memory_space<vmem>> -> memref<8x128xf32, #tpu.memory_space<vmem>>
        tpu.wait_dma2 semaphore(%run_scoped3A : memref<!tpu.dma_semaphore, #tpu.memory_space<semaphore_mem>>) src(%dma_wait3A_115 : memref<8x128xf32, #tpu.memory_space<vmem>>) dst(%dma_wait3A_112 : memref<8x128xf32, #tpu.memory_space<hbm>>)
        tpu.yield
      }) : () -> ()
      "tpu.region"() ({
        %run_scoped3A = tpu.sem_alloc : memref<!tpu.dma_semaphore, #tpu.memory_space<semaphore_mem>>
        %dma_start3A_92 = arith.constant 0 : i32
        %dma_start3A_93 = arith.constant 0 : i32
        %dma_start3A_94 = tpu.memref_slice %arg9[%dma_start3A_92, %dma_start3A_93] : memref<80x128xf32, #tpu.memory_space<vmem>> -> memref<8x128xf32, #tpu.memory_space<vmem>>
        %dma_start3A_95 = arith.constant 0 : i32
        %dma_start3A_96 = tpu.memref_slice %arg12[%add3A_91, %dma_start3A_95] : memref<80x128xf32, #tpu.memory_space<vmem_shared>> -> memref<8x128xf32, #tpu.memory_space<vmem_shared>>
        %dma_start3A_97 = arith.constant 0 : i32
        %dma_start3A_98 = arith.constant 0 : i32
        %dma_start3A_99 = tpu.memref_slice %arg9[%dma_start3A_97, %dma_start3A_98] : memref<80x128xf32, #tpu.memory_space<vmem>> -> memref<8x128xf32, #tpu.memory_space<vmem>>
        %dma_start3A_100 = arith.constant 0 : i32
        %dma_start3A_101 = tpu.memref_slice %arg12[%add3A_91, %dma_start3A_100] : memref<80x128xf32, #tpu.memory_space<vmem_shared>> -> memref<8x128xf32, #tpu.memory_space<vmem_shared>>
        tpu.enqueue_dma source(%dma_start3A_101 : memref<8x128xf32, #tpu.memory_space<vmem_shared>>) target(%dma_start3A_99 : memref<8x128xf32, #tpu.memory_space<vmem>>) target_semaphore(%run_scoped3A : memref<!tpu.dma_semaphore, #tpu.memory_space<semaphore_mem>>)
        %dma_wait3A_102 = arith.constant 0 : i32
        %dma_wait3A_103 = arith.constant 0 : i32
        %dma_wait3A_104 = tpu.memref_slice %arg9[%dma_wait3A_102, %dma_wait3A_103] : memref<80x128xf32, #tpu.memory_space<vmem>> -> memref<8x128xf32, #tpu.memory_space<vmem>>
        %dma_wait3A_105 = arith.constant 0 : i32
        %dma_wait3A_106 = tpu.memref_slice %arg12[%add3A_91, %dma_wait3A_105] : memref<80x128xf32, #tpu.memory_space<vmem_shared>> -> memref<8x128xf32, #tpu.memory_space<vmem_shared>>
        %dma_wait3A_107 = arith.constant 0 : i32
        %dma_wait3A_108 = arith.constant 0 : i32
        %dma_wait3A_109 = tpu.memref_slice %arg9[%dma_wait3A_107, %dma_wait3A_108] : memref<80x128xf32, #tpu.memory_space<vmem>> -> memref<8x128xf32, #tpu.memory_space<vmem>>
        %dma_wait3A_110 = arith.constant 0 : i32
        %dma_wait3A_111 = tpu.memref_slice %arg12[%add3A_91, %dma_wait3A_110] : memref<80x128xf32, #tpu.memory_space<vmem_shared>> -> memref<8x128xf32, #tpu.memory_space<vmem_shared>>
        tpu.wait_dma2 semaphore(%run_scoped3A : memref<!tpu.dma_semaphore, #tpu.memory_space<semaphore_mem>>) src(%dma_wait3A_111 : memref<8x128xf32, #tpu.memory_space<vmem_shared>>) dst(%dma_wait3A_109 : memref<8x128xf32, #tpu.memory_space<vmem>>)
        tpu.yield
      }) : () -> ()
      "tpu.region"() ({
        %run_scoped3A = tpu.sem_alloc : memref<!tpu.dma_semaphore, #tpu.memory_space<semaphore_mem>>
        %dma_start3A_92 = arith.constant 0 : i32
        %dma_start3A_93 = arith.constant 0 : i32
        %dma_start3A_94 = tpu.memref_slice %arg9[%dma_start3A_92, %dma_start3A_93] : memref<80x128xf32, #tpu.memory_space<vmem>> -> memref<8x128xf32, #tpu.memory_space<vmem>>
        %dma_start3A_95 = arith.constant 0 : i32
        %dma_start3A_96 = tpu.memref_slice %arg5[%arg0, %add3A_91, %dma_start3A_95] : memref<2x80x128xf32, #tpu.memory_space<hbm>> -> memref<1x8x128xf32, #tpu.memory_space<hbm>>
        %dma_start3A_97 = tpu.memref_squeeze %dma_start3A_96 : memref<1x8x128xf32, #tpu.memory_space<hbm>> -> memref<8x128xf32, #tpu.memory_space<hbm>>
        %dma_start3A_98 = arith.constant 0 : i32
        %dma_start3A_99 = tpu.memref_slice %arg5[%arg0, %add3A_91, %dma_start3A_98] : memref<2x80x128xf32, #tpu.memory_space<hbm>> -> memref<1x8x128xf32, #tpu.memory_space<hbm>>
        %dma_start3A_100 = tpu.memref_squeeze %dma_start3A_99 : memref<1x8x128xf32, #tpu.memory_space<hbm>> -> memref<8x128xf32, #tpu.memory_space<hbm>>
        %dma_start3A_101 = arith.constant 0 : i32
        %dma_start3A_102 = arith.constant 0 : i32
        %dma_start3A_103 = tpu.memref_slice %arg9[%dma_start3A_101, %dma_start3A_102] : memref<80x128xf32, #tpu.memory_space<vmem>> -> memref<8x128xf32, #tpu.memory_space<vmem>>
        tpu.enqueue_dma source(%dma_start3A_103 : memref<8x128xf32, #tpu.memory_space<vmem>>) target(%dma_start3A_100 : memref<8x128xf32, #tpu.memory_space<hbm>>) target_semaphore(%run_scoped3A : memref<!tpu.dma_semaphore, #tpu.memory_space<semaphore_mem>>)
        %dma_wait3A_104 = arith.constant 0 : i32
        %dma_wait3A_105 = arith.constant 0 : i32
        %dma_wait3A_106 = tpu.memref_slice %arg9[%dma_wait3A_104, %dma_wait3A_105] : memref<80x128xf32, #tpu.memory_space<vmem>> -> memref<8x128xf32, #tpu.memory_space<vmem>>
        %dma_wait3A_107 = arith.constant 0 : i32
        %dma_wait3A_108 = tpu.memref_slice %arg5[%arg0, %add3A_91, %dma_wait3A_107] : memref<2x80x128xf32, #tpu.memory_space<hbm>> -> memref<1x8x128xf32, #tpu.memory_space<hbm>>
        %dma_wait3A_109 = tpu.memref_squeeze %dma_wait3A_108 : memref<1x8x128xf32, #tpu.memory_space<hbm>> -> memref<8x128xf32, #tpu.memory_space<hbm>>
        %dma_wait3A_110 = arith.constant 0 : i32
        %dma_wait3A_111 = tpu.memref_slice %arg5[%arg0, %add3A_91, %dma_wait3A_110] : memref<2x80x128xf32, #tpu.memory_space<hbm>> -> memref<1x8x128xf32, #tpu.memory_space<hbm>>
        %dma_wait3A_112 = tpu.memref_squeeze %dma_wait3A_111 : memref<1x8x128xf32, #tpu.memory_space<hbm>> -> memref<8x128xf32, #tpu.memory_space<hbm>>
        %dma_wait3A_113 = arith.constant 0 : i32
        %dma_wait3A_114 = arith.constant 0 : i32
        %dma_wait3A_115 = tpu.memref_slice %arg9[%dma_wait3A_113, %dma_wait3A_114] : memref<80x128xf32, #tpu.memory_space<vmem>> -> memref<8x128xf32, #tpu.memory_space<vmem>>
        tpu.wait_dma2 semaphore(%run_scoped3A : memref<!tpu.dma_semaphore, #tpu.memory_space<semaphore_mem>>) src(%dma_wait3A_115 : memref<8x128xf32, #tpu.memory_space<vmem>>) dst(%dma_wait3A_112 : memref<8x128xf32, #tpu.memory_space<hbm>>)
        tpu.yield
      }) : () -> ()
    }
    %while3A_88 = arith.constant 1 : i32
    scf.for %while3A_89 = %while3A_86 to %while3A_82 step %while3A_88  : i32 {
      %mul3A_90 = arith.muli %while3A_89, %while3A_79 : i32
      %add3A_91 = arith.addi %mul3A_70, %mul3A_90 : i32
      "tpu.region"() ({
        %run_scoped3A = tpu.sem_alloc : memref<!tpu.dma_semaphore, #tpu.memory_space<semaphore_mem>>
        %dma_start3A_92 = arith.constant 0 : i32
        %dma_start3A_93 = arith.constant 0 : i32
        %dma_start3A_94 = tpu.memref_slice %arg8[%dma_start3A_92, %dma_start3A_93] : memref<80x128xf32, #tpu.memory_space<vmem>> -> memref<8x128xf32, #tpu.memory_space<vmem>>
        %dma_start3A_95 = arith.constant 0 : i32
        %dma_start3A_96 = tpu.memref_slice %arg11[%add3A_91, %dma_start3A_95] : memref<80x128xf32, #tpu.memory_space<vmem_shared>> -> memref<8x128xf32, #tpu.memory_space<vmem_shared>>
        %dma_start3A_97 = arith.constant 0 : i32
        %dma_start3A_98 = arith.constant 0 : i32
        %dma_start3A_99 = tpu.memref_slice %arg8[%dma_start3A_97, %dma_start3A_98] : memref<80x128xf32, #tpu.memory_space<vmem>> -> memref<8x128xf32, #tpu.memory_space<vmem>>
        %dma_start3A_100 = arith.constant 0 : i32
        %dma_start3A_101 = tpu.memref_slice %arg11[%add3A_91, %dma_start3A_100] : memref<80x128xf32, #tpu.memory_space<vmem_shared>> -> memref<8x128xf32, #tpu.memory_space<vmem_shared>>
        tpu.enqueue_dma source(%dma_start3A_101 : memref<8x128xf32, #tpu.memory_space<vmem_shared>>) target(%dma_start3A_99 : memref<8x128xf32, #tpu.memory_space<vmem>>) target_semaphore(%run_scoped3A : memref<!tpu.dma_semaphore, #tpu.memory_space<semaphore_mem>>)
        %dma_wait3A_102 = arith.constant 0 : i32
        %dma_wait3A_103 = arith.constant 0 : i32
        %dma_wait3A_104 = tpu.memref_slice %arg8[%dma_wait3A_102, %dma_wait3A_103] : memref<80x128xf32, #tpu.memory_space<vmem>> -> memref<8x128xf32, #tpu.memory_space<vmem>>
        %dma_wait3A_105 = arith.constant 0 : i32
        %dma_wait3A_106 = tpu.memref_slice %arg11[%add3A_91, %dma_wait3A_105] : memref<80x128xf32, #tpu.memory_space<vmem_shared>> -> memref<8x128xf32, #tpu.memory_space<vmem_shared>>
        %dma_wait3A_107 = arith.constant 0 : i32
        %dma_wait3A_108 = arith.constant 0 : i32
        %dma_wait3A_109 = tpu.memref_slice %arg8[%dma_wait3A_107, %dma_wait3A_108] : memref<80x128xf32, #tpu.memory_space<vmem>> -> memref<8x128xf32, #tpu.memory_space<vmem>>
        %dma_wait3A_110 = arith.constant 0 : i32
        %dma_wait3A_111 = tpu.memref_slice %arg11[%add3A_91, %dma_wait3A_110] : memref<80x128xf32, #tpu.memory_space<vmem_shared>> -> memref<8x128xf32, #tpu.memory_space<vmem_shared>>
        tpu.wait_dma2 semaphore(%run_scoped3A : memref<!tpu.dma_semaphore, #tpu.memory_space<semaphore_mem>>) src(%dma_wait3A_111 : memref<8x128xf32, #tpu.memory_space<vmem_shared>>) dst(%dma_wait3A_109 : memref<8x128xf32, #tpu.memory_space<vmem>>)
        tpu.yield
      }) : () -> ()
      "tpu.region"() ({
        %run_scoped3A = tpu.sem_alloc : memref<!tpu.dma_semaphore, #tpu.memory_space<semaphore_mem>>
        %dma_start3A_92 = arith.constant 0 : i32
        %dma_start3A_93 = arith.constant 0 : i32
        %dma_start3A_94 = tpu.memref_slice %arg8[%dma_start3A_92, %dma_start3A_93] : memref<80x128xf32, #tpu.memory_space<vmem>> -> memref<8x128xf32, #tpu.memory_space<vmem>>
        %dma_start3A_95 = arith.constant 0 : i32
        %dma_start3A_96 = tpu.memref_slice %arg4[%arg0, %add3A_91, %dma_start3A_95] : memref<2x80x128xf32, #tpu.memory_space<hbm>> -> memref<1x8x128xf32, #tpu.memory_space<hbm>>
        %dma_start3A_97 = tpu.memref_squeeze %dma_start3A_96 : memref<1x8x128xf32, #tpu.memory_space<hbm>> -> memref<8x128xf32, #tpu.memory_space<hbm>>
        %dma_start3A_98 = arith.constant 0 : i32
        %dma_start3A_99 = tpu.memref_slice %arg4[%arg0, %add3A_91, %dma_start3A_98] : memref<2x80x128xf32, #tpu.memory_space<hbm>> -> memref<1x8x128xf32, #tpu.memory_space<hbm>>
        %dma_start3A_100 = tpu.memref_squeeze %dma_start3A_99 : memref<1x8x128xf32, #tpu.memory_space<hbm>> -> memref<8x128xf32, #tpu.memory_space<hbm>>
        %dma_start3A_101 = arith.constant 0 : i32
        %dma_start3A_102 = arith.constant 0 : i32
        %dma_start3A_103 = tpu.memref_slice %arg8[%dma_start3A_101, %dma_start3A_102] : memref<80x128xf32, #tpu.memory_space<vmem>> -> memref<8x128xf32, #tpu.memory_space<vmem>>
        tpu.enqueue_dma source(%dma_start3A_103 : memref<8x128xf32, #tpu.memory_space<vmem>>) target(%dma_start3A_100 : memref<8x128xf32, #tpu.memory_space<hbm>>) target_semaphore(%run_scoped3A : memref<!tpu.dma_semaphore, #tpu.memory_space<semaphore_mem>>)
        %dma_wait3A_104 = arith.constant 0 : i32
        %dma_wait3A_105 = arith.constant 0 : i32
        %dma_wait3A_106 = tpu.memref_slice %arg8[%dma_wait3A_104, %dma_wait3A_105] : memref<80x128xf32, #tpu.memory_space<vmem>> -> memref<8x128xf32, #tpu.memory_space<vmem>>
        %dma_wait3A_107 = arith.constant 0 : i32
        %dma_wait3A_108 = tpu.memref_slice %arg4[%arg0, %add3A_91, %dma_wait3A_107] : memref<2x80x128xf32, #tpu.memory_space<hbm>> -> memref<1x8x128xf32, #tpu.memory_space<hbm>>
        %dma_wait3A_109 = tpu.memref_squeeze %dma_wait3A_108 : memref<1x8x128xf32, #tpu.memory_space<hbm>> -> memref<8x128xf32, #tpu.memory_space<hbm>>
        %dma_wait3A_110 = arith.constant 0 : i32
        %dma_wait3A_111 = tpu.memref_slice %arg4[%arg0, %add3A_91, %dma_wait3A_110] : memref<2x80x128xf32, #tpu.memory_space<hbm>> -> memref<1x8x128xf32, #tpu.memory_space<hbm>>
        %dma_wait3A_112 = tpu.memref_squeeze %dma_wait3A_111 : memref<1x8x128xf32, #tpu.memory_space<hbm>> -> memref<8x128xf32, #tpu.memory_space<hbm>>
        %dma_wait3A_113 = arith.constant 0 : i32
        %dma_wait3A_114 = arith.constant 0 : i32
        %dma_wait3A_115 = tpu.memref_slice %arg8[%dma_wait3A_113, %dma_wait3A_114] : memref<80x128xf32, #tpu.memory_space<vmem>> -> memref<8x128xf32, #tpu.memory_space<vmem>>
        tpu.wait_dma2 semaphore(%run_scoped3A : memref<!tpu.dma_semaphore, #tpu.memory_space<semaphore_mem>>) src(%dma_wait3A_115 : memref<8x128xf32, #tpu.memory_space<vmem>>) dst(%dma_wait3A_112 : memref<8x128xf32, #tpu.memory_space<hbm>>)
        tpu.yield
      }) : () -> ()
      "tpu.region"() ({
        %run_scoped3A = tpu.sem_alloc : memref<!tpu.dma_semaphore, #tpu.memory_space<semaphore_mem>>
        %dma_start3A_92 = arith.constant 0 : i32
        %dma_start3A_93 = arith.constant 0 : i32
        %dma_start3A_94 = tpu.memref_slice %arg9[%dma_start3A_92, %dma_start3A_93] : memref<80x128xf32, #tpu.memory_space<vmem>> -> memref<8x128xf32, #tpu.memory_space<vmem>>
        %dma_start3A_95 = arith.constant 0 : i32
        %dma_start3A_96 = tpu.memref_slice %arg12[%add3A_91, %dma_start3A_95] : memref<80x128xf32, #tpu.memory_space<vmem_shared>> -> memref<8x128xf32, #tpu.memory_space<vmem_shared>>
        %dma_start3A_97 = arith.constant 0 : i32
        %dma_start3A_98 = arith.constant 0 : i32
        %dma_start3A_99 = tpu.memref_slice %arg9[%dma_start3A_97, %dma_start3A_98] : memref<80x128xf32, #tpu.memory_space<vmem>> -> memref<8x128xf32, #tpu.memory_space<vmem>>
        %dma_start3A_100 = arith.constant 0 : i32
        %dma_start3A_101 = tpu.memref_slice %arg12[%add3A_91, %dma_start3A_100] : memref<80x128xf32, #tpu.memory_space<vmem_shared>> -> memref<8x128xf32, #tpu.memory_space<vmem_shared>>
        tpu.enqueue_dma source(%dma_start3A_101 : memref<8x128xf32, #tpu.memory_space<vmem_shared>>) target(%dma_start3A_99 : memref<8x128xf32, #tpu.memory_space<vmem>>) target_semaphore(%run_scoped3A : memref<!tpu.dma_semaphore, #tpu.memory_space<semaphore_mem>>)
        %dma_wait3A_102 = arith.constant 0 : i32
        %dma_wait3A_103 = arith.constant 0 : i32
        %dma_wait3A_104 = tpu.memref_slice %arg9[%dma_wait3A_102, %dma_wait3A_103] : memref<80x128xf32, #tpu.memory_space<vmem>> -> memref<8x128xf32, #tpu.memory_space<vmem>>
        %dma_wait3A_105 = arith.constant 0 : i32
        %dma_wait3A_106 = tpu.memref_slice %arg12[%add3A_91, %dma_wait3A_105] : memref<80x128xf32, #tpu.memory_space<vmem_shared>> -> memref<8x128xf32, #tpu.memory_space<vmem_shared>>
        %dma_wait3A_107 = arith.constant 0 : i32
        %dma_wait3A_108 = arith.constant 0 : i32
        %dma_wait3A_109 = tpu.memref_slice %arg9[%dma_wait3A_107, %dma_wait3A_108] : memref<80x128xf32, #tpu.memory_space<vmem>> -> memref<8x128xf32, #tpu.memory_space<vmem>>
        %dma_wait3A_110 = arith.constant 0 : i32
        %dma_wait3A_111 = tpu.memref_slice %arg12[%add3A_91, %dma_wait3A_110] : memref<80x128xf32, #tpu.memory_space<vmem_shared>> -> memref<8x128xf32, #tpu.memory_space<vmem_shared>>
        tpu.wait_dma2 semaphore(%run_scoped3A : memref<!tpu.dma_semaphore, #tpu.memory_space<semaphore_mem>>) src(%dma_wait3A_111 : memref<8x128xf32, #tpu.memory_space<vmem_shared>>) dst(%dma_wait3A_109 : memref<8x128xf32, #tpu.memory_space<vmem>>)
        tpu.yield
      }) : () -> ()
      "tpu.region"() ({
        %run_scoped3A = tpu.sem_alloc : memref<!tpu.dma_semaphore, #tpu.memory_space<semaphore_mem>>
        %dma_start3A_92 = arith.constant 0 : i32
        %dma_start3A_93 = arith.constant 0 : i32
        %dma_start3A_94 = tpu.memref_slice %arg9[%dma_start3A_92, %dma_start3A_93] : memref<80x128xf32, #tpu.memory_space<vmem>> -> memref<8x128xf32, #tpu.memory_space<vmem>>
        %dma_start3A_95 = arith.constant 0 : i32
        %dma_start3A_96 = tpu.memref_slice %arg5[%arg0, %add3A_91, %dma_start3A_95] : memref<2x80x128xf32, #tpu.memory_space<hbm>> -> memref<1x8x128xf32, #tpu.memory_space<hbm>>
        %dma_start3A_97 = tpu.memref_squeeze %dma_start3A_96 : memref<1x8x128xf32, #tpu.memory_space<hbm>> -> memref<8x128xf32, #tpu.memory_space<hbm>>
        %dma_start3A_98 = arith.constant 0 : i32
        %dma_start3A_99 = tpu.memref_slice %arg5[%arg0, %add3A_91, %dma_start3A_98] : memref<2x80x128xf32, #tpu.memory_space<hbm>> -> memref<1x8x128xf32, #tpu.memory_space<hbm>>
        %dma_start3A_100 = tpu.memref_squeeze %dma_start3A_99 : memref<1x8x128xf32, #tpu.memory_space<hbm>> -> memref<8x128xf32, #tpu.memory_space<hbm>>
        %dma_start3A_101 = arith.constant 0 : i32
        %dma_start3A_102 = arith.constant 0 : i32
        %dma_start3A_103 = tpu.memref_slice %arg9[%dma_start3A_101, %dma_start3A_102] : memref<80x128xf32, #tpu.memory_space<vmem>> -> memref<8x128xf32, #tpu.memory_space<vmem>>
        tpu.enqueue_dma source(%dma_start3A_103 : memref<8x128xf32, #tpu.memory_space<vmem>>) target(%dma_start3A_100 : memref<8x128xf32, #tpu.memory_space<hbm>>) target_semaphore(%run_scoped3A : memref<!tpu.dma_semaphore, #tpu.memory_space<semaphore_mem>>)
        %dma_wait3A_104 = arith.constant 0 : i32
        %dma_wait3A_105 = arith.constant 0 : i32
        %dma_wait3A_106 = tpu.memref_slice %arg9[%dma_wait3A_104, %dma_wait3A_105] : memref<80x128xf32, #tpu.memory_space<vmem>> -> memref<8x128xf32, #tpu.memory_space<vmem>>
        %dma_wait3A_107 = arith.constant 0 : i32
        %dma_wait3A_108 = tpu.memref_slice %arg5[%arg0, %add3A_91, %dma_wait3A_107] : memref<2x80x128xf32, #tpu.memory_space<hbm>> -> memref<1x8x128xf32, #tpu.memory_space<hbm>>
        %dma_wait3A_109 = tpu.memref_squeeze %dma_wait3A_108 : memref<1x8x128xf32, #tpu.memory_space<hbm>> -> memref<8x128xf32, #tpu.memory_space<hbm>>
        %dma_wait3A_110 = arith.constant 0 : i32
        %dma_wait3A_111 = tpu.memref_slice %arg5[%arg0, %add3A_91, %dma_wait3A_110] : memref<2x80x128xf32, #tpu.memory_space<hbm>> -> memref<1x8x128xf32, #tpu.memory_space<hbm>>
        %dma_wait3A_112 = tpu.memref_squeeze %dma_wait3A_111 : memref<1x8x128xf32, #tpu.memory_space<hbm>> -> memref<8x128xf32, #tpu.memory_space<hbm>>
        %dma_wait3A_113 = arith.constant 0 : i32
        %dma_wait3A_114 = arith.constant 0 : i32
        %dma_wait3A_115 = tpu.memref_slice %arg9[%dma_wait3A_113, %dma_wait3A_114] : memref<80x128xf32, #tpu.memory_space<vmem>> -> memref<8x128xf32, #tpu.memory_space<vmem>>
        tpu.wait_dma2 semaphore(%run_scoped3A : memref<!tpu.dma_semaphore, #tpu.memory_space<semaphore_mem>>) src(%dma_wait3A_115 : memref<8x128xf32, #tpu.memory_space<vmem>>) dst(%dma_wait3A_112 : memref<8x128xf32, #tpu.memory_space<hbm>>)
        tpu.yield
      }) : () -> ()
    }
    return
  }
}

#map = affine_map<(d0, d1) -> (0, 0)>
#map1 = affine_map<(d0, d1) -> (0)>
#map2 = affine_map<(d0, d1) -> (0, 0, 0)>
module attributes {stable_mosaic.version = 14 : i64} {
  func.func @_spmm_body(%arg0: i32, %arg1: i32, %arg2: memref<10000x128xf32, #tpu.memory_space<hbm>>, %arg3: memref<320000xi32, #tpu.memory_space<hbm>>, %arg4: memref<320000xi32, #tpu.memory_space<hbm>>, %arg5: memref<2x10000x128xf32, #tpu.memory_space<hbm>>, %arg6: memref<80xi32, #tpu.memory_space<vmem>>, %arg7: memref<80xi32, #tpu.memory_space<vmem>>, %arg8: memref<80xi32, #tpu.memory_space<vmem>>, %arg9: memref<80xi32, #tpu.memory_space<vmem>>, %arg10: memref<80xi32, #tpu.memory_space<vmem>>, %arg11: memref<80xi32, #tpu.memory_space<vmem>>, %arg12: memref<80xi32, #tpu.memory_space<vmem>>, %arg13: memref<80xi32, #tpu.memory_space<vmem>>, %arg14: memref<80xi32, #tpu.memory_space<vmem>>, %arg15: memref<80xi32, #tpu.memory_space<vmem>>, %arg16: memref<80xi32, #tpu.memory_space<vmem>>, %arg17: memref<80xi32, #tpu.memory_space<vmem>>, %arg18: memref<80xi32, #tpu.memory_space<vmem>>, %arg19: memref<80xi32, #tpu.memory_space<vmem>>, %arg20: memref<80xi32, #tpu.memory_space<vmem>>, %arg21: memref<80xi32, #tpu.memory_space<vmem>>, %arg22: memref<80x128xf32, #tpu.memory_space<vmem>>, %arg23: memref<80x128xf32, #tpu.memory_space<vmem>>, %arg24: memref<80x128xf32, #tpu.memory_space<vmem>>, %arg25: memref<80x128xf32, #tpu.memory_space<vmem>>, %arg26: memref<10000x128xf32, #tpu.memory_space<vmem_shared>>, %arg27: memref<!tpu.dma_semaphore, #tpu.memory_space<semaphore_mem>>, %arg28: memref<!tpu.dma_semaphore, #tpu.memory_space<semaphore_mem>>, %arg29: memref<!tpu.dma_semaphore, #tpu.memory_space<semaphore_mem>>, %arg30: memref<!tpu.dma_semaphore, #tpu.memory_space<semaphore_mem>>, %arg31: memref<!tpu.dma_semaphore, #tpu.memory_space<semaphore_mem>>, %arg32: memref<!tpu.dma_semaphore, #tpu.memory_space<semaphore_mem>>, %arg33: memref<!tpu.dma_semaphore, #tpu.memory_space<semaphore_mem>>, %arg34: memref<!tpu.dma_semaphore, #tpu.memory_space<semaphore_mem>>, %arg35: memref<!tpu.dma_semaphore, #tpu.memory_space<semaphore_mem>>, %arg36: memref<!tpu.dma_semaphore, #tpu.memory_space<semaphore_mem>>, %arg37: memref<!tpu.dma_semaphore, #tpu.memory_space<semaphore_mem>>, %arg38: memref<!tpu.dma_semaphore, #tpu.memory_space<semaphore_mem>>, %arg39: memref<!tpu.dma_semaphore, #tpu.memory_space<semaphore_mem>>, %arg40: memref<!tpu.dma_semaphore, #tpu.memory_space<semaphore_mem>>, %arg41: memref<!tpu.dma_semaphore, #tpu.memory_space<semaphore_mem>>, %arg42: memref<!tpu.dma_semaphore, #tpu.memory_space<semaphore_mem>>) attributes {dimension_semantics = [#tpu.dimension_semantics<core_parallel>, #tpu.dimension_semantics<subcore_parallel>], iteration_bounds = array<i64: 2, 16>, scalar_prefetch = 0 : i64, scratch_operands = 37 : i64, tpu.core_type = #tpu.core_type<sc_vector_subcore>, window_params = [{transform_indices = #map}, {transform_indices = #map1}, {transform_indices = #map1}, {transform_indices = #map2}]} {
    %mul3A = arith.constant 16 : i32
    %mul3A_0 = arith.muli %arg0, %mul3A : i32
    %add3A = arith.addi %mul3A_0, %arg1 : i32
    %mul3A_1 = arith.constant 10000 : i32
    %mul3A_2 = arith.muli %add3A, %mul3A_1 : i32
    %broadcast_in_dim3A = arith.constant 0.000000e+00 : f32
    %broadcast_in_dim3A_3 = vector.broadcast %broadcast_in_dim3A : f32 to vector<16xf32>
    %add3A_4 = arith.constant 0 : i32
    %add3A_5 = arith.addi %mul3A_2, %add3A_4 : i32
    %dma_start3A = tpu.memref_slice %arg3[%add3A_5] : memref<320000xi32, #tpu.memory_space<hbm>> -> memref<80xi32, #tpu.memory_space<hbm>>
    %dma_start3A_6 = tpu.memref_slice %arg3[%add3A_5] : memref<320000xi32, #tpu.memory_space<hbm>> -> memref<80xi32, #tpu.memory_space<hbm>>
    tpu.enqueue_dma source(%dma_start3A_6 : memref<80xi32, #tpu.memory_space<hbm>>) target(%arg6 : memref<80xi32, #tpu.memory_space<vmem>>) target_semaphore(%arg27 : memref<!tpu.dma_semaphore, #tpu.memory_space<semaphore_mem>>)
    %add3A_7 = arith.constant 0 : i32
    %add3A_8 = arith.addi %mul3A_2, %add3A_7 : i32
    %dma_start3A_9 = tpu.memref_slice %arg4[%add3A_8] : memref<320000xi32, #tpu.memory_space<hbm>> -> memref<80xi32, #tpu.memory_space<hbm>>
    %dma_start3A_10 = tpu.memref_slice %arg4[%add3A_8] : memref<320000xi32, #tpu.memory_space<hbm>> -> memref<80xi32, #tpu.memory_space<hbm>>
    tpu.enqueue_dma source(%dma_start3A_10 : memref<80xi32, #tpu.memory_space<hbm>>) target(%arg14 : memref<80xi32, #tpu.memory_space<vmem>>) target_semaphore(%arg27 : memref<!tpu.dma_semaphore, #tpu.memory_space<semaphore_mem>>)
    %add3A_11 = arith.constant 80 : i32
    %add3A_12 = arith.addi %mul3A_2, %add3A_11 : i32
    %dma_start3A_13 = tpu.memref_slice %arg3[%add3A_12] : memref<320000xi32, #tpu.memory_space<hbm>> -> memref<80xi32, #tpu.memory_space<hbm>>
    %dma_start3A_14 = tpu.memref_slice %arg3[%add3A_12] : memref<320000xi32, #tpu.memory_space<hbm>> -> memref<80xi32, #tpu.memory_space<hbm>>
    tpu.enqueue_dma source(%dma_start3A_14 : memref<80xi32, #tpu.memory_space<hbm>>) target(%arg7 : memref<80xi32, #tpu.memory_space<vmem>>) target_semaphore(%arg28 : memref<!tpu.dma_semaphore, #tpu.memory_space<semaphore_mem>>)
    %add3A_15 = arith.constant 80 : i32
    %add3A_16 = arith.addi %mul3A_2, %add3A_15 : i32
    %dma_start3A_17 = tpu.memref_slice %arg4[%add3A_16] : memref<320000xi32, #tpu.memory_space<hbm>> -> memref<80xi32, #tpu.memory_space<hbm>>
    %dma_start3A_18 = tpu.memref_slice %arg4[%add3A_16] : memref<320000xi32, #tpu.memory_space<hbm>> -> memref<80xi32, #tpu.memory_space<hbm>>
    tpu.enqueue_dma source(%dma_start3A_18 : memref<80xi32, #tpu.memory_space<hbm>>) target(%arg15 : memref<80xi32, #tpu.memory_space<vmem>>) target_semaphore(%arg28 : memref<!tpu.dma_semaphore, #tpu.memory_space<semaphore_mem>>)
    %add3A_19 = arith.constant 160 : i32
    %add3A_20 = arith.addi %mul3A_2, %add3A_19 : i32
    %dma_start3A_21 = tpu.memref_slice %arg3[%add3A_20] : memref<320000xi32, #tpu.memory_space<hbm>> -> memref<80xi32, #tpu.memory_space<hbm>>
    %dma_start3A_22 = tpu.memref_slice %arg3[%add3A_20] : memref<320000xi32, #tpu.memory_space<hbm>> -> memref<80xi32, #tpu.memory_space<hbm>>
    tpu.enqueue_dma source(%dma_start3A_22 : memref<80xi32, #tpu.memory_space<hbm>>) target(%arg8 : memref<80xi32, #tpu.memory_space<vmem>>) target_semaphore(%arg29 : memref<!tpu.dma_semaphore, #tpu.memory_space<semaphore_mem>>)
    %add3A_23 = arith.constant 160 : i32
    %add3A_24 = arith.addi %mul3A_2, %add3A_23 : i32
    %dma_start3A_25 = tpu.memref_slice %arg4[%add3A_24] : memref<320000xi32, #tpu.memory_space<hbm>> -> memref<80xi32, #tpu.memory_space<hbm>>
    %dma_start3A_26 = tpu.memref_slice %arg4[%add3A_24] : memref<320000xi32, #tpu.memory_space<hbm>> -> memref<80xi32, #tpu.memory_space<hbm>>
    tpu.enqueue_dma source(%dma_start3A_26 : memref<80xi32, #tpu.memory_space<hbm>>) target(%arg16 : memref<80xi32, #tpu.memory_space<vmem>>) target_semaphore(%arg29 : memref<!tpu.dma_semaphore, #tpu.memory_space<semaphore_mem>>)
    %add3A_27 = arith.constant 240 : i32
    %add3A_28 = arith.addi %mul3A_2, %add3A_27 : i32
    %dma_start3A_29 = tpu.memref_slice %arg3[%add3A_28] : memref<320000xi32, #tpu.memory_space<hbm>> -> memref<80xi32, #tpu.memory_space<hbm>>
    %dma_start3A_30 = tpu.memref_slice %arg3[%add3A_28] : memref<320000xi32, #tpu.memory_space<hbm>> -> memref<80xi32, #tpu.memory_space<hbm>>
    tpu.enqueue_dma source(%dma_start3A_30 : memref<80xi32, #tpu.memory_space<hbm>>) target(%arg9 : memref<80xi32, #tpu.memory_space<vmem>>) target_semaphore(%arg30 : memref<!tpu.dma_semaphore, #tpu.memory_space<semaphore_mem>>)
    %add3A_31 = arith.constant 240 : i32
    %add3A_32 = arith.addi %mul3A_2, %add3A_31 : i32
    %dma_start3A_33 = tpu.memref_slice %arg4[%add3A_32] : memref<320000xi32, #tpu.memory_space<hbm>> -> memref<80xi32, #tpu.memory_space<hbm>>
    %dma_start3A_34 = tpu.memref_slice %arg4[%add3A_32] : memref<320000xi32, #tpu.memory_space<hbm>> -> memref<80xi32, #tpu.memory_space<hbm>>
    tpu.enqueue_dma source(%dma_start3A_34 : memref<80xi32, #tpu.memory_space<hbm>>) target(%arg17 : memref<80xi32, #tpu.memory_space<vmem>>) target_semaphore(%arg30 : memref<!tpu.dma_semaphore, #tpu.memory_space<semaphore_mem>>)
    %add3A_35 = arith.constant 320 : i32
    %add3A_36 = arith.addi %mul3A_2, %add3A_35 : i32
    %dma_start3A_37 = tpu.memref_slice %arg3[%add3A_36] : memref<320000xi32, #tpu.memory_space<hbm>> -> memref<80xi32, #tpu.memory_space<hbm>>
    %dma_start3A_38 = tpu.memref_slice %arg3[%add3A_36] : memref<320000xi32, #tpu.memory_space<hbm>> -> memref<80xi32, #tpu.memory_space<hbm>>
    tpu.enqueue_dma source(%dma_start3A_38 : memref<80xi32, #tpu.memory_space<hbm>>) target(%arg10 : memref<80xi32, #tpu.memory_space<vmem>>) target_semaphore(%arg31 : memref<!tpu.dma_semaphore, #tpu.memory_space<semaphore_mem>>)
    %add3A_39 = arith.constant 320 : i32
    %add3A_40 = arith.addi %mul3A_2, %add3A_39 : i32
    %dma_start3A_41 = tpu.memref_slice %arg4[%add3A_40] : memref<320000xi32, #tpu.memory_space<hbm>> -> memref<80xi32, #tpu.memory_space<hbm>>
    %dma_start3A_42 = tpu.memref_slice %arg4[%add3A_40] : memref<320000xi32, #tpu.memory_space<hbm>> -> memref<80xi32, #tpu.memory_space<hbm>>
    tpu.enqueue_dma source(%dma_start3A_42 : memref<80xi32, #tpu.memory_space<hbm>>) target(%arg18 : memref<80xi32, #tpu.memory_space<vmem>>) target_semaphore(%arg31 : memref<!tpu.dma_semaphore, #tpu.memory_space<semaphore_mem>>)
    %add3A_43 = arith.constant 400 : i32
    %add3A_44 = arith.addi %mul3A_2, %add3A_43 : i32
    %dma_start3A_45 = tpu.memref_slice %arg3[%add3A_44] : memref<320000xi32, #tpu.memory_space<hbm>> -> memref<80xi32, #tpu.memory_space<hbm>>
    %dma_start3A_46 = tpu.memref_slice %arg3[%add3A_44] : memref<320000xi32, #tpu.memory_space<hbm>> -> memref<80xi32, #tpu.memory_space<hbm>>
    tpu.enqueue_dma source(%dma_start3A_46 : memref<80xi32, #tpu.memory_space<hbm>>) target(%arg11 : memref<80xi32, #tpu.memory_space<vmem>>) target_semaphore(%arg32 : memref<!tpu.dma_semaphore, #tpu.memory_space<semaphore_mem>>)
    %add3A_47 = arith.constant 400 : i32
    %add3A_48 = arith.addi %mul3A_2, %add3A_47 : i32
    %dma_start3A_49 = tpu.memref_slice %arg4[%add3A_48] : memref<320000xi32, #tpu.memory_space<hbm>> -> memref<80xi32, #tpu.memory_space<hbm>>
    %dma_start3A_50 = tpu.memref_slice %arg4[%add3A_48] : memref<320000xi32, #tpu.memory_space<hbm>> -> memref<80xi32, #tpu.memory_space<hbm>>
    tpu.enqueue_dma source(%dma_start3A_50 : memref<80xi32, #tpu.memory_space<hbm>>) target(%arg19 : memref<80xi32, #tpu.memory_space<vmem>>) target_semaphore(%arg32 : memref<!tpu.dma_semaphore, #tpu.memory_space<semaphore_mem>>)
    %add3A_51 = arith.constant 480 : i32
    %add3A_52 = arith.addi %mul3A_2, %add3A_51 : i32
    %dma_start3A_53 = tpu.memref_slice %arg3[%add3A_52] : memref<320000xi32, #tpu.memory_space<hbm>> -> memref<80xi32, #tpu.memory_space<hbm>>
    %dma_start3A_54 = tpu.memref_slice %arg3[%add3A_52] : memref<320000xi32, #tpu.memory_space<hbm>> -> memref<80xi32, #tpu.memory_space<hbm>>
    tpu.enqueue_dma source(%dma_start3A_54 : memref<80xi32, #tpu.memory_space<hbm>>) target(%arg12 : memref<80xi32, #tpu.memory_space<vmem>>) target_semaphore(%arg33 : memref<!tpu.dma_semaphore, #tpu.memory_space<semaphore_mem>>)
    %add3A_55 = arith.constant 480 : i32
    %add3A_56 = arith.addi %mul3A_2, %add3A_55 : i32
    %dma_start3A_57 = tpu.memref_slice %arg4[%add3A_56] : memref<320000xi32, #tpu.memory_space<hbm>> -> memref<80xi32, #tpu.memory_space<hbm>>
    %dma_start3A_58 = tpu.memref_slice %arg4[%add3A_56] : memref<320000xi32, #tpu.memory_space<hbm>> -> memref<80xi32, #tpu.memory_space<hbm>>
    tpu.enqueue_dma source(%dma_start3A_58 : memref<80xi32, #tpu.memory_space<hbm>>) target(%arg20 : memref<80xi32, #tpu.memory_space<vmem>>) target_semaphore(%arg33 : memref<!tpu.dma_semaphore, #tpu.memory_space<semaphore_mem>>)
    %add3A_59 = arith.constant 560 : i32
    %add3A_60 = arith.addi %mul3A_2, %add3A_59 : i32
    %dma_start3A_61 = tpu.memref_slice %arg3[%add3A_60] : memref<320000xi32, #tpu.memory_space<hbm>> -> memref<80xi32, #tpu.memory_space<hbm>>
    %dma_start3A_62 = tpu.memref_slice %arg3[%add3A_60] : memref<320000xi32, #tpu.memory_space<hbm>> -> memref<80xi32, #tpu.memory_space<hbm>>
    tpu.enqueue_dma source(%dma_start3A_62 : memref<80xi32, #tpu.memory_space<hbm>>) target(%arg13 : memref<80xi32, #tpu.memory_space<vmem>>) target_semaphore(%arg34 : memref<!tpu.dma_semaphore, #tpu.memory_space<semaphore_mem>>)
    %add3A_63 = arith.constant 560 : i32
    %add3A_64 = arith.addi %mul3A_2, %add3A_63 : i32
    %dma_start3A_65 = tpu.memref_slice %arg4[%add3A_64] : memref<320000xi32, #tpu.memory_space<hbm>> -> memref<80xi32, #tpu.memory_space<hbm>>
    %dma_start3A_66 = tpu.memref_slice %arg4[%add3A_64] : memref<320000xi32, #tpu.memory_space<hbm>> -> memref<80xi32, #tpu.memory_space<hbm>>
    tpu.enqueue_dma source(%dma_start3A_66 : memref<80xi32, #tpu.memory_space<hbm>>) target(%arg21 : memref<80xi32, #tpu.memory_space<vmem>>) target_semaphore(%arg34 : memref<!tpu.dma_semaphore, #tpu.memory_space<semaphore_mem>>)
    %scan3A = arith.constant 0 : i32
    %scan3A_67 = arith.constant 80 : i32
    %scan3A_68 = arith.addi %scan3A, %scan3A_67 : i32
    %scan3A_69 = arith.constant 1 : i32
    scf.for %scan3A_413 = %scan3A to %scan3A_68 step %scan3A_69  : i32 {
      %mul3A_414 = arith.constant 1 : i32
      %mul3A_415 = arith.muli %scan3A_413, %mul3A_414 : i32
      %add3A_416 = arith.constant 0 : i32
      %add3A_417 = arith.addi %add3A_416, %mul3A_415 : i32
      %swap3A = arith.index_cast %add3A_417 : i32 to index
      %swap3A_418 = arith.constant 0 : index
      %swap3A_419 = tpu.vector_load %arg22[%swap3A, %swap3A_418] {strides = array<i32>} : memref<80x128xf32, #tpu.memory_space<vmem>>, vector<16xf32>,
      tpu.vector_store %arg22[%swap3A, %swap3A_418], %broadcast_in_dim3A_3 {strides = array<i32>} : memref<80x128xf32, #tpu.memory_space<vmem>>, vector<16xf32>,
      %swap3A_420 = arith.index_cast %add3A_417 : i32 to index
      %swap3A_421 = arith.constant 16 : index
      %swap3A_422 = tpu.vector_load %arg22[%swap3A_420, %swap3A_421] {strides = array<i32>} : memref<80x128xf32, #tpu.memory_space<vmem>>, vector<16xf32>,
      tpu.vector_store %arg22[%swap3A_420, %swap3A_421], %broadcast_in_dim3A_3 {strides = array<i32>} : memref<80x128xf32, #tpu.memory_space<vmem>>, vector<16xf32>,
      %swap3A_423 = arith.index_cast %add3A_417 : i32 to index
      %swap3A_424 = arith.constant 32 : index
      %swap3A_425 = tpu.vector_load %arg22[%swap3A_423, %swap3A_424] {strides = array<i32>} : memref<80x128xf32, #tpu.memory_space<vmem>>, vector<16xf32>,
      tpu.vector_store %arg22[%swap3A_423, %swap3A_424], %broadcast_in_dim3A_3 {strides = array<i32>} : memref<80x128xf32, #tpu.memory_space<vmem>>, vector<16xf32>,
      %swap3A_426 = arith.index_cast %add3A_417 : i32 to index
      %swap3A_427 = arith.constant 48 : index
      %swap3A_428 = tpu.vector_load %arg22[%swap3A_426, %swap3A_427] {strides = array<i32>} : memref<80x128xf32, #tpu.memory_space<vmem>>, vector<16xf32>,
      tpu.vector_store %arg22[%swap3A_426, %swap3A_427], %broadcast_in_dim3A_3 {strides = array<i32>} : memref<80x128xf32, #tpu.memory_space<vmem>>, vector<16xf32>,
      %swap3A_429 = arith.index_cast %add3A_417 : i32 to index
      %swap3A_430 = arith.constant 64 : index
      %swap3A_431 = tpu.vector_load %arg22[%swap3A_429, %swap3A_430] {strides = array<i32>} : memref<80x128xf32, #tpu.memory_space<vmem>>, vector<16xf32>,
      tpu.vector_store %arg22[%swap3A_429, %swap3A_430], %broadcast_in_dim3A_3 {strides = array<i32>} : memref<80x128xf32, #tpu.memory_space<vmem>>, vector<16xf32>,
      %swap3A_432 = arith.index_cast %add3A_417 : i32 to index
      %swap3A_433 = arith.constant 80 : index
      %swap3A_434 = tpu.vector_load %arg22[%swap3A_432, %swap3A_433] {strides = array<i32>} : memref<80x128xf32, #tpu.memory_space<vmem>>, vector<16xf32>,
      tpu.vector_store %arg22[%swap3A_432, %swap3A_433], %broadcast_in_dim3A_3 {strides = array<i32>} : memref<80x128xf32, #tpu.memory_space<vmem>>, vector<16xf32>,
      %swap3A_435 = arith.index_cast %add3A_417 : i32 to index
      %swap3A_436 = arith.constant 96 : index
      %swap3A_437 = tpu.vector_load %arg22[%swap3A_435, %swap3A_436] {strides = array<i32>} : memref<80x128xf32, #tpu.memory_space<vmem>>, vector<16xf32>,
      tpu.vector_store %arg22[%swap3A_435, %swap3A_436], %broadcast_in_dim3A_3 {strides = array<i32>} : memref<80x128xf32, #tpu.memory_space<vmem>>, vector<16xf32>,
      %swap3A_438 = arith.index_cast %add3A_417 : i32 to index
      %swap3A_439 = arith.constant 112 : index
      %swap3A_440 = tpu.vector_load %arg22[%swap3A_438, %swap3A_439] {strides = array<i32>} : memref<80x128xf32, #tpu.memory_space<vmem>>, vector<16xf32>,
      tpu.vector_store %arg22[%swap3A_438, %swap3A_439], %broadcast_in_dim3A_3 {strides = array<i32>} : memref<80x128xf32, #tpu.memory_space<vmem>>, vector<16xf32>,
    }
    %scan3A_70 = arith.constant 80 : i32
    %mul3A_71 = arith.constant 80 : i32
    %mul3A_72 = arith.muli %arg1, %mul3A_71 : i32
    %sub3A = arith.constant 10000 : i32
    %sub3A_73 = arith.subi %sub3A, %mul3A_72 : i32
    %sub3A_74 = arith.constant 1280 : i32
    %sub3A_75 = arith.constant 1 : i32
    %sub3A_76 = arith.subi %sub3A_74, %sub3A_75 : i32
    %add3A_77 = arith.addi %sub3A_73, %sub3A_76 : i32
    %div3A = arith.constant 1280 : i32
    %div3A_78 = arith.divsi %add3A_77, %div3A : i32
    %while3A = arith.constant 1280 : i32
    %while3A_79 = arith.constant 0 : i32
    %while3A_80 = arith.subi %div3A_78, %while3A_79 : i32
    %while3A_81 = arith.addi %while3A_79, %while3A_80 : i32
    %while3A_82 = arith.constant 1 : i32
    %while3A_83 = arith.divsi %while3A_80, %while3A_82 : i32
    %while3A_84 = arith.muli %while3A_83, %while3A_82 : i32
    %while3A_85 = arith.addi %while3A_79, %while3A_84 : i32
    %while3A_86 = arith.constant 1 : i32
    scf.for %while3A_413 = %while3A_79 to %while3A_85 step %while3A_86  : i32 {
      %mul3A_414 = arith.muli %while3A_413, %while3A : i32
      %add3A_415 = arith.addi %mul3A_72, %mul3A_414 : i32
      "tpu.region"() ({
        %run_scoped3A = tpu.sem_alloc : memref<!tpu.dma_semaphore, #tpu.memory_space<semaphore_mem>>
        %dma_start3A_416 = arith.constant 0 : i32
        %dma_start3A_417 = tpu.memref_slice %arg26[%add3A_415, %dma_start3A_416] : memref<10000x128xf32, #tpu.memory_space<vmem_shared>> -> memref<80x128xf32, #tpu.memory_space<vmem_shared>>
        %dma_start3A_418 = arith.constant 0 : i32
        %dma_start3A_419 = tpu.memref_slice %arg26[%add3A_415, %dma_start3A_418] : memref<10000x128xf32, #tpu.memory_space<vmem_shared>> -> memref<80x128xf32, #tpu.memory_space<vmem_shared>>
        tpu.enqueue_dma source(%arg22 : memref<80x128xf32, #tpu.memory_space<vmem>>) target(%dma_start3A_419 : memref<80x128xf32, #tpu.memory_space<vmem_shared>>) target_semaphore(%run_scoped3A : memref<!tpu.dma_semaphore, #tpu.memory_space<semaphore_mem>>)
        %dma_wait3A_420 = arith.constant 0 : i32
        %dma_wait3A_421 = tpu.memref_slice %arg26[%add3A_415, %dma_wait3A_420] : memref<10000x128xf32, #tpu.memory_space<vmem_shared>> -> memref<80x128xf32, #tpu.memory_space<vmem_shared>>
        %dma_wait3A_422 = arith.constant 0 : i32
        %dma_wait3A_423 = tpu.memref_slice %arg26[%add3A_415, %dma_wait3A_422] : memref<10000x128xf32, #tpu.memory_space<vmem_shared>> -> memref<80x128xf32, #tpu.memory_space<vmem_shared>>
        tpu.wait_dma2 semaphore(%run_scoped3A : memref<!tpu.dma_semaphore, #tpu.memory_space<semaphore_mem>>) src(%arg22 : memref<80x128xf32, #tpu.memory_space<vmem>>) dst(%dma_wait3A_423 : memref<80x128xf32, #tpu.memory_space<vmem_shared>>)
        tpu.yield
      }) : () -> ()
    }
    %while3A_87 = arith.constant 1 : i32
    scf.for %while3A_413 = %while3A_85 to %while3A_81 step %while3A_87  : i32 {
      %mul3A_414 = arith.muli %while3A_413, %while3A : i32
      %add3A_415 = arith.addi %mul3A_72, %mul3A_414 : i32
      "tpu.region"() ({
        %run_scoped3A = tpu.sem_alloc : memref<!tpu.dma_semaphore, #tpu.memory_space<semaphore_mem>>
        %dma_start3A_416 = arith.constant 0 : i32
        %dma_start3A_417 = tpu.memref_slice %arg26[%add3A_415, %dma_start3A_416] : memref<10000x128xf32, #tpu.memory_space<vmem_shared>> -> memref<80x128xf32, #tpu.memory_space<vmem_shared>>
        %dma_start3A_418 = arith.constant 0 : i32
        %dma_start3A_419 = tpu.memref_slice %arg26[%add3A_415, %dma_start3A_418] : memref<10000x128xf32, #tpu.memory_space<vmem_shared>> -> memref<80x128xf32, #tpu.memory_space<vmem_shared>>
        tpu.enqueue_dma source(%arg22 : memref<80x128xf32, #tpu.memory_space<vmem>>) target(%dma_start3A_419 : memref<80x128xf32, #tpu.memory_space<vmem_shared>>) target_semaphore(%run_scoped3A : memref<!tpu.dma_semaphore, #tpu.memory_space<semaphore_mem>>)
        %dma_wait3A_420 = arith.constant 0 : i32
        %dma_wait3A_421 = tpu.memref_slice %arg26[%add3A_415, %dma_wait3A_420] : memref<10000x128xf32, #tpu.memory_space<vmem_shared>> -> memref<80x128xf32, #tpu.memory_space<vmem_shared>>
        %dma_wait3A_422 = arith.constant 0 : i32
        %dma_wait3A_423 = tpu.memref_slice %arg26[%add3A_415, %dma_wait3A_422] : memref<10000x128xf32, #tpu.memory_space<vmem_shared>> -> memref<80x128xf32, #tpu.memory_space<vmem_shared>>
        tpu.wait_dma2 semaphore(%run_scoped3A : memref<!tpu.dma_semaphore, #tpu.memory_space<semaphore_mem>>) src(%arg22 : memref<80x128xf32, #tpu.memory_space<vmem>>) dst(%dma_wait3A_423 : memref<80x128xf32, #tpu.memory_space<vmem_shared>>)
        tpu.yield
      }) : () -> ()
    }
    %barrier3A = arith.constant 0 : index
    tpu.barrier barrier_id(%barrier3A)
    %scan3A_88 = arith.constant 0 : i32
    %scan3A_89 = arith.constant 14 : i32
    %scan3A_90 = arith.addi %scan3A_88, %scan3A_89 : i32
    %scan3A_91 = arith.constant 1 : i32
    scf.for %scan3A_413 = %scan3A_88 to %scan3A_90 step %scan3A_91  : i32 {
      %mul3A_414 = arith.constant 8 : i32
      %mul3A_415 = arith.muli %scan3A_413, %mul3A_414 : i32
      %add3A_416 = arith.constant 0 : i32
      %add3A_417 = arith.addi %add3A_416, %mul3A_415 : i32
      %add3A_418 = arith.constant 0 : i32
      %add3A_419 = arith.addi %add3A_417, %add3A_418 : i32
      %add3A_420 = arith.constant 0 : i32
      %add3A_421 = arith.addi %add3A_419, %add3A_420 : i32
      %mul3A_422 = arith.constant 80 : i32
      %mul3A_423 = arith.muli %add3A_421, %mul3A_422 : i32
      %add3A_424 = arith.addi %mul3A_2, %mul3A_423 : i32
      %dma_wait3A_425 = tpu.memref_slice %arg3[%add3A_424] : memref<320000xi32, #tpu.memory_space<hbm>> -> memref<80xi32, #tpu.memory_space<hbm>>
      %dma_wait3A_426 = tpu.memref_slice %arg3[%add3A_424] : memref<320000xi32, #tpu.memory_space<hbm>> -> memref<80xi32, #tpu.memory_space<hbm>>
      tpu.wait_dma2 semaphore(%arg27 : memref<!tpu.dma_semaphore, #tpu.memory_space<semaphore_mem>>) src(%dma_wait3A_426 : memref<80xi32, #tpu.memory_space<hbm>>) dst(%arg6 : memref<80xi32, #tpu.memory_space<vmem>>)
      %mul3A_427 = arith.constant 80 : i32
      %mul3A_428 = arith.muli %add3A_421, %mul3A_427 : i32
      %add3A_429 = arith.addi %mul3A_2, %mul3A_428 : i32
      %dma_wait3A_430 = tpu.memref_slice %arg4[%add3A_429] : memref<320000xi32, #tpu.memory_space<hbm>> -> memref<80xi32, #tpu.memory_space<hbm>>
      %dma_wait3A_431 = tpu.memref_slice %arg4[%add3A_429] : memref<320000xi32, #tpu.memory_space<hbm>> -> memref<80xi32, #tpu.memory_space<hbm>>
      tpu.wait_dma2 semaphore(%arg27 : memref<!tpu.dma_semaphore, #tpu.memory_space<semaphore_mem>>) src(%dma_wait3A_431 : memref<80xi32, #tpu.memory_space<hbm>>) dst(%arg14 : memref<80xi32, #tpu.memory_space<vmem>>)
      %dma_start3A_432 = arith.constant 0 : i32
      %dma_start3A_433 = arith.constant 0 : i32
      %dma_start3A_434 = tpu.memref_slice %arg2[%dma_start3A_432, %dma_start3A_433] : memref<10000x128xf32, #tpu.memory_space<hbm>> -> memref<10000x128xf32, #tpu.memory_space<hbm>>
      tpu.enqueue_indirect_dma source(%dma_start3A_434 : memref<10000x128xf32, #tpu.memory_space<hbm>>) target(%arg22 : memref<80x128xf32, #tpu.memory_space<vmem>>) offsets(%arg6 : memref<80xi32, #tpu.memory_space<vmem>>) semaphore(%arg35 : memref<!tpu.dma_semaphore, #tpu.memory_space<semaphore_mem>>)
      %add3A_435 = arith.constant 0 : i32
      %add3A_436 = arith.addi %add3A_417, %add3A_435 : i32
      %add3A_437 = arith.constant 1 : i32
      %add3A_438 = arith.addi %add3A_436, %add3A_437 : i32
      %mul3A_439 = arith.constant 80 : i32
      %mul3A_440 = arith.muli %add3A_438, %mul3A_439 : i32
      %add3A_441 = arith.addi %mul3A_2, %mul3A_440 : i32
      %dma_wait3A_442 = tpu.memref_slice %arg3[%add3A_441] : memref<320000xi32, #tpu.memory_space<hbm>> -> memref<80xi32, #tpu.memory_space<hbm>>
      %dma_wait3A_443 = tpu.memref_slice %arg3[%add3A_441] : memref<320000xi32, #tpu.memory_space<hbm>> -> memref<80xi32, #tpu.memory_space<hbm>>
      tpu.wait_dma2 semaphore(%arg28 : memref<!tpu.dma_semaphore, #tpu.memory_space<semaphore_mem>>) src(%dma_wait3A_443 : memref<80xi32, #tpu.memory_space<hbm>>) dst(%arg7 : memref<80xi32, #tpu.memory_space<vmem>>)
      %mul3A_444 = arith.constant 80 : i32
      %mul3A_445 = arith.muli %add3A_438, %mul3A_444 : i32
      %add3A_446 = arith.addi %mul3A_2, %mul3A_445 : i32
      %dma_wait3A_447 = tpu.memref_slice %arg4[%add3A_446] : memref<320000xi32, #tpu.memory_space<hbm>> -> memref<80xi32, #tpu.memory_space<hbm>>
      %dma_wait3A_448 = tpu.memref_slice %arg4[%add3A_446] : memref<320000xi32, #tpu.memory_space<hbm>> -> memref<80xi32, #tpu.memory_space<hbm>>
      tpu.wait_dma2 semaphore(%arg28 : memref<!tpu.dma_semaphore, #tpu.memory_space<semaphore_mem>>) src(%dma_wait3A_448 : memref<80xi32, #tpu.memory_space<hbm>>) dst(%arg15 : memref<80xi32, #tpu.memory_space<vmem>>)
      %dma_start3A_449 = arith.constant 0 : i32
      %dma_start3A_450 = arith.constant 0 : i32
      %dma_start3A_451 = tpu.memref_slice %arg2[%dma_start3A_449, %dma_start3A_450] : memref<10000x128xf32, #tpu.memory_space<hbm>> -> memref<10000x128xf32, #tpu.memory_space<hbm>>
      tpu.enqueue_indirect_dma source(%dma_start3A_451 : memref<10000x128xf32, #tpu.memory_space<hbm>>) target(%arg23 : memref<80x128xf32, #tpu.memory_space<vmem>>) offsets(%arg7 : memref<80xi32, #tpu.memory_space<vmem>>) semaphore(%arg36 : memref<!tpu.dma_semaphore, #tpu.memory_space<semaphore_mem>>)
      %add3A_452 = arith.constant 0 : i32
      %add3A_453 = arith.addi %add3A_417, %add3A_452 : i32
      %add3A_454 = arith.constant 2 : i32
      %add3A_455 = arith.addi %add3A_453, %add3A_454 : i32
      %mul3A_456 = arith.constant 80 : i32
      %mul3A_457 = arith.muli %add3A_455, %mul3A_456 : i32
      %add3A_458 = arith.addi %mul3A_2, %mul3A_457 : i32
      %dma_wait3A_459 = tpu.memref_slice %arg3[%add3A_458] : memref<320000xi32, #tpu.memory_space<hbm>> -> memref<80xi32, #tpu.memory_space<hbm>>
      %dma_wait3A_460 = tpu.memref_slice %arg3[%add3A_458] : memref<320000xi32, #tpu.memory_space<hbm>> -> memref<80xi32, #tpu.memory_space<hbm>>
      tpu.wait_dma2 semaphore(%arg29 : memref<!tpu.dma_semaphore, #tpu.memory_space<semaphore_mem>>) src(%dma_wait3A_460 : memref<80xi32, #tpu.memory_space<hbm>>) dst(%arg8 : memref<80xi32, #tpu.memory_space<vmem>>)
      %mul3A_461 = arith.constant 80 : i32
      %mul3A_462 = arith.muli %add3A_455, %mul3A_461 : i32
      %add3A_463 = arith.addi %mul3A_2, %mul3A_462 : i32
      %dma_wait3A_464 = tpu.memref_slice %arg4[%add3A_463] : memref<320000xi32, #tpu.memory_space<hbm>> -> memref<80xi32, #tpu.memory_space<hbm>>
      %dma_wait3A_465 = tpu.memref_slice %arg4[%add3A_463] : memref<320000xi32, #tpu.memory_space<hbm>> -> memref<80xi32, #tpu.memory_space<hbm>>
      tpu.wait_dma2 semaphore(%arg29 : memref<!tpu.dma_semaphore, #tpu.memory_space<semaphore_mem>>) src(%dma_wait3A_465 : memref<80xi32, #tpu.memory_space<hbm>>) dst(%arg16 : memref<80xi32, #tpu.memory_space<vmem>>)
      %dma_start3A_466 = arith.constant 0 : i32
      %dma_start3A_467 = arith.constant 0 : i32
      %dma_start3A_468 = tpu.memref_slice %arg2[%dma_start3A_466, %dma_start3A_467] : memref<10000x128xf32, #tpu.memory_space<hbm>> -> memref<10000x128xf32, #tpu.memory_space<hbm>>
      tpu.enqueue_indirect_dma source(%dma_start3A_468 : memref<10000x128xf32, #tpu.memory_space<hbm>>) target(%arg24 : memref<80x128xf32, #tpu.memory_space<vmem>>) offsets(%arg8 : memref<80xi32, #tpu.memory_space<vmem>>) semaphore(%arg37 : memref<!tpu.dma_semaphore, #tpu.memory_space<semaphore_mem>>)
      %add3A_469 = arith.constant 0 : i32
      %add3A_470 = arith.addi %add3A_417, %add3A_469 : i32
      %add3A_471 = arith.constant 3 : i32
      %add3A_472 = arith.addi %add3A_470, %add3A_471 : i32
      %mul3A_473 = arith.constant 80 : i32
      %mul3A_474 = arith.muli %add3A_472, %mul3A_473 : i32
      %add3A_475 = arith.addi %mul3A_2, %mul3A_474 : i32
      %dma_wait3A_476 = tpu.memref_slice %arg3[%add3A_475] : memref<320000xi32, #tpu.memory_space<hbm>> -> memref<80xi32, #tpu.memory_space<hbm>>
      %dma_wait3A_477 = tpu.memref_slice %arg3[%add3A_475] : memref<320000xi32, #tpu.memory_space<hbm>> -> memref<80xi32, #tpu.memory_space<hbm>>
      tpu.wait_dma2 semaphore(%arg30 : memref<!tpu.dma_semaphore, #tpu.memory_space<semaphore_mem>>) src(%dma_wait3A_477 : memref<80xi32, #tpu.memory_space<hbm>>) dst(%arg9 : memref<80xi32, #tpu.memory_space<vmem>>)
      %mul3A_478 = arith.constant 80 : i32
      %mul3A_479 = arith.muli %add3A_472, %mul3A_478 : i32
      %add3A_480 = arith.addi %mul3A_2, %mul3A_479 : i32
      %dma_wait3A_481 = tpu.memref_slice %arg4[%add3A_480] : memref<320000xi32, #tpu.memory_space<hbm>> -> memref<80xi32, #tpu.memory_space<hbm>>
      %dma_wait3A_482 = tpu.memref_slice %arg4[%add3A_480] : memref<320000xi32, #tpu.memory_space<hbm>> -> memref<80xi32, #tpu.memory_space<hbm>>
      tpu.wait_dma2 semaphore(%arg30 : memref<!tpu.dma_semaphore, #tpu.memory_space<semaphore_mem>>) src(%dma_wait3A_482 : memref<80xi32, #tpu.memory_space<hbm>>) dst(%arg17 : memref<80xi32, #tpu.memory_space<vmem>>)
      %dma_start3A_483 = arith.constant 0 : i32
      %dma_start3A_484 = arith.constant 0 : i32
      %dma_start3A_485 = tpu.memref_slice %arg2[%dma_start3A_483, %dma_start3A_484] : memref<10000x128xf32, #tpu.memory_space<hbm>> -> memref<10000x128xf32, #tpu.memory_space<hbm>>
      tpu.enqueue_indirect_dma source(%dma_start3A_485 : memref<10000x128xf32, #tpu.memory_space<hbm>>) target(%arg25 : memref<80x128xf32, #tpu.memory_space<vmem>>) offsets(%arg9 : memref<80xi32, #tpu.memory_space<vmem>>) semaphore(%arg38 : memref<!tpu.dma_semaphore, #tpu.memory_space<semaphore_mem>>)
      %dma_wait3A_486 = arith.constant 0 : i32
      %dma_wait3A_487 = arith.constant 0 : i32
      %dma_wait3A_488 = tpu.memref_slice %arg2[%dma_wait3A_486, %dma_wait3A_487] : memref<10000x128xf32, #tpu.memory_space<hbm>> -> memref<10000x128xf32, #tpu.memory_space<hbm>>
      tpu.wait_indirect_dma semaphore(%arg35 : memref<!tpu.dma_semaphore, #tpu.memory_space<semaphore_mem>>) src(%dma_wait3A_488 : memref<10000x128xf32, #tpu.memory_space<hbm>>) dst(%arg22 : memref<80x128xf32, #tpu.memory_space<vmem>>)
      %dma_start3A_489 = arith.constant 0 : i32
      %dma_start3A_490 = arith.constant 0 : i32
      %dma_start3A_491 = tpu.memref_slice %arg26[%dma_start3A_489, %dma_start3A_490] : memref<10000x128xf32, #tpu.memory_space<vmem_shared>> -> memref<10000x128xf32, #tpu.memory_space<vmem_shared>>
      tpu.enqueue_indirect_dma source(%arg22 : memref<80x128xf32, #tpu.memory_space<vmem>>) target(%dma_start3A_491 : memref<10000x128xf32, #tpu.memory_space<vmem_shared>>) offsets(%arg14 : memref<80xi32, #tpu.memory_space<vmem>>) semaphore(%arg39 : memref<!tpu.dma_semaphore, #tpu.memory_space<semaphore_mem>>) {add = true}
      %dma_wait3A_492 = arith.constant 0 : i32
      %dma_wait3A_493 = arith.constant 0 : i32
      %dma_wait3A_494 = tpu.memref_slice %arg2[%dma_wait3A_492, %dma_wait3A_493] : memref<10000x128xf32, #tpu.memory_space<hbm>> -> memref<10000x128xf32, #tpu.memory_space<hbm>>
      tpu.wait_indirect_dma semaphore(%arg36 : memref<!tpu.dma_semaphore, #tpu.memory_space<semaphore_mem>>) src(%dma_wait3A_494 : memref<10000x128xf32, #tpu.memory_space<hbm>>) dst(%arg23 : memref<80x128xf32, #tpu.memory_space<vmem>>)
      %dma_start3A_495 = arith.constant 0 : i32
      %dma_start3A_496 = arith.constant 0 : i32
      %dma_start3A_497 = tpu.memref_slice %arg26[%dma_start3A_495, %dma_start3A_496] : memref<10000x128xf32, #tpu.memory_space<vmem_shared>> -> memref<10000x128xf32, #tpu.memory_space<vmem_shared>>
      tpu.enqueue_indirect_dma source(%arg23 : memref<80x128xf32, #tpu.memory_space<vmem>>) target(%dma_start3A_497 : memref<10000x128xf32, #tpu.memory_space<vmem_shared>>) offsets(%arg15 : memref<80xi32, #tpu.memory_space<vmem>>) semaphore(%arg40 : memref<!tpu.dma_semaphore, #tpu.memory_space<semaphore_mem>>) {add = true}
      %dma_wait3A_498 = arith.constant 0 : i32
      %dma_wait3A_499 = arith.constant 0 : i32
      %dma_wait3A_500 = tpu.memref_slice %arg2[%dma_wait3A_498, %dma_wait3A_499] : memref<10000x128xf32, #tpu.memory_space<hbm>> -> memref<10000x128xf32, #tpu.memory_space<hbm>>
      tpu.wait_indirect_dma semaphore(%arg37 : memref<!tpu.dma_semaphore, #tpu.memory_space<semaphore_mem>>) src(%dma_wait3A_500 : memref<10000x128xf32, #tpu.memory_space<hbm>>) dst(%arg24 : memref<80x128xf32, #tpu.memory_space<vmem>>)
      %dma_start3A_501 = arith.constant 0 : i32
      %dma_start3A_502 = arith.constant 0 : i32
      %dma_start3A_503 = tpu.memref_slice %arg26[%dma_start3A_501, %dma_start3A_502] : memref<10000x128xf32, #tpu.memory_space<vmem_shared>> -> memref<10000x128xf32, #tpu.memory_space<vmem_shared>>
      tpu.enqueue_indirect_dma source(%arg24 : memref<80x128xf32, #tpu.memory_space<vmem>>) target(%dma_start3A_503 : memref<10000x128xf32, #tpu.memory_space<vmem_shared>>) offsets(%arg16 : memref<80xi32, #tpu.memory_space<vmem>>) semaphore(%arg41 : memref<!tpu.dma_semaphore, #tpu.memory_space<semaphore_mem>>) {add = true}
      %dma_wait3A_504 = arith.constant 0 : i32
      %dma_wait3A_505 = arith.constant 0 : i32
      %dma_wait3A_506 = tpu.memref_slice %arg2[%dma_wait3A_504, %dma_wait3A_505] : memref<10000x128xf32, #tpu.memory_space<hbm>> -> memref<10000x128xf32, #tpu.memory_space<hbm>>
      tpu.wait_indirect_dma semaphore(%arg38 : memref<!tpu.dma_semaphore, #tpu.memory_space<semaphore_mem>>) src(%dma_wait3A_506 : memref<10000x128xf32, #tpu.memory_space<hbm>>) dst(%arg25 : memref<80x128xf32, #tpu.memory_space<vmem>>)
      %dma_start3A_507 = arith.constant 0 : i32
      %dma_start3A_508 = arith.constant 0 : i32
      %dma_start3A_509 = tpu.memref_slice %arg26[%dma_start3A_507, %dma_start3A_508] : memref<10000x128xf32, #tpu.memory_space<vmem_shared>> -> memref<10000x128xf32, #tpu.memory_space<vmem_shared>>
      tpu.enqueue_indirect_dma source(%arg25 : memref<80x128xf32, #tpu.memory_space<vmem>>) target(%dma_start3A_509 : memref<10000x128xf32, #tpu.memory_space<vmem_shared>>) offsets(%arg17 : memref<80xi32, #tpu.memory_space<vmem>>) semaphore(%arg42 : memref<!tpu.dma_semaphore, #tpu.memory_space<semaphore_mem>>) {add = true}
      %dma_wait3A_510 = arith.constant 0 : i32
      %dma_wait3A_511 = arith.constant 0 : i32
      %dma_wait3A_512 = tpu.memref_slice %arg26[%dma_wait3A_510, %dma_wait3A_511] : memref<10000x128xf32, #tpu.memory_space<vmem_shared>> -> memref<10000x128xf32, #tpu.memory_space<vmem_shared>>
      tpu.wait_indirect_dma semaphore(%arg39 : memref<!tpu.dma_semaphore, #tpu.memory_space<semaphore_mem>>) src(%arg22 : memref<80x128xf32, #tpu.memory_space<vmem>>) dst(%dma_wait3A_512 : memref<10000x128xf32, #tpu.memory_space<vmem_shared>>)
      %add3A_513 = arith.constant 8 : i32
      %add3A_514 = arith.addi %add3A_417, %add3A_513 : i32
      %add3A_515 = arith.constant 0 : i32
      %add3A_516 = arith.addi %add3A_514, %add3A_515 : i32
      %add3A_517 = arith.constant 0 : i32
      %add3A_518 = arith.addi %add3A_516, %add3A_517 : i32
      %mul3A_519 = arith.constant 80 : i32
      %mul3A_520 = arith.muli %add3A_518, %mul3A_519 : i32
      %add3A_521 = arith.addi %mul3A_2, %mul3A_520 : i32
      %dma_start3A_522 = tpu.memref_slice %arg3[%add3A_521] : memref<320000xi32, #tpu.memory_space<hbm>> -> memref<80xi32, #tpu.memory_space<hbm>>
      %dma_start3A_523 = tpu.memref_slice %arg3[%add3A_521] : memref<320000xi32, #tpu.memory_space<hbm>> -> memref<80xi32, #tpu.memory_space<hbm>>
      tpu.enqueue_dma source(%dma_start3A_523 : memref<80xi32, #tpu.memory_space<hbm>>) target(%arg6 : memref<80xi32, #tpu.memory_space<vmem>>) target_semaphore(%arg27 : memref<!tpu.dma_semaphore, #tpu.memory_space<semaphore_mem>>)
      %mul3A_524 = arith.constant 80 : i32
      %mul3A_525 = arith.muli %add3A_518, %mul3A_524 : i32
      %add3A_526 = arith.addi %mul3A_2, %mul3A_525 : i32
      %dma_start3A_527 = tpu.memref_slice %arg4[%add3A_526] : memref<320000xi32, #tpu.memory_space<hbm>> -> memref<80xi32, #tpu.memory_space<hbm>>
      %dma_start3A_528 = tpu.memref_slice %arg4[%add3A_526] : memref<320000xi32, #tpu.memory_space<hbm>> -> memref<80xi32, #tpu.memory_space<hbm>>
      tpu.enqueue_dma source(%dma_start3A_528 : memref<80xi32, #tpu.memory_space<hbm>>) target(%arg14 : memref<80xi32, #tpu.memory_space<vmem>>) target_semaphore(%arg27 : memref<!tpu.dma_semaphore, #tpu.memory_space<semaphore_mem>>)
      %dma_wait3A_529 = arith.constant 0 : i32
      %dma_wait3A_530 = arith.constant 0 : i32
      %dma_wait3A_531 = tpu.memref_slice %arg26[%dma_wait3A_529, %dma_wait3A_530] : memref<10000x128xf32, #tpu.memory_space<vmem_shared>> -> memref<10000x128xf32, #tpu.memory_space<vmem_shared>>
      tpu.wait_indirect_dma semaphore(%arg40 : memref<!tpu.dma_semaphore, #tpu.memory_space<semaphore_mem>>) src(%arg23 : memref<80x128xf32, #tpu.memory_space<vmem>>) dst(%dma_wait3A_531 : memref<10000x128xf32, #tpu.memory_space<vmem_shared>>)
      %add3A_532 = arith.constant 8 : i32
      %add3A_533 = arith.addi %add3A_417, %add3A_532 : i32
      %add3A_534 = arith.constant 0 : i32
      %add3A_535 = arith.addi %add3A_533, %add3A_534 : i32
      %add3A_536 = arith.constant 1 : i32
      %add3A_537 = arith.addi %add3A_535, %add3A_536 : i32
      %mul3A_538 = arith.constant 80 : i32
      %mul3A_539 = arith.muli %add3A_537, %mul3A_538 : i32
      %add3A_540 = arith.addi %mul3A_2, %mul3A_539 : i32
      %dma_start3A_541 = tpu.memref_slice %arg3[%add3A_540] : memref<320000xi32, #tpu.memory_space<hbm>> -> memref<80xi32, #tpu.memory_space<hbm>>
      %dma_start3A_542 = tpu.memref_slice %arg3[%add3A_540] : memref<320000xi32, #tpu.memory_space<hbm>> -> memref<80xi32, #tpu.memory_space<hbm>>
      tpu.enqueue_dma source(%dma_start3A_542 : memref<80xi32, #tpu.memory_space<hbm>>) target(%arg7 : memref<80xi32, #tpu.memory_space<vmem>>) target_semaphore(%arg28 : memref<!tpu.dma_semaphore, #tpu.memory_space<semaphore_mem>>)
      %mul3A_543 = arith.constant 80 : i32
      %mul3A_544 = arith.muli %add3A_537, %mul3A_543 : i32
      %add3A_545 = arith.addi %mul3A_2, %mul3A_544 : i32
      %dma_start3A_546 = tpu.memref_slice %arg4[%add3A_545] : memref<320000xi32, #tpu.memory_space<hbm>> -> memref<80xi32, #tpu.memory_space<hbm>>
      %dma_start3A_547 = tpu.memref_slice %arg4[%add3A_545] : memref<320000xi32, #tpu.memory_space<hbm>> -> memref<80xi32, #tpu.memory_space<hbm>>
      tpu.enqueue_dma source(%dma_start3A_547 : memref<80xi32, #tpu.memory_space<hbm>>) target(%arg15 : memref<80xi32, #tpu.memory_space<vmem>>) target_semaphore(%arg28 : memref<!tpu.dma_semaphore, #tpu.memory_space<semaphore_mem>>)
      %dma_wait3A_548 = arith.constant 0 : i32
      %dma_wait3A_549 = arith.constant 0 : i32
      %dma_wait3A_550 = tpu.memref_slice %arg26[%dma_wait3A_548, %dma_wait3A_549] : memref<10000x128xf32, #tpu.memory_space<vmem_shared>> -> memref<10000x128xf32, #tpu.memory_space<vmem_shared>>
      tpu.wait_indirect_dma semaphore(%arg41 : memref<!tpu.dma_semaphore, #tpu.memory_space<semaphore_mem>>) src(%arg24 : memref<80x128xf32, #tpu.memory_space<vmem>>) dst(%dma_wait3A_550 : memref<10000x128xf32, #tpu.memory_space<vmem_shared>>)
      %add3A_551 = arith.constant 8 : i32
      %add3A_552 = arith.addi %add3A_417, %add3A_551 : i32
      %add3A_553 = arith.constant 0 : i32
      %add3A_554 = arith.addi %add3A_552, %add3A_553 : i32
      %add3A_555 = arith.constant 2 : i32
      %add3A_556 = arith.addi %add3A_554, %add3A_555 : i32
      %mul3A_557 = arith.constant 80 : i32
      %mul3A_558 = arith.muli %add3A_556, %mul3A_557 : i32
      %add3A_559 = arith.addi %mul3A_2, %mul3A_558 : i32
      %dma_start3A_560 = tpu.memref_slice %arg3[%add3A_559] : memref<320000xi32, #tpu.memory_space<hbm>> -> memref<80xi32, #tpu.memory_space<hbm>>
      %dma_start3A_561 = tpu.memref_slice %arg3[%add3A_559] : memref<320000xi32, #tpu.memory_space<hbm>> -> memref<80xi32, #tpu.memory_space<hbm>>
      tpu.enqueue_dma source(%dma_start3A_561 : memref<80xi32, #tpu.memory_space<hbm>>) target(%arg8 : memref<80xi32, #tpu.memory_space<vmem>>) target_semaphore(%arg29 : memref<!tpu.dma_semaphore, #tpu.memory_space<semaphore_mem>>)
      %mul3A_562 = arith.constant 80 : i32
      %mul3A_563 = arith.muli %add3A_556, %mul3A_562 : i32
      %add3A_564 = arith.addi %mul3A_2, %mul3A_563 : i32
      %dma_start3A_565 = tpu.memref_slice %arg4[%add3A_564] : memref<320000xi32, #tpu.memory_space<hbm>> -> memref<80xi32, #tpu.memory_space<hbm>>
      %dma_start3A_566 = tpu.memref_slice %arg4[%add3A_564] : memref<320000xi32, #tpu.memory_space<hbm>> -> memref<80xi32, #tpu.memory_space<hbm>>
      tpu.enqueue_dma source(%dma_start3A_566 : memref<80xi32, #tpu.memory_space<hbm>>) target(%arg16 : memref<80xi32, #tpu.memory_space<vmem>>) target_semaphore(%arg29 : memref<!tpu.dma_semaphore, #tpu.memory_space<semaphore_mem>>)
      %dma_wait3A_567 = arith.constant 0 : i32
      %dma_wait3A_568 = arith.constant 0 : i32
      %dma_wait3A_569 = tpu.memref_slice %arg26[%dma_wait3A_567, %dma_wait3A_568] : memref<10000x128xf32, #tpu.memory_space<vmem_shared>> -> memref<10000x128xf32, #tpu.memory_space<vmem_shared>>
      tpu.wait_indirect_dma semaphore(%arg42 : memref<!tpu.dma_semaphore, #tpu.memory_space<semaphore_mem>>) src(%arg25 : memref<80x128xf32, #tpu.memory_space<vmem>>) dst(%dma_wait3A_569 : memref<10000x128xf32, #tpu.memory_space<vmem_shared>>)
      %add3A_570 = arith.constant 8 : i32
      %add3A_571 = arith.addi %add3A_417, %add3A_570 : i32
      %add3A_572 = arith.constant 0 : i32
      %add3A_573 = arith.addi %add3A_571, %add3A_572 : i32
      %add3A_574 = arith.constant 3 : i32
      %add3A_575 = arith.addi %add3A_573, %add3A_574 : i32
      %mul3A_576 = arith.constant 80 : i32
      %mul3A_577 = arith.muli %add3A_575, %mul3A_576 : i32
      %add3A_578 = arith.addi %mul3A_2, %mul3A_577 : i32
      %dma_start3A_579 = tpu.memref_slice %arg3[%add3A_578] : memref<320000xi32, #tpu.memory_space<hbm>> -> memref<80xi32, #tpu.memory_space<hbm>>
      %dma_start3A_580 = tpu.memref_slice %arg3[%add3A_578] : memref<320000xi32, #tpu.memory_space<hbm>> -> memref<80xi32, #tpu.memory_space<hbm>>
      tpu.enqueue_dma source(%dma_start3A_580 : memref<80xi32, #tpu.memory_space<hbm>>) target(%arg9 : memref<80xi32, #tpu.memory_space<vmem>>) target_semaphore(%arg30 : memref<!tpu.dma_semaphore, #tpu.memory_space<semaphore_mem>>)
      %mul3A_581 = arith.constant 80 : i32
      %mul3A_582 = arith.muli %add3A_575, %mul3A_581 : i32
      %add3A_583 = arith.addi %mul3A_2, %mul3A_582 : i32
      %dma_start3A_584 = tpu.memref_slice %arg4[%add3A_583] : memref<320000xi32, #tpu.memory_space<hbm>> -> memref<80xi32, #tpu.memory_space<hbm>>
      %dma_start3A_585 = tpu.memref_slice %arg4[%add3A_583] : memref<320000xi32, #tpu.memory_space<hbm>> -> memref<80xi32, #tpu.memory_space<hbm>>
      tpu.enqueue_dma source(%dma_start3A_585 : memref<80xi32, #tpu.memory_space<hbm>>) target(%arg17 : memref<80xi32, #tpu.memory_space<vmem>>) target_semaphore(%arg30 : memref<!tpu.dma_semaphore, #tpu.memory_space<semaphore_mem>>)
      %add3A_586 = arith.constant 4 : i32
      %add3A_587 = arith.addi %add3A_417, %add3A_586 : i32
      %add3A_588 = arith.constant 0 : i32
      %add3A_589 = arith.addi %add3A_587, %add3A_588 : i32
      %mul3A_590 = arith.constant 80 : i32
      %mul3A_591 = arith.muli %add3A_589, %mul3A_590 : i32
      %add3A_592 = arith.addi %mul3A_2, %mul3A_591 : i32
      %dma_wait3A_593 = tpu.memref_slice %arg3[%add3A_592] : memref<320000xi32, #tpu.memory_space<hbm>> -> memref<80xi32, #tpu.memory_space<hbm>>
      %dma_wait3A_594 = tpu.memref_slice %arg3[%add3A_592] : memref<320000xi32, #tpu.memory_space<hbm>> -> memref<80xi32, #tpu.memory_space<hbm>>
      tpu.wait_dma2 semaphore(%arg31 : memref<!tpu.dma_semaphore, #tpu.memory_space<semaphore_mem>>) src(%dma_wait3A_594 : memref<80xi32, #tpu.memory_space<hbm>>) dst(%arg10 : memref<80xi32, #tpu.memory_space<vmem>>)
      %mul3A_595 = arith.constant 80 : i32
      %mul3A_596 = arith.muli %add3A_589, %mul3A_595 : i32
      %add3A_597 = arith.addi %mul3A_2, %mul3A_596 : i32
      %dma_wait3A_598 = tpu.memref_slice %arg4[%add3A_597] : memref<320000xi32, #tpu.memory_space<hbm>> -> memref<80xi32, #tpu.memory_space<hbm>>
      %dma_wait3A_599 = tpu.memref_slice %arg4[%add3A_597] : memref<320000xi32, #tpu.memory_space<hbm>> -> memref<80xi32, #tpu.memory_space<hbm>>
      tpu.wait_dma2 semaphore(%arg31 : memref<!tpu.dma_semaphore, #tpu.memory_space<semaphore_mem>>) src(%dma_wait3A_599 : memref<80xi32, #tpu.memory_space<hbm>>) dst(%arg18 : memref<80xi32, #tpu.memory_space<vmem>>)
      %dma_start3A_600 = arith.constant 0 : i32
      %dma_start3A_601 = arith.constant 0 : i32
      %dma_start3A_602 = tpu.memref_slice %arg2[%dma_start3A_600, %dma_start3A_601] : memref<10000x128xf32, #tpu.memory_space<hbm>> -> memref<10000x128xf32, #tpu.memory_space<hbm>>
      tpu.enqueue_indirect_dma source(%dma_start3A_602 : memref<10000x128xf32, #tpu.memory_space<hbm>>) target(%arg22 : memref<80x128xf32, #tpu.memory_space<vmem>>) offsets(%arg10 : memref<80xi32, #tpu.memory_space<vmem>>) semaphore(%arg35 : memref<!tpu.dma_semaphore, #tpu.memory_space<semaphore_mem>>)
      %add3A_603 = arith.constant 4 : i32
      %add3A_604 = arith.addi %add3A_417, %add3A_603 : i32
      %add3A_605 = arith.constant 1 : i32
      %add3A_606 = arith.addi %add3A_604, %add3A_605 : i32
      %mul3A_607 = arith.constant 80 : i32
      %mul3A_608 = arith.muli %add3A_606, %mul3A_607 : i32
      %add3A_609 = arith.addi %mul3A_2, %mul3A_608 : i32
      %dma_wait3A_610 = tpu.memref_slice %arg3[%add3A_609] : memref<320000xi32, #tpu.memory_space<hbm>> -> memref<80xi32, #tpu.memory_space<hbm>>
      %dma_wait3A_611 = tpu.memref_slice %arg3[%add3A_609] : memref<320000xi32, #tpu.memory_space<hbm>> -> memref<80xi32, #tpu.memory_space<hbm>>
      tpu.wait_dma2 semaphore(%arg32 : memref<!tpu.dma_semaphore, #tpu.memory_space<semaphore_mem>>) src(%dma_wait3A_611 : memref<80xi32, #tpu.memory_space<hbm>>) dst(%arg11 : memref<80xi32, #tpu.memory_space<vmem>>)
      %mul3A_612 = arith.constant 80 : i32
      %mul3A_613 = arith.muli %add3A_606, %mul3A_612 : i32
      %add3A_614 = arith.addi %mul3A_2, %mul3A_613 : i32
      %dma_wait3A_615 = tpu.memref_slice %arg4[%add3A_614] : memref<320000xi32, #tpu.memory_space<hbm>> -> memref<80xi32, #tpu.memory_space<hbm>>
      %dma_wait3A_616 = tpu.memref_slice %arg4[%add3A_614] : memref<320000xi32, #tpu.memory_space<hbm>> -> memref<80xi32, #tpu.memory_space<hbm>>
      tpu.wait_dma2 semaphore(%arg32 : memref<!tpu.dma_semaphore, #tpu.memory_space<semaphore_mem>>) src(%dma_wait3A_616 : memref<80xi32, #tpu.memory_space<hbm>>) dst(%arg19 : memref<80xi32, #tpu.memory_space<vmem>>)
      %dma_start3A_617 = arith.constant 0 : i32
      %dma_start3A_618 = arith.constant 0 : i32
      %dma_start3A_619 = tpu.memref_slice %arg2[%dma_start3A_617, %dma_start3A_618] : memref<10000x128xf32, #tpu.memory_space<hbm>> -> memref<10000x128xf32, #tpu.memory_space<hbm>>
      tpu.enqueue_indirect_dma source(%dma_start3A_619 : memref<10000x128xf32, #tpu.memory_space<hbm>>) target(%arg23 : memref<80x128xf32, #tpu.memory_space<vmem>>) offsets(%arg11 : memref<80xi32, #tpu.memory_space<vmem>>) semaphore(%arg36 : memref<!tpu.dma_semaphore, #tpu.memory_space<semaphore_mem>>)
      %add3A_620 = arith.constant 4 : i32
      %add3A_621 = arith.addi %add3A_417, %add3A_620 : i32
      %add3A_622 = arith.constant 2 : i32
      %add3A_623 = arith.addi %add3A_621, %add3A_622 : i32
      %mul3A_624 = arith.constant 80 : i32
      %mul3A_625 = arith.muli %add3A_623, %mul3A_624 : i32
      %add3A_626 = arith.addi %mul3A_2, %mul3A_625 : i32
      %dma_wait3A_627 = tpu.memref_slice %arg3[%add3A_626] : memref<320000xi32, #tpu.memory_space<hbm>> -> memref<80xi32, #tpu.memory_space<hbm>>
      %dma_wait3A_628 = tpu.memref_slice %arg3[%add3A_626] : memref<320000xi32, #tpu.memory_space<hbm>> -> memref<80xi32, #tpu.memory_space<hbm>>
      tpu.wait_dma2 semaphore(%arg33 : memref<!tpu.dma_semaphore, #tpu.memory_space<semaphore_mem>>) src(%dma_wait3A_628 : memref<80xi32, #tpu.memory_space<hbm>>) dst(%arg12 : memref<80xi32, #tpu.memory_space<vmem>>)
      %mul3A_629 = arith.constant 80 : i32
      %mul3A_630 = arith.muli %add3A_623, %mul3A_629 : i32
      %add3A_631 = arith.addi %mul3A_2, %mul3A_630 : i32
      %dma_wait3A_632 = tpu.memref_slice %arg4[%add3A_631] : memref<320000xi32, #tpu.memory_space<hbm>> -> memref<80xi32, #tpu.memory_space<hbm>>
      %dma_wait3A_633 = tpu.memref_slice %arg4[%add3A_631] : memref<320000xi32, #tpu.memory_space<hbm>> -> memref<80xi32, #tpu.memory_space<hbm>>
      tpu.wait_dma2 semaphore(%arg33 : memref<!tpu.dma_semaphore, #tpu.memory_space<semaphore_mem>>) src(%dma_wait3A_633 : memref<80xi32, #tpu.memory_space<hbm>>) dst(%arg20 : memref<80xi32, #tpu.memory_space<vmem>>)
      %dma_start3A_634 = arith.constant 0 : i32
      %dma_start3A_635 = arith.constant 0 : i32
      %dma_start3A_636 = tpu.memref_slice %arg2[%dma_start3A_634, %dma_start3A_635] : memref<10000x128xf32, #tpu.memory_space<hbm>> -> memref<10000x128xf32, #tpu.memory_space<hbm>>
      tpu.enqueue_indirect_dma source(%dma_start3A_636 : memref<10000x128xf32, #tpu.memory_space<hbm>>) target(%arg24 : memref<80x128xf32, #tpu.memory_space<vmem>>) offsets(%arg12 : memref<80xi32, #tpu.memory_space<vmem>>) semaphore(%arg37 : memref<!tpu.dma_semaphore, #tpu.memory_space<semaphore_mem>>)
      %add3A_637 = arith.constant 4 : i32
      %add3A_638 = arith.addi %add3A_417, %add3A_637 : i32
      %add3A_639 = arith.constant 3 : i32
      %add3A_640 = arith.addi %add3A_638, %add3A_639 : i32
      %mul3A_641 = arith.constant 80 : i32
      %mul3A_642 = arith.muli %add3A_640, %mul3A_641 : i32
      %add3A_643 = arith.addi %mul3A_2, %mul3A_642 : i32
      %dma_wait3A_644 = tpu.memref_slice %arg3[%add3A_643] : memref<320000xi32, #tpu.memory_space<hbm>> -> memref<80xi32, #tpu.memory_space<hbm>>
      %dma_wait3A_645 = tpu.memref_slice %arg3[%add3A_643] : memref<320000xi32, #tpu.memory_space<hbm>> -> memref<80xi32, #tpu.memory_space<hbm>>
      tpu.wait_dma2 semaphore(%arg34 : memref<!tpu.dma_semaphore, #tpu.memory_space<semaphore_mem>>) src(%dma_wait3A_645 : memref<80xi32, #tpu.memory_space<hbm>>) dst(%arg13 : memref<80xi32, #tpu.memory_space<vmem>>)
      %mul3A_646 = arith.constant 80 : i32
      %mul3A_647 = arith.muli %add3A_640, %mul3A_646 : i32
      %add3A_648 = arith.addi %mul3A_2, %mul3A_647 : i32
      %dma_wait3A_649 = tpu.memref_slice %arg4[%add3A_648] : memref<320000xi32, #tpu.memory_space<hbm>> -> memref<80xi32, #tpu.memory_space<hbm>>
      %dma_wait3A_650 = tpu.memref_slice %arg4[%add3A_648] : memref<320000xi32, #tpu.memory_space<hbm>> -> memref<80xi32, #tpu.memory_space<hbm>>
      tpu.wait_dma2 semaphore(%arg34 : memref<!tpu.dma_semaphore, #tpu.memory_space<semaphore_mem>>) src(%dma_wait3A_650 : memref<80xi32, #tpu.memory_space<hbm>>) dst(%arg21 : memref<80xi32, #tpu.memory_space<vmem>>)
      %dma_start3A_651 = arith.constant 0 : i32
      %dma_start3A_652 = arith.constant 0 : i32
      %dma_start3A_653 = tpu.memref_slice %arg2[%dma_start3A_651, %dma_start3A_652] : memref<10000x128xf32, #tpu.memory_space<hbm>> -> memref<10000x128xf32, #tpu.memory_space<hbm>>
      tpu.enqueue_indirect_dma source(%dma_start3A_653 : memref<10000x128xf32, #tpu.memory_space<hbm>>) target(%arg25 : memref<80x128xf32, #tpu.memory_space<vmem>>) offsets(%arg13 : memref<80xi32, #tpu.memory_space<vmem>>) semaphore(%arg38 : memref<!tpu.dma_semaphore, #tpu.memory_space<semaphore_mem>>)
      %dma_wait3A_654 = arith.constant 0 : i32
      %dma_wait3A_655 = arith.constant 0 : i32
      %dma_wait3A_656 = tpu.memref_slice %arg2[%dma_wait3A_654, %dma_wait3A_655] : memref<10000x128xf32, #tpu.memory_space<hbm>> -> memref<10000x128xf32, #tpu.memory_space<hbm>>
      tpu.wait_indirect_dma semaphore(%arg35 : memref<!tpu.dma_semaphore, #tpu.memory_space<semaphore_mem>>) src(%dma_wait3A_656 : memref<10000x128xf32, #tpu.memory_space<hbm>>) dst(%arg22 : memref<80x128xf32, #tpu.memory_space<vmem>>)
      %dma_start3A_657 = arith.constant 0 : i32
      %dma_start3A_658 = arith.constant 0 : i32
      %dma_start3A_659 = tpu.memref_slice %arg26[%dma_start3A_657, %dma_start3A_658] : memref<10000x128xf32, #tpu.memory_space<vmem_shared>> -> memref<10000x128xf32, #tpu.memory_space<vmem_shared>>
      tpu.enqueue_indirect_dma source(%arg22 : memref<80x128xf32, #tpu.memory_space<vmem>>) target(%dma_start3A_659 : memref<10000x128xf32, #tpu.memory_space<vmem_shared>>) offsets(%arg18 : memref<80xi32, #tpu.memory_space<vmem>>) semaphore(%arg39 : memref<!tpu.dma_semaphore, #tpu.memory_space<semaphore_mem>>) {add = true}
      %dma_wait3A_660 = arith.constant 0 : i32
      %dma_wait3A_661 = arith.constant 0 : i32
      %dma_wait3A_662 = tpu.memref_slice %arg2[%dma_wait3A_660, %dma_wait3A_661] : memref<10000x128xf32, #tpu.memory_space<hbm>> -> memref<10000x128xf32, #tpu.memory_space<hbm>>
      tpu.wait_indirect_dma semaphore(%arg36 : memref<!tpu.dma_semaphore, #tpu.memory_space<semaphore_mem>>) src(%dma_wait3A_662 : memref<10000x128xf32, #tpu.memory_space<hbm>>) dst(%arg23 : memref<80x128xf32, #tpu.memory_space<vmem>>)
      %dma_start3A_663 = arith.constant 0 : i32
      %dma_start3A_664 = arith.constant 0 : i32
      %dma_start3A_665 = tpu.memref_slice %arg26[%dma_start3A_663, %dma_start3A_664] : memref<10000x128xf32, #tpu.memory_space<vmem_shared>> -> memref<10000x128xf32, #tpu.memory_space<vmem_shared>>
      tpu.enqueue_indirect_dma source(%arg23 : memref<80x128xf32, #tpu.memory_space<vmem>>) target(%dma_start3A_665 : memref<10000x128xf32, #tpu.memory_space<vmem_shared>>) offsets(%arg19 : memref<80xi32, #tpu.memory_space<vmem>>) semaphore(%arg40 : memref<!tpu.dma_semaphore, #tpu.memory_space<semaphore_mem>>) {add = true}
      %dma_wait3A_666 = arith.constant 0 : i32
      %dma_wait3A_667 = arith.constant 0 : i32
      %dma_wait3A_668 = tpu.memref_slice %arg2[%dma_wait3A_666, %dma_wait3A_667] : memref<10000x128xf32, #tpu.memory_space<hbm>> -> memref<10000x128xf32, #tpu.memory_space<hbm>>
      tpu.wait_indirect_dma semaphore(%arg37 : memref<!tpu.dma_semaphore, #tpu.memory_space<semaphore_mem>>) src(%dma_wait3A_668 : memref<10000x128xf32, #tpu.memory_space<hbm>>) dst(%arg24 : memref<80x128xf32, #tpu.memory_space<vmem>>)
      %dma_start3A_669 = arith.constant 0 : i32
      %dma_start3A_670 = arith.constant 0 : i32
      %dma_start3A_671 = tpu.memref_slice %arg26[%dma_start3A_669, %dma_start3A_670] : memref<10000x128xf32, #tpu.memory_space<vmem_shared>> -> memref<10000x128xf32, #tpu.memory_space<vmem_shared>>
      tpu.enqueue_indirect_dma source(%arg24 : memref<80x128xf32, #tpu.memory_space<vmem>>) target(%dma_start3A_671 : memref<10000x128xf32, #tpu.memory_space<vmem_shared>>) offsets(%arg20 : memref<80xi32, #tpu.memory_space<vmem>>) semaphore(%arg41 : memref<!tpu.dma_semaphore, #tpu.memory_space<semaphore_mem>>) {add = true}
      %dma_wait3A_672 = arith.constant 0 : i32
      %dma_wait3A_673 = arith.constant 0 : i32
      %dma_wait3A_674 = tpu.memref_slice %arg2[%dma_wait3A_672, %dma_wait3A_673] : memref<10000x128xf32, #tpu.memory_space<hbm>> -> memref<10000x128xf32, #tpu.memory_space<hbm>>
      tpu.wait_indirect_dma semaphore(%arg38 : memref<!tpu.dma_semaphore, #tpu.memory_space<semaphore_mem>>) src(%dma_wait3A_674 : memref<10000x128xf32, #tpu.memory_space<hbm>>) dst(%arg25 : memref<80x128xf32, #tpu.memory_space<vmem>>)
      %dma_start3A_675 = arith.constant 0 : i32
      %dma_start3A_676 = arith.constant 0 : i32
      %dma_start3A_677 = tpu.memref_slice %arg26[%dma_start3A_675, %dma_start3A_676] : memref<10000x128xf32, #tpu.memory_space<vmem_shared>> -> memref<10000x128xf32, #tpu.memory_space<vmem_shared>>
      tpu.enqueue_indirect_dma source(%arg25 : memref<80x128xf32, #tpu.memory_space<vmem>>) target(%dma_start3A_677 : memref<10000x128xf32, #tpu.memory_space<vmem_shared>>) offsets(%arg21 : memref<80xi32, #tpu.memory_space<vmem>>) semaphore(%arg42 : memref<!tpu.dma_semaphore, #tpu.memory_space<semaphore_mem>>) {add = true}
      %dma_wait3A_678 = arith.constant 0 : i32
      %dma_wait3A_679 = arith.constant 0 : i32
      %dma_wait3A_680 = tpu.memref_slice %arg26[%dma_wait3A_678, %dma_wait3A_679] : memref<10000x128xf32, #tpu.memory_space<vmem_shared>> -> memref<10000x128xf32, #tpu.memory_space<vmem_shared>>
      tpu.wait_indirect_dma semaphore(%arg39 : memref<!tpu.dma_semaphore, #tpu.memory_space<semaphore_mem>>) src(%arg22 : memref<80x128xf32, #tpu.memory_space<vmem>>) dst(%dma_wait3A_680 : memref<10000x128xf32, #tpu.memory_space<vmem_shared>>)
      %add3A_681 = arith.constant 8 : i32
      %add3A_682 = arith.addi %add3A_417, %add3A_681 : i32
      %add3A_683 = arith.constant 4 : i32
      %add3A_684 = arith.addi %add3A_682, %add3A_683 : i32
      %add3A_685 = arith.constant 0 : i32
      %add3A_686 = arith.addi %add3A_684, %add3A_685 : i32
      %mul3A_687 = arith.constant 80 : i32
      %mul3A_688 = arith.muli %add3A_686, %mul3A_687 : i32
      %add3A_689 = arith.addi %mul3A_2, %mul3A_688 : i32
      %dma_start3A_690 = tpu.memref_slice %arg3[%add3A_689] : memref<320000xi32, #tpu.memory_space<hbm>> -> memref<80xi32, #tpu.memory_space<hbm>>
      %dma_start3A_691 = tpu.memref_slice %arg3[%add3A_689] : memref<320000xi32, #tpu.memory_space<hbm>> -> memref<80xi32, #tpu.memory_space<hbm>>
      tpu.enqueue_dma source(%dma_start3A_691 : memref<80xi32, #tpu.memory_space<hbm>>) target(%arg10 : memref<80xi32, #tpu.memory_space<vmem>>) target_semaphore(%arg31 : memref<!tpu.dma_semaphore, #tpu.memory_space<semaphore_mem>>)
      %mul3A_692 = arith.constant 80 : i32
      %mul3A_693 = arith.muli %add3A_686, %mul3A_692 : i32
      %add3A_694 = arith.addi %mul3A_2, %mul3A_693 : i32
      %dma_start3A_695 = tpu.memref_slice %arg4[%add3A_694] : memref<320000xi32, #tpu.memory_space<hbm>> -> memref<80xi32, #tpu.memory_space<hbm>>
      %dma_start3A_696 = tpu.memref_slice %arg4[%add3A_694] : memref<320000xi32, #tpu.memory_space<hbm>> -> memref<80xi32, #tpu.memory_space<hbm>>
      tpu.enqueue_dma source(%dma_start3A_696 : memref<80xi32, #tpu.memory_space<hbm>>) target(%arg18 : memref<80xi32, #tpu.memory_space<vmem>>) target_semaphore(%arg31 : memref<!tpu.dma_semaphore, #tpu.memory_space<semaphore_mem>>)
      %dma_wait3A_697 = arith.constant 0 : i32
      %dma_wait3A_698 = arith.constant 0 : i32
      %dma_wait3A_699 = tpu.memref_slice %arg26[%dma_wait3A_697, %dma_wait3A_698] : memref<10000x128xf32, #tpu.memory_space<vmem_shared>> -> memref<10000x128xf32, #tpu.memory_space<vmem_shared>>
      tpu.wait_indirect_dma semaphore(%arg40 : memref<!tpu.dma_semaphore, #tpu.memory_space<semaphore_mem>>) src(%arg23 : memref<80x128xf32, #tpu.memory_space<vmem>>) dst(%dma_wait3A_699 : memref<10000x128xf32, #tpu.memory_space<vmem_shared>>)
      %add3A_700 = arith.constant 8 : i32
      %add3A_701 = arith.addi %add3A_417, %add3A_700 : i32
      %add3A_702 = arith.constant 4 : i32
      %add3A_703 = arith.addi %add3A_701, %add3A_702 : i32
      %add3A_704 = arith.constant 1 : i32
      %add3A_705 = arith.addi %add3A_703, %add3A_704 : i32
      %mul3A_706 = arith.constant 80 : i32
      %mul3A_707 = arith.muli %add3A_705, %mul3A_706 : i32
      %add3A_708 = arith.addi %mul3A_2, %mul3A_707 : i32
      %dma_start3A_709 = tpu.memref_slice %arg3[%add3A_708] : memref<320000xi32, #tpu.memory_space<hbm>> -> memref<80xi32, #tpu.memory_space<hbm>>
      %dma_start3A_710 = tpu.memref_slice %arg3[%add3A_708] : memref<320000xi32, #tpu.memory_space<hbm>> -> memref<80xi32, #tpu.memory_space<hbm>>
      tpu.enqueue_dma source(%dma_start3A_710 : memref<80xi32, #tpu.memory_space<hbm>>) target(%arg11 : memref<80xi32, #tpu.memory_space<vmem>>) target_semaphore(%arg32 : memref<!tpu.dma_semaphore, #tpu.memory_space<semaphore_mem>>)
      %mul3A_711 = arith.constant 80 : i32
      %mul3A_712 = arith.muli %add3A_705, %mul3A_711 : i32
      %add3A_713 = arith.addi %mul3A_2, %mul3A_712 : i32
      %dma_start3A_714 = tpu.memref_slice %arg4[%add3A_713] : memref<320000xi32, #tpu.memory_space<hbm>> -> memref<80xi32, #tpu.memory_space<hbm>>
      %dma_start3A_715 = tpu.memref_slice %arg4[%add3A_713] : memref<320000xi32, #tpu.memory_space<hbm>> -> memref<80xi32, #tpu.memory_space<hbm>>
      tpu.enqueue_dma source(%dma_start3A_715 : memref<80xi32, #tpu.memory_space<hbm>>) target(%arg19 : memref<80xi32, #tpu.memory_space<vmem>>) target_semaphore(%arg32 : memref<!tpu.dma_semaphore, #tpu.memory_space<semaphore_mem>>)
      %dma_wait3A_716 = arith.constant 0 : i32
      %dma_wait3A_717 = arith.constant 0 : i32
      %dma_wait3A_718 = tpu.memref_slice %arg26[%dma_wait3A_716, %dma_wait3A_717] : memref<10000x128xf32, #tpu.memory_space<vmem_shared>> -> memref<10000x128xf32, #tpu.memory_space<vmem_shared>>
      tpu.wait_indirect_dma semaphore(%arg41 : memref<!tpu.dma_semaphore, #tpu.memory_space<semaphore_mem>>) src(%arg24 : memref<80x128xf32, #tpu.memory_space<vmem>>) dst(%dma_wait3A_718 : memref<10000x128xf32, #tpu.memory_space<vmem_shared>>)
      %add3A_719 = arith.constant 8 : i32
      %add3A_720 = arith.addi %add3A_417, %add3A_719 : i32
      %add3A_721 = arith.constant 4 : i32
      %add3A_722 = arith.addi %add3A_720, %add3A_721 : i32
      %add3A_723 = arith.constant 2 : i32
      %add3A_724 = arith.addi %add3A_722, %add3A_723 : i32
      %mul3A_725 = arith.constant 80 : i32
      %mul3A_726 = arith.muli %add3A_724, %mul3A_725 : i32
      %add3A_727 = arith.addi %mul3A_2, %mul3A_726 : i32
      %dma_start3A_728 = tpu.memref_slice %arg3[%add3A_727] : memref<320000xi32, #tpu.memory_space<hbm>> -> memref<80xi32, #tpu.memory_space<hbm>>
      %dma_start3A_729 = tpu.memref_slice %arg3[%add3A_727] : memref<320000xi32, #tpu.memory_space<hbm>> -> memref<80xi32, #tpu.memory_space<hbm>>
      tpu.enqueue_dma source(%dma_start3A_729 : memref<80xi32, #tpu.memory_space<hbm>>) target(%arg12 : memref<80xi32, #tpu.memory_space<vmem>>) target_semaphore(%arg33 : memref<!tpu.dma_semaphore, #tpu.memory_space<semaphore_mem>>)
      %mul3A_730 = arith.constant 80 : i32
      %mul3A_731 = arith.muli %add3A_724, %mul3A_730 : i32
      %add3A_732 = arith.addi %mul3A_2, %mul3A_731 : i32
      %dma_start3A_733 = tpu.memref_slice %arg4[%add3A_732] : memref<320000xi32, #tpu.memory_space<hbm>> -> memref<80xi32, #tpu.memory_space<hbm>>
      %dma_start3A_734 = tpu.memref_slice %arg4[%add3A_732] : memref<320000xi32, #tpu.memory_space<hbm>> -> memref<80xi32, #tpu.memory_space<hbm>>
      tpu.enqueue_dma source(%dma_start3A_734 : memref<80xi32, #tpu.memory_space<hbm>>) target(%arg20 : memref<80xi32, #tpu.memory_space<vmem>>) target_semaphore(%arg33 : memref<!tpu.dma_semaphore, #tpu.memory_space<semaphore_mem>>)
      %dma_wait3A_735 = arith.constant 0 : i32
      %dma_wait3A_736 = arith.constant 0 : i32
      %dma_wait3A_737 = tpu.memref_slice %arg26[%dma_wait3A_735, %dma_wait3A_736] : memref<10000x128xf32, #tpu.memory_space<vmem_shared>> -> memref<10000x128xf32, #tpu.memory_space<vmem_shared>>
      tpu.wait_indirect_dma semaphore(%arg42 : memref<!tpu.dma_semaphore, #tpu.memory_space<semaphore_mem>>) src(%arg25 : memref<80x128xf32, #tpu.memory_space<vmem>>) dst(%dma_wait3A_737 : memref<10000x128xf32, #tpu.memory_space<vmem_shared>>)
      %add3A_738 = arith.constant 8 : i32
      %add3A_739 = arith.addi %add3A_417, %add3A_738 : i32
      %add3A_740 = arith.constant 4 : i32
      %add3A_741 = arith.addi %add3A_739, %add3A_740 : i32
      %add3A_742 = arith.constant 3 : i32
      %add3A_743 = arith.addi %add3A_741, %add3A_742 : i32
      %mul3A_744 = arith.constant 80 : i32
      %mul3A_745 = arith.muli %add3A_743, %mul3A_744 : i32
      %add3A_746 = arith.addi %mul3A_2, %mul3A_745 : i32
      %dma_start3A_747 = tpu.memref_slice %arg3[%add3A_746] : memref<320000xi32, #tpu.memory_space<hbm>> -> memref<80xi32, #tpu.memory_space<hbm>>
      %dma_start3A_748 = tpu.memref_slice %arg3[%add3A_746] : memref<320000xi32, #tpu.memory_space<hbm>> -> memref<80xi32, #tpu.memory_space<hbm>>
      tpu.enqueue_dma source(%dma_start3A_748 : memref<80xi32, #tpu.memory_space<hbm>>) target(%arg13 : memref<80xi32, #tpu.memory_space<vmem>>) target_semaphore(%arg34 : memref<!tpu.dma_semaphore, #tpu.memory_space<semaphore_mem>>)
      %mul3A_749 = arith.constant 80 : i32
      %mul3A_750 = arith.muli %add3A_743, %mul3A_749 : i32
      %add3A_751 = arith.addi %mul3A_2, %mul3A_750 : i32
      %dma_start3A_752 = tpu.memref_slice %arg4[%add3A_751] : memref<320000xi32, #tpu.memory_space<hbm>> -> memref<80xi32, #tpu.memory_space<hbm>>
      %dma_start3A_753 = tpu.memref_slice %arg4[%add3A_751] : memref<320000xi32, #tpu.memory_space<hbm>> -> memref<80xi32, #tpu.memory_space<hbm>>
      tpu.enqueue_dma source(%dma_start3A_753 : memref<80xi32, #tpu.memory_space<hbm>>) target(%arg21 : memref<80xi32, #tpu.memory_space<vmem>>) target_semaphore(%arg34 : memref<!tpu.dma_semaphore, #tpu.memory_space<semaphore_mem>>)
    }
    %scan3A_92 = arith.constant 14 : i32
    %add3A_93 = arith.constant 8960 : i32
    %add3A_94 = arith.addi %mul3A_2, %add3A_93 : i32
    %dma_wait3A = tpu.memref_slice %arg3[%add3A_94] : memref<320000xi32, #tpu.memory_space<hbm>> -> memref<80xi32, #tpu.memory_space<hbm>>
    %dma_wait3A_95 = tpu.memref_slice %arg3[%add3A_94] : memref<320000xi32, #tpu.memory_space<hbm>> -> memref<80xi32, #tpu.memory_space<hbm>>
    tpu.wait_dma2 semaphore(%arg27 : memref<!tpu.dma_semaphore, #tpu.memory_space<semaphore_mem>>) src(%dma_wait3A_95 : memref<80xi32, #tpu.memory_space<hbm>>) dst(%arg6 : memref<80xi32, #tpu.memory_space<vmem>>)
    %add3A_96 = arith.constant 8960 : i32
    %add3A_97 = arith.addi %mul3A_2, %add3A_96 : i32
    %dma_wait3A_98 = tpu.memref_slice %arg4[%add3A_97] : memref<320000xi32, #tpu.memory_space<hbm>> -> memref<80xi32, #tpu.memory_space<hbm>>
    %dma_wait3A_99 = tpu.memref_slice %arg4[%add3A_97] : memref<320000xi32, #tpu.memory_space<hbm>> -> memref<80xi32, #tpu.memory_space<hbm>>
    tpu.wait_dma2 semaphore(%arg27 : memref<!tpu.dma_semaphore, #tpu.memory_space<semaphore_mem>>) src(%dma_wait3A_99 : memref<80xi32, #tpu.memory_space<hbm>>) dst(%arg14 : memref<80xi32, #tpu.memory_space<vmem>>)
    %dma_start3A_100 = arith.constant 0 : i32
    %dma_start3A_101 = arith.constant 0 : i32
    %dma_start3A_102 = tpu.memref_slice %arg2[%dma_start3A_100, %dma_start3A_101] : memref<10000x128xf32, #tpu.memory_space<hbm>> -> memref<10000x128xf32, #tpu.memory_space<hbm>>
    tpu.enqueue_indirect_dma source(%dma_start3A_102 : memref<10000x128xf32, #tpu.memory_space<hbm>>) target(%arg22 : memref<80x128xf32, #tpu.memory_space<vmem>>) offsets(%arg6 : memref<80xi32, #tpu.memory_space<vmem>>) semaphore(%arg35 : memref<!tpu.dma_semaphore, #tpu.memory_space<semaphore_mem>>)
    %add3A_103 = arith.constant 9040 : i32
    %add3A_104 = arith.addi %mul3A_2, %add3A_103 : i32
    %dma_wait3A_105 = tpu.memref_slice %arg3[%add3A_104] : memref<320000xi32, #tpu.memory_space<hbm>> -> memref<80xi32, #tpu.memory_space<hbm>>
    %dma_wait3A_106 = tpu.memref_slice %arg3[%add3A_104] : memref<320000xi32, #tpu.memory_space<hbm>> -> memref<80xi32, #tpu.memory_space<hbm>>
    tpu.wait_dma2 semaphore(%arg28 : memref<!tpu.dma_semaphore, #tpu.memory_space<semaphore_mem>>) src(%dma_wait3A_106 : memref<80xi32, #tpu.memory_space<hbm>>) dst(%arg7 : memref<80xi32, #tpu.memory_space<vmem>>)
    %add3A_107 = arith.constant 9040 : i32
    %add3A_108 = arith.addi %mul3A_2, %add3A_107 : i32
    %dma_wait3A_109 = tpu.memref_slice %arg4[%add3A_108] : memref<320000xi32, #tpu.memory_space<hbm>> -> memref<80xi32, #tpu.memory_space<hbm>>
    %dma_wait3A_110 = tpu.memref_slice %arg4[%add3A_108] : memref<320000xi32, #tpu.memory_space<hbm>> -> memref<80xi32, #tpu.memory_space<hbm>>
    tpu.wait_dma2 semaphore(%arg28 : memref<!tpu.dma_semaphore, #tpu.memory_space<semaphore_mem>>) src(%dma_wait3A_110 : memref<80xi32, #tpu.memory_space<hbm>>) dst(%arg15 : memref<80xi32, #tpu.memory_space<vmem>>)
    %dma_start3A_111 = arith.constant 0 : i32
    %dma_start3A_112 = arith.constant 0 : i32
    %dma_start3A_113 = tpu.memref_slice %arg2[%dma_start3A_111, %dma_start3A_112] : memref<10000x128xf32, #tpu.memory_space<hbm>> -> memref<10000x128xf32, #tpu.memory_space<hbm>>
    tpu.enqueue_indirect_dma source(%dma_start3A_113 : memref<10000x128xf32, #tpu.memory_space<hbm>>) target(%arg23 : memref<80x128xf32, #tpu.memory_space<vmem>>) offsets(%arg7 : memref<80xi32, #tpu.memory_space<vmem>>) semaphore(%arg36 : memref<!tpu.dma_semaphore, #tpu.memory_space<semaphore_mem>>)
    %add3A_114 = arith.constant 9120 : i32
    %add3A_115 = arith.addi %mul3A_2, %add3A_114 : i32
    %dma_wait3A_116 = tpu.memref_slice %arg3[%add3A_115] : memref<320000xi32, #tpu.memory_space<hbm>> -> memref<80xi32, #tpu.memory_space<hbm>>
    %dma_wait3A_117 = tpu.memref_slice %arg3[%add3A_115] : memref<320000xi32, #tpu.memory_space<hbm>> -> memref<80xi32, #tpu.memory_space<hbm>>
    tpu.wait_dma2 semaphore(%arg29 : memref<!tpu.dma_semaphore, #tpu.memory_space<semaphore_mem>>) src(%dma_wait3A_117 : memref<80xi32, #tpu.memory_space<hbm>>) dst(%arg8 : memref<80xi32, #tpu.memory_space<vmem>>)
    %add3A_118 = arith.constant 9120 : i32
    %add3A_119 = arith.addi %mul3A_2, %add3A_118 : i32
    %dma_wait3A_120 = tpu.memref_slice %arg4[%add3A_119] : memref<320000xi32, #tpu.memory_space<hbm>> -> memref<80xi32, #tpu.memory_space<hbm>>
    %dma_wait3A_121 = tpu.memref_slice %arg4[%add3A_119] : memref<320000xi32, #tpu.memory_space<hbm>> -> memref<80xi32, #tpu.memory_space<hbm>>
    tpu.wait_dma2 semaphore(%arg29 : memref<!tpu.dma_semaphore, #tpu.memory_space<semaphore_mem>>) src(%dma_wait3A_121 : memref<80xi32, #tpu.memory_space<hbm>>) dst(%arg16 : memref<80xi32, #tpu.memory_space<vmem>>)
    %dma_start3A_122 = arith.constant 0 : i32
    %dma_start3A_123 = arith.constant 0 : i32
    %dma_start3A_124 = tpu.memref_slice %arg2[%dma_start3A_122, %dma_start3A_123] : memref<10000x128xf32, #tpu.memory_space<hbm>> -> memref<10000x128xf32, #tpu.memory_space<hbm>>
    tpu.enqueue_indirect_dma source(%dma_start3A_124 : memref<10000x128xf32, #tpu.memory_space<hbm>>) target(%arg24 : memref<80x128xf32, #tpu.memory_space<vmem>>) offsets(%arg8 : memref<80xi32, #tpu.memory_space<vmem>>) semaphore(%arg37 : memref<!tpu.dma_semaphore, #tpu.memory_space<semaphore_mem>>)
    %add3A_125 = arith.constant 9200 : i32
    %add3A_126 = arith.addi %mul3A_2, %add3A_125 : i32
    %dma_wait3A_127 = tpu.memref_slice %arg3[%add3A_126] : memref<320000xi32, #tpu.memory_space<hbm>> -> memref<80xi32, #tpu.memory_space<hbm>>
    %dma_wait3A_128 = tpu.memref_slice %arg3[%add3A_126] : memref<320000xi32, #tpu.memory_space<hbm>> -> memref<80xi32, #tpu.memory_space<hbm>>
    tpu.wait_dma2 semaphore(%arg30 : memref<!tpu.dma_semaphore, #tpu.memory_space<semaphore_mem>>) src(%dma_wait3A_128 : memref<80xi32, #tpu.memory_space<hbm>>) dst(%arg9 : memref<80xi32, #tpu.memory_space<vmem>>)
    %add3A_129 = arith.constant 9200 : i32
    %add3A_130 = arith.addi %mul3A_2, %add3A_129 : i32
    %dma_wait3A_131 = tpu.memref_slice %arg4[%add3A_130] : memref<320000xi32, #tpu.memory_space<hbm>> -> memref<80xi32, #tpu.memory_space<hbm>>
    %dma_wait3A_132 = tpu.memref_slice %arg4[%add3A_130] : memref<320000xi32, #tpu.memory_space<hbm>> -> memref<80xi32, #tpu.memory_space<hbm>>
    tpu.wait_dma2 semaphore(%arg30 : memref<!tpu.dma_semaphore, #tpu.memory_space<semaphore_mem>>) src(%dma_wait3A_132 : memref<80xi32, #tpu.memory_space<hbm>>) dst(%arg17 : memref<80xi32, #tpu.memory_space<vmem>>)
    %dma_start3A_133 = arith.constant 0 : i32
    %dma_start3A_134 = arith.constant 0 : i32
    %dma_start3A_135 = tpu.memref_slice %arg2[%dma_start3A_133, %dma_start3A_134] : memref<10000x128xf32, #tpu.memory_space<hbm>> -> memref<10000x128xf32, #tpu.memory_space<hbm>>
    tpu.enqueue_indirect_dma source(%dma_start3A_135 : memref<10000x128xf32, #tpu.memory_space<hbm>>) target(%arg25 : memref<80x128xf32, #tpu.memory_space<vmem>>) offsets(%arg9 : memref<80xi32, #tpu.memory_space<vmem>>) semaphore(%arg38 : memref<!tpu.dma_semaphore, #tpu.memory_space<semaphore_mem>>)
    %dma_wait3A_136 = arith.constant 0 : i32
    %dma_wait3A_137 = arith.constant 0 : i32
    %dma_wait3A_138 = tpu.memref_slice %arg2[%dma_wait3A_136, %dma_wait3A_137] : memref<10000x128xf32, #tpu.memory_space<hbm>> -> memref<10000x128xf32, #tpu.memory_space<hbm>>
    tpu.wait_indirect_dma semaphore(%arg35 : memref<!tpu.dma_semaphore, #tpu.memory_space<semaphore_mem>>) src(%dma_wait3A_138 : memref<10000x128xf32, #tpu.memory_space<hbm>>) dst(%arg22 : memref<80x128xf32, #tpu.memory_space<vmem>>)
    %dma_start3A_139 = arith.constant 0 : i32
    %dma_start3A_140 = arith.constant 0 : i32
    %dma_start3A_141 = tpu.memref_slice %arg26[%dma_start3A_139, %dma_start3A_140] : memref<10000x128xf32, #tpu.memory_space<vmem_shared>> -> memref<10000x128xf32, #tpu.memory_space<vmem_shared>>
    tpu.enqueue_indirect_dma source(%arg22 : memref<80x128xf32, #tpu.memory_space<vmem>>) target(%dma_start3A_141 : memref<10000x128xf32, #tpu.memory_space<vmem_shared>>) offsets(%arg14 : memref<80xi32, #tpu.memory_space<vmem>>) semaphore(%arg39 : memref<!tpu.dma_semaphore, #tpu.memory_space<semaphore_mem>>) {add = true}
    %dma_wait3A_142 = arith.constant 0 : i32
    %dma_wait3A_143 = arith.constant 0 : i32
    %dma_wait3A_144 = tpu.memref_slice %arg2[%dma_wait3A_142, %dma_wait3A_143] : memref<10000x128xf32, #tpu.memory_space<hbm>> -> memref<10000x128xf32, #tpu.memory_space<hbm>>
    tpu.wait_indirect_dma semaphore(%arg36 : memref<!tpu.dma_semaphore, #tpu.memory_space<semaphore_mem>>) src(%dma_wait3A_144 : memref<10000x128xf32, #tpu.memory_space<hbm>>) dst(%arg23 : memref<80x128xf32, #tpu.memory_space<vmem>>)
    %dma_start3A_145 = arith.constant 0 : i32
    %dma_start3A_146 = arith.constant 0 : i32
    %dma_start3A_147 = tpu.memref_slice %arg26[%dma_start3A_145, %dma_start3A_146] : memref<10000x128xf32, #tpu.memory_space<vmem_shared>> -> memref<10000x128xf32, #tpu.memory_space<vmem_shared>>
    tpu.enqueue_indirect_dma source(%arg23 : memref<80x128xf32, #tpu.memory_space<vmem>>) target(%dma_start3A_147 : memref<10000x128xf32, #tpu.memory_space<vmem_shared>>) offsets(%arg15 : memref<80xi32, #tpu.memory_space<vmem>>) semaphore(%arg40 : memref<!tpu.dma_semaphore, #tpu.memory_space<semaphore_mem>>) {add = true}
    %dma_wait3A_148 = arith.constant 0 : i32
    %dma_wait3A_149 = arith.constant 0 : i32
    %dma_wait3A_150 = tpu.memref_slice %arg2[%dma_wait3A_148, %dma_wait3A_149] : memref<10000x128xf32, #tpu.memory_space<hbm>> -> memref<10000x128xf32, #tpu.memory_space<hbm>>
    tpu.wait_indirect_dma semaphore(%arg37 : memref<!tpu.dma_semaphore, #tpu.memory_space<semaphore_mem>>) src(%dma_wait3A_150 : memref<10000x128xf32, #tpu.memory_space<hbm>>) dst(%arg24 : memref<80x128xf32, #tpu.memory_space<vmem>>)
    %dma_start3A_151 = arith.constant 0 : i32
    %dma_start3A_152 = arith.constant 0 : i32
    %dma_start3A_153 = tpu.memref_slice %arg26[%dma_start3A_151, %dma_start3A_152] : memref<10000x128xf32, #tpu.memory_space<vmem_shared>> -> memref<10000x128xf32, #tpu.memory_space<vmem_shared>>
    tpu.enqueue_indirect_dma source(%arg24 : memref<80x128xf32, #tpu.memory_space<vmem>>) target(%dma_start3A_153 : memref<10000x128xf32, #tpu.memory_space<vmem_shared>>) offsets(%arg16 : memref<80xi32, #tpu.memory_space<vmem>>) semaphore(%arg41 : memref<!tpu.dma_semaphore, #tpu.memory_space<semaphore_mem>>) {add = true}
    %dma_wait3A_154 = arith.constant 0 : i32
    %dma_wait3A_155 = arith.constant 0 : i32
    %dma_wait3A_156 = tpu.memref_slice %arg2[%dma_wait3A_154, %dma_wait3A_155] : memref<10000x128xf32, #tpu.memory_space<hbm>> -> memref<10000x128xf32, #tpu.memory_space<hbm>>
    tpu.wait_indirect_dma semaphore(%arg38 : memref<!tpu.dma_semaphore, #tpu.memory_space<semaphore_mem>>) src(%dma_wait3A_156 : memref<10000x128xf32, #tpu.memory_space<hbm>>) dst(%arg25 : memref<80x128xf32, #tpu.memory_space<vmem>>)
    %dma_start3A_157 = arith.constant 0 : i32
    %dma_start3A_158 = arith.constant 0 : i32
    %dma_start3A_159 = tpu.memref_slice %arg26[%dma_start3A_157, %dma_start3A_158] : memref<10000x128xf32, #tpu.memory_space<vmem_shared>> -> memref<10000x128xf32, #tpu.memory_space<vmem_shared>>
    tpu.enqueue_indirect_dma source(%arg25 : memref<80x128xf32, #tpu.memory_space<vmem>>) target(%dma_start3A_159 : memref<10000x128xf32, #tpu.memory_space<vmem_shared>>) offsets(%arg17 : memref<80xi32, #tpu.memory_space<vmem>>) semaphore(%arg42 : memref<!tpu.dma_semaphore, #tpu.memory_space<semaphore_mem>>) {add = true}
    %dma_wait3A_160 = arith.constant 0 : i32
    %dma_wait3A_161 = arith.constant 0 : i32
    %dma_wait3A_162 = tpu.memref_slice %arg26[%dma_wait3A_160, %dma_wait3A_161] : memref<10000x128xf32, #tpu.memory_space<vmem_shared>> -> memref<10000x128xf32, #tpu.memory_space<vmem_shared>>
    tpu.wait_indirect_dma semaphore(%arg39 : memref<!tpu.dma_semaphore, #tpu.memory_space<semaphore_mem>>) src(%arg22 : memref<80x128xf32, #tpu.memory_space<vmem>>) dst(%dma_wait3A_162 : memref<10000x128xf32, #tpu.memory_space<vmem_shared>>)
    %add3A_163 = arith.constant 9600 : i32
    %add3A_164 = arith.addi %mul3A_2, %add3A_163 : i32
    %dma_start3A_165 = tpu.memref_slice %arg3[%add3A_164] : memref<320000xi32, #tpu.memory_space<hbm>> -> memref<80xi32, #tpu.memory_space<hbm>>
    %dma_start3A_166 = tpu.memref_slice %arg3[%add3A_164] : memref<320000xi32, #tpu.memory_space<hbm>> -> memref<80xi32, #tpu.memory_space<hbm>>
    tpu.enqueue_dma source(%dma_start3A_166 : memref<80xi32, #tpu.memory_space<hbm>>) target(%arg6 : memref<80xi32, #tpu.memory_space<vmem>>) target_semaphore(%arg27 : memref<!tpu.dma_semaphore, #tpu.memory_space<semaphore_mem>>)
    %add3A_167 = arith.constant 9600 : i32
    %add3A_168 = arith.addi %mul3A_2, %add3A_167 : i32
    %dma_start3A_169 = tpu.memref_slice %arg4[%add3A_168] : memref<320000xi32, #tpu.memory_space<hbm>> -> memref<80xi32, #tpu.memory_space<hbm>>
    %dma_start3A_170 = tpu.memref_slice %arg4[%add3A_168] : memref<320000xi32, #tpu.memory_space<hbm>> -> memref<80xi32, #tpu.memory_space<hbm>>
    tpu.enqueue_dma source(%dma_start3A_170 : memref<80xi32, #tpu.memory_space<hbm>>) target(%arg14 : memref<80xi32, #tpu.memory_space<vmem>>) target_semaphore(%arg27 : memref<!tpu.dma_semaphore, #tpu.memory_space<semaphore_mem>>)
    %dma_wait3A_171 = arith.constant 0 : i32
    %dma_wait3A_172 = arith.constant 0 : i32
    %dma_wait3A_173 = tpu.memref_slice %arg26[%dma_wait3A_171, %dma_wait3A_172] : memref<10000x128xf32, #tpu.memory_space<vmem_shared>> -> memref<10000x128xf32, #tpu.memory_space<vmem_shared>>
    tpu.wait_indirect_dma semaphore(%arg40 : memref<!tpu.dma_semaphore, #tpu.memory_space<semaphore_mem>>) src(%arg23 : memref<80x128xf32, #tpu.memory_space<vmem>>) dst(%dma_wait3A_173 : memref<10000x128xf32, #tpu.memory_space<vmem_shared>>)
    %add3A_174 = arith.constant 9680 : i32
    %add3A_175 = arith.addi %mul3A_2, %add3A_174 : i32
    %dma_start3A_176 = tpu.memref_slice %arg3[%add3A_175] : memref<320000xi32, #tpu.memory_space<hbm>> -> memref<80xi32, #tpu.memory_space<hbm>>
    %dma_start3A_177 = tpu.memref_slice %arg3[%add3A_175] : memref<320000xi32, #tpu.memory_space<hbm>> -> memref<80xi32, #tpu.memory_space<hbm>>
    tpu.enqueue_dma source(%dma_start3A_177 : memref<80xi32, #tpu.memory_space<hbm>>) target(%arg7 : memref<80xi32, #tpu.memory_space<vmem>>) target_semaphore(%arg28 : memref<!tpu.dma_semaphore, #tpu.memory_space<semaphore_mem>>)
    %add3A_178 = arith.constant 9680 : i32
    %add3A_179 = arith.addi %mul3A_2, %add3A_178 : i32
    %dma_start3A_180 = tpu.memref_slice %arg4[%add3A_179] : memref<320000xi32, #tpu.memory_space<hbm>> -> memref<80xi32, #tpu.memory_space<hbm>>
    %dma_start3A_181 = tpu.memref_slice %arg4[%add3A_179] : memref<320000xi32, #tpu.memory_space<hbm>> -> memref<80xi32, #tpu.memory_space<hbm>>
    tpu.enqueue_dma source(%dma_start3A_181 : memref<80xi32, #tpu.memory_space<hbm>>) target(%arg15 : memref<80xi32, #tpu.memory_space<vmem>>) target_semaphore(%arg28 : memref<!tpu.dma_semaphore, #tpu.memory_space<semaphore_mem>>)
    %dma_wait3A_182 = arith.constant 0 : i32
    %dma_wait3A_183 = arith.constant 0 : i32
    %dma_wait3A_184 = tpu.memref_slice %arg26[%dma_wait3A_182, %dma_wait3A_183] : memref<10000x128xf32, #tpu.memory_space<vmem_shared>> -> memref<10000x128xf32, #tpu.memory_space<vmem_shared>>
    tpu.wait_indirect_dma semaphore(%arg41 : memref<!tpu.dma_semaphore, #tpu.memory_space<semaphore_mem>>) src(%arg24 : memref<80x128xf32, #tpu.memory_space<vmem>>) dst(%dma_wait3A_184 : memref<10000x128xf32, #tpu.memory_space<vmem_shared>>)
    %add3A_185 = arith.constant 9760 : i32
    %add3A_186 = arith.addi %mul3A_2, %add3A_185 : i32
    %dma_start3A_187 = tpu.memref_slice %arg3[%add3A_186] : memref<320000xi32, #tpu.memory_space<hbm>> -> memref<80xi32, #tpu.memory_space<hbm>>
    %dma_start3A_188 = tpu.memref_slice %arg3[%add3A_186] : memref<320000xi32, #tpu.memory_space<hbm>> -> memref<80xi32, #tpu.memory_space<hbm>>
    tpu.enqueue_dma source(%dma_start3A_188 : memref<80xi32, #tpu.memory_space<hbm>>) target(%arg8 : memref<80xi32, #tpu.memory_space<vmem>>) target_semaphore(%arg29 : memref<!tpu.dma_semaphore, #tpu.memory_space<semaphore_mem>>)
    %add3A_189 = arith.constant 9760 : i32
    %add3A_190 = arith.addi %mul3A_2, %add3A_189 : i32
    %dma_start3A_191 = tpu.memref_slice %arg4[%add3A_190] : memref<320000xi32, #tpu.memory_space<hbm>> -> memref<80xi32, #tpu.memory_space<hbm>>
    %dma_start3A_192 = tpu.memref_slice %arg4[%add3A_190] : memref<320000xi32, #tpu.memory_space<hbm>> -> memref<80xi32, #tpu.memory_space<hbm>>
    tpu.enqueue_dma source(%dma_start3A_192 : memref<80xi32, #tpu.memory_space<hbm>>) target(%arg16 : memref<80xi32, #tpu.memory_space<vmem>>) target_semaphore(%arg29 : memref<!tpu.dma_semaphore, #tpu.memory_space<semaphore_mem>>)
    %dma_wait3A_193 = arith.constant 0 : i32
    %dma_wait3A_194 = arith.constant 0 : i32
    %dma_wait3A_195 = tpu.memref_slice %arg26[%dma_wait3A_193, %dma_wait3A_194] : memref<10000x128xf32, #tpu.memory_space<vmem_shared>> -> memref<10000x128xf32, #tpu.memory_space<vmem_shared>>
    tpu.wait_indirect_dma semaphore(%arg42 : memref<!tpu.dma_semaphore, #tpu.memory_space<semaphore_mem>>) src(%arg25 : memref<80x128xf32, #tpu.memory_space<vmem>>) dst(%dma_wait3A_195 : memref<10000x128xf32, #tpu.memory_space<vmem_shared>>)
    %add3A_196 = arith.constant 9840 : i32
    %add3A_197 = arith.addi %mul3A_2, %add3A_196 : i32
    %dma_start3A_198 = tpu.memref_slice %arg3[%add3A_197] : memref<320000xi32, #tpu.memory_space<hbm>> -> memref<80xi32, #tpu.memory_space<hbm>>
    %dma_start3A_199 = tpu.memref_slice %arg3[%add3A_197] : memref<320000xi32, #tpu.memory_space<hbm>> -> memref<80xi32, #tpu.memory_space<hbm>>
    tpu.enqueue_dma source(%dma_start3A_199 : memref<80xi32, #tpu.memory_space<hbm>>) target(%arg9 : memref<80xi32, #tpu.memory_space<vmem>>) target_semaphore(%arg30 : memref<!tpu.dma_semaphore, #tpu.memory_space<semaphore_mem>>)
    %add3A_200 = arith.constant 9840 : i32
    %add3A_201 = arith.addi %mul3A_2, %add3A_200 : i32
    %dma_start3A_202 = tpu.memref_slice %arg4[%add3A_201] : memref<320000xi32, #tpu.memory_space<hbm>> -> memref<80xi32, #tpu.memory_space<hbm>>
    %dma_start3A_203 = tpu.memref_slice %arg4[%add3A_201] : memref<320000xi32, #tpu.memory_space<hbm>> -> memref<80xi32, #tpu.memory_space<hbm>>
    tpu.enqueue_dma source(%dma_start3A_203 : memref<80xi32, #tpu.memory_space<hbm>>) target(%arg17 : memref<80xi32, #tpu.memory_space<vmem>>) target_semaphore(%arg30 : memref<!tpu.dma_semaphore, #tpu.memory_space<semaphore_mem>>)
    %add3A_204 = arith.constant 9280 : i32
    %add3A_205 = arith.addi %mul3A_2, %add3A_204 : i32
    %dma_wait3A_206 = tpu.memref_slice %arg3[%add3A_205] : memref<320000xi32, #tpu.memory_space<hbm>> -> memref<80xi32, #tpu.memory_space<hbm>>
    %dma_wait3A_207 = tpu.memref_slice %arg3[%add3A_205] : memref<320000xi32, #tpu.memory_space<hbm>> -> memref<80xi32, #tpu.memory_space<hbm>>
    tpu.wait_dma2 semaphore(%arg31 : memref<!tpu.dma_semaphore, #tpu.memory_space<semaphore_mem>>) src(%dma_wait3A_207 : memref<80xi32, #tpu.memory_space<hbm>>) dst(%arg10 : memref<80xi32, #tpu.memory_space<vmem>>)
    %add3A_208 = arith.constant 9280 : i32
    %add3A_209 = arith.addi %mul3A_2, %add3A_208 : i32
    %dma_wait3A_210 = tpu.memref_slice %arg4[%add3A_209] : memref<320000xi32, #tpu.memory_space<hbm>> -> memref<80xi32, #tpu.memory_space<hbm>>
    %dma_wait3A_211 = tpu.memref_slice %arg4[%add3A_209] : memref<320000xi32, #tpu.memory_space<hbm>> -> memref<80xi32, #tpu.memory_space<hbm>>
    tpu.wait_dma2 semaphore(%arg31 : memref<!tpu.dma_semaphore, #tpu.memory_space<semaphore_mem>>) src(%dma_wait3A_211 : memref<80xi32, #tpu.memory_space<hbm>>) dst(%arg18 : memref<80xi32, #tpu.memory_space<vmem>>)
    %dma_start3A_212 = arith.constant 0 : i32
    %dma_start3A_213 = arith.constant 0 : i32
    %dma_start3A_214 = tpu.memref_slice %arg2[%dma_start3A_212, %dma_start3A_213] : memref<10000x128xf32, #tpu.memory_space<hbm>> -> memref<10000x128xf32, #tpu.memory_space<hbm>>
    tpu.enqueue_indirect_dma source(%dma_start3A_214 : memref<10000x128xf32, #tpu.memory_space<hbm>>) target(%arg22 : memref<80x128xf32, #tpu.memory_space<vmem>>) offsets(%arg10 : memref<80xi32, #tpu.memory_space<vmem>>) semaphore(%arg35 : memref<!tpu.dma_semaphore, #tpu.memory_space<semaphore_mem>>)
    %add3A_215 = arith.constant 9360 : i32
    %add3A_216 = arith.addi %mul3A_2, %add3A_215 : i32
    %dma_wait3A_217 = tpu.memref_slice %arg3[%add3A_216] : memref<320000xi32, #tpu.memory_space<hbm>> -> memref<80xi32, #tpu.memory_space<hbm>>
    %dma_wait3A_218 = tpu.memref_slice %arg3[%add3A_216] : memref<320000xi32, #tpu.memory_space<hbm>> -> memref<80xi32, #tpu.memory_space<hbm>>
    tpu.wait_dma2 semaphore(%arg32 : memref<!tpu.dma_semaphore, #tpu.memory_space<semaphore_mem>>) src(%dma_wait3A_218 : memref<80xi32, #tpu.memory_space<hbm>>) dst(%arg11 : memref<80xi32, #tpu.memory_space<vmem>>)
    %add3A_219 = arith.constant 9360 : i32
    %add3A_220 = arith.addi %mul3A_2, %add3A_219 : i32
    %dma_wait3A_221 = tpu.memref_slice %arg4[%add3A_220] : memref<320000xi32, #tpu.memory_space<hbm>> -> memref<80xi32, #tpu.memory_space<hbm>>
    %dma_wait3A_222 = tpu.memref_slice %arg4[%add3A_220] : memref<320000xi32, #tpu.memory_space<hbm>> -> memref<80xi32, #tpu.memory_space<hbm>>
    tpu.wait_dma2 semaphore(%arg32 : memref<!tpu.dma_semaphore, #tpu.memory_space<semaphore_mem>>) src(%dma_wait3A_222 : memref<80xi32, #tpu.memory_space<hbm>>) dst(%arg19 : memref<80xi32, #tpu.memory_space<vmem>>)
    %dma_start3A_223 = arith.constant 0 : i32
    %dma_start3A_224 = arith.constant 0 : i32
    %dma_start3A_225 = tpu.memref_slice %arg2[%dma_start3A_223, %dma_start3A_224] : memref<10000x128xf32, #tpu.memory_space<hbm>> -> memref<10000x128xf32, #tpu.memory_space<hbm>>
    tpu.enqueue_indirect_dma source(%dma_start3A_225 : memref<10000x128xf32, #tpu.memory_space<hbm>>) target(%arg23 : memref<80x128xf32, #tpu.memory_space<vmem>>) offsets(%arg11 : memref<80xi32, #tpu.memory_space<vmem>>) semaphore(%arg36 : memref<!tpu.dma_semaphore, #tpu.memory_space<semaphore_mem>>)
    %add3A_226 = arith.constant 9440 : i32
    %add3A_227 = arith.addi %mul3A_2, %add3A_226 : i32
    %dma_wait3A_228 = tpu.memref_slice %arg3[%add3A_227] : memref<320000xi32, #tpu.memory_space<hbm>> -> memref<80xi32, #tpu.memory_space<hbm>>
    %dma_wait3A_229 = tpu.memref_slice %arg3[%add3A_227] : memref<320000xi32, #tpu.memory_space<hbm>> -> memref<80xi32, #tpu.memory_space<hbm>>
    tpu.wait_dma2 semaphore(%arg33 : memref<!tpu.dma_semaphore, #tpu.memory_space<semaphore_mem>>) src(%dma_wait3A_229 : memref<80xi32, #tpu.memory_space<hbm>>) dst(%arg12 : memref<80xi32, #tpu.memory_space<vmem>>)
    %add3A_230 = arith.constant 9440 : i32
    %add3A_231 = arith.addi %mul3A_2, %add3A_230 : i32
    %dma_wait3A_232 = tpu.memref_slice %arg4[%add3A_231] : memref<320000xi32, #tpu.memory_space<hbm>> -> memref<80xi32, #tpu.memory_space<hbm>>
    %dma_wait3A_233 = tpu.memref_slice %arg4[%add3A_231] : memref<320000xi32, #tpu.memory_space<hbm>> -> memref<80xi32, #tpu.memory_space<hbm>>
    tpu.wait_dma2 semaphore(%arg33 : memref<!tpu.dma_semaphore, #tpu.memory_space<semaphore_mem>>) src(%dma_wait3A_233 : memref<80xi32, #tpu.memory_space<hbm>>) dst(%arg20 : memref<80xi32, #tpu.memory_space<vmem>>)
    %dma_start3A_234 = arith.constant 0 : i32
    %dma_start3A_235 = arith.constant 0 : i32
    %dma_start3A_236 = tpu.memref_slice %arg2[%dma_start3A_234, %dma_start3A_235] : memref<10000x128xf32, #tpu.memory_space<hbm>> -> memref<10000x128xf32, #tpu.memory_space<hbm>>
    tpu.enqueue_indirect_dma source(%dma_start3A_236 : memref<10000x128xf32, #tpu.memory_space<hbm>>) target(%arg24 : memref<80x128xf32, #tpu.memory_space<vmem>>) offsets(%arg12 : memref<80xi32, #tpu.memory_space<vmem>>) semaphore(%arg37 : memref<!tpu.dma_semaphore, #tpu.memory_space<semaphore_mem>>)
    %add3A_237 = arith.constant 9520 : i32
    %add3A_238 = arith.addi %mul3A_2, %add3A_237 : i32
    %dma_wait3A_239 = tpu.memref_slice %arg3[%add3A_238] : memref<320000xi32, #tpu.memory_space<hbm>> -> memref<80xi32, #tpu.memory_space<hbm>>
    %dma_wait3A_240 = tpu.memref_slice %arg3[%add3A_238] : memref<320000xi32, #tpu.memory_space<hbm>> -> memref<80xi32, #tpu.memory_space<hbm>>
    tpu.wait_dma2 semaphore(%arg34 : memref<!tpu.dma_semaphore, #tpu.memory_space<semaphore_mem>>) src(%dma_wait3A_240 : memref<80xi32, #tpu.memory_space<hbm>>) dst(%arg13 : memref<80xi32, #tpu.memory_space<vmem>>)
    %add3A_241 = arith.constant 9520 : i32
    %add3A_242 = arith.addi %mul3A_2, %add3A_241 : i32
    %dma_wait3A_243 = tpu.memref_slice %arg4[%add3A_242] : memref<320000xi32, #tpu.memory_space<hbm>> -> memref<80xi32, #tpu.memory_space<hbm>>
    %dma_wait3A_244 = tpu.memref_slice %arg4[%add3A_242] : memref<320000xi32, #tpu.memory_space<hbm>> -> memref<80xi32, #tpu.memory_space<hbm>>
    tpu.wait_dma2 semaphore(%arg34 : memref<!tpu.dma_semaphore, #tpu.memory_space<semaphore_mem>>) src(%dma_wait3A_244 : memref<80xi32, #tpu.memory_space<hbm>>) dst(%arg21 : memref<80xi32, #tpu.memory_space<vmem>>)
    %dma_start3A_245 = arith.constant 0 : i32
    %dma_start3A_246 = arith.constant 0 : i32
    %dma_start3A_247 = tpu.memref_slice %arg2[%dma_start3A_245, %dma_start3A_246] : memref<10000x128xf32, #tpu.memory_space<hbm>> -> memref<10000x128xf32, #tpu.memory_space<hbm>>
    tpu.enqueue_indirect_dma source(%dma_start3A_247 : memref<10000x128xf32, #tpu.memory_space<hbm>>) target(%arg25 : memref<80x128xf32, #tpu.memory_space<vmem>>) offsets(%arg13 : memref<80xi32, #tpu.memory_space<vmem>>) semaphore(%arg38 : memref<!tpu.dma_semaphore, #tpu.memory_space<semaphore_mem>>)
    %dma_wait3A_248 = arith.constant 0 : i32
    %dma_wait3A_249 = arith.constant 0 : i32
    %dma_wait3A_250 = tpu.memref_slice %arg2[%dma_wait3A_248, %dma_wait3A_249] : memref<10000x128xf32, #tpu.memory_space<hbm>> -> memref<10000x128xf32, #tpu.memory_space<hbm>>
    tpu.wait_indirect_dma semaphore(%arg35 : memref<!tpu.dma_semaphore, #tpu.memory_space<semaphore_mem>>) src(%dma_wait3A_250 : memref<10000x128xf32, #tpu.memory_space<hbm>>) dst(%arg22 : memref<80x128xf32, #tpu.memory_space<vmem>>)
    %dma_start3A_251 = arith.constant 0 : i32
    %dma_start3A_252 = arith.constant 0 : i32
    %dma_start3A_253 = tpu.memref_slice %arg26[%dma_start3A_251, %dma_start3A_252] : memref<10000x128xf32, #tpu.memory_space<vmem_shared>> -> memref<10000x128xf32, #tpu.memory_space<vmem_shared>>
    tpu.enqueue_indirect_dma source(%arg22 : memref<80x128xf32, #tpu.memory_space<vmem>>) target(%dma_start3A_253 : memref<10000x128xf32, #tpu.memory_space<vmem_shared>>) offsets(%arg18 : memref<80xi32, #tpu.memory_space<vmem>>) semaphore(%arg39 : memref<!tpu.dma_semaphore, #tpu.memory_space<semaphore_mem>>) {add = true}
    %dma_wait3A_254 = arith.constant 0 : i32
    %dma_wait3A_255 = arith.constant 0 : i32
    %dma_wait3A_256 = tpu.memref_slice %arg2[%dma_wait3A_254, %dma_wait3A_255] : memref<10000x128xf32, #tpu.memory_space<hbm>> -> memref<10000x128xf32, #tpu.memory_space<hbm>>
    tpu.wait_indirect_dma semaphore(%arg36 : memref<!tpu.dma_semaphore, #tpu.memory_space<semaphore_mem>>) src(%dma_wait3A_256 : memref<10000x128xf32, #tpu.memory_space<hbm>>) dst(%arg23 : memref<80x128xf32, #tpu.memory_space<vmem>>)
    %dma_start3A_257 = arith.constant 0 : i32
    %dma_start3A_258 = arith.constant 0 : i32
    %dma_start3A_259 = tpu.memref_slice %arg26[%dma_start3A_257, %dma_start3A_258] : memref<10000x128xf32, #tpu.memory_space<vmem_shared>> -> memref<10000x128xf32, #tpu.memory_space<vmem_shared>>
    tpu.enqueue_indirect_dma source(%arg23 : memref<80x128xf32, #tpu.memory_space<vmem>>) target(%dma_start3A_259 : memref<10000x128xf32, #tpu.memory_space<vmem_shared>>) offsets(%arg19 : memref<80xi32, #tpu.memory_space<vmem>>) semaphore(%arg40 : memref<!tpu.dma_semaphore, #tpu.memory_space<semaphore_mem>>) {add = true}
    %dma_wait3A_260 = arith.constant 0 : i32
    %dma_wait3A_261 = arith.constant 0 : i32
    %dma_wait3A_262 = tpu.memref_slice %arg2[%dma_wait3A_260, %dma_wait3A_261] : memref<10000x128xf32, #tpu.memory_space<hbm>> -> memref<10000x128xf32, #tpu.memory_space<hbm>>
    tpu.wait_indirect_dma semaphore(%arg37 : memref<!tpu.dma_semaphore, #tpu.memory_space<semaphore_mem>>) src(%dma_wait3A_262 : memref<10000x128xf32, #tpu.memory_space<hbm>>) dst(%arg24 : memref<80x128xf32, #tpu.memory_space<vmem>>)
    %dma_start3A_263 = arith.constant 0 : i32
    %dma_start3A_264 = arith.constant 0 : i32
    %dma_start3A_265 = tpu.memref_slice %arg26[%dma_start3A_263, %dma_start3A_264] : memref<10000x128xf32, #tpu.memory_space<vmem_shared>> -> memref<10000x128xf32, #tpu.memory_space<vmem_shared>>
    tpu.enqueue_indirect_dma source(%arg24 : memref<80x128xf32, #tpu.memory_space<vmem>>) target(%dma_start3A_265 : memref<10000x128xf32, #tpu.memory_space<vmem_shared>>) offsets(%arg20 : memref<80xi32, #tpu.memory_space<vmem>>) semaphore(%arg41 : memref<!tpu.dma_semaphore, #tpu.memory_space<semaphore_mem>>) {add = true}
    %dma_wait3A_266 = arith.constant 0 : i32
    %dma_wait3A_267 = arith.constant 0 : i32
    %dma_wait3A_268 = tpu.memref_slice %arg2[%dma_wait3A_266, %dma_wait3A_267] : memref<10000x128xf32, #tpu.memory_space<hbm>> -> memref<10000x128xf32, #tpu.memory_space<hbm>>
    tpu.wait_indirect_dma semaphore(%arg38 : memref<!tpu.dma_semaphore, #tpu.memory_space<semaphore_mem>>) src(%dma_wait3A_268 : memref<10000x128xf32, #tpu.memory_space<hbm>>) dst(%arg25 : memref<80x128xf32, #tpu.memory_space<vmem>>)
    %dma_start3A_269 = arith.constant 0 : i32
    %dma_start3A_270 = arith.constant 0 : i32
    %dma_start3A_271 = tpu.memref_slice %arg26[%dma_start3A_269, %dma_start3A_270] : memref<10000x128xf32, #tpu.memory_space<vmem_shared>> -> memref<10000x128xf32, #tpu.memory_space<vmem_shared>>
    tpu.enqueue_indirect_dma source(%arg25 : memref<80x128xf32, #tpu.memory_space<vmem>>) target(%dma_start3A_271 : memref<10000x128xf32, #tpu.memory_space<vmem_shared>>) offsets(%arg21 : memref<80xi32, #tpu.memory_space<vmem>>) semaphore(%arg42 : memref<!tpu.dma_semaphore, #tpu.memory_space<semaphore_mem>>) {add = true}
    %dma_wait3A_272 = arith.constant 0 : i32
    %dma_wait3A_273 = arith.constant 0 : i32
    %dma_wait3A_274 = tpu.memref_slice %arg26[%dma_wait3A_272, %dma_wait3A_273] : memref<10000x128xf32, #tpu.memory_space<vmem_shared>> -> memref<10000x128xf32, #tpu.memory_space<vmem_shared>>
    tpu.wait_indirect_dma semaphore(%arg39 : memref<!tpu.dma_semaphore, #tpu.memory_space<semaphore_mem>>) src(%arg22 : memref<80x128xf32, #tpu.memory_space<vmem>>) dst(%dma_wait3A_274 : memref<10000x128xf32, #tpu.memory_space<vmem_shared>>)
    %add3A_275 = arith.constant 9920 : i32
    %add3A_276 = arith.addi %mul3A_2, %add3A_275 : i32
    %dma_start3A_277 = tpu.memref_slice %arg3[%add3A_276] : memref<320000xi32, #tpu.memory_space<hbm>> -> memref<80xi32, #tpu.memory_space<hbm>>
    %dma_start3A_278 = tpu.memref_slice %arg3[%add3A_276] : memref<320000xi32, #tpu.memory_space<hbm>> -> memref<80xi32, #tpu.memory_space<hbm>>
    tpu.enqueue_dma source(%dma_start3A_278 : memref<80xi32, #tpu.memory_space<hbm>>) target(%arg10 : memref<80xi32, #tpu.memory_space<vmem>>) target_semaphore(%arg31 : memref<!tpu.dma_semaphore, #tpu.memory_space<semaphore_mem>>)
    %add3A_279 = arith.constant 9920 : i32
    %add3A_280 = arith.addi %mul3A_2, %add3A_279 : i32
    %dma_start3A_281 = tpu.memref_slice %arg4[%add3A_280] : memref<320000xi32, #tpu.memory_space<hbm>> -> memref<80xi32, #tpu.memory_space<hbm>>
    %dma_start3A_282 = tpu.memref_slice %arg4[%add3A_280] : memref<320000xi32, #tpu.memory_space<hbm>> -> memref<80xi32, #tpu.memory_space<hbm>>
    tpu.enqueue_dma source(%dma_start3A_282 : memref<80xi32, #tpu.memory_space<hbm>>) target(%arg18 : memref<80xi32, #tpu.memory_space<vmem>>) target_semaphore(%arg31 : memref<!tpu.dma_semaphore, #tpu.memory_space<semaphore_mem>>)
    %dma_wait3A_283 = arith.constant 0 : i32
    %dma_wait3A_284 = arith.constant 0 : i32
    %dma_wait3A_285 = tpu.memref_slice %arg26[%dma_wait3A_283, %dma_wait3A_284] : memref<10000x128xf32, #tpu.memory_space<vmem_shared>> -> memref<10000x128xf32, #tpu.memory_space<vmem_shared>>
    tpu.wait_indirect_dma semaphore(%arg40 : memref<!tpu.dma_semaphore, #tpu.memory_space<semaphore_mem>>) src(%arg23 : memref<80x128xf32, #tpu.memory_space<vmem>>) dst(%dma_wait3A_285 : memref<10000x128xf32, #tpu.memory_space<vmem_shared>>)
    %dma_wait3A_286 = arith.constant 0 : i32
    %dma_wait3A_287 = arith.constant 0 : i32
    %dma_wait3A_288 = tpu.memref_slice %arg26[%dma_wait3A_286, %dma_wait3A_287] : memref<10000x128xf32, #tpu.memory_space<vmem_shared>> -> memref<10000x128xf32, #tpu.memory_space<vmem_shared>>
    tpu.wait_indirect_dma semaphore(%arg41 : memref<!tpu.dma_semaphore, #tpu.memory_space<semaphore_mem>>) src(%arg24 : memref<80x128xf32, #tpu.memory_space<vmem>>) dst(%dma_wait3A_288 : memref<10000x128xf32, #tpu.memory_space<vmem_shared>>)
    %dma_wait3A_289 = arith.constant 0 : i32
    %dma_wait3A_290 = arith.constant 0 : i32
    %dma_wait3A_291 = tpu.memref_slice %arg26[%dma_wait3A_289, %dma_wait3A_290] : memref<10000x128xf32, #tpu.memory_space<vmem_shared>> -> memref<10000x128xf32, #tpu.memory_space<vmem_shared>>
    tpu.wait_indirect_dma semaphore(%arg42 : memref<!tpu.dma_semaphore, #tpu.memory_space<semaphore_mem>>) src(%arg25 : memref<80x128xf32, #tpu.memory_space<vmem>>) dst(%dma_wait3A_291 : memref<10000x128xf32, #tpu.memory_space<vmem_shared>>)
    %add3A_292 = arith.constant 9600 : i32
    %add3A_293 = arith.addi %mul3A_2, %add3A_292 : i32
    %dma_wait3A_294 = tpu.memref_slice %arg3[%add3A_293] : memref<320000xi32, #tpu.memory_space<hbm>> -> memref<80xi32, #tpu.memory_space<hbm>>
    %dma_wait3A_295 = tpu.memref_slice %arg3[%add3A_293] : memref<320000xi32, #tpu.memory_space<hbm>> -> memref<80xi32, #tpu.memory_space<hbm>>
    tpu.wait_dma2 semaphore(%arg27 : memref<!tpu.dma_semaphore, #tpu.memory_space<semaphore_mem>>) src(%dma_wait3A_295 : memref<80xi32, #tpu.memory_space<hbm>>) dst(%arg6 : memref<80xi32, #tpu.memory_space<vmem>>)
    %add3A_296 = arith.constant 9600 : i32
    %add3A_297 = arith.addi %mul3A_2, %add3A_296 : i32
    %dma_wait3A_298 = tpu.memref_slice %arg4[%add3A_297] : memref<320000xi32, #tpu.memory_space<hbm>> -> memref<80xi32, #tpu.memory_space<hbm>>
    %dma_wait3A_299 = tpu.memref_slice %arg4[%add3A_297] : memref<320000xi32, #tpu.memory_space<hbm>> -> memref<80xi32, #tpu.memory_space<hbm>>
    tpu.wait_dma2 semaphore(%arg27 : memref<!tpu.dma_semaphore, #tpu.memory_space<semaphore_mem>>) src(%dma_wait3A_299 : memref<80xi32, #tpu.memory_space<hbm>>) dst(%arg14 : memref<80xi32, #tpu.memory_space<vmem>>)
    %dma_start3A_300 = arith.constant 0 : i32
    %dma_start3A_301 = arith.constant 0 : i32
    %dma_start3A_302 = tpu.memref_slice %arg2[%dma_start3A_300, %dma_start3A_301] : memref<10000x128xf32, #tpu.memory_space<hbm>> -> memref<10000x128xf32, #tpu.memory_space<hbm>>
    tpu.enqueue_indirect_dma source(%dma_start3A_302 : memref<10000x128xf32, #tpu.memory_space<hbm>>) target(%arg22 : memref<80x128xf32, #tpu.memory_space<vmem>>) offsets(%arg6 : memref<80xi32, #tpu.memory_space<vmem>>) semaphore(%arg35 : memref<!tpu.dma_semaphore, #tpu.memory_space<semaphore_mem>>)
    %dma_wait3A_303 = arith.constant 0 : i32
    %dma_wait3A_304 = arith.constant 0 : i32
    %dma_wait3A_305 = tpu.memref_slice %arg2[%dma_wait3A_303, %dma_wait3A_304] : memref<10000x128xf32, #tpu.memory_space<hbm>> -> memref<10000x128xf32, #tpu.memory_space<hbm>>
    tpu.wait_indirect_dma semaphore(%arg35 : memref<!tpu.dma_semaphore, #tpu.memory_space<semaphore_mem>>) src(%dma_wait3A_305 : memref<10000x128xf32, #tpu.memory_space<hbm>>) dst(%arg22 : memref<80x128xf32, #tpu.memory_space<vmem>>)
    %dma_start3A_306 = arith.constant 0 : i32
    %dma_start3A_307 = arith.constant 0 : i32
    %dma_start3A_308 = tpu.memref_slice %arg26[%dma_start3A_306, %dma_start3A_307] : memref<10000x128xf32, #tpu.memory_space<vmem_shared>> -> memref<10000x128xf32, #tpu.memory_space<vmem_shared>>
    tpu.enqueue_indirect_dma source(%arg22 : memref<80x128xf32, #tpu.memory_space<vmem>>) target(%dma_start3A_308 : memref<10000x128xf32, #tpu.memory_space<vmem_shared>>) offsets(%arg14 : memref<80xi32, #tpu.memory_space<vmem>>) semaphore(%arg39 : memref<!tpu.dma_semaphore, #tpu.memory_space<semaphore_mem>>) {add = true}
    %dma_wait3A_309 = arith.constant 0 : i32
    %dma_wait3A_310 = arith.constant 0 : i32
    %dma_wait3A_311 = tpu.memref_slice %arg26[%dma_wait3A_309, %dma_wait3A_310] : memref<10000x128xf32, #tpu.memory_space<vmem_shared>> -> memref<10000x128xf32, #tpu.memory_space<vmem_shared>>
    tpu.wait_indirect_dma semaphore(%arg39 : memref<!tpu.dma_semaphore, #tpu.memory_space<semaphore_mem>>) src(%arg22 : memref<80x128xf32, #tpu.memory_space<vmem>>) dst(%dma_wait3A_311 : memref<10000x128xf32, #tpu.memory_space<vmem_shared>>)
    %add3A_312 = arith.constant 9680 : i32
    %add3A_313 = arith.addi %mul3A_2, %add3A_312 : i32
    %dma_wait3A_314 = tpu.memref_slice %arg3[%add3A_313] : memref<320000xi32, #tpu.memory_space<hbm>> -> memref<80xi32, #tpu.memory_space<hbm>>
    %dma_wait3A_315 = tpu.memref_slice %arg3[%add3A_313] : memref<320000xi32, #tpu.memory_space<hbm>> -> memref<80xi32, #tpu.memory_space<hbm>>
    tpu.wait_dma2 semaphore(%arg28 : memref<!tpu.dma_semaphore, #tpu.memory_space<semaphore_mem>>) src(%dma_wait3A_315 : memref<80xi32, #tpu.memory_space<hbm>>) dst(%arg7 : memref<80xi32, #tpu.memory_space<vmem>>)
    %add3A_316 = arith.constant 9680 : i32
    %add3A_317 = arith.addi %mul3A_2, %add3A_316 : i32
    %dma_wait3A_318 = tpu.memref_slice %arg4[%add3A_317] : memref<320000xi32, #tpu.memory_space<hbm>> -> memref<80xi32, #tpu.memory_space<hbm>>
    %dma_wait3A_319 = tpu.memref_slice %arg4[%add3A_317] : memref<320000xi32, #tpu.memory_space<hbm>> -> memref<80xi32, #tpu.memory_space<hbm>>
    tpu.wait_dma2 semaphore(%arg28 : memref<!tpu.dma_semaphore, #tpu.memory_space<semaphore_mem>>) src(%dma_wait3A_319 : memref<80xi32, #tpu.memory_space<hbm>>) dst(%arg15 : memref<80xi32, #tpu.memory_space<vmem>>)
    %dma_start3A_320 = arith.constant 0 : i32
    %dma_start3A_321 = arith.constant 0 : i32
    %dma_start3A_322 = tpu.memref_slice %arg2[%dma_start3A_320, %dma_start3A_321] : memref<10000x128xf32, #tpu.memory_space<hbm>> -> memref<10000x128xf32, #tpu.memory_space<hbm>>
    tpu.enqueue_indirect_dma source(%dma_start3A_322 : memref<10000x128xf32, #tpu.memory_space<hbm>>) target(%arg23 : memref<80x128xf32, #tpu.memory_space<vmem>>) offsets(%arg7 : memref<80xi32, #tpu.memory_space<vmem>>) semaphore(%arg36 : memref<!tpu.dma_semaphore, #tpu.memory_space<semaphore_mem>>)
    %dma_wait3A_323 = arith.constant 0 : i32
    %dma_wait3A_324 = arith.constant 0 : i32
    %dma_wait3A_325 = tpu.memref_slice %arg2[%dma_wait3A_323, %dma_wait3A_324] : memref<10000x128xf32, #tpu.memory_space<hbm>> -> memref<10000x128xf32, #tpu.memory_space<hbm>>
    tpu.wait_indirect_dma semaphore(%arg36 : memref<!tpu.dma_semaphore, #tpu.memory_space<semaphore_mem>>) src(%dma_wait3A_325 : memref<10000x128xf32, #tpu.memory_space<hbm>>) dst(%arg23 : memref<80x128xf32, #tpu.memory_space<vmem>>)
    %dma_start3A_326 = arith.constant 0 : i32
    %dma_start3A_327 = arith.constant 0 : i32
    %dma_start3A_328 = tpu.memref_slice %arg26[%dma_start3A_326, %dma_start3A_327] : memref<10000x128xf32, #tpu.memory_space<vmem_shared>> -> memref<10000x128xf32, #tpu.memory_space<vmem_shared>>
    tpu.enqueue_indirect_dma source(%arg23 : memref<80x128xf32, #tpu.memory_space<vmem>>) target(%dma_start3A_328 : memref<10000x128xf32, #tpu.memory_space<vmem_shared>>) offsets(%arg15 : memref<80xi32, #tpu.memory_space<vmem>>) semaphore(%arg40 : memref<!tpu.dma_semaphore, #tpu.memory_space<semaphore_mem>>) {add = true}
    %dma_wait3A_329 = arith.constant 0 : i32
    %dma_wait3A_330 = arith.constant 0 : i32
    %dma_wait3A_331 = tpu.memref_slice %arg26[%dma_wait3A_329, %dma_wait3A_330] : memref<10000x128xf32, #tpu.memory_space<vmem_shared>> -> memref<10000x128xf32, #tpu.memory_space<vmem_shared>>
    tpu.wait_indirect_dma semaphore(%arg40 : memref<!tpu.dma_semaphore, #tpu.memory_space<semaphore_mem>>) src(%arg23 : memref<80x128xf32, #tpu.memory_space<vmem>>) dst(%dma_wait3A_331 : memref<10000x128xf32, #tpu.memory_space<vmem_shared>>)
    %add3A_332 = arith.constant 9760 : i32
    %add3A_333 = arith.addi %mul3A_2, %add3A_332 : i32
    %dma_wait3A_334 = tpu.memref_slice %arg3[%add3A_333] : memref<320000xi32, #tpu.memory_space<hbm>> -> memref<80xi32, #tpu.memory_space<hbm>>
    %dma_wait3A_335 = tpu.memref_slice %arg3[%add3A_333] : memref<320000xi32, #tpu.memory_space<hbm>> -> memref<80xi32, #tpu.memory_space<hbm>>
    tpu.wait_dma2 semaphore(%arg29 : memref<!tpu.dma_semaphore, #tpu.memory_space<semaphore_mem>>) src(%dma_wait3A_335 : memref<80xi32, #tpu.memory_space<hbm>>) dst(%arg8 : memref<80xi32, #tpu.memory_space<vmem>>)
    %add3A_336 = arith.constant 9760 : i32
    %add3A_337 = arith.addi %mul3A_2, %add3A_336 : i32
    %dma_wait3A_338 = tpu.memref_slice %arg4[%add3A_337] : memref<320000xi32, #tpu.memory_space<hbm>> -> memref<80xi32, #tpu.memory_space<hbm>>
    %dma_wait3A_339 = tpu.memref_slice %arg4[%add3A_337] : memref<320000xi32, #tpu.memory_space<hbm>> -> memref<80xi32, #tpu.memory_space<hbm>>
    tpu.wait_dma2 semaphore(%arg29 : memref<!tpu.dma_semaphore, #tpu.memory_space<semaphore_mem>>) src(%dma_wait3A_339 : memref<80xi32, #tpu.memory_space<hbm>>) dst(%arg16 : memref<80xi32, #tpu.memory_space<vmem>>)
    %dma_start3A_340 = arith.constant 0 : i32
    %dma_start3A_341 = arith.constant 0 : i32
    %dma_start3A_342 = tpu.memref_slice %arg2[%dma_start3A_340, %dma_start3A_341] : memref<10000x128xf32, #tpu.memory_space<hbm>> -> memref<10000x128xf32, #tpu.memory_space<hbm>>
    tpu.enqueue_indirect_dma source(%dma_start3A_342 : memref<10000x128xf32, #tpu.memory_space<hbm>>) target(%arg24 : memref<80x128xf32, #tpu.memory_space<vmem>>) offsets(%arg8 : memref<80xi32, #tpu.memory_space<vmem>>) semaphore(%arg37 : memref<!tpu.dma_semaphore, #tpu.memory_space<semaphore_mem>>)
    %dma_wait3A_343 = arith.constant 0 : i32
    %dma_wait3A_344 = arith.constant 0 : i32
    %dma_wait3A_345 = tpu.memref_slice %arg2[%dma_wait3A_343, %dma_wait3A_344] : memref<10000x128xf32, #tpu.memory_space<hbm>> -> memref<10000x128xf32, #tpu.memory_space<hbm>>
    tpu.wait_indirect_dma semaphore(%arg37 : memref<!tpu.dma_semaphore, #tpu.memory_space<semaphore_mem>>) src(%dma_wait3A_345 : memref<10000x128xf32, #tpu.memory_space<hbm>>) dst(%arg24 : memref<80x128xf32, #tpu.memory_space<vmem>>)
    %dma_start3A_346 = arith.constant 0 : i32
    %dma_start3A_347 = arith.constant 0 : i32
    %dma_start3A_348 = tpu.memref_slice %arg26[%dma_start3A_346, %dma_start3A_347] : memref<10000x128xf32, #tpu.memory_space<vmem_shared>> -> memref<10000x128xf32, #tpu.memory_space<vmem_shared>>
    tpu.enqueue_indirect_dma source(%arg24 : memref<80x128xf32, #tpu.memory_space<vmem>>) target(%dma_start3A_348 : memref<10000x128xf32, #tpu.memory_space<vmem_shared>>) offsets(%arg16 : memref<80xi32, #tpu.memory_space<vmem>>) semaphore(%arg41 : memref<!tpu.dma_semaphore, #tpu.memory_space<semaphore_mem>>) {add = true}
    %dma_wait3A_349 = arith.constant 0 : i32
    %dma_wait3A_350 = arith.constant 0 : i32
    %dma_wait3A_351 = tpu.memref_slice %arg26[%dma_wait3A_349, %dma_wait3A_350] : memref<10000x128xf32, #tpu.memory_space<vmem_shared>> -> memref<10000x128xf32, #tpu.memory_space<vmem_shared>>
    tpu.wait_indirect_dma semaphore(%arg41 : memref<!tpu.dma_semaphore, #tpu.memory_space<semaphore_mem>>) src(%arg24 : memref<80x128xf32, #tpu.memory_space<vmem>>) dst(%dma_wait3A_351 : memref<10000x128xf32, #tpu.memory_space<vmem_shared>>)
    %add3A_352 = arith.constant 9840 : i32
    %add3A_353 = arith.addi %mul3A_2, %add3A_352 : i32
    %dma_wait3A_354 = tpu.memref_slice %arg3[%add3A_353] : memref<320000xi32, #tpu.memory_space<hbm>> -> memref<80xi32, #tpu.memory_space<hbm>>
    %dma_wait3A_355 = tpu.memref_slice %arg3[%add3A_353] : memref<320000xi32, #tpu.memory_space<hbm>> -> memref<80xi32, #tpu.memory_space<hbm>>
    tpu.wait_dma2 semaphore(%arg30 : memref<!tpu.dma_semaphore, #tpu.memory_space<semaphore_mem>>) src(%dma_wait3A_355 : memref<80xi32, #tpu.memory_space<hbm>>) dst(%arg9 : memref<80xi32, #tpu.memory_space<vmem>>)
    %add3A_356 = arith.constant 9840 : i32
    %add3A_357 = arith.addi %mul3A_2, %add3A_356 : i32
    %dma_wait3A_358 = tpu.memref_slice %arg4[%add3A_357] : memref<320000xi32, #tpu.memory_space<hbm>> -> memref<80xi32, #tpu.memory_space<hbm>>
    %dma_wait3A_359 = tpu.memref_slice %arg4[%add3A_357] : memref<320000xi32, #tpu.memory_space<hbm>> -> memref<80xi32, #tpu.memory_space<hbm>>
    tpu.wait_dma2 semaphore(%arg30 : memref<!tpu.dma_semaphore, #tpu.memory_space<semaphore_mem>>) src(%dma_wait3A_359 : memref<80xi32, #tpu.memory_space<hbm>>) dst(%arg17 : memref<80xi32, #tpu.memory_space<vmem>>)
    %dma_start3A_360 = arith.constant 0 : i32
    %dma_start3A_361 = arith.constant 0 : i32
    %dma_start3A_362 = tpu.memref_slice %arg2[%dma_start3A_360, %dma_start3A_361] : memref<10000x128xf32, #tpu.memory_space<hbm>> -> memref<10000x128xf32, #tpu.memory_space<hbm>>
    tpu.enqueue_indirect_dma source(%dma_start3A_362 : memref<10000x128xf32, #tpu.memory_space<hbm>>) target(%arg25 : memref<80x128xf32, #tpu.memory_space<vmem>>) offsets(%arg9 : memref<80xi32, #tpu.memory_space<vmem>>) semaphore(%arg38 : memref<!tpu.dma_semaphore, #tpu.memory_space<semaphore_mem>>)
    %dma_wait3A_363 = arith.constant 0 : i32
    %dma_wait3A_364 = arith.constant 0 : i32
    %dma_wait3A_365 = tpu.memref_slice %arg2[%dma_wait3A_363, %dma_wait3A_364] : memref<10000x128xf32, #tpu.memory_space<hbm>> -> memref<10000x128xf32, #tpu.memory_space<hbm>>
    tpu.wait_indirect_dma semaphore(%arg38 : memref<!tpu.dma_semaphore, #tpu.memory_space<semaphore_mem>>) src(%dma_wait3A_365 : memref<10000x128xf32, #tpu.memory_space<hbm>>) dst(%arg25 : memref<80x128xf32, #tpu.memory_space<vmem>>)
    %dma_start3A_366 = arith.constant 0 : i32
    %dma_start3A_367 = arith.constant 0 : i32
    %dma_start3A_368 = tpu.memref_slice %arg26[%dma_start3A_366, %dma_start3A_367] : memref<10000x128xf32, #tpu.memory_space<vmem_shared>> -> memref<10000x128xf32, #tpu.memory_space<vmem_shared>>
    tpu.enqueue_indirect_dma source(%arg25 : memref<80x128xf32, #tpu.memory_space<vmem>>) target(%dma_start3A_368 : memref<10000x128xf32, #tpu.memory_space<vmem_shared>>) offsets(%arg17 : memref<80xi32, #tpu.memory_space<vmem>>) semaphore(%arg42 : memref<!tpu.dma_semaphore, #tpu.memory_space<semaphore_mem>>) {add = true}
    %dma_wait3A_369 = arith.constant 0 : i32
    %dma_wait3A_370 = arith.constant 0 : i32
    %dma_wait3A_371 = tpu.memref_slice %arg26[%dma_wait3A_369, %dma_wait3A_370] : memref<10000x128xf32, #tpu.memory_space<vmem_shared>> -> memref<10000x128xf32, #tpu.memory_space<vmem_shared>>
    tpu.wait_indirect_dma semaphore(%arg42 : memref<!tpu.dma_semaphore, #tpu.memory_space<semaphore_mem>>) src(%arg25 : memref<80x128xf32, #tpu.memory_space<vmem>>) dst(%dma_wait3A_371 : memref<10000x128xf32, #tpu.memory_space<vmem_shared>>)
    %add3A_372 = arith.constant 9920 : i32
    %add3A_373 = arith.addi %mul3A_2, %add3A_372 : i32
    %dma_wait3A_374 = tpu.memref_slice %arg3[%add3A_373] : memref<320000xi32, #tpu.memory_space<hbm>> -> memref<80xi32, #tpu.memory_space<hbm>>
    %dma_wait3A_375 = tpu.memref_slice %arg3[%add3A_373] : memref<320000xi32, #tpu.memory_space<hbm>> -> memref<80xi32, #tpu.memory_space<hbm>>
    tpu.wait_dma2 semaphore(%arg31 : memref<!tpu.dma_semaphore, #tpu.memory_space<semaphore_mem>>) src(%dma_wait3A_375 : memref<80xi32, #tpu.memory_space<hbm>>) dst(%arg10 : memref<80xi32, #tpu.memory_space<vmem>>)
    %add3A_376 = arith.constant 9920 : i32
    %add3A_377 = arith.addi %mul3A_2, %add3A_376 : i32
    %dma_wait3A_378 = tpu.memref_slice %arg4[%add3A_377] : memref<320000xi32, #tpu.memory_space<hbm>> -> memref<80xi32, #tpu.memory_space<hbm>>
    %dma_wait3A_379 = tpu.memref_slice %arg4[%add3A_377] : memref<320000xi32, #tpu.memory_space<hbm>> -> memref<80xi32, #tpu.memory_space<hbm>>
    tpu.wait_dma2 semaphore(%arg31 : memref<!tpu.dma_semaphore, #tpu.memory_space<semaphore_mem>>) src(%dma_wait3A_379 : memref<80xi32, #tpu.memory_space<hbm>>) dst(%arg18 : memref<80xi32, #tpu.memory_space<vmem>>)
    %dma_start3A_380 = arith.constant 0 : i32
    %dma_start3A_381 = arith.constant 0 : i32
    %dma_start3A_382 = tpu.memref_slice %arg2[%dma_start3A_380, %dma_start3A_381] : memref<10000x128xf32, #tpu.memory_space<hbm>> -> memref<10000x128xf32, #tpu.memory_space<hbm>>
    tpu.enqueue_indirect_dma source(%dma_start3A_382 : memref<10000x128xf32, #tpu.memory_space<hbm>>) target(%arg22 : memref<80x128xf32, #tpu.memory_space<vmem>>) offsets(%arg10 : memref<80xi32, #tpu.memory_space<vmem>>) semaphore(%arg35 : memref<!tpu.dma_semaphore, #tpu.memory_space<semaphore_mem>>)
    %dma_wait3A_383 = arith.constant 0 : i32
    %dma_wait3A_384 = arith.constant 0 : i32
    %dma_wait3A_385 = tpu.memref_slice %arg2[%dma_wait3A_383, %dma_wait3A_384] : memref<10000x128xf32, #tpu.memory_space<hbm>> -> memref<10000x128xf32, #tpu.memory_space<hbm>>
    tpu.wait_indirect_dma semaphore(%arg35 : memref<!tpu.dma_semaphore, #tpu.memory_space<semaphore_mem>>) src(%dma_wait3A_385 : memref<10000x128xf32, #tpu.memory_space<hbm>>) dst(%arg22 : memref<80x128xf32, #tpu.memory_space<vmem>>)
    %dma_start3A_386 = arith.constant 0 : i32
    %dma_start3A_387 = arith.constant 0 : i32
    %dma_start3A_388 = tpu.memref_slice %arg26[%dma_start3A_386, %dma_start3A_387] : memref<10000x128xf32, #tpu.memory_space<vmem_shared>> -> memref<10000x128xf32, #tpu.memory_space<vmem_shared>>
    tpu.enqueue_indirect_dma source(%arg22 : memref<80x128xf32, #tpu.memory_space<vmem>>) target(%dma_start3A_388 : memref<10000x128xf32, #tpu.memory_space<vmem_shared>>) offsets(%arg18 : memref<80xi32, #tpu.memory_space<vmem>>) semaphore(%arg39 : memref<!tpu.dma_semaphore, #tpu.memory_space<semaphore_mem>>) {add = true}
    %dma_wait3A_389 = arith.constant 0 : i32
    %dma_wait3A_390 = arith.constant 0 : i32
    %dma_wait3A_391 = tpu.memref_slice %arg26[%dma_wait3A_389, %dma_wait3A_390] : memref<10000x128xf32, #tpu.memory_space<vmem_shared>> -> memref<10000x128xf32, #tpu.memory_space<vmem_shared>>
    tpu.wait_indirect_dma semaphore(%arg39 : memref<!tpu.dma_semaphore, #tpu.memory_space<semaphore_mem>>) src(%arg22 : memref<80x128xf32, #tpu.memory_space<vmem>>) dst(%dma_wait3A_391 : memref<10000x128xf32, #tpu.memory_space<vmem_shared>>)
    %barrier3A_392 = arith.constant 0 : index
    tpu.barrier barrier_id(%barrier3A_392)
    %mul3A_393 = arith.constant 80 : i32
    %mul3A_394 = arith.muli %arg1, %mul3A_393 : i32
    %sub3A_395 = arith.constant 10000 : i32
    %sub3A_396 = arith.subi %sub3A_395, %mul3A_394 : i32
    %sub3A_397 = arith.constant 1280 : i32
    %sub3A_398 = arith.constant 1 : i32
    %sub3A_399 = arith.subi %sub3A_397, %sub3A_398 : i32
    %add3A_400 = arith.addi %sub3A_396, %sub3A_399 : i32
    %div3A_401 = arith.constant 1280 : i32
    %div3A_402 = arith.divsi %add3A_400, %div3A_401 : i32
    %while3A_403 = arith.constant 1280 : i32
    %while3A_404 = arith.constant 0 : i32
    %while3A_405 = arith.subi %div3A_402, %while3A_404 : i32
    %while3A_406 = arith.addi %while3A_404, %while3A_405 : i32
    %while3A_407 = arith.constant 1 : i32
    %while3A_408 = arith.divsi %while3A_405, %while3A_407 : i32
    %while3A_409 = arith.muli %while3A_408, %while3A_407 : i32
    %while3A_410 = arith.addi %while3A_404, %while3A_409 : i32
    %while3A_411 = arith.constant 1 : i32
    scf.for %while3A_413 = %while3A_404 to %while3A_410 step %while3A_411  : i32 {
      %mul3A_414 = arith.muli %while3A_413, %while3A_403 : i32
      %add3A_415 = arith.addi %mul3A_394, %mul3A_414 : i32
      "tpu.region"() ({
        %run_scoped3A = tpu.sem_alloc : memref<!tpu.dma_semaphore, #tpu.memory_space<semaphore_mem>>
        %dma_start3A_416 = arith.constant 0 : i32
        %dma_start3A_417 = tpu.memref_slice %arg26[%add3A_415, %dma_start3A_416] : memref<10000x128xf32, #tpu.memory_space<vmem_shared>> -> memref<80x128xf32, #tpu.memory_space<vmem_shared>>
        %dma_start3A_418 = arith.constant 0 : i32
        %dma_start3A_419 = tpu.memref_slice %arg26[%add3A_415, %dma_start3A_418] : memref<10000x128xf32, #tpu.memory_space<vmem_shared>> -> memref<80x128xf32, #tpu.memory_space<vmem_shared>>
        tpu.enqueue_dma source(%dma_start3A_419 : memref<80x128xf32, #tpu.memory_space<vmem_shared>>) target(%arg22 : memref<80x128xf32, #tpu.memory_space<vmem>>) target_semaphore(%run_scoped3A : memref<!tpu.dma_semaphore, #tpu.memory_space<semaphore_mem>>)
        %dma_wait3A_420 = arith.constant 0 : i32
        %dma_wait3A_421 = tpu.memref_slice %arg26[%add3A_415, %dma_wait3A_420] : memref<10000x128xf32, #tpu.memory_space<vmem_shared>> -> memref<80x128xf32, #tpu.memory_space<vmem_shared>>
        %dma_wait3A_422 = arith.constant 0 : i32
        %dma_wait3A_423 = tpu.memref_slice %arg26[%add3A_415, %dma_wait3A_422] : memref<10000x128xf32, #tpu.memory_space<vmem_shared>> -> memref<80x128xf32, #tpu.memory_space<vmem_shared>>
        tpu.wait_dma2 semaphore(%run_scoped3A : memref<!tpu.dma_semaphore, #tpu.memory_space<semaphore_mem>>) src(%dma_wait3A_423 : memref<80x128xf32, #tpu.memory_space<vmem_shared>>) dst(%arg22 : memref<80x128xf32, #tpu.memory_space<vmem>>)
        tpu.yield
      }) : () -> ()
      "tpu.region"() ({
        %run_scoped3A = tpu.sem_alloc : memref<!tpu.dma_semaphore, #tpu.memory_space<semaphore_mem>>
        %dma_start3A_416 = arith.constant 0 : i32
        %dma_start3A_417 = tpu.memref_slice %arg5[%arg0, %add3A_415, %dma_start3A_416] : memref<2x10000x128xf32, #tpu.memory_space<hbm>> -> memref<1x80x128xf32, #tpu.memory_space<hbm>>
        %dma_start3A_418 = tpu.memref_squeeze %dma_start3A_417 : memref<1x80x128xf32, #tpu.memory_space<hbm>> -> memref<80x128xf32, #tpu.memory_space<hbm>>
        %dma_start3A_419 = arith.constant 0 : i32
        %dma_start3A_420 = tpu.memref_slice %arg5[%arg0, %add3A_415, %dma_start3A_419] : memref<2x10000x128xf32, #tpu.memory_space<hbm>> -> memref<1x80x128xf32, #tpu.memory_space<hbm>>
        %dma_start3A_421 = tpu.memref_squeeze %dma_start3A_420 : memref<1x80x128xf32, #tpu.memory_space<hbm>> -> memref<80x128xf32, #tpu.memory_space<hbm>>
        tpu.enqueue_dma source(%arg22 : memref<80x128xf32, #tpu.memory_space<vmem>>) target(%dma_start3A_421 : memref<80x128xf32, #tpu.memory_space<hbm>>) target_semaphore(%run_scoped3A : memref<!tpu.dma_semaphore, #tpu.memory_space<semaphore_mem>>)
        %dma_wait3A_422 = arith.constant 0 : i32
        %dma_wait3A_423 = tpu.memref_slice %arg5[%arg0, %add3A_415, %dma_wait3A_422] : memref<2x10000x128xf32, #tpu.memory_space<hbm>> -> memref<1x80x128xf32, #tpu.memory_space<hbm>>
        %dma_wait3A_424 = tpu.memref_squeeze %dma_wait3A_423 : memref<1x80x128xf32, #tpu.memory_space<hbm>> -> memref<80x128xf32, #tpu.memory_space<hbm>>
        %dma_wait3A_425 = arith.constant 0 : i32
        %dma_wait3A_426 = tpu.memref_slice %arg5[%arg0, %add3A_415, %dma_wait3A_425] : memref<2x10000x128xf32, #tpu.memory_space<hbm>> -> memref<1x80x128xf32, #tpu.memory_space<hbm>>
        %dma_wait3A_427 = tpu.memref_squeeze %dma_wait3A_426 : memref<1x80x128xf32, #tpu.memory_space<hbm>> -> memref<80x128xf32, #tpu.memory_space<hbm>>
        tpu.wait_dma2 semaphore(%run_scoped3A : memref<!tpu.dma_semaphore, #tpu.memory_space<semaphore_mem>>) src(%arg22 : memref<80x128xf32, #tpu.memory_space<vmem>>) dst(%dma_wait3A_427 : memref<80x128xf32, #tpu.memory_space<hbm>>)
        tpu.yield
      }) : () -> ()
    }
    %while3A_412 = arith.constant 1 : i32
    scf.for %while3A_413 = %while3A_410 to %while3A_406 step %while3A_412  : i32 {
      %mul3A_414 = arith.muli %while3A_413, %while3A_403 : i32
      %add3A_415 = arith.addi %mul3A_394, %mul3A_414 : i32
      "tpu.region"() ({
        %run_scoped3A = tpu.sem_alloc : memref<!tpu.dma_semaphore, #tpu.memory_space<semaphore_mem>>
        %dma_start3A_416 = arith.constant 0 : i32
        %dma_start3A_417 = tpu.memref_slice %arg26[%add3A_415, %dma_start3A_416] : memref<10000x128xf32, #tpu.memory_space<vmem_shared>> -> memref<80x128xf32, #tpu.memory_space<vmem_shared>>
        %dma_start3A_418 = arith.constant 0 : i32
        %dma_start3A_419 = tpu.memref_slice %arg26[%add3A_415, %dma_start3A_418] : memref<10000x128xf32, #tpu.memory_space<vmem_shared>> -> memref<80x128xf32, #tpu.memory_space<vmem_shared>>
        tpu.enqueue_dma source(%dma_start3A_419 : memref<80x128xf32, #tpu.memory_space<vmem_shared>>) target(%arg22 : memref<80x128xf32, #tpu.memory_space<vmem>>) target_semaphore(%run_scoped3A : memref<!tpu.dma_semaphore, #tpu.memory_space<semaphore_mem>>)
        %dma_wait3A_420 = arith.constant 0 : i32
        %dma_wait3A_421 = tpu.memref_slice %arg26[%add3A_415, %dma_wait3A_420] : memref<10000x128xf32, #tpu.memory_space<vmem_shared>> -> memref<80x128xf32, #tpu.memory_space<vmem_shared>>
        %dma_wait3A_422 = arith.constant 0 : i32
        %dma_wait3A_423 = tpu.memref_slice %arg26[%add3A_415, %dma_wait3A_422] : memref<10000x128xf32, #tpu.memory_space<vmem_shared>> -> memref<80x128xf32, #tpu.memory_space<vmem_shared>>
        tpu.wait_dma2 semaphore(%run_scoped3A : memref<!tpu.dma_semaphore, #tpu.memory_space<semaphore_mem>>) src(%dma_wait3A_423 : memref<80x128xf32, #tpu.memory_space<vmem_shared>>) dst(%arg22 : memref<80x128xf32, #tpu.memory_space<vmem>>)
        tpu.yield
      }) : () -> ()
      "tpu.region"() ({
        %run_scoped3A = tpu.sem_alloc : memref<!tpu.dma_semaphore, #tpu.memory_space<semaphore_mem>>
        %dma_start3A_416 = arith.constant 0 : i32
        %dma_start3A_417 = tpu.memref_slice %arg5[%arg0, %add3A_415, %dma_start3A_416] : memref<2x10000x128xf32, #tpu.memory_space<hbm>> -> memref<1x80x128xf32, #tpu.memory_space<hbm>>
        %dma_start3A_418 = tpu.memref_squeeze %dma_start3A_417 : memref<1x80x128xf32, #tpu.memory_space<hbm>> -> memref<80x128xf32, #tpu.memory_space<hbm>>
        %dma_start3A_419 = arith.constant 0 : i32
        %dma_start3A_420 = tpu.memref_slice %arg5[%arg0, %add3A_415, %dma_start3A_419] : memref<2x10000x128xf32, #tpu.memory_space<hbm>> -> memref<1x80x128xf32, #tpu.memory_space<hbm>>
        %dma_start3A_421 = tpu.memref_squeeze %dma_start3A_420 : memref<1x80x128xf32, #tpu.memory_space<hbm>> -> memref<80x128xf32, #tpu.memory_space<hbm>>
        tpu.enqueue_dma source(%arg22 : memref<80x128xf32, #tpu.memory_space<vmem>>) target(%dma_start3A_421 : memref<80x128xf32, #tpu.memory_space<hbm>>) target_semaphore(%run_scoped3A : memref<!tpu.dma_semaphore, #tpu.memory_space<semaphore_mem>>)
        %dma_wait3A_422 = arith.constant 0 : i32
        %dma_wait3A_423 = tpu.memref_slice %arg5[%arg0, %add3A_415, %dma_wait3A_422] : memref<2x10000x128xf32, #tpu.memory_space<hbm>> -> memref<1x80x128xf32, #tpu.memory_space<hbm>>
        %dma_wait3A_424 = tpu.memref_squeeze %dma_wait3A_423 : memref<1x80x128xf32, #tpu.memory_space<hbm>> -> memref<80x128xf32, #tpu.memory_space<hbm>>
        %dma_wait3A_425 = arith.constant 0 : i32
        %dma_wait3A_426 = tpu.memref_slice %arg5[%arg0, %add3A_415, %dma_wait3A_425] : memref<2x10000x128xf32, #tpu.memory_space<hbm>> -> memref<1x80x128xf32, #tpu.memory_space<hbm>>
        %dma_wait3A_427 = tpu.memref_squeeze %dma_wait3A_426 : memref<1x80x128xf32, #tpu.memory_space<hbm>> -> memref<80x128xf32, #tpu.memory_space<hbm>>
        tpu.wait_dma2 semaphore(%run_scoped3A : memref<!tpu.dma_semaphore, #tpu.memory_space<semaphore_mem>>) src(%arg22 : memref<80x128xf32, #tpu.memory_space<vmem>>) dst(%dma_wait3A_427 : memref<80x128xf32, #tpu.memory_space<hbm>>)
        tpu.yield
      }) : () -> ()
    }
    return
  }
}

module attributes {stable_mosaic.version = 14 : i64} {
  func.func @_split_body(%arg0: memref<2x320000xi32, #tpu.memory_space<vmem>>, %arg1: memref<320000xi32, #tpu.memory_space<vmem>>, %arg2: memref<320000xi32, #tpu.memory_space<vmem>>) attributes {dimension_semantics = [], scalar_prefetch = 0 : i64, scratch_operands = 0 : i64, tpu.core_type = #tpu.core_type<tc>} {
    %get3A = arith.constant 0 : index
    %get3A_0 = arith.constant 0 : index
    %get3A_1 = vector.load %arg0[%get3A, %get3A_0] : memref<2x320000xi32, #tpu.memory_space<vmem>>, vector<1x320000xi32>
    %get3A_2 = vector.shape_cast %get3A_1 : vector<1x320000xi32> to vector<320000xi32>
    %swap3A = arith.constant 0 : index
    %swap3A_3 = vector.load %arg1[%swap3A] : memref<320000xi32, #tpu.memory_space<vmem>>, vector<320000xi32>
    tpu.vector_store %arg1[%swap3A], %get3A_2 {strides = array<i32>} : memref<320000xi32, #tpu.memory_space<vmem>>, vector<320000xi32>,
    %get3A_4 = arith.constant 1 : index
    %get3A_5 = arith.constant 0 : index
    %get3A_6 = vector.load %arg0[%get3A_4, %get3A_5] : memref<2x320000xi32, #tpu.memory_space<vmem>>, vector<1x320000xi32>
    %get3A_7 = vector.shape_cast %get3A_6 : vector<1x320000xi32> to vector<320000xi32>
    %swap3A_8 = arith.constant 0 : index
    %swap3A_9 = vector.load %arg2[%swap3A_8] : memref<320000xi32, #tpu.memory_space<vmem>>, vector<320000xi32>
    tpu.vector_store %arg2[%swap3A_8], %get3A_7 {strides = array<i32>} : memref<320000xi32, #tpu.memory_space<vmem>>, vector<320000xi32>,
    return
  }
}

module attributes {stable_mosaic.version = 14 : i64} {
  func.func @_norm_body(%arg0: memref<2x80x128xf32, #tpu.memory_space<vmem>>, %arg1: memref<2x80x128xf32, #tpu.memory_space<vmem>>, %arg2: memref<80x128xf32, #tpu.memory_space<vmem>>, %arg3: memref<80x128xf32, #tpu.memory_space<vmem>>) attributes {dimension_semantics = [], scalar_prefetch = 0 : i64, scratch_operands = 0 : i64, tpu.core_type = #tpu.core_type<tc>} {
    %get3A = arith.constant 0 : index
    %get3A_0 = arith.constant 0 : index
    %get3A_1 = arith.constant 0 : index
    %get3A_2 = vector.load %arg0[%get3A, %get3A_0, %get3A_1] : memref<2x80x128xf32, #tpu.memory_space<vmem>>, vector<1x80x128xf32>
    %get3A_3 = vector.shape_cast %get3A_2 : vector<1x80x128xf32> to vector<80x128xf32>
    %get3A_4 = arith.constant 1 : index
    %get3A_5 = arith.constant 0 : index
    %get3A_6 = arith.constant 0 : index
    %get3A_7 = vector.load %arg0[%get3A_4, %get3A_5, %get3A_6] : memref<2x80x128xf32, #tpu.memory_space<vmem>>, vector<1x80x128xf32>
    %get3A_8 = vector.shape_cast %get3A_7 : vector<1x80x128xf32> to vector<80x128xf32>
    %add3A = arith.addf %get3A_3, %get3A_8 : vector<80x128xf32>
    %max3A = arith.constant 1.000000e+00 : f32
    %max3A_9 = vector.broadcast %max3A : f32 to vector<80x128xf32>
    %max3A_10 = arith.maximumf %add3A, %max3A_9 : vector<80x128xf32>
    %rsqrt3A = math.rsqrt %max3A_10 : vector<80x128xf32>
    %swap3A = arith.constant 0 : index
    %swap3A_11 = arith.constant 0 : index
    %swap3A_12 = vector.load %arg2[%swap3A, %swap3A_11] : memref<80x128xf32, #tpu.memory_space<vmem>>, vector<80x128xf32>
    tpu.vector_store %arg2[%swap3A, %swap3A_11], %rsqrt3A {strides = array<i32>} : memref<80x128xf32, #tpu.memory_space<vmem>>, vector<80x128xf32>,
    %get3A_13 = arith.constant 0 : index
    %get3A_14 = arith.constant 0 : index
    %get3A_15 = arith.constant 0 : index
    %get3A_16 = vector.load %arg1[%get3A_13, %get3A_14, %get3A_15] : memref<2x80x128xf32, #tpu.memory_space<vmem>>, vector<1x80x128xf32>
    %get3A_17 = vector.shape_cast %get3A_16 : vector<1x80x128xf32> to vector<80x128xf32>
    %get3A_18 = arith.constant 1 : index
    %get3A_19 = arith.constant 0 : index
    %get3A_20 = arith.constant 0 : index
    %get3A_21 = vector.load %arg1[%get3A_18, %get3A_19, %get3A_20] : memref<2x80x128xf32, #tpu.memory_space<vmem>>, vector<1x80x128xf32>
    %get3A_22 = vector.shape_cast %get3A_21 : vector<1x80x128xf32> to vector<80x128xf32>
    %add3A_23 = arith.addf %get3A_17, %get3A_22 : vector<80x128xf32>
    %max3A_24 = arith.constant 1.000000e+00 : f32
    %max3A_25 = vector.broadcast %max3A_24 : f32 to vector<80x128xf32>
    %max3A_26 = arith.maximumf %add3A_23, %max3A_25 : vector<80x128xf32>
    %rsqrt3A_27 = math.rsqrt %max3A_26 : vector<80x128xf32>
    %swap3A_28 = arith.constant 0 : index
    %swap3A_29 = arith.constant 0 : index
    %swap3A_30 = vector.load %arg3[%swap3A_28, %swap3A_29] : memref<80x128xf32, #tpu.memory_space<vmem>>, vector<80x128xf32>
    tpu.vector_store %arg3[%swap3A_28, %swap3A_29], %rsqrt3A_27 {strides = array<i32>} : memref<80x128xf32, #tpu.memory_space<vmem>>, vector<80x128xf32>,
    return
  }
}

module attributes {stable_mosaic.version = 14 : i64} {
  func.func @_mm_body(%arg0: i32, %arg1: memref<2000x128xf32, #tpu.memory_space<vmem>>, %arg2: memref<128x128xf32, #tpu.memory_space<vmem>>, %arg3: memref<2000x1xf32, #tpu.memory_space<vmem>>, %arg4: memref<2000x128xf32, #tpu.memory_space<vmem>>) attributes {dimension_semantics = [#tpu.dimension_semantics<arbitrary>], iteration_bounds = array<i64: 5>, scalar_prefetch = 0 : i64, scratch_operands = 0 : i64, tpu.core_type = #tpu.core_type<tc>, window_params = [{transform_indices = @transform_0, window_bounds = array<i64: 2000, 128>}, {pipeline_mode = #tpu.pipeline_mode<synchronous>, transform_indices = @transform_1, window_bounds = array<i64: 128, 128>}, {transform_indices = @transform_2, window_bounds = array<i64: 2000, 1>}, {transform_indices = @transform_3, window_bounds = array<i64: 2000, 128>}]} {
    %get3A = arith.constant 0 : index
    %get3A_0 = arith.constant 0 : index
    %get3A_1 = vector.load %arg1[%get3A, %get3A_0] : memref<2000x128xf32, #tpu.memory_space<vmem>>, vector<2000x128xf32>
    %get3A_2 = arith.constant 0 : index
    %get3A_3 = arith.constant 0 : index
    %get3A_4 = vector.load %arg2[%get3A_2, %get3A_3] : memref<128x128xf32, #tpu.memory_space<vmem>>, vector<128x128xf32>
    %dot_general3A = arith.constant dense<0.000000e+00> : vector<2000x128xf32>
    %dot_general3A_5 = tpu.matmul %get3A_1, %get3A_4, %dot_general3A {dimension_numbers = #tpu.dot_dimension_numbers<[1], [0], [0], [1], [0, 0, 1, 1], [], []>, transpose_lhs_hint = false} : vector<2000x128xf32>, vector<128x128xf32>, vector<2000x128xf32> -> vector<2000x128xf32>
    %get3A_6 = arith.constant 0 : index
    %get3A_7 = arith.constant 0 : index
    %get3A_8 = vector.load %arg3[%get3A_6, %get3A_7] : memref<2000x1xf32, #tpu.memory_space<vmem>>, vector<2000x1xf32>
    %mul3A = vector.broadcast %get3A_8 : vector<2000x1xf32> to vector<2000x128xf32>
    %mul3A_9 = arith.mulf %dot_general3A_5, %mul3A : vector<2000x128xf32>
    %swap3A = arith.constant 0 : index
    %swap3A_10 = arith.constant 0 : index
    %swap3A_11 = vector.load %arg4[%swap3A, %swap3A_10] : memref<2000x128xf32, #tpu.memory_space<vmem>>, vector<2000x128xf32>
    tpu.vector_store %arg4[%swap3A, %swap3A_10], %mul3A_9 {strides = array<i32>} : memref<2000x128xf32, #tpu.memory_space<vmem>>, vector<2000x128xf32>,
    return
  }
  func.func @transform_0(%arg0: i32) -> (i32, i32) {
    %c0_i32 = arith.constant 0 : i32
    %c0_i32_0 = arith.constant 0 : i32
    return %arg0, %c0_i32 : i32, i32
  }
  func.func @transform_1(%arg0: i32) -> (i32, i32) {
    %c0_i32 = arith.constant 0 : i32
    %c0_i32_0 = arith.constant 0 : i32
    %c0_i32_1 = arith.constant 0 : i32
    return %c0_i32, %c0_i32_0 : i32, i32
  }
  func.func @transform_2(%arg0: i32) -> (i32, i32) {
    %c0_i32 = arith.constant 0 : i32
    %c0_i32_0 = arith.constant 0 : i32
    return %arg0, %c0_i32 : i32, i32
  }
  func.func @transform_3(%arg0: i32) -> (i32, i32) {
    %c0_i32 = arith.constant 0 : i32
    %c0_i32_0 = arith.constant 0 : i32
    return %arg0, %c0_i32 : i32, i32
  }
}

module attributes {stable_mosaic.version = 14 : i64} {
  func.func @_mid_body(%arg0: i32, %arg1: memref<2x2000x128xf32, #tpu.memory_space<vmem>>, %arg2: memref<2000x1xf32, #tpu.memory_space<vmem>>, %arg3: memref<2000x1xf32, #tpu.memory_space<vmem>>, %arg4: memref<1x128xf32, #tpu.memory_space<vmem>>, %arg5: memref<2000x128xf32, #tpu.memory_space<vmem>>) attributes {dimension_semantics = [#tpu.dimension_semantics<arbitrary>], iteration_bounds = array<i64: 5>, scalar_prefetch = 0 : i64, scratch_operands = 0 : i64, tpu.core_type = #tpu.core_type<tc>, window_params = [{transform_indices = @transform_0, window_bounds = array<i64: 2, 2000, 128>}, {transform_indices = @transform_1, window_bounds = array<i64: 2000, 1>}, {transform_indices = @transform_2, window_bounds = array<i64: 2000, 1>}, {pipeline_mode = #tpu.pipeline_mode<synchronous>, transform_indices = @transform_3, window_bounds = array<i64: 1, 128>}, {transform_indices = @transform_4, window_bounds = array<i64: 2000, 128>}]} {
    %get3A = arith.constant 0 : index
    %get3A_0 = arith.constant 0 : index
    %get3A_1 = arith.constant 0 : index
    %get3A_2 = vector.load %arg1[%get3A, %get3A_0, %get3A_1] : memref<2x2000x128xf32, #tpu.memory_space<vmem>>, vector<1x2000x128xf32>
    %get3A_3 = vector.shape_cast %get3A_2 : vector<1x2000x128xf32> to vector<2000x128xf32>
    %get3A_4 = arith.constant 1 : index
    %get3A_5 = arith.constant 0 : index
    %get3A_6 = arith.constant 0 : index
    %get3A_7 = vector.load %arg1[%get3A_4, %get3A_5, %get3A_6] : memref<2x2000x128xf32, #tpu.memory_space<vmem>>, vector<1x2000x128xf32>
    %get3A_8 = vector.shape_cast %get3A_7 : vector<1x2000x128xf32> to vector<2000x128xf32>
    %add3A = arith.addf %get3A_3, %get3A_8 : vector<2000x128xf32>
    %get3A_9 = arith.constant 0 : index
    %get3A_10 = arith.constant 0 : index
    %get3A_11 = vector.load %arg2[%get3A_9, %get3A_10] : memref<2000x1xf32, #tpu.memory_space<vmem>>, vector<2000x1xf32>
    %mul3A = vector.broadcast %get3A_11 : vector<2000x1xf32> to vector<2000x128xf32>
    %mul3A_12 = arith.mulf %add3A, %mul3A : vector<2000x128xf32>
    %get3A_13 = arith.constant 0 : index
    %get3A_14 = arith.constant 0 : index
    %get3A_15 = vector.load %arg4[%get3A_13, %get3A_14] : memref<1x128xf32, #tpu.memory_space<vmem>>, vector<1x128xf32>
    %add3A_16 = vector.broadcast %get3A_15 : vector<1x128xf32> to vector<2000x128xf32>
    %add3A_17 = arith.addf %mul3A_12, %add3A_16 : vector<2000x128xf32>
    %max3A = arith.constant 0.000000e+00 : f32
    %max3A_18 = vector.broadcast %max3A : f32 to vector<2000x128xf32>
    %max3A_19 = arith.maximumf %add3A_17, %max3A_18 : vector<2000x128xf32>
    %get3A_20 = arith.constant 0 : index
    %get3A_21 = arith.constant 0 : index
    %get3A_22 = vector.load %arg3[%get3A_20, %get3A_21] : memref<2000x1xf32, #tpu.memory_space<vmem>>, vector<2000x1xf32>
    %mul3A_23 = vector.broadcast %get3A_22 : vector<2000x1xf32> to vector<2000x128xf32>
    %mul3A_24 = arith.mulf %max3A_19, %mul3A_23 : vector<2000x128xf32>
    %swap3A = arith.constant 0 : index
    %swap3A_25 = arith.constant 0 : index
    %swap3A_26 = vector.load %arg5[%swap3A, %swap3A_25] : memref<2000x128xf32, #tpu.memory_space<vmem>>, vector<2000x128xf32>
    tpu.vector_store %arg5[%swap3A, %swap3A_25], %mul3A_24 {strides = array<i32>} : memref<2000x128xf32, #tpu.memory_space<vmem>>, vector<2000x128xf32>,
    return
  }
  func.func @transform_0(%arg0: i32) -> (i32, i32, i32) {
    %c0_i32 = arith.constant 0 : i32
    %c0_i32_0 = arith.constant 0 : i32
    %c0_i32_1 = arith.constant 0 : i32
    return %c0_i32, %arg0, %c0_i32_0 : i32, i32, i32
  }
  func.func @transform_1(%arg0: i32) -> (i32, i32) {
    %c0_i32 = arith.constant 0 : i32
    %c0_i32_0 = arith.constant 0 : i32
    return %arg0, %c0_i32 : i32, i32
  }
  func.func @transform_2(%arg0: i32) -> (i32, i32) {
    %c0_i32 = arith.constant 0 : i32
    %c0_i32_0 = arith.constant 0 : i32
    return %arg0, %c0_i32 : i32, i32
  }
  func.func @transform_3(%arg0: i32) -> (i32, i32) {
    %c0_i32 = arith.constant 0 : i32
    %c0_i32_0 = arith.constant 0 : i32
    %c0_i32_1 = arith.constant 0 : i32
    return %c0_i32, %c0_i32_0 : i32, i32
  }
  func.func @transform_4(%arg0: i32) -> (i32, i32) {
    %c0_i32 = arith.constant 0 : i32
    %c0_i32_0 = arith.constant 0 : i32
    return %arg0, %c0_i32 : i32, i32
  }
}

module attributes {stable_mosaic.version = 14 : i64} {
  func.func @_out_body(%arg0: i32, %arg1: memref<2x2000x128xf32, #tpu.memory_space<vmem>>, %arg2: memref<128x64xf32, #tpu.memory_space<vmem>>, %arg3: memref<2000x1xf32, #tpu.memory_space<vmem>>, %arg4: memref<1x64xf32, #tpu.memory_space<vmem>>, %arg5: memref<2000x64xf32, #tpu.memory_space<vmem>>) attributes {dimension_semantics = [#tpu.dimension_semantics<arbitrary>], iteration_bounds = array<i64: 5>, scalar_prefetch = 0 : i64, scratch_operands = 0 : i64, tpu.core_type = #tpu.core_type<tc>, window_params = [{transform_indices = @transform_0, window_bounds = array<i64: 2, 2000, 128>}, {pipeline_mode = #tpu.pipeline_mode<synchronous>, transform_indices = @transform_1, window_bounds = array<i64: 128, 64>}, {transform_indices = @transform_2, window_bounds = array<i64: 2000, 1>}, {pipeline_mode = #tpu.pipeline_mode<synchronous>, transform_indices = @transform_3, window_bounds = array<i64: 1, 64>}, {transform_indices = @transform_4, window_bounds = array<i64: 2000, 64>}]} {
    %get3A = arith.constant 0 : index
    %get3A_0 = arith.constant 0 : index
    %get3A_1 = arith.constant 0 : index
    %get3A_2 = vector.load %arg1[%get3A, %get3A_0, %get3A_1] : memref<2x2000x128xf32, #tpu.memory_space<vmem>>, vector<1x2000x128xf32>
    %get3A_3 = vector.shape_cast %get3A_2 : vector<1x2000x128xf32> to vector<2000x128xf32>
    %get3A_4 = arith.constant 1 : index
    %get3A_5 = arith.constant 0 : index
    %get3A_6 = arith.constant 0 : index
    %get3A_7 = vector.load %arg1[%get3A_4, %get3A_5, %get3A_6] : memref<2x2000x128xf32, #tpu.memory_space<vmem>>, vector<1x2000x128xf32>
    %get3A_8 = vector.shape_cast %get3A_7 : vector<1x2000x128xf32> to vector<2000x128xf32>
    %add3A = arith.addf %get3A_3, %get3A_8 : vector<2000x128xf32>
    %get3A_9 = arith.constant 0 : index
    %get3A_10 = arith.constant 0 : index
    %get3A_11 = vector.load %arg2[%get3A_9, %get3A_10] : memref<128x64xf32, #tpu.memory_space<vmem>>, vector<128x64xf32>
    %dot_general3A = arith.constant dense<0.000000e+00> : vector<2000x64xf32>
    %dot_general3A_12 = tpu.matmul %add3A, %get3A_11, %dot_general3A {dimension_numbers = #tpu.dot_dimension_numbers<[1], [0], [0], [1], [0, 0, 1, 1], [], []>, transpose_lhs_hint = false} : vector<2000x128xf32>, vector<128x64xf32>, vector<2000x64xf32> -> vector<2000x64xf32>
    %get3A_13 = arith.constant 0 : index
    %get3A_14 = arith.constant 0 : index
    %get3A_15 = vector.load %arg3[%get3A_13, %get3A_14] : memref<2000x1xf32, #tpu.memory_space<vmem>>, vector<2000x1xf32>
    %mul3A = vector.broadcast %get3A_15 : vector<2000x1xf32> to vector<2000x64xf32>
    %mul3A_16 = arith.mulf %dot_general3A_12, %mul3A : vector<2000x64xf32>
    %get3A_17 = arith.constant 0 : index
    %get3A_18 = arith.constant 0 : index
    %get3A_19 = vector.load %arg4[%get3A_17, %get3A_18] : memref<1x64xf32, #tpu.memory_space<vmem>>, vector<1x64xf32>
    %add3A_20 = vector.broadcast %get3A_19 : vector<1x64xf32> to vector<2000x64xf32>
    %add3A_21 = arith.addf %mul3A_16, %add3A_20 : vector<2000x64xf32>
    %swap3A = arith.constant 0 : index
    %swap3A_22 = arith.constant 0 : index
    %swap3A_23 = vector.load %arg5[%swap3A, %swap3A_22] : memref<2000x64xf32, #tpu.memory_space<vmem>>, vector<2000x64xf32>
    tpu.vector_store %arg5[%swap3A, %swap3A_22], %add3A_21 {strides = array<i32>} : memref<2000x64xf32, #tpu.memory_space<vmem>>, vector<2000x64xf32>,
    return
  }
  func.func @transform_0(%arg0: i32) -> (i32, i32, i32) {
    %c0_i32 = arith.constant 0 : i32
    %c0_i32_0 = arith.constant 0 : i32
    %c0_i32_1 = arith.constant 0 : i32
    return %c0_i32, %arg0, %c0_i32_0 : i32, i32, i32
  }
  func.func @transform_1(%arg0: i32) -> (i32, i32) {
    %c0_i32 = arith.constant 0 : i32
    %c0_i32_0 = arith.constant 0 : i32
    %c0_i32_1 = arith.constant 0 : i32
    return %c0_i32, %c0_i32_0 : i32, i32
  }
  func.func @transform_2(%arg0: i32) -> (i32, i32) {
    %c0_i32 = arith.constant 0 : i32
    %c0_i32_0 = arith.constant 0 : i32
    return %arg0, %c0_i32 : i32, i32
  }
  func.func @transform_3(%arg0: i32) -> (i32, i32) {
    %c0_i32 = arith.constant 0 : i32
    %c0_i32_0 = arith.constant 0 : i32
    %c0_i32_1 = arith.constant 0 : i32
    return %c0_i32, %c0_i32_0 : i32, i32
  }
  func.func @transform_4(%arg0: i32) -> (i32, i32) {
    %c0_i32 = arith.constant 0 : i32
    %c0_i32_0 = arith.constant 0 : i32
    return %arg0, %c0_i32 : i32, i32
  }
}

</mosaic_0001>

<sc_bundles>
// kernel: kernel.10.cloned.1.call-start
scs
__scs_entry_jumppad:
0x0: {  	(pc) =	sbr.rel $0x88, $3  }
0x1: {  	(tag) =	ssettag $0x0;
	lr =	simm.s32 $0x1  }
0x2: {  	[smem:$0x3F9A] =	sst lr;
	_ =	strace $0xD0000000  }
0x3: {  	_ = 	snop  }
0x4: {  	_ = 	snop  }
0x5: {  	_ = 	snop  }
0x6: {  	_ = 	snop  }
0x7: {  	_ = 	snop  }
__scs_overlays_trampoline_lowered:
0x8: {  	[smem:$0x3FA9] =	sst s0  }
0x9: {  	[smem:$0x3FAA] =	sst s1  }
0xa: {  	[smem:$0x3FAB] =	sst s2  }
0xb: {  	[smem:$0x3FAC] =	sst s3  }
0xc: {  	[smem:$0x3FAD] =	sst s4  }
0xd: {  	[smem:$0x3FAE] =	sst s5  }
0xe: {  	[smem:$0x3FAF] =	sst s6  }
0xf: {  	[smem:$0x3FB0] =	sst s7  }
0x10: {  	[smem:$0x3FB1] =	sst s8  }
0x11: {  	[smem:$0x3FB2] =	sst s9;
	s0 =	simm.s32 @!p0 $0x0  }
0x12: {  	s1 =	sld [smem:$0x3F98];
	s0 =	simm.s32 @p0 $0x1  }
0x13: {  	[smem:$0x3FB3] =	sst s0;
	s0 =	simm.s32 @!p1 $0x0  }
0x14: {  	s2 =	sld [smem:$0x3F97];
	s0 =	simm.s32 @p1 $0x1  }
0x15: {  	[smem:$0x3FB4] =	sst s0;
	s0 =	simm.s32 @!p2 $0x0  }
0x16: {  	s3 =	sld [smem:$0x3FDB];
	s0 =	simm.s32 @p2 $0x1  }
0x17: {  	s4 =	simm.s32 $0x1BF5;
	[smem:$0x3FB6] =	sst s0  }
0x18: {  	s0 =	sld [smem:$0x3F99];
	_ =	swait.ge [sflag:s4], $0x0  }
0x19: {  	s7 =	sld [smem:$0x3F9A]  }
0x1a: {  	s8 =	sadd.s32 $0xFFFFE003, lr  }
0x1b: {  	s9 =	sadd.s32 $0xFFFFFEF7, lr;
	s5 =	simm.s32 $0xFFFFFFFF;
	p2 =	slt.u32 s8, $0xFFFFF086  }
0x1c: {  	p1 =	slt.u32 s9, $0xF7A;
	s5 =	simm.s32 @!p2 $0x0  }
0x1d: {  	s5 =	simm.s32 @p1 $0x1;
	p0 =	seq.s32 s7, s2  }
0x1e: {  	s7 =	smul.u32 @!p0 $0xF7A, s2;
	p2 =	seq.s32 @!p0 s5, $0x0  }
0x1f: {  	s9 =	smul.u32 $0xF7A, s1;
	s8 =	simm.s32 @!p0 $0x1BF5;
	p2 =	por !p2, p0  }
0x20: {  	[sflag:s8] =	ssyncset.s32 @!p0 $0xFFFFF086;
	s6 =	sadd.s32 @!p0 s3, s7;
	s7 =	simm.s32 @!p0 $0x108  }
0x21: {  	s3 =	sadd.s32 s3, s9;
	s6 =	sadd.s32 @!p0 $0x88, s6;
	s7 =	simm.s32 @p2 $0x1082  }
0x22: {  	[simem:s7], [sflag:s8] =	dma.local @!p0 [hbm:s6], $0xF7A  }
0x23: {  	s9 =	sor.u32 $0xD0000000, s2;
	s6 =	simm.s32 $0x108;
	_ =	swait.ge @!p0 [sflag:s8], $0x0  }
0x24: {  	s3 =	sadd.s32 $0x88, s3;
	s6 =	simm.s32 @!p1 $0x1082;
	[sflag:s4] =	ssyncset.s32 $0xFFFFF086  }
0x25: {  	[simem:s6], [sflag:s4] =	dma.local [hbm:s3], $0xF7A  }
0x26: {  	[smem:$0x3F9A] =	sst s1;
	(tag) =	ssettag s2;
	_ =	strace s9  }
0x27: {  	s1 =	sld [smem:$0x3FAA]  }
0x28: {  	s2 =	sld [smem:$0x3FAB]  }
0x29: {  	s4 =	sld [smem:$0x3FAD]  }
0x2a: {  	p0 =	seq.s32 s5, $0x0;
	s5 =	sld [smem:$0x3FAE]  }
0x2b: {  	s6 =	sld [smem:$0x3FAF]  }
0x2c: {  	s7 =	sld [smem:$0x3FB0]  }
0x2d: {  	s3 =	simm.s32 $0x108;
	s8 =	sld [smem:$0x3FB1]  }
0x2e: {  	s3 =	simm.s32 @!p0 $0x1082;
	s9 =	sld [smem:$0x3FB2]  }
0x2f: {  	lr =	sadd.s32 s0, s3;
	s0 =	sld [smem:$0x3FA9]  }
0x30: {  	s3 =	sld [smem:$0x3FAC]  }
0x31: {  	[smem:$0x3FB5] =	sst s10  }
0x32: {  	s10 =	sld [smem:$0x3FB3];
	_ =	sdelay $0x3  }
0x33: {  	p0 =	seq.s32 s10, $0x1;
	s10 =	sld [smem:$0x3FB5];
	_ =	sdelay $0x3  }
0x34: {  	[smem:$0x3FB5] =	sst s10  }
0x35: {  	s10 =	sld [smem:$0x3FB4];
	_ =	sdelay $0x3  }
0x36: {  	p1 =	seq.s32 s10, $0x1;
	s10 =	sld [smem:$0x3FB5];
	_ =	sdelay $0x3  }
0x37: {  	[smem:$0x3FB5] =	sst s10  }
0x38: {  	s10 =	sld [smem:$0x3FB6]  }
0x39: {  	_ = 	snop;
	(pc) =	sbr.ind lr, $3  }
0x3a: {  	_ = 	snop  }
0x3b: {  	_ = 	snop  }
0x3c: {  	p2 =	seq.s32 s10, $0x1;
	s10 =	sld [smem:$0x3FB5]  }
0x3d: {  	_ =	shalt  }
0x3e: {  	_ =	shalt  }
0x3f: {  	_ =	shalt  }
0x40: {  	_ =	shalt  }
0x41: {  	_ =	shalt  }
0x42: {  	_ =	shalt  }
0x43: {  	_ =	shalt  }
0x44: {  	_ =	shalt  }
0x45: {  	_ =	shalt  }
0x46: {  	_ =	shalt  }
0x47: {  	_ =	shalt  }
0x48: {  	_ =	shalt  }
0x49: {  	_ =	shalt  }
0x4a: {  	_ =	shalt  }
0x4b: {  	_ =	shalt  }
0x4c: {  	_ =	shalt  }
0x4d: {  	_ =	shalt  }
0x4e: {  	_ =	shalt  }
0x4f: {  	_ =	shalt  }
0x50: {  	_ =	shalt  }
0x51: {  	_ =	shalt  }
0x52: {  	_ =	shalt  }
0x53: {  	_ =	shalt  }
0x54: {  	_ =	shalt  }
0x55: {  	_ =	shalt  }
0x56: {  	_ =	shalt  }
0x57: {  	_ =	shalt  }
0x58: {  	_ =	shalt  }
0x59: {  	_ =	shalt  }
0x5a: {  	_ =	shalt  }
0x5b: {  	_ =	shalt  }
0x5c: {  	_ =	shalt  }
0x5d: {  	_ =	shalt  }
0x5e: {  	_ =	shalt  }
0x5f: {  	_ =	shalt  }
0x60: {  	_ =	shalt  }
0x61: {  	_ =	shalt  }
0x62: {  	_ =	shalt  }
0x63: {  	_ =	shalt  }
0x64: {  	_ =	shalt  }
0x65: {  	_ =	shalt  }
0x66: {  	_ =	shalt  }
0x67: {  	_ =	shalt  }
0x68: {  	_ =	shalt  }
0x69: {  	_ =	shalt  }
0x6a: {  	_ =	shalt  }
0x6b: {  	_ =	shalt  }
0x6c: {  	_ =	shalt  }
0x6d: {  	_ =	shalt  }
0x6e: {  	_ =	shalt  }
0x6f: {  	_ =	shalt  }
0x70: {  	_ =	shalt  }
0x71: {  	_ =	shalt  }
0x72: {  	_ =	shalt  }
0x73: {  	_ =	shalt  }
0x74: {  	_ =	shalt  }
0x75: {  	_ =	shalt  }
0x76: {  	_ =	shalt  }
0x77: {  	_ =	shalt  }
0x78: {  	_ =	shalt  }
0x79: {  	_ =	shalt  }
0x7a: {  	_ =	shalt  }
0x7b: {  	_ =	shalt  }
0x7c: {  	_ =	shalt  }
0x7d: {  	_ =	shalt  }
0x7e: {  	_ =	shalt  }
0x7f: {  	_ =	shalt  }
0x80: {  	_ =	shalt  }
0x81: {  	_ =	shalt  }
0x82: {  	_ =	shalt  }
0x83: {  	_ =	shalt  }
0x84: {  	_ =	shalt  }
0x85: {  	_ =	shalt  }
0x86: {  	_ =	shalt  }
0x87: {  	_ =	shalt  }
.Lfunc_end0:
.L_simem_size_0:
called_computation_lowered:
.L_overlay_start_0:
0x88: {  	s2 =	sld [smem:$0x3FD9]  }
0x89: {  	s3 =	sld [smem:$0x3FFE];
	_ =	sdelay $0x1  }
0x8a: {  	s1 =	srdreg.scid  }
0x8b: {  	s0 =	sand.u32 $0x1, s1  }
0x8c: {  	s17 =	sshll.u32 s0, $0xA;
	s2 =	sadd.s32 s3, s2  }
0x8d: {  	s2 =	sadd.s32 s2, s17  }
0x8e: {  	[smem:$0x3FC1] =	sst s2  }
0x8f: {  	_ = 	snop  }
0x90: {  	s2 =	sld [smem:$0x3FD0];
	(tm) =	ssettm $0x1  }
0x91: {  	s18 =	sld [smem:$0x3FFB];
	_ =	sdelay $0x3  }
0x92: {  	_ =	strace s18  }
0x93: {  	s3 =	sld [smem:$0x3FFC];
	_ =	sdelay $0x3  }
0x94: {  	_ =	strace s3  }
0x95: {  	s3 =	sld [smem:$0x3FFD];
	_ =	sdelay $0x3  }
0x96: {  	_ =	strace s3  }
0x97: {  	_ =	strace $0x8FFFFFFF  }
0x98: {  	s19 =	sld [smem:$0x3FDB];
	_ =	sdelay $0x1  }
0x99: {  	s4 =	simm.s32 $_scs_section_size  }
0x9a: {  	s5 =	simm.s32 $_size__tile_overlayer_lowered;
	s6 =	simm.s32 $_tile_overlayer_lowered  }
0x9b: {  	s22 =	simm.s32 $0x1BFF;
	s21 =	sshll.u32 s6, $0x1;
	s3 =	sadd.s32 s4, s19  }
0x9c: {  	s7 =	simm.s32 $0x0;
	s20 =	sshll.u32 s5, $0x1;
	s5 =	sadd.s32 s21, s3  }
0x9d: {  	[timem:s7], [sflag:s22] =	dma.local [hbm:s5], s20  }
0x9e: {  	_ =	swait.ge [sflag:s22], s20  }
0x9f: {  	s4 =	ssub.s32 $0x0, s20;
	[sflag:s22] =	ssyncset.done $0x0  }
0xa0: {  	[sflag:s22] =	ssyncadd.s32 s4;
	_ =	sdelay $0x1  }
0xa1: {  	s23 =	simm.s32 $0x1B8B  }
0xa2: {  	_ =	swait.ge [sflag:s23], $0x1  }
0xa3: {  	[sflag:s23] =	ssyncset.done $0x0  }
0xa4: {  	s25 =	simm.s32 $0x1B8E;
	s24 =	sld [smem:$0x3FFE];
	[sflag:s23] =	ssyncadd.s32 $0xFFFFFFFF  }
0xa5: {  	s26 =	simm.s32 $execute0_lowered;
	[smem:$0x3FD2] =	sst s25  }
0xa6: {  	s5 =	sshll.u32 s26, $0x1;
	_ =	strace $0x80000046;
	[dreg:$0x1] =	wrdreg $0xFFFFFFFF  }
0xa7: {  	s28 =	simm.s32 $_size_execute0_lowered;
	s3 =	sadd.s32 s3, s5;
	[dreg:$0x0] =	wrdreg $0x0  }
0xa8: {  	s5 =	sshll.u32 s28, $0x1;
	[dreg:$0x2] =	wrdreg s3  }
0xa9: {  	[dreg:$0x3] =	wrdreg s5  }
0xaa: {  	[dreg:$0x4] =	wrdreg $0xC0  }
0xab: {  	_ =	task [dreg:s7], $0x5FFFF  }
0xac: {  	[dreg:$0x1] =	wrdreg $0xFFFFFFFF  }
0xad: {  	[dreg:$0x0] =	wrdreg $0x60  }
0xae: {  	[dreg:$0x2] =	wrdreg s2  }
0xaf: {  	[dreg:$0x3] =	wrdreg s24  }
0xb0: {  	[dreg:$0x4] =	wrdreg $0x9F800  }
0xb1: {  	[dreg:$0x5] =	wrdreg $0xA2000  }
0xb2: {  	[dreg:$0x6] =	wrdreg $0x9  }
0xb3: {  	_ =	task.clear_ibuf [dreg:s7], $0x7FFFF;
	_ =	strace $0x90000046  }
0xb4: {  	s29 =	simm.s32 $0x9;
	_ =	strace $0x80000048  }
0xb5: {  	_ =	swait.ge [sflag:s29], $0x1  }
0xb6: {  	[sflag:s29] =	ssyncadd.s32 $0xFFFFFFFF  }
0xb7: {  	_ =	strace $0x90000048  }
0xb8: {  	_ =	sfence  }
0xb9: {  	s30 =	sld [smem:$0x0];
	_ =	sdelay $0x2  }
0xba: {  	s31 =	sshll.u32 s1, $0xD;
	s1 =	sshrl.u32 s1, $0x2  }
0xbb: {  	s3 =	sand.u32 $0x4000, s31;
	s1 =	sadd.s32 s1, s30  }
0xbc: {  	s0 =	sor.u32 s3, s0;
	s1 =	sshll.u32 s1, $0x11  }
0xbd: {  	s0 =	sor.u32 s1, s0  }
0xbe: {  	s0 =	sadd.s32 $0x8F2B, s0  }
0xbf: {  	[sflag:s0] =	ssyncadd.remote.s32 $0x1  }
0xc0: {  	_ =	sfence.sel $0xFFFF  }
0xc1: {  	[dreg:$0x0] =	wrdreg $0xFFFFFFFF;
	(pc) =	sbr.abs _section_cstart, $3  }
0xc2: {  	[dreg:$0x1] =	wrdreg $0xFFFFFFFF  }
0xc3: {  	_ =	task.clear_ibuf [dreg:s7], $0x2FFFF;
	_ =	strace $0x9FFFFFFF  }
0xc4: {  	(tm) =	ssettm $0x7FFFFFFF  }
0xc5: {  	_ =	shalt  }
tec
execute0_lowered:
.L_overlay_start_1:
0x0: {  	(tag) =	ssettag $0x1  }
0x1: {  	s5 =	rddreg [dreg:$0x0]  }
0x2: {  	s6 =	rddreg [dreg:$0x1]  }
0x3: {  	s1 =	rddreg [dreg:$0x2];
	s0 =	srdreg.scid  }
0x4: {  	s3 =	rddreg [dreg:$0x3];
	s2 =	stileid.u32  }
0x5: {  	s4 =	simm.s32 $0x0;
	s14 =	simm.s32 $0x4F00;
	s15 =	simm.s32 $0x7700  }
0x6: {  	s16 =	simm.s32 $0x50;
	s17 =	simm.s32 $0x9F00;
	s18 =	simm.s32 $0x2  }
0x7: {  	s19 =	simm.s32 $0x0;
	s7 =	sand.u32 $0x1, s0;
	s0 =	rddreg [dreg:$0x4]  }
0x8: {  	[smem:$0x7FF] =	sst s4;
	s10 =	sshll.u32 s2, $0xA;
	s8 =	sshll.u32 s7, $0x4  }
0x9: {  	s9 =	smul.u32 $0x2800, s7;
	s7 =	ssub.s32 $0x2, s7;
	s8 =	sor.u32 s2, s8  }
0xa: {  	p0 =	sgt.u32 s2, $0x9;
	s12 =	sshrl.u32 s7, $0x1;
	s8 =	smul.u32 $0x4E2, s8  }
0xb: {  	_ =	strace $0x80000047;
	s9 =	sadd.s32 s10, s9;
	s12 =	ssub.s32 s7, s12  }
0xc: {  	s7 =	sadd.s32 s10, s1;
	s9 =	sshrl.u32 s9, $0x3;
	s11 =	sadd.s32 s8, s6  }
0xd: {  	v0 =	vlaneseq.u32;
	s13 =	sadd.s32 s9, s6;
	s5 =	sadd.s32 s5, s8;
	s8 =	sadd.s32 s10, s3  }
0xe: {  	v1 =	vimm.f32 $0.0e+00;
	v6 =	vimm.f32 $1.000000000e+00;
	v2 =	vor.u32 $0x10, v0;
	s6 =	sadd.s32 $0x3200, s11;
	s9 =	sadd.s32 $0xD000, s13;
	s10 =	sadd.s32 $0xDA00, s13  }
0xf: {  	v3 =	vor.u32 $0x20, v0;
	v4 =	vor.u32 $0x30, v0;
	v5 =	vor.u32 $0x40, v0;
	s11 =	smax.u32 s12, $0x1;
	s12 =	simm.s32 $0x2780;
	s13 =	simm.s32 $0x1  }
.LBB2_1:
0x10: {  	[tilespmem:s4], [sflag:$0x1] =	stream.linear.gather [hbm4b:s5+s4], $0x2710, $0x38;
	[tilespmem:$0xA480] =	vst v63  }
0x11: {  	s20 =	simm.s32 $0x0;
	s21 =	simm.s32 $0x200  }
0x12: {  	[tilespmem:s12], [sflag:$0x1] =	stream.linear.gather [hbm4b:s6+s4], $0x2710, $0x38;
	[tilespmem:$0xA480] =	vst v63  }
.LBB2_2:
0x13: {  	p1 =	sne.s32 s21, $0x9E00;
	[tilespmem:s20+$0x7770] =	vst v1  }
0x14: {  	[tilespmem:s20+$0x4F00] =	vst v1  }
0x15: {  	[tilespmem:s20+$0x7700] =	vst v1  }
0x16: {  	[tilespmem:s20+$0x4F10] =	vst v1  }
0x17: {  	[tilespmem:s20+$0x7710] =	vst v1  }
0x18: {  	[tilespmem:s20+$0x4F20] =	vst v1  }
0x19: {  	[tilespmem:s20+$0x7720] =	vst v1  }
0x1a: {  	[tilespmem:s20+$0x4F30] =	vst v1  }
0x1b: {  	[tilespmem:s20+$0x7730] =	vst v1  }
0x1c: {  	[tilespmem:s20+$0x4F40] =	vst v1  }
0x1d: {  	[tilespmem:s20+$0x7740] =	vst v1  }
.Ltmp0:
0x1e: {  	[tilespmem:s20+$0x4F50] =	vst v1;
	(pc) =	sbr.rel @p1 .LBB2_2-.Ltmp0, $4  }
0x1f: {  	[tilespmem:s20+$0x7750] =	vst v1  }
0x20: {  	[tilespmem:s20+$0x4F60] =	vst v1  }
0x21: {  	[tilespmem:s20+$0x7760] =	vst v1  }
0x22: {  	[tilespmem:s20+$0x4F70] =	vst v1;
	s20 =	sshra.s32 s21, $0x2;
	s21 =	sadd.s32 $0x200, s21  }
0x23: {  	[tilespmem:s20+$0x7770] =	vst v1  }
0x24: {  	[tilespmem:s20+$0x4F00] =	vst v1  }
0x25: {  	[tilespmem:s20+$0x7700] =	vst v1  }
0x26: {  	[tilespmem:s20+$0x4F10] =	vst v1  }
0x27: {  	[tilespmem:s20+$0x7710] =	vst v1  }
0x28: {  	[tilespmem:s20+$0x4F20] =	vst v1  }
0x29: {  	[tilespmem:s20+$0x7720] =	vst v1  }
0x2a: {  	[tilespmem:s20+$0x4F30] =	vst v1  }
0x2b: {  	[tilespmem:s20+$0x7730] =	vst v1  }
0x2c: {  	[tilespmem:s20+$0x4F40] =	vst v1  }
0x2d: {  	[tilespmem:s20+$0x7740] =	vst v1  }
0x2e: {  	[tilespmem:s20+$0x4F50] =	vst v1  }
0x2f: {  	[tilespmem:s20+$0x7750] =	vst v1  }
0x30: {  	[tilespmem:s20+$0x4F60] =	vst v1  }
0x31: {  	[tilespmem:s20+$0x7760] =	vst v1  }
0x32: {  	[tilespmem:s20+$0x4F70] =	vst v1  }
0x33: {  	[tilespmem:$0x9F00] =	vst v0  }
0x34: {  	[tilespmem:$0x9F10] =	vst v2  }
0x35: {  	[tilespmem:$0x9F20] =	vst v3  }
0x36: {  	[tilespmem:$0x9F30] =	vst v4  }
0x37: {  	s20 =	simm.s32 @!p0 $0x4F00;
	[tilespmem:$0x9F40] =	vst v5  }
0x38: {  	[spmem:s7] =	stream.linear.scatter @!p0 [tilespmem:s20], [sflag:$0x2], $0x400, $0x38;
	[tilespmem:$0xA480] =	vst v63  }
0x39: {  	s20 =	simm.s32 @!p0 $0x2  }
0x3a: {  	_ =	swait.ge @!p0 [sflag:s20], $0x400  }
0x3b: {  	[sflag:s20] =	ssyncset.done @!p0 $0x0  }
0x3c: {  	s21 =	simm.s32 @!p0 $0x7700;
	[sflag:s20] =	ssyncadd.s32 @!p0 $0xFFFFFC00  }
0x3d: {  	[spmem:s8] =	stream.linear.scatter @!p0 [tilespmem:s21], [sflag:$0x2], $0x400, $0x38;
	[tilespmem:$0xA480] =	vst v63  }
0x3e: {  	_ =	swait.ge @!p0 [sflag:s20], $0x400  }
0x3f: {  	[sflag:s20] =	ssyncset.done @!p0 $0x0  }
0x40: {  	[sflag:s20] =	ssyncadd.s32 @!p0 $0xFFFFFC00  }
0x41: {  	_ =	swait.ge [sflag:s13], $0x2710  }
0x42: {  	[sflag:s13] =	ssyncset.done $0x0  }
0x43: {  	[sflag:s13] =	ssyncadd.s32 $0xFFFFD8F0  }
0x44: {  	_ =	swait.ge [sflag:s13], $0x2710  }
0x45: {  	[sflag:s13] =	ssyncset.done $0x0  }
0x46: {  	s21 =	simm.s32 $0x0;
	s20 =	simm.s32 $0x40;
	[sflag:s13] =	ssyncadd.s32 $0xFFFFD8F0  }
.LBB2_4:
0x47: {  	p1 =	sne.s32 s20, $0x9C00;
	v7 =	vld [tilespmem:s21+$0x0];
	_ =	sdelay $0x7  }
0x48: {  	[tilespmem:v7+s14+$0x0] =	vst.idx.add.f32.msk $0xffff, v6  }
0x49: {  	v7 =	vld [tilespmem:s21+$0x2780];
	_ =	sdelay $0x3  }
.Ltmp1:
0x4a: {  	(pc) =	sbr.rel @p1 .LBB2_4-.Ltmp1, $2  }
0x4b: {  	_ =	sdelay $0x2  }
0x4c: {  	s21 =	sshra.s32 s20, $0x2;
	s20 =	sadd.s32 $0x40, s20;
	[tilespmem:v7+s15+$0x0] =	vst.idx.add.f32.msk $0xffff, v6  }
0x4d: {  	v7 =	vld [tilespmem:s21+$0x0];
	_ =	sdelay $0x7  }
0x4e: {  	[tilespmem:v7+s14+$0x0] =	vst.idx.add.f32.msk $0xffff, v6  }
0x4f: {  	v7 =	vld [tilespmem:s21+$0x2780];
	_ =	sdelay $0x7  }
0x50: {  	[tilespmem:v7+s15+$0x0] =	vst.idx.add.f32.msk $0xffff, v6  }
0x51: {  	[bflag:$0x0] =	sbarrier.arrive $0xFFFF  }
0x52: {  	[spmem:s1] =	stream.indirect.scatter.add.f32 [tilespmem:s14], [sflag:$0x2], $0x80, s17, s16, $0xb8;
	[tilespmem:$0xA480] =	vst v63  }
0x53: {  	_ =	swait.ge [sflag:s18], $0x2800  }
0x54: {  	[sflag:s18] =	ssyncset.done $0x0  }
0x55: {  	[sflag:s18] =	ssyncadd.s32 $0xFFFFD800  }
0x56: {  	[spmem:s3] =	stream.indirect.scatter.add.f32 [tilespmem:s15], [sflag:$0x2], $0x80, s17, s16, $0xb8;
	[tilespmem:$0xA480] =	vst v63  }
0x57: {  	_ =	swait.ge [sflag:s18], $0x2800  }
0x58: {  	[sflag:s18] =	ssyncset.done $0x0  }
0x59: {  	[sflag:s18] =	ssyncadd.s32 $0xFFFFD800  }
0x5a: {  	s20 =	simm.s32 @!p0 $0x4F00;
	s21 =	simm.s32 @!p0 $0x2;
	[bflag:$0x0] =	sbarrier.arrive $0xFFFF  }
0x5b: {  	[tilespmem:s20], [sflag:$0x2] =	stream.linear.gather @!p0 [spmem:s7], $0x400, $0x38;
	[tilespmem:$0xA480] =	vst v63  }
0x5c: {  	_ =	swait.ge @!p0 [sflag:s21], $0x400  }
0x5d: {  	[sflag:s21] =	ssyncset.done @!p0 $0x0  }
0x5e: {  	s22 =	simm.s32 @!p0 $0x0;
	[sflag:s21] =	ssyncadd.s32 @!p0 $0xFFFFFC00  }
0x5f: {  	[hbm4b:s9+s22] =	stream.linear.scatter @!p0 [tilespmem:s20], [sflag:$0x2], $0x400, $0x38;
	[tilespmem:$0xA480] =	vst v63  }
0x60: {  	_ =	swait.ge @!p0 [sflag:s21], $0x400  }
0x61: {  	[sflag:s21] =	ssyncset.done @!p0 $0x0  }
0x62: {  	s20 =	simm.s32 @!p0 $0x7700;
	[sflag:s21] =	ssyncadd.s32 @!p0 $0xFFFFFC00  }
0x63: {  	[tilespmem:s20], [sflag:$0x2] =	stream.linear.gather @!p0 [spmem:s8], $0x400, $0x38;
	[tilespmem:$0xA480] =	vst v63  }
0x64: {  	s19 =	sadd.s32 $0x1, s19;
	_ =	swait.ge @!p0 [sflag:s21], $0x400  }
0x65: {  	p1 =	sne.s32 s19, s11;
	[sflag:s21] =	ssyncset.done @!p0 $0x0  }
.Ltmp2:
0x66: {  	[sflag:s21] =	ssyncadd.s32 @!p0 $0xFFFFFC00;
	(pc) =	sbr.rel @p1 .LBB2_1-.Ltmp2, $4  }
0x67: {  	[hbm4b:s10+s22] =	stream.linear.scatter @!p0 [tilespmem:s20], [sflag:$0x2], $0x400, $0x38;
	[tilespmem:$0xA480] =	vst v63  }
0x68: {  	_ =	swait.ge @!p0 [sflag:s21], $0x400  }
0x69: {  	[sflag:s21] =	ssyncset.done @!p0 $0x0  }
0x6a: {  	[sflag:s21] =	ssyncadd.s32 @!p0 $0xFFFFFC00  }
0x6b: {  	_ =	sfence.sel $0x180000  }
0x6c: {  	[bflag:$0x0] =	sbarrier.arrive $0xFFFF  }
0x6d: {  	p0 =	sne.s32 s2, $0x0;
	_ =	strace $0x90000047  }
0x6e: {  	s0 =	sadd.s32 @!p0 $0x100000, s0;
	[bflag:$0x2] =	sbarrier.arrive $0xFFFF  }
0x6f: {  	[sflag:s0] =	ssyncadd.tile.s32 @!p0 $0x1;
	_ =	shalt  }
.Lfunc_end2:
_tile_overlayer_lowered:
.L_overlay_start_2:
0x70: {  	(tag) =	ssettag $0x2  }
0x71: {  	s0 =	rddreg [dreg:$0x0];
	s2 =	stileid.u32  }
0x72: {  	s1 =	rddreg [dreg:$0x1];
	p0 =	sne.s32 s2, $0x0  }
0x73: {  	s3 =	rddreg [dreg:$0x2];
	[bflag:$0x3] =	sbarrier.arrive $0xFFFF;
	s2 =	simm.s32 @!p0 $0x1C02  }
0x74: {  	[timem:s3], [sflag:s2] =	dma.local @!p0 [hbm:s0], s1  }
0x75: {  	s0 =	simm.s32 @!p0 $0x2  }
0x76: {  	_ =	swait.ge @!p0 [sflag:s0], s1  }
0x77: {  	s1 =	ssub.s32 @!p0 $0x0, s1;
	[sflag:s0] =	ssyncset.done @!p0 $0x0  }
0x78: {  	[sflag:s0] =	ssyncadd.s32 @!p0 s1  }
0x79: {  	[bflag:$0x3] =	sbarrier.arrive $0xFFFF  }
0x7a: {  	_ =	shalt  }

// kernel: kernel.13.cloned.1.call-start
scs
__scs_entry_jumppad:
0x0: {  	(pc) =	sbr.rel $0x88, $3  }
0x1: {  	(tag) =	ssettag $0x0;
	lr =	simm.s32 $0x1  }
0x2: {  	[smem:$0x3F9A] =	sst lr;
	_ =	strace $0xD0000000  }
0x3: {  	_ = 	snop  }
0x4: {  	_ = 	snop  }
0x5: {  	_ = 	snop  }
0x6: {  	_ = 	snop  }
0x7: {  	_ = 	snop  }
__scs_overlays_trampoline_lowered:
0x8: {  	[smem:$0x3FA9] =	sst s0  }
0x9: {  	[smem:$0x3FAA] =	sst s1  }
0xa: {  	[smem:$0x3FAB] =	sst s2  }
0xb: {  	[smem:$0x3FAC] =	sst s3  }
0xc: {  	[smem:$0x3FAD] =	sst s4  }
0xd: {  	[smem:$0x3FAE] =	sst s5  }
0xe: {  	[smem:$0x3FAF] =	sst s6  }
0xf: {  	[smem:$0x3FB0] =	sst s7  }
0x10: {  	[smem:$0x3FB1] =	sst s8  }
0x11: {  	[smem:$0x3FB2] =	sst s9;
	s0 =	simm.s32 @!p0 $0x0  }
0x12: {  	s1 =	sld [smem:$0x3F98];
	s0 =	simm.s32 @p0 $0x1  }
0x13: {  	[smem:$0x3FB3] =	sst s0;
	s0 =	simm.s32 @!p1 $0x0  }
0x14: {  	s2 =	sld [smem:$0x3F97];
	s0 =	simm.s32 @p1 $0x1  }
0x15: {  	[smem:$0x3FB4] =	sst s0;
	s0 =	simm.s32 @!p2 $0x0  }
0x16: {  	s3 =	sld [smem:$0x3FDB];
	s0 =	simm.s32 @p2 $0x1  }
0x17: {  	s4 =	simm.s32 $0x1BF5;
	[smem:$0x3FB6] =	sst s0  }
0x18: {  	s0 =	sld [smem:$0x3F99];
	_ =	swait.ge [sflag:s4], $0x0  }
0x19: {  	s7 =	sld [smem:$0x3F9A]  }
0x1a: {  	s8 =	sadd.s32 $0xFFFFE003, lr  }
0x1b: {  	s9 =	sadd.s32 $0xFFFFFEF7, lr;
	s5 =	simm.s32 $0xFFFFFFFF;
	p2 =	slt.u32 s8, $0xFFFFF086  }
0x1c: {  	p1 =	slt.u32 s9, $0xF7A;
	s5 =	simm.s32 @!p2 $0x0  }
0x1d: {  	s5 =	simm.s32 @p1 $0x1;
	p0 =	seq.s32 s7, s2  }
0x1e: {  	s7 =	smul.u32 @!p0 $0xF7A, s2;
	p2 =	seq.s32 @!p0 s5, $0x0  }
0x1f: {  	s9 =	smul.u32 $0xF7A, s1;
	s8 =	simm.s32 @!p0 $0x1BF5;
	p2 =	por !p2, p0  }
0x20: {  	[sflag:s8] =	ssyncset.s32 @!p0 $0xFFFFF086;
	s6 =	sadd.s32 @!p0 s3, s7;
	s7 =	simm.s32 @!p0 $0x108  }
0x21: {  	s3 =	sadd.s32 s3, s9;
	s6 =	sadd.s32 @!p0 $0x88, s6;
	s7 =	simm.s32 @p2 $0x1082  }
0x22: {  	[simem:s7], [sflag:s8] =	dma.local @!p0 [hbm:s6], $0xF7A  }
0x23: {  	s9 =	sor.u32 $0xD0000000, s2;
	s6 =	simm.s32 $0x108;
	_ =	swait.ge @!p0 [sflag:s8], $0x0  }
0x24: {  	s3 =	sadd.s32 $0x88, s3;
	s6 =	simm.s32 @!p1 $0x1082;
	[sflag:s4] =	ssyncset.s32 $0xFFFFF086  }
0x25: {  	[simem:s6], [sflag:s4] =	dma.local [hbm:s3], $0xF7A  }
0x26: {  	[smem:$0x3F9A] =	sst s1;
	(tag) =	ssettag s2;
	_ =	strace s9  }
0x27: {  	s1 =	sld [smem:$0x3FAA]  }
0x28: {  	s2 =	sld [smem:$0x3FAB]  }
0x29: {  	s4 =	sld [smem:$0x3FAD]  }
0x2a: {  	p0 =	seq.s32 s5, $0x0;
	s5 =	sld [smem:$0x3FAE]  }
0x2b: {  	s6 =	sld [smem:$0x3FAF]  }
0x2c: {  	s7 =	sld [smem:$0x3FB0]  }
0x2d: {  	s3 =	simm.s32 $0x108;
	s8 =	sld [smem:$0x3FB1]  }
0x2e: {  	s3 =	simm.s32 @!p0 $0x1082;
	s9 =	sld [smem:$0x3FB2]  }
0x2f: {  	lr =	sadd.s32 s0, s3;
	s0 =	sld [smem:$0x3FA9]  }
0x30: {  	s3 =	sld [smem:$0x3FAC]  }
0x31: {  	[smem:$0x3FB5] =	sst s10  }
0x32: {  	s10 =	sld [smem:$0x3FB3];
	_ =	sdelay $0x3  }
0x33: {  	p0 =	seq.s32 s10, $0x1;
	s10 =	sld [smem:$0x3FB5];
	_ =	sdelay $0x3  }
0x34: {  	[smem:$0x3FB5] =	sst s10  }
0x35: {  	s10 =	sld [smem:$0x3FB4];
	_ =	sdelay $0x3  }
0x36: {  	p1 =	seq.s32 s10, $0x1;
	s10 =	sld [smem:$0x3FB5];
	_ =	sdelay $0x3  }
0x37: {  	[smem:$0x3FB5] =	sst s10  }
0x38: {  	s10 =	sld [smem:$0x3FB6]  }
0x39: {  	_ = 	snop;
	(pc) =	sbr.ind lr, $3  }
0x3a: {  	_ = 	snop  }
0x3b: {  	_ = 	snop  }
0x3c: {  	p2 =	seq.s32 s10, $0x1;
	s10 =	sld [smem:$0x3FB5]  }
0x3d: {  	_ =	shalt  }
0x3e: {  	_ =	shalt  }
0x3f: {  	_ =	shalt  }
0x40: {  	_ =	shalt  }
0x41: {  	_ =	shalt  }
0x42: {  	_ =	shalt  }
0x43: {  	_ =	shalt  }
0x44: {  	_ =	shalt  }
0x45: {  	_ =	shalt  }
0x46: {  	_ =	shalt  }
0x47: {  	_ =	shalt  }
0x48: {  	_ =	shalt  }
0x49: {  	_ =	shalt  }
0x4a: {  	_ =	shalt  }
0x4b: {  	_ =	shalt  }
0x4c: {  	_ =	shalt  }
0x4d: {  	_ =	shalt  }
0x4e: {  	_ =	shalt  }
0x4f: {  	_ =	shalt  }
0x50: {  	_ =	shalt  }
0x51: {  	_ =	shalt  }
0x52: {  	_ =	shalt  }
0x53: {  	_ =	shalt  }
0x54: {  	_ =	shalt  }
0x55: {  	_ =	shalt  }
0x56: {  	_ =	shalt  }
0x57: {  	_ =	shalt  }
0x58: {  	_ =	shalt  }
0x59: {  	_ =	shalt  }
0x5a: {  	_ =	shalt  }
0x5b: {  	_ =	shalt  }
0x5c: {  	_ =	shalt  }
0x5d: {  	_ =	shalt  }
0x5e: {  	_ =	shalt  }
0x5f: {  	_ =	shalt  }
0x60: {  	_ =	shalt  }
0x61: {  	_ =	shalt  }
0x62: {  	_ =	shalt  }
0x63: {  	_ =	shalt  }
0x64: {  	_ =	shalt  }
0x65: {  	_ =	shalt  }
0x66: {  	_ =	shalt  }
0x67: {  	_ =	shalt  }
0x68: {  	_ =	shalt  }
0x69: {  	_ =	shalt  }
0x6a: {  	_ =	shalt  }
0x6b: {  	_ =	shalt  }
0x6c: {  	_ =	shalt  }
0x6d: {  	_ =	shalt  }
0x6e: {  	_ =	shalt  }
0x6f: {  	_ =	shalt  }
0x70: {  	_ =	shalt  }
0x71: {  	_ =	shalt  }
0x72: {  	_ =	shalt  }
0x73: {  	_ =	shalt  }
0x74: {  	_ =	shalt  }
0x75: {  	_ =	shalt  }
0x76: {  	_ =	shalt  }
0x77: {  	_ =	shalt  }
0x78: {  	_ =	shalt  }
0x79: {  	_ =	shalt  }
0x7a: {  	_ =	shalt  }
0x7b: {  	_ =	shalt  }
0x7c: {  	_ =	shalt  }
0x7d: {  	_ =	shalt  }
0x7e: {  	_ =	shalt  }
0x7f: {  	_ =	shalt  }
0x80: {  	_ =	shalt  }
0x81: {  	_ =	shalt  }
0x82: {  	_ =	shalt  }
0x83: {  	_ =	shalt  }
0x84: {  	_ =	shalt  }
0x85: {  	_ =	shalt  }
0x86: {  	_ =	shalt  }
0x87: {  	_ =	shalt  }
.Lfunc_end0:
.L_simem_size_0:
called_computation.1_lowered:
.L_overlay_start_0:
0x88: {  	s2 =	sld [smem:$0x3FD9]  }
0x89: {  	s3 =	sld [smem:$0x3FFE];
	_ =	sdelay $0x1  }
0x8a: {  	s1 =	srdreg.scid  }
0x8b: {  	s0 =	sand.u32 $0x1, s1  }
0x8c: {  	s17 =	sshll.u32 s0, $0xA;
	s2 =	sadd.s32 s3, s2  }
0x8d: {  	s2 =	sadd.s32 s2, s17  }
0x8e: {  	[smem:$0x3FC1] =	sst s2  }
0x8f: {  	_ = 	snop  }
0x90: {  	s2 =	sld [smem:$0x3FD0];
	(tm) =	ssettm $0x1  }
0x91: {  	s18 =	sld [smem:$0x3FFB];
	_ =	sdelay $0x3  }
0x92: {  	_ =	strace s18  }
0x93: {  	s3 =	sld [smem:$0x3FFC];
	_ =	sdelay $0x3  }
0x94: {  	_ =	strace s3  }
0x95: {  	s3 =	sld [smem:$0x3FFD];
	_ =	sdelay $0x3  }
0x96: {  	_ =	strace s3  }
0x97: {  	_ =	strace $0x8FFFFFFF  }
0x98: {  	s19 =	sld [smem:$0x3FDB];
	_ =	sdelay $0x1  }
0x99: {  	s4 =	simm.s32 $_scs_section_size  }
0x9a: {  	s5 =	simm.s32 $_size__tile_overlayer_lowered;
	s6 =	simm.s32 $_tile_overlayer_lowered  }
0x9b: {  	s22 =	simm.s32 $0x1BFF;
	s21 =	sshll.u32 s6, $0x1;
	s3 =	sadd.s32 s4, s19  }
0x9c: {  	s7 =	simm.s32 $0x0;
	s20 =	sshll.u32 s5, $0x1;
	s5 =	sadd.s32 s21, s3  }
0x9d: {  	[timem:s7], [sflag:s22] =	dma.local [hbm:s5], s20  }
0x9e: {  	_ =	swait.ge [sflag:s22], s20  }
0x9f: {  	s4 =	ssub.s32 $0x0, s20;
	[sflag:s22] =	ssyncset.done $0x0  }
0xa0: {  	[sflag:s22] =	ssyncadd.s32 s4;
	_ =	sdelay $0x1  }
0xa1: {  	s23 =	simm.s32 $0x1B8B  }
0xa2: {  	_ =	swait.ge [sflag:s23], $0x1  }
0xa3: {  	[sflag:s23] =	ssyncset.done $0x0  }
0xa4: {  	s25 =	simm.s32 $0x1B8E;
	s24 =	sld [smem:$0x3FFE];
	[sflag:s23] =	ssyncadd.s32 $0xFFFFFFFF  }
0xa5: {  	s26 =	simm.s32 $execute0_lowered;
	[smem:$0x3FD2] =	sst s25  }
0xa6: {  	s5 =	sshll.u32 s26, $0x1;
	_ =	strace $0x80000049;
	[dreg:$0x1] =	wrdreg $0xFFFFFFFF  }
0xa7: {  	s28 =	simm.s32 $_size_execute0_lowered;
	s3 =	sadd.s32 s3, s5;
	[dreg:$0x0] =	wrdreg $0x0  }
0xa8: {  	s5 =	sshll.u32 s28, $0x1;
	[dreg:$0x2] =	wrdreg s3  }
0xa9: {  	[dreg:$0x3] =	wrdreg s5  }
0xaa: {  	[dreg:$0x4] =	wrdreg $0xC0  }
0xab: {  	_ =	task [dreg:s7], $0x5FFFF  }
0xac: {  	[dreg:$0x1] =	wrdreg $0xFFFFFFFF  }
0xad: {  	[dreg:$0x0] =	wrdreg $0x60  }
0xae: {  	[dreg:$0x2] =	wrdreg s24  }
0xaf: {  	[dreg:$0x3] =	wrdreg s2  }
0xb0: {  	[dreg:$0x4] =	wrdreg $0xA8000  }
0xb1: {  	[dreg:$0x5] =	wrdreg $0x9  }
0xb2: {  	_ =	task.clear_ibuf [dreg:s7], $0x6FFFF;
	_ =	strace $0x90000049  }
0xb3: {  	s29 =	simm.s32 $0x9;
	_ =	strace $0x8000004B  }
0xb4: {  	_ =	swait.ge [sflag:s29], $0x1  }
0xb5: {  	[sflag:s29] =	ssyncadd.s32 $0xFFFFFFFF  }
0xb6: {  	_ =	strace $0x9000004B  }
0xb7: {  	_ =	sfence  }
0xb8: {  	s30 =	sld [smem:$0x0];
	_ =	sdelay $0x2  }
0xb9: {  	s31 =	sshll.u32 s1, $0xD;
	s1 =	sshrl.u32 s1, $0x2  }
0xba: {  	s3 =	sand.u32 $0x4000, s31;
	s1 =	sadd.s32 s1, s30  }
0xbb: {  	s0 =	sor.u32 s3, s0;
	s1 =	sshll.u32 s1, $0x11  }
0xbc: {  	s0 =	sor.u32 s1, s0  }
0xbd: {  	s0 =	sadd.s32 $0x8F2B, s0  }
0xbe: {  	[sflag:s0] =	ssyncadd.remote.s32 $0x1  }
0xbf: {  	_ =	sfence.sel $0xFFFF  }
0xc0: {  	[dreg:$0x0] =	wrdreg $0xFFFFFFFF;
	(pc) =	sbr.abs _section_cstart, $3  }
0xc1: {  	[dreg:$0x1] =	wrdreg $0xFFFFFFFF  }
0xc2: {  	_ =	task.clear_ibuf [dreg:s7], $0x2FFFF;
	_ =	strace $0x9FFFFFFF  }
0xc3: {  	(tm) =	ssettm $0x7FFFFFFF  }
tec
execute0_lowered:
.L_overlay_start_1:
0x0: {  	(tag) =	ssettag $0x1  }
0x1: {  	s0 =	rddreg [dreg:$0x0]  }
0x2: {  	s26 =	rddreg [dreg:$0x1]  }
0x3: {  	s29 =	rddreg [dreg:$0x2];
	s11 =	stileid.u32  }
0x4: {  	s1 =	srdreg.scid;
	s7 =	smul.u32 $0x2800, s11  }
0x5: {  	s4 =	simm.s32 $0x0;
	s6 =	sand.u32 $0x1, s1;
	s12 =	smul.u32 $0x2710, s11  }
0x6: {  	[smem:$0x7FF] =	sst s4;
	s1 =	smul.u32 $0x138800, s6  }
0x7: {  	s2 =	sshll.u32 s6, $0x4;
	s8 =	ssub.s32 $0x2, s6;
	s6 =	smul.u32 $0x27100, s6  }
0x8: {  	s5 =	sadd.s32 $0xD000, s0;
	s30 =	sadd.s32 $0x3200, s0;
	_ =	strace $0x8000004A  }
0x9: {  	[dreg:$0x12] =	wrdreg s30;
	s2 =	sor.u32 s11, s2;
	s6 =	sadd.s32 s12, s6  }
0xa: {  	s2 =	smul.u32 $0x2710, s2;
	s7 =	sadd.s32 s7, s1;
	s17 =	sadd.s32 $0x4B0, s6  }
0xb: {  	s24 =	sshrl.u32 s8, $0x1;
	s23 =	sshrl.u32 s7, $0x3;
	s19 =	sshrl.u32 s17, $0x3  }
0xc: {  	s1 =	sshrl.u32 s2, $0x3;
	s2 =	ssub.s32 s8, s24;
	s20 =	sadd.s32 s19, s30  }
0xd: {  	s0 =	sadd.s32 s23, s0;
	s2 =	smax.u32 s2, $0x1;
	[dreg:$0x4] =	wrdreg s20  }
0xe: {  	s9 =	sadd.s32 $0xA, s1;
	s0 =	sadd.s32 $0x34200, s0;
	[smem:$0x7F9] =	sst s2  }
0xf: {  	s25 =	sadd.s32 s26, s9;
	[smem:$0x7FB] =	sst s0  }
0x10: {  	s3 =	sadd.s32 $0x14, s1;
	s31 =	sadd.s32 s30, s9;
	[dreg:$0x13] =	wrdreg s25  }
0x11: {  	s9 =	sadd.s32 s26, s3;
	[dreg:$0x14] =	wrdreg s31  }
0x12: {  	s10 =	sadd.s32 $0x1E, s1;
	s7 =	sadd.s32 s30, s3;
	[dreg:$0x15] =	wrdreg s9  }
0x13: {  	s13 =	sadd.s32 s26, s10;
	[dreg:$0x16] =	wrdreg s7  }
0x14: {  	s14 =	sadd.s32 $0x28, s1;
	s8 =	sadd.s32 s30, s10;
	[dreg:$0x17] =	wrdreg s13  }
0x15: {  	s16 =	sadd.s32 $0x32, s1;
	s15 =	sadd.s32 s26, s14;
	[dreg:$0x18] =	wrdreg s8  }
0x16: {  	s18 =	sadd.s32 s26, s16;
	[dreg:$0x19] =	wrdreg s15  }
0x17: {  	s10 =	sadd.s32 $0x460, s6;
	s7 =	sadd.s32 s30, s14;
	[dreg:$0x1b] =	wrdreg s18  }
0x18: {  	s21 =	sshrl.u32 s10, $0x3;
	[dreg:$0x1a] =	wrdreg s7;
	s7 =	sadd.s32 s30, s16  }
0x19: {  	s23 =	sadd.s32 $0x410, s6;
	s22 =	sadd.s32 s21, s30;
	[dreg:$0x1c] =	wrdreg s7  }
0x1a: {  	s25 =	sshrl.u32 s23, $0x3;
	s24 =	sadd.s32 s21, s26;
	[dreg:$0x6] =	wrdreg s22  }
0x1b: {  	s3 =	sadd.s32 $0x3C0, s6;
	s31 =	sadd.s32 s25, s30;
	[dreg:$0x7] =	wrdreg s24  }
0x1c: {  	s12 =	sshrl.u32 s3, $0x3;
	s9 =	sadd.s32 s25, s26;
	[dreg:$0x8] =	wrdreg s31  }
0x1d: {  	s13 =	sadd.s32 s12, s30;
	[dreg:$0x9] =	wrdreg s9  }
0x1e: {  	s14 =	sadd.s32 $0x370, s6;
	s15 =	sadd.s32 s12, s26;
	[dreg:$0xa] =	wrdreg s13  }
0x1f: {  	s16 =	sshrl.u32 s14, $0x3;
	s7 =	sadd.s32 s19, s26;
	[dreg:$0xb] =	wrdreg s15  }
0x20: {  	s18 =	sadd.s32 $0x320, s6;
	s17 =	sadd.s32 s16, s30;
	[dreg:$0x5] =	wrdreg s7  }
0x21: {  	s20 =	sshrl.u32 s18, $0x3;
	s19 =	sadd.s32 s16, s26;
	[dreg:$0xc] =	wrdreg s17  }
0x22: {  	s21 =	sadd.s32 s20, s30;
	[dreg:$0xd] =	wrdreg s19  }
0x23: {  	s25 =	sadd.s32 $0x3C, s1;
	s23 =	sadd.s32 s20, s26;
	[dreg:$0xe] =	wrdreg s21  }
0x24: {  	s2 =	simm.s32 $0x1;
	s12 =	sadd.s32 s26, s25;
	[dreg:$0xf] =	wrdreg s23  }
0x25: {  	s14 =	sadd.s32 $0x4BA, s1;
	s10 =	sadd.s32 s30, s25;
	[dreg:$0x1d] =	wrdreg s12  }
0x26: {  	s3 =	sadd.s32 $0x46, s1;
	s15 =	sadd.s32 s26, s14;
	[dreg:$0x1e] =	wrdreg s10  }
0x27: {  	s0 =	simm.s32 $0x50;
	s10 =	sadd.s32 s26, s3;
	[smem:$0x7EF] =	sst s15  }
0x28: {  	s16 =	sadd.s32 $0x4C4, s1;
	s7 =	sadd.s32 s30, s3;
	[dreg:$0x1f] =	wrdreg s10  }
0x29: {  	s18 =	sadd.s32 $0x4CE, s1;
	s17 =	sadd.s32 s26, s16;
	[smem:$0x7EC] =	sst s7  }
0x2a: {  	s8 =	smul.u32 $0x50, s11;
	s19 =	sadd.s32 s26, s18;
	[smem:$0x7F1] =	sst s17  }
0x2b: {  	s22 =	sadd.s32 $0x2D0, s6;
	s21 =	sadd.s32 s26, s1;
	[smem:$0x7F3] =	sst s19  }
0x2c: {  	s24 =	sshrl.u32 s22, $0x3;
	s22 =	sadd.s32 s30, s1;
	[smem:$0x7F5] =	sst s21  }
0x2d: {  	s8 =	ssub.s32 $0x2C00, s8;
	s31 =	sadd.s32 s24, s30;
	[smem:$0x7F6] =	sst s22  }
0x2e: {  	s12 =	sadd.s32 $0x4B0, s1;
	s9 =	sadd.s32 s24, s26;
	[dreg:$0x10] =	wrdreg s31  }
0x2f: {  	s20 =	smul.u32 $0xA000, s11;
	s13 =	sadd.s32 s26, s12;
	[dreg:$0x11] =	wrdreg s9  }
0x30: {  	s1 =	sadd.s32 $0x4D8, s1;
	s7 =	sadd.s32 s30, s12;
	[smem:$0x7ED] =	sst s13  }
0x31: {  	s11 =	simm.s32 $0x3;
	s23 =	sadd.s32 s26, s1;
	[smem:$0x7EE] =	sst s7  }
0x32: {  	s8 =	smul.u32 $0xCCD, s8;
	s1 =	sadd.s32 s30, s1;
	[smem:$0x7F7] =	sst s23  }
0x33: {  	s3 =	simm.s32 $0x11;
	s7 =	sadd.s32 s30, s14;
	[smem:$0x7F8] =	sst s1  }
0x34: {  	s24 =	sshrl.u32 s20, $0x2;
	s31 =	sadd.s32 $0x280, s6;
	[smem:$0x7F0] =	sst s7  }
0x35: {  	s22 =	simm.s32 $0x400;
	s25 =	sshrl.u32 s8, $0x16;
	[smem:$0x7FA] =	sst s31  }
0x36: {  	s28 =	sadd.s32 s24, s29;
	s23 =	simm.s32 $0x80;
	[smem:$0x7FC] =	sst s25  }
0x37: {  	s1 =	simm.s32 $0x800;
	s7 =	sadd.s32 s30, s16;
	[smem:$0x7FD] =	sst s28  }
0x38: {  	s8 =	simm.s32 $0x2;
	[smem:$0x7F2] =	sst s7;
	s7 =	sadd.s32 s30, s18  }
0x39: {  	v0 =	vimm.f32 $0.0e+00;
	s9 =	simm.s32 $0x4;
	[smem:$0x7F4] =	sst s7;
	s7 =	simm.s32 $0x0  }
.LBB2_1:
0x3a: {  	s13 =	sld [smem:$0x7F5]  }
0x3b: {  	[smem:$0x7EB] =	sst s7  }
0x3c: {  	s14 =	sld [smem:$0x7F6]  }
0x3d: {  	[tilespmem:s4], [sflag:$0x1] =	stream.linear.gather [hbm4b:s13+s4], $0x50, $0x38;
	[tilespmem:$0x1E080] =	vst v63  }
0x3e: {  	s15 =	rddreg [dreg:$0x13]  }
0x3f: {  	[tilespmem:s22], [sflag:$0x1] =	stream.linear.gather [hbm4b:s14+s4], $0x50, $0x38;
	[tilespmem:$0x1E080] =	vst v63  }
0x40: {  	s16 =	rddreg [dreg:$0x14]  }
0x41: {  	[tilespmem:s23], [sflag:$0x2] =	stream.linear.gather [hbm4b:s15+s4], $0x50, $0x38;
	[tilespmem:$0x1E080] =	vst v63  }
0x42: {  	s10 =	simm.s32 $0x480;
	s17 =	rddreg [dreg:$0x15]  }
0x43: {  	[tilespmem:s10], [sflag:$0x2] =	stream.linear.gather [hbm4b:s16+s4], $0x50, $0x38;
	[tilespmem:$0x1E080] =	vst v63  }
0x44: {  	s18 =	rddreg [dreg:$0x16];
	s10 =	simm.s32 $0x100  }
0x45: {  	[tilespmem:s10], [sflag:$0x3] =	stream.linear.gather [hbm4b:s17+s4], $0x50, $0x38;
	[tilespmem:$0x1E080] =	vst v63  }
0x46: {  	s19 =	simm.s32 $0x500;
	s20 =	rddreg [dreg:$0x17]  }
0x47: {  	[tilespmem:s19], [sflag:$0x3] =	stream.linear.gather [hbm4b:s18+s4], $0x50, $0x38;
	[tilespmem:$0x1E080] =	vst v63  }
0x48: {  	s21 =	simm.s32 $0x180;
	s31 =	rddreg [dreg:$0x19]  }
0x49: {  	[tilespmem:s21], [sflag:$0x4] =	stream.linear.gather [hbm4b:s20+s4], $0x50, $0x38;
	[tilespmem:$0x1E080] =	vst v63  }
0x4a: {  	s24 =	simm.s32 $0x580;
	s23 =	rddreg [dreg:$0x18]  }
0x4b: {  	[tilespmem:s24], [sflag:$0x4] =	stream.linear.gather [hbm4b:s23+s4], $0x50, $0x38;
	[tilespmem:$0x1E080] =	vst v63  }
0x4c: {  	s6 =	simm.s32 $0x200;
	s12 =	rddreg [dreg:$0x1a]  }
0x4d: {  	[tilespmem:s6], [sflag:$0x5] =	stream.linear.gather [hbm4b:s31+s4], $0x50, $0x38;
	[tilespmem:$0x1E080] =	vst v63  }
0x4e: {  	s13 =	simm.s32 $0x600;
	s14 =	rddreg [dreg:$0x1b]  }
0x4f: {  	[tilespmem:s13], [sflag:$0x5] =	stream.linear.gather [hbm4b:s12+s4], $0x50, $0x38;
	[tilespmem:$0x1E080] =	vst v63  }
0x50: {  	s22 =	rddreg [dreg:$0x1f];
	s15 =	simm.s32 $0x280  }
0x51: {  	[tilespmem:s15], [sflag:$0x6] =	stream.linear.gather [hbm4b:s14+s4], $0x50, $0x38;
	[tilespmem:$0x1E080] =	vst v63  }
0x52: {  	s16 =	rddreg [dreg:$0x1c];
	s17 =	simm.s32 $0x680  }
0x53: {  	[tilespmem:s17], [sflag:$0x6] =	stream.linear.gather [hbm4b:s16+s4], $0x50, $0x38;
	[tilespmem:$0x1E080] =	vst v63  }
0x54: {  	s18 =	rddreg [dreg:$0x1d];
	s19 =	simm.s32 $0x300  }
0x55: {  	[tilespmem:s19], [sflag:$0x7] =	stream.linear.gather [hbm4b:s18+s4], $0x50, $0x38;
	[tilespmem:$0x1E080] =	vst v63  }
0x56: {  	s20 =	rddreg [dreg:$0x1e];
	s21 =	simm.s32 $0x700  }
0x57: {  	[tilespmem:s21], [sflag:$0x7] =	stream.linear.gather [hbm4b:s20+s4], $0x50, $0x38;
	[tilespmem:$0x1E080] =	vst v63  }
0x58: {  	s23 =	simm.s32 $0x380;
	s24 =	sld [smem:$0x7EC]  }
0x59: {  	[tilespmem:s23], [sflag:$0x8] =	stream.linear.gather [hbm4b:s22+s4], $0x50, $0x38;
	[tilespmem:$0x1E080] =	vst v63  }
0x5a: {  	s31 =	simm.s32 $0x780;
	s22 =	simm.s32 $0x0;
	s23 =	simm.s32 $0x200  }
0x5b: {  	[tilespmem:s31], [sflag:$0x8] =	stream.linear.gather [hbm4b:s24+s4], $0x50, $0x38;
	[tilespmem:$0x1E080] =	vst v63  }
.LBB2_2:
0x5c: {  	p0 =	sne.s32 s23, $0x9E00;
	[tilespmem:s22+$0x870] =	vst v0  }
0x5d: {  	[tilespmem:s22+$0x800] =	vst v0  }
0x5e: {  	[tilespmem:s22+$0x810] =	vst v0  }
.Ltmp0:
0x5f: {  	[tilespmem:s22+$0x820] =	vst v0;
	(pc) =	sbr.rel @p0 .LBB2_2-.Ltmp0, $4  }
0x60: {  	[tilespmem:s22+$0x830] =	vst v0  }
0x61: {  	[tilespmem:s22+$0x840] =	vst v0  }
0x62: {  	[tilespmem:s22+$0x850] =	vst v0  }
0x63: {  	[tilespmem:s22+$0x860] =	vst v0;
	s22 =	sshra.s32 s23, $0x2;
	s23 =	sadd.s32 $0x200, s23  }
0x64: {  	[tilespmem:s22+$0x870] =	vst v0  }
0x65: {  	[tilespmem:s22+$0x800] =	vst v0  }
0x66: {  	[tilespmem:s22+$0x810] =	vst v0  }
0x67: {  	[tilespmem:s22+$0x820] =	vst v0  }
0x68: {  	[tilespmem:s22+$0x830] =	vst v0  }
0x69: {  	[tilespmem:s22+$0x840] =	vst v0;
	p0 =	sne.s32 s25, $0x1  }
.Ltmp1:
0x6a: {  	[tilespmem:s22+$0x850] =	vst v0;
	(pc) =	sbr.rel @!p0 .LBB2_5-.Ltmp1, $4  }
0x6b: {  	[tilespmem:s22+$0x860] =	vst v0  }
0x6c: {  	[spmem:s28] =	stream.linear.scatter [tilespmem:s1], [sflag:$0x11], $0x2800, $0x38;
	[tilespmem:$0x1E080] =	vst v63  }
0x6d: {  	_ =	swait.ge [sflag:s3], $0x2800  }
0x6e: {  	s22 =	sadd.s32 $0xFFFFFFFF, s25;
	s23 =	smov.u32 s28;
	[sflag:s3] =	ssyncset.done $0x0  }
.LBB2_4:
0x6f: {  	p1 =	sne.s32 s22, $0x1;
	[sflag:s3] =	ssyncadd.s32 $0xFFFFD800;
	s23 =	sadd.s32 $0x28000, s23  }
.Ltmp2:
0x70: {  	s22 =	sadd.s32 $0xFFFFFFFF, s22;
	(pc) =	sbr.rel @p1 .LBB2_4-.Ltmp2, $4  }
0x71: {  	_ = 	snop  }
0x72: {  	[spmem:s23] =	stream.linear.scatter [tilespmem:s1], [sflag:$0x11], $0x2800, $0x38;
	[tilespmem:$0x1E080] =	vst v63  }
0x73: {  	_ =	swait.ge [sflag:s3], $0x2800  }
0x74: {  	[sflag:s3] =	ssyncset.done $0x0  }
.LBB2_5:
0x75: {  	[sflag:s3] =	ssyncadd.s32 $0xFFFFD800  }
0x76: {  	[bflag:$0x0] =	sbarrier.arrive $0xFFFF  }
0x77: {  	_ =	swait.ge [sflag:s2], $0x50  }
0x78: {  	[sflag:s2] =	ssyncset.done $0x0  }
0x79: {  	[sflag:s2] =	ssyncadd.s32 $0xFFFFFFB0  }
0x7a: {  	_ =	swait.ge [sflag:s2], $0x50  }
0x7b: {  	[sflag:s2] =	ssyncset.done $0x0  }
0x7c: {  	[sflag:s2] =	ssyncadd.s32 $0xFFFFFFB0  }
0x7d: {  	[tilespmem:s1], [sflag:$0x9] =	stream.indirect.gather [hbm4b:s5+s0], $0x80, s4, s0, $0xb8;
	[tilespmem:$0x1E080] =	vst v63  }
0x7e: {  	_ =	swait.ge [sflag:s8], $0x50  }
0x7f: {  	[sflag:s8] =	ssyncset.done $0x0  }
0x80: {  	[sflag:s8] =	ssyncadd.s32 $0xFFFFFFB0  }
0x81: {  	_ =	swait.ge [sflag:s8], $0x50  }
0x82: {  	[sflag:s8] =	ssyncset.done $0x0  }
0x83: {  	s20 =	simm.s32 $0x80;
	s24 =	simm.s32 $0x3000;
	[sflag:s8] =	ssyncadd.s32 $0xFFFFFFB0  }
0x84: {  	[tilespmem:s24], [sflag:$0xA] =	stream.indirect.gather [hbm4b:s5+s0], $0x80, s20, s0, $0xb8;
	[tilespmem:$0x1E080] =	vst v63  }
0x85: {  	_ =	swait.ge [sflag:s11], $0x50  }
0x86: {  	[sflag:s11] =	ssyncset.done $0x0  }
0x87: {  	[sflag:s11] =	ssyncadd.s32 $0xFFFFFFB0  }
0x88: {  	_ =	swait.ge [sflag:s11], $0x50  }
0x89: {  	[sflag:s11] =	ssyncset.done $0x0  }
0x8a: {  	s31 =	simm.s32 $0x5800;
	[sflag:s11] =	ssyncadd.s32 $0xFFFFFFB0  }
0x8b: {  	[tilespmem:s31], [sflag:$0xB] =	stream.indirect.gather [hbm4b:s5+s0], $0x80, s10, s0, $0xb8;
	[tilespmem:$0x1E080] =	vst v63  }
0x8c: {  	_ =	swait.ge [sflag:s9], $0x50  }
0x8d: {  	[sflag:s9] =	ssyncset.done $0x0  }
0x8e: {  	[sflag:s9] =	ssyncadd.s32 $0xFFFFFFB0  }
0x8f: {  	_ =	swait.ge [sflag:s9], $0x50  }
0x90: {  	s21 =	simm.s32 $0x180;
	[sflag:s9] =	ssyncset.done $0x0  }
0x91: {  	s7 =	simm.s32 $0x8000;
	s14 =	simm.s32 $0x9;
	[sflag:s9] =	ssyncadd.s32 $0xFFFFFFB0  }
0x92: {  	[tilespmem:s7], [sflag:$0xC] =	stream.indirect.gather [hbm4b:s5+s0], $0x80, s21, s0, $0xb8;
	[tilespmem:$0x1E080] =	vst v63  }
0x93: {  	_ =	swait.ge [sflag:s14], $0x2800  }
0x94: {  	s13 =	simm.s32 $0x400;
	[sflag:s14] =	ssyncset.done $0x0  }
0x95: {  	s2 =	simm.s32 $0xA;
	s1 =	simm.s32 $0x800;
	[sflag:s14] =	ssyncadd.s32 $0xFFFFD800  }
0x96: {  	[spmem:s29] =	stream.indirect.scatter.add.f32 [tilespmem:s1], [sflag:$0xD], $0x80, s13, s0, $0xb8;
	[tilespmem:$0x1E080] =	vst v63  }
0x97: {  	_ =	swait.ge [sflag:s2], $0x2800  }
0x98: {  	[sflag:s2] =	ssyncset.done $0x0  }
0x99: {  	s28 =	simm.s32 $0x480;
	s6 =	simm.s32 $0xB;
	[sflag:s2] =	ssyncadd.s32 $0xFFFFD800  }
0x9a: {  	[spmem:s29] =	stream.indirect.scatter.add.f32 [tilespmem:s24], [sflag:$0xE], $0x80, s28, s0, $0xb8;
	[tilespmem:$0x1E080] =	vst v63  }
0x9b: {  	_ =	swait.ge [sflag:s6], $0x2800  }
0x9c: {  	[sflag:s6] =	ssyncset.done $0x0  }
0x9d: {  	s12 =	simm.s32 $0x500;
	s11 =	simm.s32 $0xC;
	[sflag:s6] =	ssyncadd.s32 $0xFFFFD800  }
0x9e: {  	[spmem:s29] =	stream.indirect.scatter.add.f32 [tilespmem:s31], [sflag:$0xF], $0x80, s12, s0, $0xb8;
	[tilespmem:$0x1E080] =	vst v63  }
0x9f: {  	_ =	swait.ge [sflag:s11], $0x2800  }
0xa0: {  	[sflag:s11] =	ssyncset.done $0x0  }
0xa1: {  	s3 =	simm.s32 $0x580;
	s9 =	simm.s32 $0xD;
	[sflag:s11] =	ssyncadd.s32 $0xFFFFD800  }
0xa2: {  	[spmem:s29] =	stream.indirect.scatter.add.f32 [tilespmem:s7], [sflag:$0x10], $0x80, s3, s0, $0xb8;
	[tilespmem:$0x1E080] =	vst v63  }
0xa3: {  	_ =	swait.ge [sflag:s9], $0x2800  }
0xa4: {  	s25 =	sld [smem:$0x7FA];
	_ =	sdelay $0x2  }
0xa5: {  	[sflag:s9] =	ssyncset.done $0x0;
	s22 =	sshrl.u32 s25, $0x3  }
0xa6: {  	[sflag:s9] =	ssyncadd.s32 $0xFFFFD800;
	s23 =	sadd.s32 s26, s22  }
0xa7: {  	[tilespmem:s4], [sflag:$0x1] =	stream.linear.gather [hbm4b:s23+s4], $0x50, $0x38;
	[tilespmem:$0x1E080] =	vst v63  }
0xa8: {  	s18 =	simm.s32 $0xE;
	s22 =	sadd.s32 s30, s22  }
0xa9: {  	[tilespmem:s13], [sflag:$0x1] =	stream.linear.gather [hbm4b:s22+s4], $0x50, $0x38;
	[tilespmem:$0x1E080] =	vst v63  }
0xaa: {  	_ =	swait.ge [sflag:s18], $0x2800  }
0xab: {  	s23 =	rddreg [dreg:$0x11];
	[sflag:s18] =	ssyncset.done $0x0  }
0xac: {  	s30 =	rddreg [dreg:$0x10];
	[sflag:s18] =	ssyncadd.s32 $0xFFFFD800;
	s22 =	sadd.s32 $0x0, s23  }
0xad: {  	[tilespmem:s20], [sflag:$0x2] =	stream.linear.gather [hbm4b:s22+s4], $0x50, $0x38;
	[tilespmem:$0x1E080] =	vst v63  }
0xae: {  	s15 =	simm.s32 $0xF;
	s8 =	sadd.s32 $0x0, s30  }
0xaf: {  	[tilespmem:s28], [sflag:$0x2] =	stream.linear.gather [hbm4b:s8+s4], $0x50, $0x38;
	[tilespmem:$0x1E080] =	vst v63  }
0xb0: {  	_ =	swait.ge [sflag:s15], $0x2800  }
0xb1: {  	s13 =	rddreg [dreg:$0xf];
	[sflag:s15] =	ssyncset.done $0x0  }
0xb2: {  	s16 =	rddreg [dreg:$0xe];
	[sflag:s15] =	ssyncadd.s32 $0xFFFFD800;
	s22 =	sadd.s32 $0x0, s13  }
0xb3: {  	[tilespmem:s10], [sflag:$0x3] =	stream.linear.gather [hbm4b:s22+s4], $0x50, $0x38;
	[tilespmem:$0x1E080] =	vst v63  }
0xb4: {  	s8 =	simm.s32 $0x10;
	s17 =	sadd.s32 $0x0, s16  }
0xb5: {  	[tilespmem:s12], [sflag:$0x3] =	stream.linear.gather [hbm4b:s17+s4], $0x50, $0x38;
	[tilespmem:$0x1E080] =	vst v63  }
0xb6: {  	_ =	swait.ge [sflag:s8], $0x2800  }
0xb7: {  	s19 =	rddreg [dreg:$0xd];
	[sflag:s8] =	ssyncset.done $0x0  }
0xb8: {  	s20 =	rddreg [dreg:$0xc];
	[sflag:s8] =	ssyncadd.s32 $0xFFFFD800;
	s22 =	sadd.s32 $0x0, s19  }
0xb9: {  	[tilespmem:s21], [sflag:$0x4] =	stream.linear.gather [hbm4b:s22+s4], $0x50, $0x38;
	[tilespmem:$0x1E080] =	vst v63  }
0xba: {  	s21 =	sadd.s32 $0x0, s20;
	s22 =	simm.s32 $0x5  }
0xbb: {  	[tilespmem:s3], [sflag:$0x4] =	stream.linear.gather [hbm4b:s21+s4], $0x50, $0x38;
	[tilespmem:$0x1E080] =	vst v63  }
0xbc: {  	_ =	swait.ge [sflag:s22], $0x50  }
0xbd: {  	[sflag:s22] =	ssyncset.done $0x0  }
0xbe: {  	[sflag:s22] =	ssyncadd.s32 $0xFFFFFFB0  }
0xbf: {  	_ =	swait.ge [sflag:s22], $0x50  }
0xc0: {  	[sflag:s22] =	ssyncset.done $0x0  }
0xc1: {  	s23 =	simm.s32 $0x200;
	s19 =	simm.s32 $0x6;
	[sflag:s22] =	ssyncadd.s32 $0xFFFFFFB0  }
0xc2: {  	[tilespmem:s1], [sflag:$0x9] =	stream.indirect.gather [hbm4b:s5+s0], $0x80, s23, s0, $0xb8;
	[tilespmem:$0x1E080] =	vst v63  }
0xc3: {  	_ =	swait.ge [sflag:s19], $0x50  }
0xc4: {  	[sflag:s19] =	ssyncset.done $0x0  }
0xc5: {  	[sflag:s19] =	ssyncadd.s32 $0xFFFFFFB0  }
0xc6: {  	_ =	swait.ge [sflag:s19], $0x50  }
0xc7: {  	[sflag:s19] =	ssyncset.done $0x0  }
0xc8: {  	s17 =	simm.s32 $0x280;
	s20 =	simm.s32 $0x7;
	[sflag:s19] =	ssyncadd.s32 $0xFFFFFFB0  }
0xc9: {  	[tilespmem:s24], [sflag:$0xA] =	stream.indirect.gather [hbm4b:s5+s0], $0x80, s17, s0, $0xb8;
	[tilespmem:$0x1E080] =	vst v63  }
0xca: {  	_ =	swait.ge [sflag:s20], $0x50  }
0xcb: {  	[sflag:s20] =	ssyncset.done $0x0  }
0xcc: {  	[sflag:s20] =	ssyncadd.s32 $0xFFFFFFB0  }
0xcd: {  	_ =	swait.ge [sflag:s20], $0x50  }
0xce: {  	[sflag:s20] =	ssyncset.done $0x0  }
0xcf: {  	s16 =	simm.s32 $0x300;
	s13 =	simm.s32 $0x8;
	[sflag:s20] =	ssyncadd.s32 $0xFFFFFFB0  }
0xd0: {  	[tilespmem:s31], [sflag:$0xB] =	stream.indirect.gather [hbm4b:s5+s0], $0x80, s16, s0, $0xb8;
	[tilespmem:$0x1E080] =	vst v63  }
0xd1: {  	_ =	swait.ge [sflag:s13], $0x50  }
0xd2: {  	[sflag:s13] =	ssyncset.done $0x0  }
0xd3: {  	[sflag:s13] =	ssyncadd.s32 $0xFFFFFFB0  }
0xd4: {  	_ =	swait.ge [sflag:s13], $0x50  }
0xd5: {  	[sflag:s13] =	ssyncset.done $0x0  }
0xd6: {  	s3 =	simm.s32 $0x380;
	[sflag:s13] =	ssyncadd.s32 $0xFFFFFFB0  }
0xd7: {  	[tilespmem:s7], [sflag:$0xC] =	stream.indirect.gather [hbm4b:s5+s0], $0x80, s3, s0, $0xb8;
	[tilespmem:$0x1E080] =	vst v63  }
0xd8: {  	_ =	swait.ge [sflag:s14], $0x2800  }
0xd9: {  	[sflag:s14] =	ssyncset.done $0x0  }
0xda: {  	[sflag:s14] =	ssyncadd.s32 $0xFFFFD800;
	s14 =	simm.s32 $0x600  }
0xdb: {  	[spmem:s29] =	stream.indirect.scatter.add.f32 [tilespmem:s1], [sflag:$0xD], $0x80, s14, s0, $0xb8;
	[tilespmem:$0x1E080] =	vst v63  }
0xdc: {  	_ =	swait.ge [sflag:s2], $0x2800  }
0xdd: {  	[sflag:s2] =	ssyncset.done $0x0  }
0xde: {  	s21 =	simm.s32 $0x680;
	[sflag:s2] =	ssyncadd.s32 $0xFFFFD800  }
0xdf: {  	[spmem:s29] =	stream.indirect.scatter.add.f32 [tilespmem:s24], [sflag:$0xE], $0x80, s21, s0, $0xb8;
	[tilespmem:$0x1E080] =	vst v63  }
0xe0: {  	_ =	swait.ge [sflag:s6], $0x2800  }
0xe1: {  	[sflag:s6] =	ssyncset.done $0x0  }
0xe2: {  	s30 =	simm.s32 $0x700;
	[sflag:s6] =	ssyncadd.s32 $0xFFFFD800  }
0xe3: {  	[spmem:s29] =	stream.indirect.scatter.add.f32 [tilespmem:s31], [sflag:$0xF], $0x80, s30, s0, $0xb8;
	[tilespmem:$0x1E080] =	vst v63  }
0xe4: {  	_ =	swait.ge [sflag:s11], $0x2800  }
0xe5: {  	[sflag:s11] =	ssyncset.done $0x0  }
0xe6: {  	s31 =	simm.s32 $0x780;
	[sflag:s11] =	ssyncadd.s32 $0xFFFFD800  }
0xe7: {  	[spmem:s29] =	stream.indirect.scatter.add.f32 [tilespmem:s7], [sflag:$0x10], $0x80, s31, s0, $0xb8;
	[tilespmem:$0x1E080] =	vst v63  }
0xe8: {  	_ =	swait.ge [sflag:s9], $0x2800  }
0xe9: {  	s7 =	rddreg [dreg:$0xb];
	[sflag:s9] =	ssyncset.done $0x0  }
0xea: {  	s11 =	rddreg [dreg:$0xa];
	[sflag:s9] =	ssyncadd.s32 $0xFFFFD800;
	s22 =	sadd.s32 $0x0, s7  }
0xeb: {  	[tilespmem:s23], [sflag:$0x5] =	stream.linear.gather [hbm4b:s22+s4], $0x50, $0x38;
	[tilespmem:$0x1E080] =	vst v63  }
0xec: {  	s12 =	sadd.s32 $0x0, s11  }
0xed: {  	[tilespmem:s14], [sflag:$0x5] =	stream.linear.gather [hbm4b:s12+s4], $0x50, $0x38;
	[tilespmem:$0x1E080] =	vst v63  }
0xee: {  	_ =	swait.ge [sflag:s18], $0x2800  }
0xef: {  	s13 =	rddreg [dreg:$0x9];
	[sflag:s18] =	ssyncset.done $0x0  }
0xf0: {  	s14 =	rddreg [dreg:$0x8];
	[sflag:s18] =	ssyncadd.s32 $0xFFFFD800;
	s22 =	sadd.s32 $0x0, s13  }
0xf1: {  	[tilespmem:s17], [sflag:$0x6] =	stream.linear.gather [hbm4b:s22+s4], $0x50, $0x38;
	[tilespmem:$0x1E080] =	vst v63  }
0xf2: {  	s17 =	sadd.s32 $0x0, s14  }
0xf3: {  	[tilespmem:s21], [sflag:$0x6] =	stream.linear.gather [hbm4b:s17+s4], $0x50, $0x38;
	[tilespmem:$0x1E080] =	vst v63  }
0xf4: {  	_ =	swait.ge [sflag:s15], $0x2800  }
0xf5: {  	s18 =	rddreg [dreg:$0x7];
	[sflag:s15] =	ssyncset.done $0x0  }
0xf6: {  	s21 =	rddreg [dreg:$0x6];
	[sflag:s15] =	ssyncadd.s32 $0xFFFFD800;
	s22 =	sadd.s32 $0x0, s18  }
0xf7: {  	[tilespmem:s16], [sflag:$0x7] =	stream.linear.gather [hbm4b:s22+s4], $0x50, $0x38;
	[tilespmem:$0x1E080] =	vst v63  }
0xf8: {  	s24 =	sadd.s32 $0x0, s21  }
0xf9: {  	[tilespmem:s30], [sflag:$0x7] =	stream.linear.gather [hbm4b:s24+s4], $0x50, $0x38;
	[tilespmem:$0x1E080] =	vst v63  }
0xfa: {  	_ =	swait.ge [sflag:s8], $0x2800  }
0xfb: {  	s30 =	rddreg [dreg:$0x5];
	[sflag:s8] =	ssyncset.done $0x0  }
0xfc: {  	s31 =	rddreg [dreg:$0x4];
	[sflag:s8] =	ssyncadd.s32 $0xFFFFD800;
	s22 =	sadd.s32 $0x0, s30  }
0xfd: {  	[tilespmem:s3], [sflag:$0x8] =	stream.linear.gather [hbm4b:s22+s4], $0x50, $0x38;
	[tilespmem:$0x1E080] =	vst v63  }
0xfe: {  	s23 =	sadd.s32 $0x280, s25;
	s24 =	sadd.s32 $0x0, s31;
	s22 =	simm.s32 $0x50  }
.LBB2_6:
0xff: {  	s1 =	simm.s32 $0x780;
	s25 =	simm.s32 $0x1  }
0x100: {  	[tilespmem:s1], [sflag:$0x8] =	stream.linear.gather [hbm4b:s24+s4], $0x50, $0x38;
	[tilespmem:$0x1E080] =	vst v63  }
0x101: {  	_ =	swait.ge [sflag:s25], $0x50  }
0x102: {  	[sflag:s25] =	ssyncset.done $0x0  }
0x103: {  	[sflag:s25] =	ssyncadd.s32 $0xFFFFFFB0  }
0x104: {  	_ =	swait.ge [sflag:s25], $0x50  }
0x105: {  	[sflag:s25] =	ssyncset.done $0x0  }
0x106: {  	s2 =	simm.s32 $0x2;
	s1 =	simm.s32 $0x800;
	[sflag:s25] =	ssyncadd.s32 $0xFFFFFFB0  }
0x107: {  	[tilespmem:s1], [sflag:$0x9] =	stream.indirect.gather [hbm4b:s5+s0], $0x80, s4, s0, $0xb8;
	[tilespmem:$0x1E080] =	vst v63  }
0x108: {  	_ =	swait.ge [sflag:s2], $0x50  }
0x109: {  	[sflag:s2] =	ssyncset.done $0x0  }
0x10a: {  	[sflag:s2] =	ssyncadd.s32 $0xFFFFFFB0  }
0x10b: {  	_ =	swait.ge [sflag:s2], $0x50  }
0x10c: {  	s11 =	simm.s32 $0x3000;
	[sflag:s2] =	ssyncset.done $0x0  }
0x10d: {  	s8 =	simm.s32 $0x80;
	s7 =	simm.s32 $0x3;
	[sflag:s2] =	ssyncadd.s32 $0xFFFFFFB0  }
0x10e: {  	[tilespmem:s11], [sflag:$0xA] =	stream.indirect.gather [hbm4b:s5+s0], $0x80, s8, s0, $0xb8;
	[tilespmem:$0x1E080] =	vst v63  }
0x10f: {  	_ =	swait.ge [sflag:s7], $0x50  }
0x110: {  	[sflag:s7] =	ssyncset.done $0x0  }
0x111: {  	[sflag:s7] =	ssyncadd.s32 $0xFFFFFFB0  }
0x112: {  	_ =	swait.ge [sflag:s7], $0x50  }
0x113: {  	[sflag:s7] =	ssyncset.done $0x0  }
0x114: {  	s31 =	simm.s32 $0x5800;
	s2 =	simm.s32 $0x4;
	[sflag:s7] =	ssyncadd.s32 $0xFFFFFFB0  }
0x115: {  	[tilespmem:s31], [sflag:$0xB] =	stream.indirect.gather [hbm4b:s5+s0], $0x80, s10, s0, $0xb8;
	[tilespmem:$0x1E080] =	vst v63  }
0x116: {  	_ =	swait.ge [sflag:s2], $0x50  }
0x117: {  	[sflag:s2] =	ssyncset.done $0x0  }
0x118: {  	[sflag:s2] =	ssyncadd.s32 $0xFFFFFFB0  }
0x119: {  	_ =	swait.ge [sflag:s2], $0x50  }
0x11a: {  	s21 =	simm.s32 $0x180;
	[sflag:s2] =	ssyncset.done $0x0  }
0x11b: {  	s14 =	simm.s32 $0x9;
	s7 =	simm.s32 $0x8000;
	[sflag:s2] =	ssyncadd.s32 $0xFFFFFFB0  }
0x11c: {  	[tilespmem:s7], [sflag:$0xC] =	stream.indirect.gather [hbm4b:s5+s0], $0x80, s21, s0, $0xb8;
	[tilespmem:$0x1E080] =	vst v63  }
0x11d: {  	_ =	swait.ge [sflag:s14], $0x2800  }
0x11e: {  	[sflag:s14] =	ssyncset.done $0x0  }
0x11f: {  	s18 =	simm.s32 $0x400;
	s17 =	simm.s32 $0xA;
	[sflag:s14] =	ssyncadd.s32 $0xFFFFD800  }
0x120: {  	[spmem:s29] =	stream.indirect.scatter.add.f32 [tilespmem:s1], [sflag:$0xD], $0x80, s18, s0, $0xb8;
	[tilespmem:$0x1E080] =	vst v63  }
0x121: {  	_ =	swait.ge [sflag:s17], $0x2800  }
0x122: {  	[sflag:s17] =	ssyncset.done $0x0  }
0x123: {  	s6 =	simm.s32 $0xB;
	[sflag:s17] =	ssyncadd.s32 $0xFFFFD800  }
0x124: {  	[spmem:s29] =	stream.indirect.scatter.add.f32 [tilespmem:s11], [sflag:$0xE], $0x80, s28, s0, $0xb8;
	[tilespmem:$0x1E080] =	vst v63  }
0x125: {  	_ =	swait.ge [sflag:s6], $0x2800  }
0x126: {  	[sflag:s6] =	ssyncset.done $0x0  }
0x127: {  	s12 =	simm.s32 $0xC;
	s2 =	simm.s32 $0x500;
	[sflag:s6] =	ssyncadd.s32 $0xFFFFD800  }
0x128: {  	[spmem:s29] =	stream.indirect.scatter.add.f32 [tilespmem:s31], [sflag:$0xF], $0x80, s2, s0, $0xb8;
	[tilespmem:$0x1E080] =	vst v63  }
0x129: {  	_ =	swait.ge [sflag:s12], $0x2800  }
0x12a: {  	[sflag:s12] =	ssyncset.done $0x0  }
0x12b: {  	s13 =	simm.s32 $0x580;
	s9 =	simm.s32 $0xD;
	[sflag:s12] =	ssyncadd.s32 $0xFFFFD800  }
0x12c: {  	[spmem:s29] =	stream.indirect.scatter.add.f32 [tilespmem:s7], [sflag:$0x10], $0x80, s13, s0, $0xb8;
	[tilespmem:$0x1E080] =	vst v63  }
0x12d: {  	_ =	swait.ge [sflag:s9], $0x2800  }
0x12e: {  	s25 =	sshrl.u32 s23, $0x3;
	[sflag:s9] =	ssyncset.done $0x0  }
0x12f: {  	s3 =	sadd.s32 s26, s25;
	[sflag:s9] =	ssyncadd.s32 $0xFFFFD800  }
0x130: {  	[tilespmem:s4], [sflag:$0x1] =	stream.linear.gather [hbm4b:s3+s4], $0x50, $0x38;
	[tilespmem:$0x1E080] =	vst v63  }
0x131: {  	s3 =	rddreg [dreg:$0x12]  }
0x132: {  	s30 =	simm.s32 $0xE;
	s25 =	sadd.s32 s3, s25  }
0x133: {  	[tilespmem:s18], [sflag:$0x1] =	stream.linear.gather [hbm4b:s25+s4], $0x50, $0x38;
	[tilespmem:$0x1E080] =	vst v63  }
0x134: {  	_ =	swait.ge [sflag:s30], $0x2800  }
0x135: {  	s24 =	smov.u32 s22;
	s15 =	rddreg [dreg:$0x11];
	[sflag:s30] =	ssyncset.done $0x0  }
0x136: {  	s16 =	rddreg [dreg:$0x10];
	[sflag:s30] =	ssyncadd.s32 $0xFFFFD800;
	s25 =	sadd.s32 s24, s15  }
0x137: {  	[tilespmem:s8], [sflag:$0x2] =	stream.linear.gather [hbm4b:s25+s4], $0x50, $0x38;
	[tilespmem:$0x1E080] =	vst v63  }
0x138: {  	s10 =	simm.s32 $0x480;
	s18 =	sadd.s32 s24, s16;
	s15 =	simm.s32 $0xF  }
0x139: {  	[tilespmem:s10], [sflag:$0x2] =	stream.linear.gather [hbm4b:s18+s4], $0x50, $0x38;
	[tilespmem:$0x1E080] =	vst v63  }
0x13a: {  	s28 =	smov.u32 s26;
	_ =	swait.ge [sflag:s15], $0x2800  }
0x13b: {  	s10 =	simm.s32 $0x100;
	s26 =	rddreg [dreg:$0xf];
	[sflag:s15] =	ssyncset.done $0x0  }
0x13c: {  	s3 =	rddreg [dreg:$0xe];
	[sflag:s15] =	ssyncadd.s32 $0xFFFFD800;
	s25 =	sadd.s32 s24, s26  }
0x13d: {  	[tilespmem:s10], [sflag:$0x3] =	stream.linear.gather [hbm4b:s25+s4], $0x50, $0x38;
	[tilespmem:$0x1E080] =	vst v63  }
0x13e: {  	s8 =	sadd.s32 s24, s3  }
0x13f: {  	[tilespmem:s2], [sflag:$0x3] =	stream.linear.gather [hbm4b:s8+s4], $0x50, $0x38;
	[tilespmem:$0x1E080] =	vst v63  }
0x140: {  	s2 =	simm.s32 $0x10  }
0x141: {  	_ =	swait.ge [sflag:s2], $0x2800  }
0x142: {  	s16 =	rddreg [dreg:$0xd];
	[sflag:s2] =	ssyncset.done $0x0  }
0x143: {  	s18 =	rddreg [dreg:$0xc];
	[sflag:s2] =	ssyncadd.s32 $0xFFFFD800;
	s25 =	sadd.s32 s24, s16  }
0x144: {  	[tilespmem:s21], [sflag:$0x4] =	stream.linear.gather [hbm4b:s25+s4], $0x50, $0x38;
	[tilespmem:$0x1E080] =	vst v63  }
0x145: {  	s21 =	sadd.s32 s24, s18;
	s25 =	simm.s32 $0x5  }
0x146: {  	[tilespmem:s13], [sflag:$0x4] =	stream.linear.gather [hbm4b:s21+s4], $0x50, $0x38;
	[tilespmem:$0x1E080] =	vst v63  }
0x147: {  	_ =	swait.ge [sflag:s25], $0x50  }
0x148: {  	[sflag:s25] =	ssyncset.done $0x0  }
0x149: {  	[sflag:s25] =	ssyncadd.s32 $0xFFFFFFB0  }
0x14a: {  	_ =	swait.ge [sflag:s25], $0x50  }
0x14b: {  	[sflag:s25] =	ssyncset.done $0x0  }
0x14c: {  	s26 =	simm.s32 $0x200;
	[sflag:s25] =	ssyncadd.s32 $0xFFFFFFB0  }
0x14d: {  	[tilespmem:s1], [sflag:$0x9] =	stream.indirect.gather [hbm4b:s5+s0], $0x80, s26, s0, $0xb8;
	[tilespmem:$0x1E080] =	vst v63  }
0x14e: {  	_ =	swait.ge [sflag:s19], $0x50  }
0x14f: {  	[sflag:s19] =	ssyncset.done $0x0  }
0x150: {  	[sflag:s19] =	ssyncadd.s32 $0xFFFFFFB0  }
0x151: {  	_ =	swait.ge [sflag:s19], $0x50  }
0x152: {  	[sflag:s19] =	ssyncset.done $0x0  }
0x153: {  	s18 =	simm.s32 $0x280;
	[sflag:s19] =	ssyncadd.s32 $0xFFFFFFB0  }
0x154: {  	[tilespmem:s11], [sflag:$0xA] =	stream.indirect.gather [hbm4b:s5+s0], $0x80, s18, s0, $0xb8;
	[tilespmem:$0x1E080] =	vst v63  }
0x155: {  	_ =	swait.ge [sflag:s20], $0x50  }
0x156: {  	[sflag:s20] =	ssyncset.done $0x0  }
0x157: {  	[sflag:s20] =	ssyncadd.s32 $0xFFFFFFB0  }
0x158: {  	_ =	swait.ge [sflag:s20], $0x50  }
0x159: {  	[sflag:s20] =	ssyncset.done $0x0  }
0x15a: {  	s16 =	simm.s32 $0x300;
	s13 =	simm.s32 $0x8;
	[sflag:s20] =	ssyncadd.s32 $0xFFFFFFB0  }
0x15b: {  	[tilespmem:s31], [sflag:$0xB] =	stream.indirect.gather [hbm4b:s5+s0], $0x80, s16, s0, $0xb8;
	[tilespmem:$0x1E080] =	vst v63  }
0x15c: {  	_ =	swait.ge [sflag:s13], $0x50  }
0x15d: {  	[sflag:s13] =	ssyncset.done $0x0  }
0x15e: {  	[sflag:s13] =	ssyncadd.s32 $0xFFFFFFB0  }
0x15f: {  	_ =	swait.ge [sflag:s13], $0x50  }
0x160: {  	[sflag:s13] =	ssyncset.done $0x0  }
0x161: {  	s3 =	simm.s32 $0x380;
	[sflag:s13] =	ssyncadd.s32 $0xFFFFFFB0  }
0x162: {  	[tilespmem:s7], [sflag:$0xC] =	stream.indirect.gather [hbm4b:s5+s0], $0x80, s3, s0, $0xb8;
	[tilespmem:$0x1E080] =	vst v63  }
0x163: {  	_ =	swait.ge [sflag:s14], $0x2800  }
0x164: {  	[sflag:s14] =	ssyncset.done $0x0  }
0x165: {  	s13 =	simm.s32 $0x600;
	[sflag:s14] =	ssyncadd.s32 $0xFFFFD800  }
0x166: {  	[spmem:s29] =	stream.indirect.scatter.add.f32 [tilespmem:s1], [sflag:$0xD], $0x80, s13, s0, $0xb8;
	[tilespmem:$0x1E080] =	vst v63  }
0x167: {  	_ =	swait.ge [sflag:s17], $0x2800  }
0x168: {  	[sflag:s17] =	ssyncset.done $0x0  }
0x169: {  	s1 =	simm.s32 $0x680;
	[sflag:s17] =	ssyncadd.s32 $0xFFFFD800  }
0x16a: {  	[spmem:s29] =	stream.indirect.scatter.add.f32 [tilespmem:s11], [sflag:$0xE], $0x80, s1, s0, $0xb8;
	[tilespmem:$0x1E080] =	vst v63  }
0x16b: {  	_ =	swait.ge [sflag:s6], $0x2800  }
0x16c: {  	[sflag:s6] =	ssyncset.done $0x0  }
0x16d: {  	[sflag:s6] =	ssyncadd.s32 $0xFFFFD800;
	s6 =	simm.s32 $0x700  }
0x16e: {  	[spmem:s29] =	stream.indirect.scatter.add.f32 [tilespmem:s31], [sflag:$0xF], $0x80, s6, s0, $0xb8;
	[tilespmem:$0x1E080] =	vst v63  }
0x16f: {  	_ =	swait.ge [sflag:s12], $0x2800  }
0x170: {  	[sflag:s12] =	ssyncset.done $0x0  }
0x171: {  	s14 =	simm.s32 $0x780;
	[sflag:s12] =	ssyncadd.s32 $0xFFFFD800  }
0x172: {  	[spmem:s29] =	stream.indirect.scatter.add.f32 [tilespmem:s7], [sflag:$0x10], $0x80, s14, s0, $0xb8;
	[tilespmem:$0x1E080] =	vst v63  }
0x173: {  	_ =	swait.ge [sflag:s9], $0x2800  }
0x174: {  	s17 =	rddreg [dreg:$0xb];
	[sflag:s9] =	ssyncset.done $0x0  }
0x175: {  	s21 =	rddreg [dreg:$0xa];
	[sflag:s9] =	ssyncadd.s32 $0xFFFFD800;
	s25 =	sadd.s32 s24, s17  }
0x176: {  	[tilespmem:s26], [sflag:$0x5] =	stream.linear.gather [hbm4b:s25+s4], $0x50, $0x38;
	[tilespmem:$0x1E080] =	vst v63  }
0x177: {  	s7 =	sadd.s32 s24, s21  }
0x178: {  	[tilespmem:s13], [sflag:$0x5] =	stream.linear.gather [hbm4b:s7+s4], $0x50, $0x38;
	[tilespmem:$0x1E080] =	vst v63  }
0x179: {  	_ =	swait.ge [sflag:s30], $0x2800  }
0x17a: {  	s8 =	rddreg [dreg:$0x9];
	[sflag:s30] =	ssyncset.done $0x0  }
0x17b: {  	s9 =	rddreg [dreg:$0x8];
	[sflag:s30] =	ssyncadd.s32 $0xFFFFD800;
	s25 =	sadd.s32 s24, s8  }
0x17c: {  	[tilespmem:s18], [sflag:$0x6] =	stream.linear.gather [hbm4b:s25+s4], $0x50, $0x38;
	[tilespmem:$0x1E080] =	vst v63  }
0x17d: {  	p1 =	sne.s32 s22, $0x410;
	s11 =	sadd.s32 s24, s9  }
0x17e: {  	[tilespmem:s1], [sflag:$0x6] =	stream.linear.gather [hbm4b:s11+s4], $0x50, $0x38;
	[tilespmem:$0x1E080] =	vst v63  }
0x17f: {  	s22 =	sadd.s32 $0x50, s22;
	s23 =	sadd.s32 $0x280, s23;
	_ =	swait.ge [sflag:s15], $0x2800  }
0x180: {  	s31 =	simm.s32 $0x280;
	s12 =	rddreg [dreg:$0x7];
	[sflag:s15] =	ssyncset.done $0x0  }
0x181: {  	s14 =	rddreg [dreg:$0x6];
	[sflag:s15] =	ssyncadd.s32 $0xFFFFD800;
	s25 =	sadd.s32 s24, s12  }
0x182: {  	[tilespmem:s16], [sflag:$0x7] =	stream.linear.gather [hbm4b:s25+s4], $0x50, $0x38;
	[tilespmem:$0x1E080] =	vst v63  }
0x183: {  	s21 =	simm.s32 $0x300;
	s26 =	smov.u32 s28;
	s16 =	sadd.s32 s24, s14  }
0x184: {  	[tilespmem:s6], [sflag:$0x7] =	stream.linear.gather [hbm4b:s16+s4], $0x50, $0x38;
	[tilespmem:$0x1E080] =	vst v63  }
.Ltmp3:
0x185: {  	s28 =	simm.s32 $0x480;
	_ =	swait.ge [sflag:s2], $0x2800;
	(pc) =	sbr.rel @p1 .LBB2_6-.Ltmp3, $4  }
0x186: {  	s13 =	simm.s32 $0x680;
	s30 =	simm.s32 $0x700;
	s17 =	rddreg [dreg:$0x5]  }
0x187: {  	s11 =	simm.s32 $0x380;
	s18 =	rddreg [dreg:$0x4];
	[sflag:s2] =	ssyncset.done $0x0  }
0x188: {  	[sflag:s2] =	ssyncadd.s32 $0xFFFFD800;
	s25 =	sadd.s32 s24, s17;
	s24 =	sadd.s32 s24, s18  }
0x189: {  	[tilespmem:s3], [sflag:$0x8] =	stream.linear.gather [hbm4b:s25+s4], $0x50, $0x38;
	[tilespmem:$0x1E080] =	vst v63  }
0x18a: {  	s1 =	simm.s32 $0x780  }
0x18b: {  	[tilespmem:s1], [sflag:$0x8] =	stream.linear.gather [hbm4b:s24+s4], $0x50, $0x38;
	[tilespmem:$0x1E080] =	vst v63  }
0x18c: {  	s1 =	simm.s32 $0x1  }
0x18d: {  	_ =	swait.ge [sflag:s1], $0x50  }
0x18e: {  	[sflag:s1] =	ssyncset.done $0x0  }
0x18f: {  	[sflag:s1] =	ssyncadd.s32 $0xFFFFFFB0  }
0x190: {  	_ =	swait.ge [sflag:s1], $0x50  }
0x191: {  	[sflag:s1] =	ssyncset.done $0x0  }
0x192: {  	s8 =	simm.s32 $0x800;
	s2 =	simm.s32 $0x2;
	[sflag:s1] =	ssyncadd.s32 $0xFFFFFFB0  }
0x193: {  	[tilespmem:s8], [sflag:$0x9] =	stream.indirect.gather [hbm4b:s5+s0], $0x80, s4, s0, $0xb8;
	[tilespmem:$0x1E080] =	vst v63  }
0x194: {  	_ =	swait.ge [sflag:s2], $0x50  }
0x195: {  	[sflag:s2] =	ssyncset.done $0x0  }
0x196: {  	[sflag:s2] =	ssyncadd.s32 $0xFFFFFFB0  }
0x197: {  	_ =	swait.ge [sflag:s2], $0x50  }
0x198: {  	s23 =	simm.s32 $0x3000;
	[sflag:s2] =	ssyncset.done $0x0  }
0x199: {  	s3 =	simm.s32 $0x80;
	s25 =	simm.s32 $0x3;
	[sflag:s2] =	ssyncadd.s32 $0xFFFFFFB0  }
0x19a: {  	[tilespmem:s23], [sflag:$0xA] =	stream.indirect.gather [hbm4b:s5+s0], $0x80, s3, s0, $0xb8;
	[tilespmem:$0x1E080] =	vst v63  }
0x19b: {  	_ =	swait.ge [sflag:s25], $0x50  }
0x19c: {  	[sflag:s25] =	ssyncset.done $0x0  }
0x19d: {  	[sflag:s25] =	ssyncadd.s32 $0xFFFFFFB0  }
0x19e: {  	_ =	swait.ge [sflag:s25], $0x50  }
0x19f: {  	[sflag:s25] =	ssyncset.done $0x0  }
0x1a0: {  	s22 =	simm.s32 $0x5800;
	s14 =	simm.s32 $0x4;
	[sflag:s25] =	ssyncadd.s32 $0xFFFFFFB0  }
0x1a1: {  	[tilespmem:s22], [sflag:$0xB] =	stream.indirect.gather [hbm4b:s5+s0], $0x80, s10, s0, $0xb8;
	[tilespmem:$0x1E080] =	vst v63  }
0x1a2: {  	_ =	swait.ge [sflag:s14], $0x50  }
0x1a3: {  	[sflag:s14] =	ssyncset.done $0x0  }
0x1a4: {  	[sflag:s14] =	ssyncadd.s32 $0xFFFFFFB0  }
0x1a5: {  	_ =	swait.ge [sflag:s14], $0x50  }
0x1a6: {  	[sflag:s14] =	ssyncset.done $0x0  }
0x1a7: {  	s6 =	simm.s32 $0x180;
	s24 =	simm.s32 $0x8000;
	[sflag:s14] =	ssyncadd.s32 $0xFFFFFFB0  }
0x1a8: {  	[tilespmem:s24], [sflag:$0xC] =	stream.indirect.gather [hbm4b:s5+s0], $0x80, s6, s0, $0xb8;
	[tilespmem:$0x1E080] =	vst v63  }
0x1a9: {  	s24 =	simm.s32 $0x9  }
0x1aa: {  	_ =	swait.ge [sflag:s24], $0x2800  }
0x1ab: {  	[sflag:s24] =	ssyncset.done $0x0  }
0x1ac: {  	s7 =	simm.s32 $0x400;
	s17 =	simm.s32 $0xA;
	[sflag:s24] =	ssyncadd.s32 $0xFFFFD800  }
0x1ad: {  	[spmem:s29] =	stream.indirect.scatter.add.f32 [tilespmem:s8], [sflag:$0xD], $0x80, s7, s0, $0xb8;
	[tilespmem:$0x1E080] =	vst v63  }
0x1ae: {  	_ =	swait.ge [sflag:s17], $0x2800  }
0x1af: {  	[sflag:s17] =	ssyncset.done $0x0  }
0x1b0: {  	s7 =	simm.s32 $0xB;
	[sflag:s17] =	ssyncadd.s32 $0xFFFFD800  }
0x1b1: {  	[spmem:s29] =	stream.indirect.scatter.add.f32 [tilespmem:s23], [sflag:$0xE], $0x80, s28, s0, $0xb8;
	[tilespmem:$0x1E080] =	vst v63  }
0x1b2: {  	_ =	swait.ge [sflag:s7], $0x2800  }
0x1b3: {  	[sflag:s7] =	ssyncset.done $0x0  }
0x1b4: {  	s9 =	simm.s32 $0x5800;
	s12 =	simm.s32 $0x500;
	[sflag:s7] =	ssyncadd.s32 $0xFFFFD800  }
0x1b5: {  	[spmem:s29] =	stream.indirect.scatter.add.f32 [tilespmem:s9], [sflag:$0xF], $0x80, s12, s0, $0xb8;
	[tilespmem:$0x1E080] =	vst v63  }
0x1b6: {  	s12 =	simm.s32 $0xC  }
0x1b7: {  	_ =	swait.ge [sflag:s12], $0x2800  }
0x1b8: {  	s18 =	simm.s32 $0x8000;
	[sflag:s12] =	ssyncset.done $0x0  }
0x1b9: {  	s22 =	simm.s32 $0x580;
	s9 =	simm.s32 $0xD;
	[sflag:s12] =	ssyncadd.s32 $0xFFFFD800  }
0x1ba: {  	[spmem:s29] =	stream.indirect.scatter.add.f32 [tilespmem:s18], [sflag:$0x10], $0x80, s22, s0, $0xb8;
	[tilespmem:$0x1E080] =	vst v63  }
0x1bb: {  	_ =	swait.ge [sflag:s9], $0x2800  }
0x1bc: {  	s22 =	sld [smem:$0x7ED]  }
0x1bd: {  	[sflag:s9] =	ssyncset.done $0x0  }
0x1be: {  	s6 =	sld [smem:$0x7EE];
	[sflag:s9] =	ssyncadd.s32 $0xFFFFD800  }
0x1bf: {  	[tilespmem:s4], [sflag:$0x1] =	stream.linear.gather [hbm4b:s22+s4], $0x50, $0x38;
	[tilespmem:$0x1E080] =	vst v63  }
0x1c0: {  	s16 =	simm.s32 $0x400  }
0x1c1: {  	[tilespmem:s16], [sflag:$0x1] =	stream.linear.gather [hbm4b:s6+s4], $0x50, $0x38;
	[tilespmem:$0x1E080] =	vst v63  }
0x1c2: {  	s16 =	simm.s32 $0xE  }
0x1c3: {  	_ =	swait.ge [sflag:s16], $0x2800  }
0x1c4: {  	s6 =	sld [smem:$0x7EF]  }
0x1c5: {  	[sflag:s16] =	ssyncset.done $0x0  }
0x1c6: {  	s15 =	simm.s32 $0x80;
	[sflag:s16] =	ssyncadd.s32 $0xFFFFD800  }
0x1c7: {  	[tilespmem:s15], [sflag:$0x2] =	stream.linear.gather [hbm4b:s6+s4], $0x50, $0x38;
	[tilespmem:$0x1E080] =	vst v63  }
0x1c8: {  	s15 =	sld [smem:$0x7F0];
	_ =	sdelay $0x2  }
0x1c9: {  	[tilespmem:s28], [sflag:$0x2] =	stream.linear.gather [hbm4b:s15+s4], $0x50, $0x38;
	[tilespmem:$0x1E080] =	vst v63  }
0x1ca: {  	s15 =	simm.s32 $0xF  }
0x1cb: {  	_ =	swait.ge [sflag:s15], $0x2800  }
0x1cc: {  	s6 =	sld [smem:$0x7F1]  }
0x1cd: {  	[sflag:s15] =	ssyncset.done $0x0  }
0x1ce: {  	[sflag:s15] =	ssyncadd.s32 $0xFFFFD800  }
0x1cf: {  	[tilespmem:s10], [sflag:$0x3] =	stream.linear.gather [hbm4b:s6+s4], $0x50, $0x38;
	[tilespmem:$0x1E080] =	vst v63  }
0x1d0: {  	s6 =	sld [smem:$0x7F2];
	_ =	sdelay $0x1  }
0x1d1: {  	s3 =	simm.s32 $0x500  }
0x1d2: {  	[tilespmem:s3], [sflag:$0x3] =	stream.linear.gather [hbm4b:s6+s4], $0x50, $0x38;
	[tilespmem:$0x1E080] =	vst v63  }
0x1d3: {  	s6 =	simm.s32 $0x10  }
0x1d4: {  	_ =	swait.ge [sflag:s6], $0x2800  }
0x1d5: {  	s22 =	sld [smem:$0x7F3]  }
0x1d6: {  	[sflag:s6] =	ssyncset.done $0x0  }
0x1d7: {  	s3 =	simm.s32 $0x180;
	[sflag:s6] =	ssyncadd.s32 $0xFFFFD800  }
0x1d8: {  	[tilespmem:s3], [sflag:$0x4] =	stream.linear.gather [hbm4b:s22+s4], $0x50, $0x38;
	[tilespmem:$0x1E080] =	vst v63  }
0x1d9: {  	s3 =	sld [smem:$0x7F4];
	_ =	sdelay $0x1  }
0x1da: {  	s18 =	simm.s32 $0x580  }
0x1db: {  	[tilespmem:s18], [sflag:$0x4] =	stream.linear.gather [hbm4b:s3+s4], $0x50, $0x38;
	[tilespmem:$0x1E080] =	vst v63  }
0x1dc: {  	s18 =	simm.s32 $0x5  }
0x1dd: {  	_ =	swait.ge [sflag:s18], $0x50  }
0x1de: {  	[sflag:s18] =	ssyncset.done $0x0  }
0x1df: {  	[sflag:s18] =	ssyncadd.s32 $0xFFFFFFB0  }
0x1e0: {  	_ =	swait.ge [sflag:s18], $0x50  }
0x1e1: {  	[sflag:s18] =	ssyncset.done $0x0  }
0x1e2: {  	s22 =	simm.s32 $0x200;
	[sflag:s18] =	ssyncadd.s32 $0xFFFFFFB0  }
0x1e3: {  	[tilespmem:s8], [sflag:$0x9] =	stream.indirect.gather [hbm4b:s5+s0], $0x80, s22, s0, $0xb8;
	[tilespmem:$0x1E080] =	vst v63  }
0x1e4: {  	_ =	swait.ge [sflag:s19], $0x50  }
0x1e5: {  	[sflag:s19] =	ssyncset.done $0x0  }
0x1e6: {  	[sflag:s19] =	ssyncadd.s32 $0xFFFFFFB0  }
0x1e7: {  	_ =	swait.ge [sflag:s19], $0x50  }
0x1e8: {  	[sflag:s19] =	ssyncset.done $0x0  }
0x1e9: {  	[sflag:s19] =	ssyncadd.s32 $0xFFFFFFB0  }
0x1ea: {  	[tilespmem:s23], [sflag:$0xA] =	stream.indirect.gather [hbm4b:s5+s0], $0x80, s31, s0, $0xb8;
	[tilespmem:$0x1E080] =	vst v63  }
0x1eb: {  	_ =	swait.ge [sflag:s20], $0x50  }
0x1ec: {  	[sflag:s20] =	ssyncset.done $0x0  }
0x1ed: {  	[sflag:s20] =	ssyncadd.s32 $0xFFFFFFB0  }
0x1ee: {  	_ =	swait.ge [sflag:s20], $0x50  }
0x1ef: {  	[sflag:s20] =	ssyncset.done $0x0  }
0x1f0: {  	[sflag:s20] =	ssyncadd.s32 $0xFFFFFFB0;
	s20 =	simm.s32 $0x5800  }
0x1f1: {  	[tilespmem:s20], [sflag:$0xB] =	stream.indirect.gather [hbm4b:s5+s0], $0x80, s21, s0, $0xb8;
	[tilespmem:$0x1E080] =	vst v63  }
0x1f2: {  	s21 =	simm.s32 $0x8  }
0x1f3: {  	_ =	swait.ge [sflag:s21], $0x50  }
0x1f4: {  	[sflag:s21] =	ssyncset.done $0x0  }
0x1f5: {  	[sflag:s21] =	ssyncadd.s32 $0xFFFFFFB0  }
0x1f6: {  	_ =	swait.ge [sflag:s21], $0x50  }
0x1f7: {  	[sflag:s21] =	ssyncset.done $0x0  }
0x1f8: {  	s22 =	simm.s32 $0x8000;
	[sflag:s21] =	ssyncadd.s32 $0xFFFFFFB0  }
0x1f9: {  	[tilespmem:s22], [sflag:$0xC] =	stream.indirect.gather [hbm4b:s5+s0], $0x80, s11, s0, $0xb8;
	[tilespmem:$0x1E080] =	vst v63  }
0x1fa: {  	_ =	swait.ge [sflag:s24], $0x2800  }
0x1fb: {  	[sflag:s24] =	ssyncset.done $0x0  }
0x1fc: {  	s3 =	simm.s32 $0x600;
	[sflag:s24] =	ssyncadd.s32 $0xFFFFD800  }
0x1fd: {  	[spmem:s29] =	stream.indirect.scatter.add.f32 [tilespmem:s8], [sflag:$0xD], $0x80, s3, s0, $0xb8;
	[tilespmem:$0x1E080] =	vst v63  }
0x1fe: {  	_ =	swait.ge [sflag:s17], $0x2800  }
0x1ff: {  	[sflag:s17] =	ssyncset.done $0x0  }
0x200: {  	[sflag:s17] =	ssyncadd.s32 $0xFFFFD800  }
0x201: {  	[spmem:s29] =	stream.indirect.scatter.add.f32 [tilespmem:s23], [sflag:$0xE], $0x80, s13, s0, $0xb8;
	[tilespmem:$0x1E080] =	vst v63  }
0x202: {  	_ =	swait.ge [sflag:s7], $0x2800  }
0x203: {  	[sflag:s7] =	ssyncset.done $0x0  }
0x204: {  	[sflag:s7] =	ssyncadd.s32 $0xFFFFD800  }
0x205: {  	[spmem:s29] =	stream.indirect.scatter.add.f32 [tilespmem:s20], [sflag:$0xF], $0x80, s30, s0, $0xb8;
	[tilespmem:$0x1E080] =	vst v63  }
0x206: {  	_ =	swait.ge [sflag:s12], $0x2800  }
0x207: {  	[sflag:s12] =	ssyncset.done $0x0  }
0x208: {  	s31 =	simm.s32 $0x780;
	[sflag:s12] =	ssyncadd.s32 $0xFFFFD800  }
0x209: {  	[spmem:s29] =	stream.indirect.scatter.add.f32 [tilespmem:s22], [sflag:$0x10], $0x80, s31, s0, $0xb8;
	[tilespmem:$0x1E080] =	vst v63  }
0x20a: {  	_ =	swait.ge [sflag:s9], $0x2800  }
0x20b: {  	s11 =	sld [smem:$0x7F7]  }
0x20c: {  	[sflag:s9] =	ssyncset.done $0x0  }
0x20d: {  	s13 =	simm.s32 $0x200;
	s19 =	sld [smem:$0x7F8];
	[sflag:s9] =	ssyncadd.s32 $0xFFFFD800  }
0x20e: {  	[tilespmem:s13], [sflag:$0x5] =	stream.linear.gather [hbm4b:s11+s4], $0x50, $0x38;
	[tilespmem:$0x1E080] =	vst v63  }
0x20f: {  	_ = 	snop  }
0x210: {  	[tilespmem:s3], [sflag:$0x5] =	stream.linear.gather [hbm4b:s19+s4], $0x50, $0x38;
	[tilespmem:$0x1E080] =	vst v63  }
0x211: {  	_ =	swait.ge [sflag:s16], $0x2800  }
0x212: {  	[sflag:s16] =	ssyncset.done $0x0  }
0x213: {  	[sflag:s16] =	ssyncadd.s32 $0xFFFFD800  }
0x214: {  	_ =	swait.ge [sflag:s15], $0x2800  }
0x215: {  	[sflag:s15] =	ssyncset.done $0x0  }
0x216: {  	[sflag:s15] =	ssyncadd.s32 $0xFFFFD800  }
0x217: {  	_ =	swait.ge [sflag:s6], $0x2800  }
0x218: {  	[sflag:s6] =	ssyncset.done $0x0  }
0x219: {  	[sflag:s6] =	ssyncadd.s32 $0xFFFFD800  }
0x21a: {  	_ =	swait.ge [sflag:s1], $0x50  }
0x21b: {  	[sflag:s1] =	ssyncset.done $0x0  }
0x21c: {  	[sflag:s1] =	ssyncadd.s32 $0xFFFFFFB0  }
0x21d: {  	_ =	swait.ge [sflag:s1], $0x50  }
0x21e: {  	[sflag:s1] =	ssyncset.done $0x0  }
0x21f: {  	[sflag:s1] =	ssyncadd.s32 $0xFFFFFFB0  }
0x220: {  	[tilespmem:s8], [sflag:$0x9] =	stream.indirect.gather [hbm4b:s5+s0], $0x80, s4, s0, $0xb8;
	[tilespmem:$0x1E080] =	vst v63  }
0x221: {  	_ =	swait.ge [sflag:s24], $0x2800  }
0x222: {  	[sflag:s24] =	ssyncset.done $0x0  }
0x223: {  	s20 =	simm.s32 $0x400;
	[sflag:s24] =	ssyncadd.s32 $0xFFFFD800  }
0x224: {  	[spmem:s29] =	stream.indirect.scatter.add.f32 [tilespmem:s8], [sflag:$0xD], $0x80, s20, s0, $0xb8;
	[tilespmem:$0x1E080] =	vst v63  }
0x225: {  	_ =	swait.ge [sflag:s9], $0x2800  }
0x226: {  	[sflag:s9] =	ssyncset.done $0x0  }
0x227: {  	[sflag:s9] =	ssyncadd.s32 $0xFFFFD800  }
0x228: {  	_ =	swait.ge [sflag:s2], $0x50  }
0x229: {  	[sflag:s2] =	ssyncset.done $0x0  }
0x22a: {  	[sflag:s2] =	ssyncadd.s32 $0xFFFFFFB0  }
0x22b: {  	_ =	swait.ge [sflag:s2], $0x50  }
0x22c: {  	[sflag:s2] =	ssyncset.done $0x0  }
0x22d: {  	s21 =	simm.s32 $0x80;
	[sflag:s2] =	ssyncadd.s32 $0xFFFFFFB0  }
0x22e: {  	[tilespmem:s23], [sflag:$0xA] =	stream.indirect.gather [hbm4b:s5+s0], $0x80, s21, s0, $0xb8;
	[tilespmem:$0x1E080] =	vst v63  }
0x22f: {  	_ =	swait.ge [sflag:s17], $0x2800  }
0x230: {  	[sflag:s17] =	ssyncset.done $0x0  }
0x231: {  	[sflag:s17] =	ssyncadd.s32 $0xFFFFD800  }
0x232: {  	[spmem:s29] =	stream.indirect.scatter.add.f32 [tilespmem:s23], [sflag:$0xE], $0x80, s28, s0, $0xb8;
	[tilespmem:$0x1E080] =	vst v63  }
0x233: {  	_ =	swait.ge [sflag:s16], $0x2800  }
0x234: {  	[sflag:s16] =	ssyncset.done $0x0  }
0x235: {  	[sflag:s16] =	ssyncadd.s32 $0xFFFFD800  }
0x236: {  	_ =	swait.ge [sflag:s25], $0x50  }
0x237: {  	[sflag:s25] =	ssyncset.done $0x0  }
0x238: {  	[sflag:s25] =	ssyncadd.s32 $0xFFFFFFB0  }
0x239: {  	_ =	swait.ge [sflag:s25], $0x50  }
0x23a: {  	[sflag:s25] =	ssyncset.done $0x0  }
0x23b: {  	s22 =	simm.s32 $0x5800;
	[sflag:s25] =	ssyncadd.s32 $0xFFFFFFB0  }
0x23c: {  	[tilespmem:s22], [sflag:$0xB] =	stream.indirect.gather [hbm4b:s5+s0], $0x80, s10, s0, $0xb8;
	[tilespmem:$0x1E080] =	vst v63  }
0x23d: {  	_ =	swait.ge [sflag:s7], $0x2800  }
0x23e: {  	[sflag:s7] =	ssyncset.done $0x0  }
0x23f: {  	s23 =	simm.s32 $0x500;
	[sflag:s7] =	ssyncadd.s32 $0xFFFFD800  }
0x240: {  	[spmem:s29] =	stream.indirect.scatter.add.f32 [tilespmem:s22], [sflag:$0xF], $0x80, s23, s0, $0xb8;
	[tilespmem:$0x1E080] =	vst v63  }
0x241: {  	_ =	swait.ge [sflag:s15], $0x2800  }
0x242: {  	[sflag:s15] =	ssyncset.done $0x0  }
0x243: {  	[sflag:s15] =	ssyncadd.s32 $0xFFFFD800  }
0x244: {  	_ =	swait.ge [sflag:s14], $0x50  }
0x245: {  	[sflag:s14] =	ssyncset.done $0x0  }
0x246: {  	[sflag:s14] =	ssyncadd.s32 $0xFFFFFFB0  }
0x247: {  	_ =	swait.ge [sflag:s14], $0x50  }
0x248: {  	[sflag:s14] =	ssyncset.done $0x0  }
0x249: {  	s30 =	simm.s32 $0x180;
	s25 =	simm.s32 $0x8000;
	[sflag:s14] =	ssyncadd.s32 $0xFFFFFFB0  }
0x24a: {  	[tilespmem:s25], [sflag:$0xC] =	stream.indirect.gather [hbm4b:s5+s0], $0x80, s30, s0, $0xb8;
	[tilespmem:$0x1E080] =	vst v63  }
0x24b: {  	_ =	swait.ge [sflag:s12], $0x2800  }
0x24c: {  	[sflag:s12] =	ssyncset.done $0x0  }
0x24d: {  	s31 =	simm.s32 $0x580;
	[sflag:s12] =	ssyncadd.s32 $0xFFFFD800  }
0x24e: {  	[spmem:s29] =	stream.indirect.scatter.add.f32 [tilespmem:s25], [sflag:$0x10], $0x80, s31, s0, $0xb8;
	[tilespmem:$0x1E080] =	vst v63  }
0x24f: {  	_ =	swait.ge [sflag:s6], $0x2800  }
0x250: {  	[sflag:s6] =	ssyncset.done $0x0  }
0x251: {  	[sflag:s6] =	ssyncadd.s32 $0xFFFFD800  }
0x252: {  	_ =	swait.ge [sflag:s18], $0x50  }
0x253: {  	[sflag:s18] =	ssyncset.done $0x0  }
0x254: {  	[sflag:s18] =	ssyncadd.s32 $0xFFFFFFB0  }
0x255: {  	_ =	swait.ge [sflag:s18], $0x50  }
0x256: {  	[sflag:s18] =	ssyncset.done $0x0  }
0x257: {  	[sflag:s18] =	ssyncadd.s32 $0xFFFFFFB0  }
0x258: {  	[tilespmem:s8], [sflag:$0x9] =	stream.indirect.gather [hbm4b:s5+s0], $0x80, s13, s0, $0xb8;
	[tilespmem:$0x1E080] =	vst v63  }
0x259: {  	_ =	swait.ge [sflag:s24], $0x2800  }
0x25a: {  	[sflag:s24] =	ssyncset.done $0x0  }
0x25b: {  	[sflag:s24] =	ssyncadd.s32 $0xFFFFD800  }
0x25c: {  	[spmem:s29] =	stream.indirect.scatter.add.f32 [tilespmem:s8], [sflag:$0xD], $0x80, s3, s0, $0xb8;
	[tilespmem:$0x1E080] =	vst v63  }
0x25d: {  	_ =	swait.ge [sflag:s9], $0x2800  }
0x25e: {  	[sflag:s9] =	ssyncset.done $0x0  }
0x25f: {  	[sflag:s9] =	ssyncadd.s32 $0xFFFFD800  }
0x260: {  	[bflag:$0x0] =	sbarrier.arrive $0xFFFF  }
0x261: {  	s28 =	sld [smem:$0x7FD];
	_ =	sdelay $0x1  }
0x262: {  	s3 =	simm.s32 $0x11  }
0x263: {  	[tilespmem:s8], [sflag:$0x11] =	stream.linear.gather [spmem:s28], $0x2800, $0x38;
	[tilespmem:$0x1E080] =	vst v63  }
0x264: {  	_ =	swait.ge [sflag:s3], $0x2800  }
0x265: {  	s23 =	sld [smem:$0x7FB]  }
0x266: {  	[sflag:s3] =	ssyncset.done $0x0  }
0x267: {  	[sflag:s3] =	ssyncadd.s32 $0xFFFFD800  }
0x268: {  	[hbm4b:s23+s4] =	stream.linear.scatter [tilespmem:s8], [sflag:$0x11], $0x2800, $0x38;
	[tilespmem:$0x1E080] =	vst v63  }
.Ltmp4:
0x269: {  	_ =	swait.ge [sflag:s3], $0x2800;
	(pc) =	sbr.rel @!p0 .LBB2_9-.Ltmp4, $4  }
0x26a: {  	s25 =	sld [smem:$0x7FC]  }
0x26b: {  	s11 =	simm.s32 $0x3;
	s1 =	simm.s32 $0x800  }
0x26c: {  	s2 =	simm.s32 $0x1;
	s9 =	simm.s32 $0x4;
	s24 =	smov.u32 s28  }
0x26d: {  	s8 =	simm.s32 $0x2;
	[sflag:s3] =	ssyncset.done $0x0;
	s22 =	sadd.s32 $0xFFFFFFFF, s25  }
.LBB2_8:
0x26e: {  	[sflag:s3] =	ssyncadd.s32 $0xFFFFD800;
	s23 =	sadd.s32 $0x5000, s23;
	s24 =	sadd.s32 $0x28000, s24  }
0x26f: {  	[tilespmem:s1], [sflag:$0x11] =	stream.linear.gather [spmem:s24], $0x2800, $0x38;
	[tilespmem:$0x1E080] =	vst v63  }
0x270: {  	p0 =	sne.s32 s22, $0x1;
	s22 =	sadd.s32 $0xFFFFFFFF, s22;
	_ =	swait.ge [sflag:s3], $0x2800  }
.Ltmp5:
0x271: {  	[sflag:s3] =	ssyncset.done $0x0;
	(pc) =	sbr.rel @p0 .LBB2_8-.Ltmp5, $4  }
0x272: {  	[sflag:s3] =	ssyncadd.s32 $0xFFFFD800  }
0x273: {  	[hbm4b:s23+s4] =	stream.linear.scatter [tilespmem:s1], [sflag:$0x11], $0x2800, $0x38;
	[tilespmem:$0x1E080] =	vst v63  }
0x274: {  	_ =	swait.ge [sflag:s3], $0x2800  }
0x275: {  	[sflag:s3] =	ssyncset.done $0x0  }
.LBB2_9:
0x276: {  	s7 =	sld [smem:$0x7EB]  }
0x277: {  	s22 =	sld [smem:$0x7F9];
	_ =	sdelay $0x1  }
0x278: {  	s7 =	sadd.s32 $0x1, s7  }
0x279: {  	p0 =	sne.s32 s7, s22  }
.Ltmp6:
0x27a: {  	_ = 	snop;
	(pc) =	sbr.rel @p0 .LBB2_1-.Ltmp6, $3  }
0x27b: {  	_ =	sdelay $0x1  }
0x27c: {  	[sflag:s3] =	ssyncadd.s32 $0xFFFFD800  }
0x27d: {  	s30 =	rddreg [dreg:$0x12];
	s23 =	simm.s32 $0x80;
	s22 =	simm.s32 $0x400  }
0x27e: {  	_ =	sfence.sel $0x180000  }
0x27f: {  	[bflag:$0x0] =	sbarrier.arrive $0xFFFF  }
0x280: {  	_ =	strace $0x9000004A  }
0x281: {  	s0 =	stileid.u32;
	[bflag:$0x2] =	sbarrier.arrive $0xFFFF  }
0x282: {  	p0 =	sne.s32 s0, $0x0;
	s0 =	rddreg [dreg:$0x3]  }
0x283: {  	s0 =	sadd.s32 @!p0 $0x100000, s0  }
0x284: {  	[sflag:s0] =	ssyncadd.tile.s32 @!p0 $0x1;
	_ =	shalt  }
.Lfunc_end2:
_tile_overlayer_lowered:
.L_overlay_start_2:
0x285: {  	(tag) =	ssettag $0x2  }
0x286: {  	s0 =	rddreg [dreg:$0x0];
	s2 =	stileid.u32  }
0x287: {  	s1 =	rddreg [dreg:$0x1];
	p0 =	sne.s32 s2, $0x0  }
0x288: {  	s3 =	rddreg [dreg:$0x2];
	[bflag:$0x3] =	sbarrier.arrive $0xFFFF;
	s2 =	simm.s32 @!p0 $0x1C11  }
0x289: {  	[timem:s3], [sflag:s2] =	dma.local @!p0 [hbm:s0], s1  }
0x28a: {  	s0 =	simm.s32 @!p0 $0x11  }
0x28b: {  	_ =	swait.ge @!p0 [sflag:s0], s1  }
0x28c: {  	s1 =	ssub.s32 @!p0 $0x0, s1;
	[sflag:s0] =	ssyncset.done @!p0 $0x0  }
0x28d: {  	[sflag:s0] =	ssyncadd.s32 @!p0 s1  }
0x28e: {  	[bflag:$0x3] =	sbarrier.arrive $0xFFFF  }
0x28f: {  	_ =	shalt  }

// kernel: kernel.16.cloned.1.call-start
scs
__scs_entry_jumppad:
0x0: {  	(pc) =	sbr.rel $0x88, $3  }
0x1: {  	(tag) =	ssettag $0x0;
	lr =	simm.s32 $0x1  }
0x2: {  	[smem:$0x3F9A] =	sst lr;
	_ =	strace $0xD0000000  }
0x3: {  	_ = 	snop  }
0x4: {  	_ = 	snop  }
0x5: {  	_ = 	snop  }
0x6: {  	_ = 	snop  }
0x7: {  	_ = 	snop  }
__scs_overlays_trampoline_lowered:
0x8: {  	[smem:$0x3FA9] =	sst s0  }
0x9: {  	[smem:$0x3FAA] =	sst s1  }
0xa: {  	[smem:$0x3FAB] =	sst s2  }
0xb: {  	[smem:$0x3FAC] =	sst s3  }
0xc: {  	[smem:$0x3FAD] =	sst s4  }
0xd: {  	[smem:$0x3FAE] =	sst s5  }
0xe: {  	[smem:$0x3FAF] =	sst s6  }
0xf: {  	[smem:$0x3FB0] =	sst s7  }
0x10: {  	[smem:$0x3FB1] =	sst s8  }
0x11: {  	[smem:$0x3FB2] =	sst s9;
	s0 =	simm.s32 @!p0 $0x0  }
0x12: {  	s1 =	sld [smem:$0x3F98];
	s0 =	simm.s32 @p0 $0x1  }
0x13: {  	[smem:$0x3FB3] =	sst s0;
	s0 =	simm.s32 @!p1 $0x0  }
0x14: {  	s2 =	sld [smem:$0x3F97];
	s0 =	simm.s32 @p1 $0x1  }
0x15: {  	[smem:$0x3FB4] =	sst s0;
	s0 =	simm.s32 @!p2 $0x0  }
0x16: {  	s3 =	sld [smem:$0x3FDB];
	s0 =	simm.s32 @p2 $0x1  }
0x17: {  	s4 =	simm.s32 $0x1BF5;
	[smem:$0x3FB6] =	sst s0  }
0x18: {  	s0 =	sld [smem:$0x3F99];
	_ =	swait.ge [sflag:s4], $0x0  }
0x19: {  	s7 =	sld [smem:$0x3F9A]  }
0x1a: {  	s8 =	sadd.s32 $0xFFFFE003, lr  }
0x1b: {  	s9 =	sadd.s32 $0xFFFFFEF7, lr;
	s5 =	simm.s32 $0xFFFFFFFF;
	p2 =	slt.u32 s8, $0xFFFFF086  }
0x1c: {  	p1 =	slt.u32 s9, $0xF7A;
	s5 =	simm.s32 @!p2 $0x0  }
0x1d: {  	s5 =	simm.s32 @p1 $0x1;
	p0 =	seq.s32 s7, s2  }
0x1e: {  	s7 =	smul.u32 @!p0 $0xF7A, s2;
	p2 =	seq.s32 @!p0 s5, $0x0  }
0x1f: {  	s9 =	smul.u32 $0xF7A, s1;
	s8 =	simm.s32 @!p0 $0x1BF5;
	p2 =	por !p2, p0  }
0x20: {  	[sflag:s8] =	ssyncset.s32 @!p0 $0xFFFFF086;
	s6 =	sadd.s32 @!p0 s3, s7;
	s7 =	simm.s32 @!p0 $0x108  }
0x21: {  	s3 =	sadd.s32 s3, s9;
	s6 =	sadd.s32 @!p0 $0x88, s6;
	s7 =	simm.s32 @p2 $0x1082  }
0x22: {  	[simem:s7], [sflag:s8] =	dma.local @!p0 [hbm:s6], $0xF7A  }
0x23: {  	s9 =	sor.u32 $0xD0000000, s2;
	s6 =	simm.s32 $0x108;
	_ =	swait.ge @!p0 [sflag:s8], $0x0  }
0x24: {  	s3 =	sadd.s32 $0x88, s3;
	s6 =	simm.s32 @!p1 $0x1082;
	[sflag:s4] =	ssyncset.s32 $0xFFFFF086  }
0x25: {  	[simem:s6], [sflag:s4] =	dma.local [hbm:s3], $0xF7A  }
0x26: {  	[smem:$0x3F9A] =	sst s1;
	(tag) =	ssettag s2;
	_ =	strace s9  }
0x27: {  	s1 =	sld [smem:$0x3FAA]  }
0x28: {  	s2 =	sld [smem:$0x3FAB]  }
0x29: {  	s4 =	sld [smem:$0x3FAD]  }
0x2a: {  	p0 =	seq.s32 s5, $0x0;
	s5 =	sld [smem:$0x3FAE]  }
0x2b: {  	s6 =	sld [smem:$0x3FAF]  }
0x2c: {  	s7 =	sld [smem:$0x3FB0]  }
0x2d: {  	s3 =	simm.s32 $0x108;
	s8 =	sld [smem:$0x3FB1]  }
0x2e: {  	s3 =	simm.s32 @!p0 $0x1082;
	s9 =	sld [smem:$0x3FB2]  }
0x2f: {  	lr =	sadd.s32 s0, s3;
	s0 =	sld [smem:$0x3FA9]  }
0x30: {  	s3 =	sld [smem:$0x3FAC]  }
0x31: {  	[smem:$0x3FB5] =	sst s10  }
0x32: {  	s10 =	sld [smem:$0x3FB3];
	_ =	sdelay $0x3  }
0x33: {  	p0 =	seq.s32 s10, $0x1;
	s10 =	sld [smem:$0x3FB5];
	_ =	sdelay $0x3  }
0x34: {  	[smem:$0x3FB5] =	sst s10  }
0x35: {  	s10 =	sld [smem:$0x3FB4];
	_ =	sdelay $0x3  }
0x36: {  	p1 =	seq.s32 s10, $0x1;
	s10 =	sld [smem:$0x3FB5];
	_ =	sdelay $0x3  }
0x37: {  	[smem:$0x3FB5] =	sst s10  }
0x38: {  	s10 =	sld [smem:$0x3FB6]  }
0x39: {  	_ = 	snop;
	(pc) =	sbr.ind lr, $3  }
0x3a: {  	_ = 	snop  }
0x3b: {  	_ = 	snop  }
0x3c: {  	p2 =	seq.s32 s10, $0x1;
	s10 =	sld [smem:$0x3FB5]  }
0x3d: {  	_ =	shalt  }
0x3e: {  	_ =	shalt  }
0x3f: {  	_ =	shalt  }
0x40: {  	_ =	shalt  }
0x41: {  	_ =	shalt  }
0x42: {  	_ =	shalt  }
0x43: {  	_ =	shalt  }
0x44: {  	_ =	shalt  }
0x45: {  	_ =	shalt  }
0x46: {  	_ =	shalt  }
0x47: {  	_ =	shalt  }
0x48: {  	_ =	shalt  }
0x49: {  	_ =	shalt  }
0x4a: {  	_ =	shalt  }
0x4b: {  	_ =	shalt  }
0x4c: {  	_ =	shalt  }
0x4d: {  	_ =	shalt  }
0x4e: {  	_ =	shalt  }
0x4f: {  	_ =	shalt  }
0x50: {  	_ =	shalt  }
0x51: {  	_ =	shalt  }
0x52: {  	_ =	shalt  }
0x53: {  	_ =	shalt  }
0x54: {  	_ =	shalt  }
0x55: {  	_ =	shalt  }
0x56: {  	_ =	shalt  }
0x57: {  	_ =	shalt  }
0x58: {  	_ =	shalt  }
0x59: {  	_ =	shalt  }
0x5a: {  	_ =	shalt  }
0x5b: {  	_ =	shalt  }
0x5c: {  	_ =	shalt  }
0x5d: {  	_ =	shalt  }
0x5e: {  	_ =	shalt  }
0x5f: {  	_ =	shalt  }
0x60: {  	_ =	shalt  }
0x61: {  	_ =	shalt  }
0x62: {  	_ =	shalt  }
0x63: {  	_ =	shalt  }
0x64: {  	_ =	shalt  }
0x65: {  	_ =	shalt  }
0x66: {  	_ =	shalt  }
0x67: {  	_ =	shalt  }
0x68: {  	_ =	shalt  }
0x69: {  	_ =	shalt  }
0x6a: {  	_ =	shalt  }
0x6b: {  	_ =	shalt  }
0x6c: {  	_ =	shalt  }
0x6d: {  	_ =	shalt  }
0x6e: {  	_ =	shalt  }
0x6f: {  	_ =	shalt  }
0x70: {  	_ =	shalt  }
0x71: {  	_ =	shalt  }
0x72: {  	_ =	shalt  }
0x73: {  	_ =	shalt  }
0x74: {  	_ =	shalt  }
0x75: {  	_ =	shalt  }
0x76: {  	_ =	shalt  }
0x77: {  	_ =	shalt  }
0x78: {  	_ =	shalt  }
0x79: {  	_ =	shalt  }
0x7a: {  	_ =	shalt  }
0x7b: {  	_ =	shalt  }
0x7c: {  	_ =	shalt  }
0x7d: {  	_ =	shalt  }
0x7e: {  	_ =	shalt  }
0x7f: {  	_ =	shalt  }
0x80: {  	_ =	shalt  }
0x81: {  	_ =	shalt  }
0x82: {  	_ =	shalt  }
0x83: {  	_ =	shalt  }
0x84: {  	_ =	shalt  }
0x85: {  	_ =	shalt  }
0x86: {  	_ =	shalt  }
0x87: {  	_ =	shalt  }
.Lfunc_end0:
.L_simem_size_0:
called_computation.2_lowered:
.L_overlay_start_0:
0x88: {  	s2 =	sld [smem:$0x3FD9]  }
0x89: {  	s3 =	sld [smem:$0x3FFE];
	_ =	sdelay $0x1  }
0x8a: {  	s1 =	srdreg.scid  }
0x8b: {  	s0 =	sand.u32 $0x1, s1  }
0x8c: {  	s17 =	sshll.u32 s0, $0xA;
	s2 =	sadd.s32 s3, s2  }
0x8d: {  	s2 =	sadd.s32 s2, s17  }
0x8e: {  	[smem:$0x3FC1] =	sst s2  }
0x8f: {  	_ = 	snop  }
0x90: {  	s2 =	sld [smem:$0x3FD0];
	(tm) =	ssettm $0x1  }
0x91: {  	s18 =	sld [smem:$0x3FFB];
	_ =	sdelay $0x3  }
0x92: {  	_ =	strace s18  }
0x93: {  	s3 =	sld [smem:$0x3FFC];
	_ =	sdelay $0x3  }
0x94: {  	_ =	strace s3  }
0x95: {  	s3 =	sld [smem:$0x3FFD];
	_ =	sdelay $0x3  }
0x96: {  	_ =	strace s3  }
0x97: {  	_ =	strace $0x8FFFFFFF  }
0x98: {  	s19 =	sld [smem:$0x3FDB];
	_ =	sdelay $0x1  }
0x99: {  	s4 =	simm.s32 $_scs_section_size  }
0x9a: {  	s5 =	simm.s32 $_size__tile_overlayer_lowered;
	s6 =	simm.s32 $_tile_overlayer_lowered  }
0x9b: {  	s22 =	simm.s32 $0x1BFF;
	s21 =	sshll.u32 s6, $0x1;
	s3 =	sadd.s32 s4, s19  }
0x9c: {  	s7 =	simm.s32 $0x0;
	s20 =	sshll.u32 s5, $0x1;
	s5 =	sadd.s32 s21, s3  }
0x9d: {  	[timem:s7], [sflag:s22] =	dma.local [hbm:s5], s20  }
0x9e: {  	_ =	swait.ge [sflag:s22], s20  }
0x9f: {  	s4 =	ssub.s32 $0x0, s20;
	[sflag:s22] =	ssyncset.done $0x0  }
0xa0: {  	[sflag:s22] =	ssyncadd.s32 s4;
	_ =	sdelay $0x1  }
0xa1: {  	s23 =	simm.s32 $0x1B8B  }
0xa2: {  	_ =	swait.ge [sflag:s23], $0x1  }
0xa3: {  	[sflag:s23] =	ssyncset.done $0x0  }
0xa4: {  	s25 =	simm.s32 $0x1B8E;
	s24 =	sld [smem:$0x3FFE];
	[sflag:s23] =	ssyncadd.s32 $0xFFFFFFFF  }
0xa5: {  	s26 =	simm.s32 $execute0_lowered;
	[smem:$0x3FD2] =	sst s25  }
0xa6: {  	s5 =	sshll.u32 s26, $0x1;
	_ =	strace $0x8000004C;
	[dreg:$0x1] =	wrdreg $0xFFFFFFFF  }
0xa7: {  	s28 =	simm.s32 $_size_execute0_lowered;
	s3 =	sadd.s32 s3, s5;
	[dreg:$0x0] =	wrdreg $0x0  }
0xa8: {  	s5 =	sshll.u32 s28, $0x1;
	[dreg:$0x2] =	wrdreg s3  }
0xa9: {  	[dreg:$0x3] =	wrdreg s5  }
0xaa: {  	[dreg:$0x4] =	wrdreg $0xC0  }
0xab: {  	_ =	task [dreg:s7], $0x5FFFF  }
0xac: {  	[dreg:$0x1] =	wrdreg $0xFFFFFFFF  }
0xad: {  	[dreg:$0x0] =	wrdreg $0x60  }
0xae: {  	[dreg:$0x2] =	wrdreg s24  }
0xaf: {  	[dreg:$0x3] =	wrdreg s2  }
0xb0: {  	[dreg:$0x4] =	wrdreg $0xA8000  }
0xb1: {  	[dreg:$0x5] =	wrdreg $0x9  }
0xb2: {  	_ =	task.clear_ibuf [dreg:s7], $0x6FFFF;
	_ =	strace $0x9000004C  }
0xb3: {  	s29 =	simm.s32 $0x9;
	_ =	strace $0x8000004E  }
0xb4: {  	_ =	swait.ge [sflag:s29], $0x1  }
0xb5: {  	[sflag:s29] =	ssyncadd.s32 $0xFFFFFFFF  }
0xb6: {  	_ =	strace $0x9000004E  }
0xb7: {  	_ =	sfence  }
0xb8: {  	s30 =	sld [smem:$0x0];
	_ =	sdelay $0x2  }
0xb9: {  	s31 =	sshll.u32 s1, $0xD;
	s1 =	sshrl.u32 s1, $0x2  }
0xba: {  	s3 =	sand.u32 $0x4000, s31;
	s1 =	sadd.s32 s1, s30  }
0xbb: {  	s0 =	sor.u32 s3, s0;
	s1 =	sshll.u32 s1, $0x11  }
0xbc: {  	s0 =	sor.u32 s1, s0  }
0xbd: {  	s0 =	sadd.s32 $0x8F2B, s0  }
0xbe: {  	[sflag:s0] =	ssyncadd.remote.s32 $0x1  }
0xbf: {  	_ =	sfence.sel $0xFFFF  }
0xc0: {  	[dreg:$0x0] =	wrdreg $0xFFFFFFFF;
	(pc) =	sbr.abs _section_cstart, $3  }
0xc1: {  	[dreg:$0x1] =	wrdreg $0xFFFFFFFF  }
0xc2: {  	_ =	task.clear_ibuf [dreg:s7], $0x2FFFF;
	_ =	strace $0x9FFFFFFF  }
0xc3: {  	(tm) =	ssettm $0x7FFFFFFF  }
tec
execute0_lowered:
.L_overlay_start_1:
0x0: {  	(tag) =	ssettag $0x1  }
0x1: {  	s0 =	rddreg [dreg:$0x0]  }
0x2: {  	s26 =	rddreg [dreg:$0x1]  }
0x3: {  	s29 =	rddreg [dreg:$0x2];
	s11 =	stileid.u32  }
0x4: {  	s1 =	srdreg.scid;
	s7 =	smul.u32 $0x2800, s11  }
0x5: {  	s4 =	simm.s32 $0x0;
	s6 =	sand.u32 $0x1, s1;
	s12 =	smul.u32 $0x2710, s11  }
0x6: {  	[smem:$0x7FF] =	sst s4;
	s1 =	smul.u32 $0x138800, s6  }
0x7: {  	s2 =	sshll.u32 s6, $0x4;
	s8 =	ssub.s32 $0x2, s6;
	s6 =	smul.u32 $0x27100, s6  }
0x8: {  	s5 =	sadd.s32 $0xD000, s0;
	s30 =	sadd.s32 $0x3200, s0;
	_ =	strace $0x8000004D  }
0x9: {  	[dreg:$0x12] =	wrdreg s30;
	s2 =	sor.u32 s11, s2;
	s6 =	sadd.s32 s12, s6  }
0xa: {  	s2 =	smul.u32 $0x2710, s2;
	s7 =	sadd.s32 s7, s1;
	s17 =	sadd.s32 $0x4B0, s6  }
0xb: {  	s24 =	sshrl.u32 s8, $0x1;
	s23 =	sshrl.u32 s7, $0x3;
	s19 =	sshrl.u32 s17, $0x3  }
0xc: {  	s1 =	sshrl.u32 s2, $0x3;
	s2 =	ssub.s32 s8, s24;
	s20 =	sadd.s32 s19, s30  }
0xd: {  	s0 =	sadd.s32 s23, s0;
	s2 =	smax.u32 s2, $0x1;
	[dreg:$0x4] =	wrdreg s20  }
0xe: {  	s9 =	sadd.s32 $0xA, s1;
	s0 =	sadd.s32 $0x34200, s0;
	[smem:$0x7F9] =	sst s2  }
0xf: {  	s25 =	sadd.s32 s26, s9;
	[smem:$0x7FB] =	sst s0  }
0x10: {  	s3 =	sadd.s32 $0x14, s1;
	s31 =	sadd.s32 s30, s9;
	[dreg:$0x13] =	wrdreg s25  }
0x11: {  	s9 =	sadd.s32 s26, s3;
	[dreg:$0x14] =	wrdreg s31  }
0x12: {  	s10 =	sadd.s32 $0x1E, s1;
	s7 =	sadd.s32 s30, s3;
	[dreg:$0x15] =	wrdreg s9  }
0x13: {  	s13 =	sadd.s32 s26, s10;
	[dreg:$0x16] =	wrdreg s7  }
0x14: {  	s14 =	sadd.s32 $0x28, s1;
	s8 =	sadd.s32 s30, s10;
	[dreg:$0x17] =	wrdreg s13  }
0x15: {  	s16 =	sadd.s32 $0x32, s1;
	s15 =	sadd.s32 s26, s14;
	[dreg:$0x18] =	wrdreg s8  }
0x16: {  	s18 =	sadd.s32 s26, s16;
	[dreg:$0x19] =	wrdreg s15  }
0x17: {  	s10 =	sadd.s32 $0x460, s6;
	s7 =	sadd.s32 s30, s14;
	[dreg:$0x1b] =	wrdreg s18  }
0x18: {  	s21 =	sshrl.u32 s10, $0x3;
	[dreg:$0x1a] =	wrdreg s7;
	s7 =	sadd.s32 s30, s16  }
0x19: {  	s23 =	sadd.s32 $0x410, s6;
	s22 =	sadd.s32 s21, s30;
	[dreg:$0x1c] =	wrdreg s7  }
0x1a: {  	s25 =	sshrl.u32 s23, $0x3;
	s24 =	sadd.s32 s21, s26;
	[dreg:$0x6] =	wrdreg s22  }
0x1b: {  	s3 =	sadd.s32 $0x3C0, s6;
	s31 =	sadd.s32 s25, s30;
	[dreg:$0x7] =	wrdreg s24  }
0x1c: {  	s12 =	sshrl.u32 s3, $0x3;
	s9 =	sadd.s32 s25, s26;
	[dreg:$0x8] =	wrdreg s31  }
0x1d: {  	s13 =	sadd.s32 s12, s30;
	[dreg:$0x9] =	wrdreg s9  }
0x1e: {  	s14 =	sadd.s32 $0x370, s6;
	s15 =	sadd.s32 s12, s26;
	[dreg:$0xa] =	wrdreg s13  }
0x1f: {  	s16 =	sshrl.u32 s14, $0x3;
	s7 =	sadd.s32 s19, s26;
	[dreg:$0xb] =	wrdreg s15  }
0x20: {  	s18 =	sadd.s32 $0x320, s6;
	s17 =	sadd.s32 s16, s30;
	[dreg:$0x5] =	wrdreg s7  }
0x21: {  	s20 =	sshrl.u32 s18, $0x3;
	s19 =	sadd.s32 s16, s26;
	[dreg:$0xc] =	wrdreg s17  }
0x22: {  	s21 =	sadd.s32 s20, s30;
	[dreg:$0xd] =	wrdreg s19  }
0x23: {  	s25 =	sadd.s32 $0x3C, s1;
	s23 =	sadd.s32 s20, s26;
	[dreg:$0xe] =	wrdreg s21  }
0x24: {  	s2 =	simm.s32 $0x1;
	s12 =	sadd.s32 s26, s25;
	[dreg:$0xf] =	wrdreg s23  }
0x25: {  	s14 =	sadd.s32 $0x4BA, s1;
	s10 =	sadd.s32 s30, s25;
	[dreg:$0x1d] =	wrdreg s12  }
0x26: {  	s3 =	sadd.s32 $0x46, s1;
	s15 =	sadd.s32 s26, s14;
	[dreg:$0x1e] =	wrdreg s10  }
0x27: {  	s0 =	simm.s32 $0x50;
	s10 =	sadd.s32 s26, s3;
	[smem:$0x7EF] =	sst s15  }
0x28: {  	s16 =	sadd.s32 $0x4C4, s1;
	s7 =	sadd.s32 s30, s3;
	[dreg:$0x1f] =	wrdreg s10  }
0x29: {  	s18 =	sadd.s32 $0x4CE, s1;
	s17 =	sadd.s32 s26, s16;
	[smem:$0x7EC] =	sst s7  }
0x2a: {  	s8 =	smul.u32 $0x50, s11;
	s19 =	sadd.s32 s26, s18;
	[smem:$0x7F1] =	sst s17  }
0x2b: {  	s22 =	sadd.s32 $0x2D0, s6;
	s21 =	sadd.s32 s26, s1;
	[smem:$0x7F3] =	sst s19  }
0x2c: {  	s24 =	sshrl.u32 s22, $0x3;
	s22 =	sadd.s32 s30, s1;
	[smem:$0x7F5] =	sst s21  }
0x2d: {  	s8 =	ssub.s32 $0x2C00, s8;
	s31 =	sadd.s32 s24, s30;
	[smem:$0x7F6] =	sst s22  }
0x2e: {  	s12 =	sadd.s32 $0x4B0, s1;
	s9 =	sadd.s32 s24, s26;
	[dreg:$0x10] =	wrdreg s31  }
0x2f: {  	s20 =	smul.u32 $0xA000, s11;
	s13 =	sadd.s32 s26, s12;
	[dreg:$0x11] =	wrdreg s9  }
0x30: {  	s1 =	sadd.s32 $0x4D8, s1;
	s7 =	sadd.s32 s30, s12;
	[smem:$0x7ED] =	sst s13  }
0x31: {  	s11 =	simm.s32 $0x3;
	s23 =	sadd.s32 s26, s1;
	[smem:$0x7EE] =	sst s7  }
0x32: {  	s8 =	smul.u32 $0xCCD, s8;
	s1 =	sadd.s32 s30, s1;
	[smem:$0x7F7] =	sst s23  }
0x33: {  	s3 =	simm.s32 $0x11;
	s7 =	sadd.s32 s30, s14;
	[smem:$0x7F8] =	sst s1  }
0x34: {  	s24 =	sshrl.u32 s20, $0x2;
	s31 =	sadd.s32 $0x280, s6;
	[smem:$0x7F0] =	sst s7  }
0x35: {  	s22 =	simm.s32 $0x400;
	s25 =	sshrl.u32 s8, $0x16;
	[smem:$0x7FA] =	sst s31  }
0x36: {  	s28 =	sadd.s32 s24, s29;
	s23 =	simm.s32 $0x80;
	[smem:$0x7FC] =	sst s25  }
0x37: {  	s1 =	simm.s32 $0x800;
	s7 =	sadd.s32 s30, s16;
	[smem:$0x7FD] =	sst s28  }
0x38: {  	s8 =	simm.s32 $0x2;
	[smem:$0x7F2] =	sst s7;
	s7 =	sadd.s32 s30, s18  }
0x39: {  	v0 =	vimm.f32 $0.0e+00;
	s9 =	simm.s32 $0x4;
	[smem:$0x7F4] =	sst s7;
	s7 =	simm.s32 $0x0  }
.LBB2_1:
0x3a: {  	s13 =	sld [smem:$0x7F5]  }
0x3b: {  	[smem:$0x7EB] =	sst s7  }
0x3c: {  	s14 =	sld [smem:$0x7F6]  }
0x3d: {  	[tilespmem:s4], [sflag:$0x1] =	stream.linear.gather [hbm4b:s13+s4], $0x50, $0x38;
	[tilespmem:$0x1E080] =	vst v63  }
0x3e: {  	s15 =	rddreg [dreg:$0x13]  }
0x3f: {  	[tilespmem:s22], [sflag:$0x1] =	stream.linear.gather [hbm4b:s14+s4], $0x50, $0x38;
	[tilespmem:$0x1E080] =	vst v63  }
0x40: {  	s16 =	rddreg [dreg:$0x14]  }
0x41: {  	[tilespmem:s23], [sflag:$0x2] =	stream.linear.gather [hbm4b:s15+s4], $0x50, $0x38;
	[tilespmem:$0x1E080] =	vst v63  }
0x42: {  	s10 =	simm.s32 $0x480;
	s17 =	rddreg [dreg:$0x15]  }
0x43: {  	[tilespmem:s10], [sflag:$0x2] =	stream.linear.gather [hbm4b:s16+s4], $0x50, $0x38;
	[tilespmem:$0x1E080] =	vst v63  }
0x44: {  	s18 =	rddreg [dreg:$0x16];
	s10 =	simm.s32 $0x100  }
0x45: {  	[tilespmem:s10], [sflag:$0x3] =	stream.linear.gather [hbm4b:s17+s4], $0x50, $0x38;
	[tilespmem:$0x1E080] =	vst v63  }
0x46: {  	s19 =	simm.s32 $0x500;
	s20 =	rddreg [dreg:$0x17]  }
0x47: {  	[tilespmem:s19], [sflag:$0x3] =	stream.linear.gather [hbm4b:s18+s4], $0x50, $0x38;
	[tilespmem:$0x1E080] =	vst v63  }
0x48: {  	s21 =	simm.s32 $0x180;
	s31 =	rddreg [dreg:$0x19]  }
0x49: {  	[tilespmem:s21], [sflag:$0x4] =	stream.linear.gather [hbm4b:s20+s4], $0x50, $0x38;
	[tilespmem:$0x1E080] =	vst v63  }
0x4a: {  	s24 =	simm.s32 $0x580;
	s23 =	rddreg [dreg:$0x18]  }
0x4b: {  	[tilespmem:s24], [sflag:$0x4] =	stream.linear.gather [hbm4b:s23+s4], $0x50, $0x38;
	[tilespmem:$0x1E080] =	vst v63  }
0x4c: {  	s6 =	simm.s32 $0x200;
	s12 =	rddreg [dreg:$0x1a]  }
0x4d: {  	[tilespmem:s6], [sflag:$0x5] =	stream.linear.gather [hbm4b:s31+s4], $0x50, $0x38;
	[tilespmem:$0x1E080] =	vst v63  }
0x4e: {  	s13 =	simm.s32 $0x600;
	s14 =	rddreg [dreg:$0x1b]  }
0x4f: {  	[tilespmem:s13], [sflag:$0x5] =	stream.linear.gather [hbm4b:s12+s4], $0x50, $0x38;
	[tilespmem:$0x1E080] =	vst v63  }
0x50: {  	s22 =	rddreg [dreg:$0x1f];
	s15 =	simm.s32 $0x280  }
0x51: {  	[tilespmem:s15], [sflag:$0x6] =	stream.linear.gather [hbm4b:s14+s4], $0x50, $0x38;
	[tilespmem:$0x1E080] =	vst v63  }
0x52: {  	s16 =	rddreg [dreg:$0x1c];
	s17 =	simm.s32 $0x680  }
0x53: {  	[tilespmem:s17], [sflag:$0x6] =	stream.linear.gather [hbm4b:s16+s4], $0x50, $0x38;
	[tilespmem:$0x1E080] =	vst v63  }
0x54: {  	s18 =	rddreg [dreg:$0x1d];
	s19 =	simm.s32 $0x300  }
0x55: {  	[tilespmem:s19], [sflag:$0x7] =	stream.linear.gather [hbm4b:s18+s4], $0x50, $0x38;
	[tilespmem:$0x1E080] =	vst v63  }
0x56: {  	s20 =	rddreg [dreg:$0x1e];
	s21 =	simm.s32 $0x700  }
0x57: {  	[tilespmem:s21], [sflag:$0x7] =	stream.linear.gather [hbm4b:s20+s4], $0x50, $0x38;
	[tilespmem:$0x1E080] =	vst v63  }
0x58: {  	s23 =	simm.s32 $0x380;
	s24 =	sld [smem:$0x7EC]  }
0x59: {  	[tilespmem:s23], [sflag:$0x8] =	stream.linear.gather [hbm4b:s22+s4], $0x50, $0x38;
	[tilespmem:$0x1E080] =	vst v63  }
0x5a: {  	s31 =	simm.s32 $0x780;
	s22 =	simm.s32 $0x0;
	s23 =	simm.s32 $0x200  }
0x5b: {  	[tilespmem:s31], [sflag:$0x8] =	stream.linear.gather [hbm4b:s24+s4], $0x50, $0x38;
	[tilespmem:$0x1E080] =	vst v63  }
.LBB2_2:
0x5c: {  	p0 =	sne.s32 s23, $0x9E00;
	[tilespmem:s22+$0x870] =	vst v0  }
0x5d: {  	[tilespmem:s22+$0x800] =	vst v0  }
0x5e: {  	[tilespmem:s22+$0x810] =	vst v0  }
.Ltmp0:
0x5f: {  	[tilespmem:s22+$0x820] =	vst v0;
	(pc) =	sbr.rel @p0 .LBB2_2-.Ltmp0, $4  }
0x60: {  	[tilespmem:s22+$0x830] =	vst v0  }
0x61: {  	[tilespmem:s22+$0x840] =	vst v0  }
0x62: {  	[tilespmem:s22+$0x850] =	vst v0  }
0x63: {  	[tilespmem:s22+$0x860] =	vst v0;
	s22 =	sshra.s32 s23, $0x2;
	s23 =	sadd.s32 $0x200, s23  }
0x64: {  	[tilespmem:s22+$0x870] =	vst v0  }
0x65: {  	[tilespmem:s22+$0x800] =	vst v0  }
0x66: {  	[tilespmem:s22+$0x810] =	vst v0  }
0x67: {  	[tilespmem:s22+$0x820] =	vst v0  }
0x68: {  	[tilespmem:s22+$0x830] =	vst v0  }
0x69: {  	[tilespmem:s22+$0x840] =	vst v0;
	p0 =	sne.s32 s25, $0x1  }
.Ltmp1:
0x6a: {  	[tilespmem:s22+$0x850] =	vst v0;
	(pc) =	sbr.rel @!p0 .LBB2_5-.Ltmp1, $4  }
0x6b: {  	[tilespmem:s22+$0x860] =	vst v0  }
0x6c: {  	[spmem:s28] =	stream.linear.scatter [tilespmem:s1], [sflag:$0x11], $0x2800, $0x38;
	[tilespmem:$0x1E080] =	vst v63  }
0x6d: {  	_ =	swait.ge [sflag:s3], $0x2800  }
0x6e: {  	s22 =	sadd.s32 $0xFFFFFFFF, s25;
	s23 =	smov.u32 s28;
	[sflag:s3] =	ssyncset.done $0x0  }
.LBB2_4:
0x6f: {  	p1 =	sne.s32 s22, $0x1;
	[sflag:s3] =	ssyncadd.s32 $0xFFFFD800;
	s23 =	sadd.s32 $0x28000, s23  }
.Ltmp2:
0x70: {  	s22 =	sadd.s32 $0xFFFFFFFF, s22;
	(pc) =	sbr.rel @p1 .LBB2_4-.Ltmp2, $4  }
0x71: {  	_ = 	snop  }
0x72: {  	[spmem:s23] =	stream.linear.scatter [tilespmem:s1], [sflag:$0x11], $0x2800, $0x38;
	[tilespmem:$0x1E080] =	vst v63  }
0x73: {  	_ =	swait.ge [sflag:s3], $0x2800  }
0x74: {  	[sflag:s3] =	ssyncset.done $0x0  }
.LBB2_5:
0x75: {  	[sflag:s3] =	ssyncadd.s32 $0xFFFFD800  }
0x76: {  	[bflag:$0x0] =	sbarrier.arrive $0xFFFF  }
0x77: {  	_ =	swait.ge [sflag:s2], $0x50  }
0x78: {  	[sflag:s2] =	ssyncset.done $0x0  }
0x79: {  	[sflag:s2] =	ssyncadd.s32 $0xFFFFFFB0  }
0x7a: {  	_ =	swait.ge [sflag:s2], $0x50  }
0x7b: {  	[sflag:s2] =	ssyncset.done $0x0  }
0x7c: {  	[sflag:s2] =	ssyncadd.s32 $0xFFFFFFB0  }
0x7d: {  	[tilespmem:s1], [sflag:$0x9] =	stream.indirect.gather [hbm4b:s5+s0], $0x80, s4, s0, $0xb8;
	[tilespmem:$0x1E080] =	vst v63  }
0x7e: {  	_ =	swait.ge [sflag:s8], $0x50  }
0x7f: {  	[sflag:s8] =	ssyncset.done $0x0  }
0x80: {  	[sflag:s8] =	ssyncadd.s32 $0xFFFFFFB0  }
0x81: {  	_ =	swait.ge [sflag:s8], $0x50  }
0x82: {  	[sflag:s8] =	ssyncset.done $0x0  }
0x83: {  	s20 =	simm.s32 $0x80;
	s24 =	simm.s32 $0x3000;
	[sflag:s8] =	ssyncadd.s32 $0xFFFFFFB0  }
0x84: {  	[tilespmem:s24], [sflag:$0xA] =	stream.indirect.gather [hbm4b:s5+s0], $0x80, s20, s0, $0xb8;
	[tilespmem:$0x1E080] =	vst v63  }
0x85: {  	_ =	swait.ge [sflag:s11], $0x50  }
0x86: {  	[sflag:s11] =	ssyncset.done $0x0  }
0x87: {  	[sflag:s11] =	ssyncadd.s32 $0xFFFFFFB0  }
0x88: {  	_ =	swait.ge [sflag:s11], $0x50  }
0x89: {  	[sflag:s11] =	ssyncset.done $0x0  }
0x8a: {  	s31 =	simm.s32 $0x5800;
	[sflag:s11] =	ssyncadd.s32 $0xFFFFFFB0  }
0x8b: {  	[tilespmem:s31], [sflag:$0xB] =	stream.indirect.gather [hbm4b:s5+s0], $0x80, s10, s0, $0xb8;
	[tilespmem:$0x1E080] =	vst v63  }
0x8c: {  	_ =	swait.ge [sflag:s9], $0x50  }
0x8d: {  	[sflag:s9] =	ssyncset.done $0x0  }
0x8e: {  	[sflag:s9] =	ssyncadd.s32 $0xFFFFFFB0  }
0x8f: {  	_ =	swait.ge [sflag:s9], $0x50  }
0x90: {  	s21 =	simm.s32 $0x180;
	[sflag:s9] =	ssyncset.done $0x0  }
0x91: {  	s7 =	simm.s32 $0x8000;
	s14 =	simm.s32 $0x9;
	[sflag:s9] =	ssyncadd.s32 $0xFFFFFFB0  }
0x92: {  	[tilespmem:s7], [sflag:$0xC] =	stream.indirect.gather [hbm4b:s5+s0], $0x80, s21, s0, $0xb8;
	[tilespmem:$0x1E080] =	vst v63  }
0x93: {  	_ =	swait.ge [sflag:s14], $0x2800  }
0x94: {  	s13 =	simm.s32 $0x400;
	[sflag:s14] =	ssyncset.done $0x0  }
0x95: {  	s2 =	simm.s32 $0xA;
	s1 =	simm.s32 $0x800;
	[sflag:s14] =	ssyncadd.s32 $0xFFFFD800  }
0x96: {  	[spmem:s29] =	stream.indirect.scatter.add.f32 [tilespmem:s1], [sflag:$0xD], $0x80, s13, s0, $0xb8;
	[tilespmem:$0x1E080] =	vst v63  }
0x97: {  	_ =	swait.ge [sflag:s2], $0x2800  }
0x98: {  	[sflag:s2] =	ssyncset.done $0x0  }
0x99: {  	s28 =	simm.s32 $0x480;
	s6 =	simm.s32 $0xB;
	[sflag:s2] =	ssyncadd.s32 $0xFFFFD800  }
0x9a: {  	[spmem:s29] =	stream.indirect.scatter.add.f32 [tilespmem:s24], [sflag:$0xE], $0x80, s28, s0, $0xb8;
	[tilespmem:$0x1E080] =	vst v63  }
0x9b: {  	_ =	swait.ge [sflag:s6], $0x2800  }
0x9c: {  	[sflag:s6] =	ssyncset.done $0x0  }
0x9d: {  	s12 =	simm.s32 $0x500;
	s11 =	simm.s32 $0xC;
	[sflag:s6] =	ssyncadd.s32 $0xFFFFD800  }
0x9e: {  	[spmem:s29] =	stream.indirect.scatter.add.f32 [tilespmem:s31], [sflag:$0xF], $0x80, s12, s0, $0xb8;
	[tilespmem:$0x1E080] =	vst v63  }
0x9f: {  	_ =	swait.ge [sflag:s11], $0x2800  }
0xa0: {  	[sflag:s11] =	ssyncset.done $0x0  }
0xa1: {  	s3 =	simm.s32 $0x580;
	s9 =	simm.s32 $0xD;
	[sflag:s11] =	ssyncadd.s32 $0xFFFFD800  }
0xa2: {  	[spmem:s29] =	stream.indirect.scatter.add.f32 [tilespmem:s7], [sflag:$0x10], $0x80, s3, s0, $0xb8;
	[tilespmem:$0x1E080] =	vst v63  }
0xa3: {  	_ =	swait.ge [sflag:s9], $0x2800  }
0xa4: {  	s25 =	sld [smem:$0x7FA];
	_ =	sdelay $0x2  }
0xa5: {  	[sflag:s9] =	ssyncset.done $0x0;
	s22 =	sshrl.u32 s25, $0x3  }
0xa6: {  	[sflag:s9] =	ssyncadd.s32 $0xFFFFD800;
	s23 =	sadd.s32 s26, s22  }
0xa7: {  	[tilespmem:s4], [sflag:$0x1] =	stream.linear.gather [hbm4b:s23+s4], $0x50, $0x38;
	[tilespmem:$0x1E080] =	vst v63  }
0xa8: {  	s18 =	simm.s32 $0xE;
	s22 =	sadd.s32 s30, s22  }
0xa9: {  	[tilespmem:s13], [sflag:$0x1] =	stream.linear.gather [hbm4b:s22+s4], $0x50, $0x38;
	[tilespmem:$0x1E080] =	vst v63  }
0xaa: {  	_ =	swait.ge [sflag:s18], $0x2800  }
0xab: {  	s23 =	rddreg [dreg:$0x11];
	[sflag:s18] =	ssyncset.done $0x0  }
0xac: {  	s30 =	rddreg [dreg:$0x10];
	[sflag:s18] =	ssyncadd.s32 $0xFFFFD800;
	s22 =	sadd.s32 $0x0, s23  }
0xad: {  	[tilespmem:s20], [sflag:$0x2] =	stream.linear.gather [hbm4b:s22+s4], $0x50, $0x38;
	[tilespmem:$0x1E080] =	vst v63  }
0xae: {  	s15 =	simm.s32 $0xF;
	s8 =	sadd.s32 $0x0, s30  }
0xaf: {  	[tilespmem:s28], [sflag:$0x2] =	stream.linear.gather [hbm4b:s8+s4], $0x50, $0x38;
	[tilespmem:$0x1E080] =	vst v63  }
0xb0: {  	_ =	swait.ge [sflag:s15], $0x2800  }
0xb1: {  	s13 =	rddreg [dreg:$0xf];
	[sflag:s15] =	ssyncset.done $0x0  }
0xb2: {  	s16 =	rddreg [dreg:$0xe];
	[sflag:s15] =	ssyncadd.s32 $0xFFFFD800;
	s22 =	sadd.s32 $0x0, s13  }
0xb3: {  	[tilespmem:s10], [sflag:$0x3] =	stream.linear.gather [hbm4b:s22+s4], $0x50, $0x38;
	[tilespmem:$0x1E080] =	vst v63  }
0xb4: {  	s8 =	simm.s32 $0x10;
	s17 =	sadd.s32 $0x0, s16  }
0xb5: {  	[tilespmem:s12], [sflag:$0x3] =	stream.linear.gather [hbm4b:s17+s4], $0x50, $0x38;
	[tilespmem:$0x1E080] =	vst v63  }
0xb6: {  	_ =	swait.ge [sflag:s8], $0x2800  }
0xb7: {  	s19 =	rddreg [dreg:$0xd];
	[sflag:s8] =	ssyncset.done $0x0  }
0xb8: {  	s20 =	rddreg [dreg:$0xc];
	[sflag:s8] =	ssyncadd.s32 $0xFFFFD800;
	s22 =	sadd.s32 $0x0, s19  }
0xb9: {  	[tilespmem:s21], [sflag:$0x4] =	stream.linear.gather [hbm4b:s22+s4], $0x50, $0x38;
	[tilespmem:$0x1E080] =	vst v63  }
0xba: {  	s21 =	sadd.s32 $0x0, s20;
	s22 =	simm.s32 $0x5  }
0xbb: {  	[tilespmem:s3], [sflag:$0x4] =	stream.linear.gather [hbm4b:s21+s4], $0x50, $0x38;
	[tilespmem:$0x1E080] =	vst v63  }
0xbc: {  	_ =	swait.ge [sflag:s22], $0x50  }
0xbd: {  	[sflag:s22] =	ssyncset.done $0x0  }
0xbe: {  	[sflag:s22] =	ssyncadd.s32 $0xFFFFFFB0  }
0xbf: {  	_ =	swait.ge [sflag:s22], $0x50  }
0xc0: {  	[sflag:s22] =	ssyncset.done $0x0  }
0xc1: {  	s23 =	simm.s32 $0x200;
	s19 =	simm.s32 $0x6;
	[sflag:s22] =	ssyncadd.s32 $0xFFFFFFB0  }
0xc2: {  	[tilespmem:s1], [sflag:$0x9] =	stream.indirect.gather [hbm4b:s5+s0], $0x80, s23, s0, $0xb8;
	[tilespmem:$0x1E080] =	vst v63  }
0xc3: {  	_ =	swait.ge [sflag:s19], $0x50  }
0xc4: {  	[sflag:s19] =	ssyncset.done $0x0  }
0xc5: {  	[sflag:s19] =	ssyncadd.s32 $0xFFFFFFB0  }
0xc6: {  	_ =	swait.ge [sflag:s19], $0x50  }
0xc7: {  	[sflag:s19] =	ssyncset.done $0x0  }
0xc8: {  	s17 =	simm.s32 $0x280;
	s20 =	simm.s32 $0x7;
	[sflag:s19] =	ssyncadd.s32 $0xFFFFFFB0  }
0xc9: {  	[tilespmem:s24], [sflag:$0xA] =	stream.indirect.gather [hbm4b:s5+s0], $0x80, s17, s0, $0xb8;
	[tilespmem:$0x1E080] =	vst v63  }
0xca: {  	_ =	swait.ge [sflag:s20], $0x50  }
0xcb: {  	[sflag:s20] =	ssyncset.done $0x0  }
0xcc: {  	[sflag:s20] =	ssyncadd.s32 $0xFFFFFFB0  }
0xcd: {  	_ =	swait.ge [sflag:s20], $0x50  }
0xce: {  	[sflag:s20] =	ssyncset.done $0x0  }
0xcf: {  	s16 =	simm.s32 $0x300;
	s13 =	simm.s32 $0x8;
	[sflag:s20] =	ssyncadd.s32 $0xFFFFFFB0  }
0xd0: {  	[tilespmem:s31], [sflag:$0xB] =	stream.indirect.gather [hbm4b:s5+s0], $0x80, s16, s0, $0xb8;
	[tilespmem:$0x1E080] =	vst v63  }
0xd1: {  	_ =	swait.ge [sflag:s13], $0x50  }
0xd2: {  	[sflag:s13] =	ssyncset.done $0x0  }
0xd3: {  	[sflag:s13] =	ssyncadd.s32 $0xFFFFFFB0  }
0xd4: {  	_ =	swait.ge [sflag:s13], $0x50  }
0xd5: {  	[sflag:s13] =	ssyncset.done $0x0  }
0xd6: {  	s3 =	simm.s32 $0x380;
	[sflag:s13] =	ssyncadd.s32 $0xFFFFFFB0  }
0xd7: {  	[tilespmem:s7], [sflag:$0xC] =	stream.indirect.gather [hbm4b:s5+s0], $0x80, s3, s0, $0xb8;
	[tilespmem:$0x1E080] =	vst v63  }
0xd8: {  	_ =	swait.ge [sflag:s14], $0x2800  }
0xd9: {  	[sflag:s14] =	ssyncset.done $0x0  }
0xda: {  	[sflag:s14] =	ssyncadd.s32 $0xFFFFD800;
	s14 =	simm.s32 $0x600  }
0xdb: {  	[spmem:s29] =	stream.indirect.scatter.add.f32 [tilespmem:s1], [sflag:$0xD], $0x80, s14, s0, $0xb8;
	[tilespmem:$0x1E080] =	vst v63  }
0xdc: {  	_ =	swait.ge [sflag:s2], $0x2800  }
0xdd: {  	[sflag:s2] =	ssyncset.done $0x0  }
0xde: {  	s21 =	simm.s32 $0x680;
	[sflag:s2] =	ssyncadd.s32 $0xFFFFD800  }
0xdf: {  	[spmem:s29] =	stream.indirect.scatter.add.f32 [tilespmem:s24], [sflag:$0xE], $0x80, s21, s0, $0xb8;
	[tilespmem:$0x1E080] =	vst v63  }
0xe0: {  	_ =	swait.ge [sflag:s6], $0x2800  }
0xe1: {  	[sflag:s6] =	ssyncset.done $0x0  }
0xe2: {  	s30 =	simm.s32 $0x700;
	[sflag:s6] =	ssyncadd.s32 $0xFFFFD800  }
0xe3: {  	[spmem:s29] =	stream.indirect.scatter.add.f32 [tilespmem:s31], [sflag:$0xF], $0x80, s30, s0, $0xb8;
	[tilespmem:$0x1E080] =	vst v63  }
0xe4: {  	_ =	swait.ge [sflag:s11], $0x2800  }
0xe5: {  	[sflag:s11] =	ssyncset.done $0x0  }
0xe6: {  	s31 =	simm.s32 $0x780;
	[sflag:s11] =	ssyncadd.s32 $0xFFFFD800  }
0xe7: {  	[spmem:s29] =	stream.indirect.scatter.add.f32 [tilespmem:s7], [sflag:$0x10], $0x80, s31, s0, $0xb8;
	[tilespmem:$0x1E080] =	vst v63  }
0xe8: {  	_ =	swait.ge [sflag:s9], $0x2800  }
0xe9: {  	s7 =	rddreg [dreg:$0xb];
	[sflag:s9] =	ssyncset.done $0x0  }
0xea: {  	s11 =	rddreg [dreg:$0xa];
	[sflag:s9] =	ssyncadd.s32 $0xFFFFD800;
	s22 =	sadd.s32 $0x0, s7  }
0xeb: {  	[tilespmem:s23], [sflag:$0x5] =	stream.linear.gather [hbm4b:s22+s4], $0x50, $0x38;
	[tilespmem:$0x1E080] =	vst v63  }
0xec: {  	s12 =	sadd.s32 $0x0, s11  }
0xed: {  	[tilespmem:s14], [sflag:$0x5] =	stream.linear.gather [hbm4b:s12+s4], $0x50, $0x38;
	[tilespmem:$0x1E080] =	vst v63  }
0xee: {  	_ =	swait.ge [sflag:s18], $0x2800  }
0xef: {  	s13 =	rddreg [dreg:$0x9];
	[sflag:s18] =	ssyncset.done $0x0  }
0xf0: {  	s14 =	rddreg [dreg:$0x8];
	[sflag:s18] =	ssyncadd.s32 $0xFFFFD800;
	s22 =	sadd.s32 $0x0, s13  }
0xf1: {  	[tilespmem:s17], [sflag:$0x6] =	stream.linear.gather [hbm4b:s22+s4], $0x50, $0x38;
	[tilespmem:$0x1E080] =	vst v63  }
0xf2: {  	s17 =	sadd.s32 $0x0, s14  }
0xf3: {  	[tilespmem:s21], [sflag:$0x6] =	stream.linear.gather [hbm4b:s17+s4], $0x50, $0x38;
	[tilespmem:$0x1E080] =	vst v63  }
0xf4: {  	_ =	swait.ge [sflag:s15], $0x2800  }
0xf5: {  	s18 =	rddreg [dreg:$0x7];
	[sflag:s15] =	ssyncset.done $0x0  }
0xf6: {  	s21 =	rddreg [dreg:$0x6];
	[sflag:s15] =	ssyncadd.s32 $0xFFFFD800;
	s22 =	sadd.s32 $0x0, s18  }
0xf7: {  	[tilespmem:s16], [sflag:$0x7] =	stream.linear.gather [hbm4b:s22+s4], $0x50, $0x38;
	[tilespmem:$0x1E080] =	vst v63  }
0xf8: {  	s24 =	sadd.s32 $0x0, s21  }
0xf9: {  	[tilespmem:s30], [sflag:$0x7] =	stream.linear.gather [hbm4b:s24+s4], $0x50, $0x38;
	[tilespmem:$0x1E080] =	vst v63  }
0xfa: {  	_ =	swait.ge [sflag:s8], $0x2800  }
0xfb: {  	s30 =	rddreg [dreg:$0x5];
	[sflag:s8] =	ssyncset.done $0x0  }
0xfc: {  	s31 =	rddreg [dreg:$0x4];
	[sflag:s8] =	ssyncadd.s32 $0xFFFFD800;
	s22 =	sadd.s32 $0x0, s30  }
0xfd: {  	[tilespmem:s3], [sflag:$0x8] =	stream.linear.gather [hbm4b:s22+s4], $0x50, $0x38;
	[tilespmem:$0x1E080] =	vst v63  }
0xfe: {  	s23 =	sadd.s32 $0x280, s25;
	s24 =	sadd.s32 $0x0, s31;
	s22 =	simm.s32 $0x50  }
.LBB2_6:
0xff: {  	s1 =	simm.s32 $0x780;
	s25 =	simm.s32 $0x1  }
0x100: {  	[tilespmem:s1], [sflag:$0x8] =	stream.linear.gather [hbm4b:s24+s4], $0x50, $0x38;
	[tilespmem:$0x1E080] =	vst v63  }
0x101: {  	_ =	swait.ge [sflag:s25], $0x50  }
0x102: {  	[sflag:s25] =	ssyncset.done $0x0  }
0x103: {  	[sflag:s25] =	ssyncadd.s32 $0xFFFFFFB0  }
0x104: {  	_ =	swait.ge [sflag:s25], $0x50  }
0x105: {  	[sflag:s25] =	ssyncset.done $0x0  }
0x106: {  	s2 =	simm.s32 $0x2;
	s1 =	simm.s32 $0x800;
	[sflag:s25] =	ssyncadd.s32 $0xFFFFFFB0  }
0x107: {  	[tilespmem:s1], [sflag:$0x9] =	stream.indirect.gather [hbm4b:s5+s0], $0x80, s4, s0, $0xb8;
	[tilespmem:$0x1E080] =	vst v63  }
0x108: {  	_ =	swait.ge [sflag:s2], $0x50  }
0x109: {  	[sflag:s2] =	ssyncset.done $0x0  }
0x10a: {  	[sflag:s2] =	ssyncadd.s32 $0xFFFFFFB0  }
0x10b: {  	_ =	swait.ge [sflag:s2], $0x50  }
0x10c: {  	s11 =	simm.s32 $0x3000;
	[sflag:s2] =	ssyncset.done $0x0  }
0x10d: {  	s8 =	simm.s32 $0x80;
	s7 =	simm.s32 $0x3;
	[sflag:s2] =	ssyncadd.s32 $0xFFFFFFB0  }
0x10e: {  	[tilespmem:s11], [sflag:$0xA] =	stream.indirect.gather [hbm4b:s5+s0], $0x80, s8, s0, $0xb8;
	[tilespmem:$0x1E080] =	vst v63  }
0x10f: {  	_ =	swait.ge [sflag:s7], $0x50  }
0x110: {  	[sflag:s7] =	ssyncset.done $0x0  }
0x111: {  	[sflag:s7] =	ssyncadd.s32 $0xFFFFFFB0  }
0x112: {  	_ =	swait.ge [sflag:s7], $0x50  }
0x113: {  	[sflag:s7] =	ssyncset.done $0x0  }
0x114: {  	s31 =	simm.s32 $0x5800;
	s2 =	simm.s32 $0x4;
	[sflag:s7] =	ssyncadd.s32 $0xFFFFFFB0  }
0x115: {  	[tilespmem:s31], [sflag:$0xB] =	stream.indirect.gather [hbm4b:s5+s0], $0x80, s10, s0, $0xb8;
	[tilespmem:$0x1E080] =	vst v63  }
0x116: {  	_ =	swait.ge [sflag:s2], $0x50  }
0x117: {  	[sflag:s2] =	ssyncset.done $0x0  }
0x118: {  	[sflag:s2] =	ssyncadd.s32 $0xFFFFFFB0  }
0x119: {  	_ =	swait.ge [sflag:s2], $0x50  }
0x11a: {  	s21 =	simm.s32 $0x180;
	[sflag:s2] =	ssyncset.done $0x0  }
0x11b: {  	s14 =	simm.s32 $0x9;
	s7 =	simm.s32 $0x8000;
	[sflag:s2] =	ssyncadd.s32 $0xFFFFFFB0  }
0x11c: {  	[tilespmem:s7], [sflag:$0xC] =	stream.indirect.gather [hbm4b:s5+s0], $0x80, s21, s0, $0xb8;
	[tilespmem:$0x1E080] =	vst v63  }
0x11d: {  	_ =	swait.ge [sflag:s14], $0x2800  }
0x11e: {  	[sflag:s14] =	ssyncset.done $0x0  }
0x11f: {  	s18 =	simm.s32 $0x400;
	s17 =	simm.s32 $0xA;
	[sflag:s14] =	ssyncadd.s32 $0xFFFFD800  }
0x120: {  	[spmem:s29] =	stream.indirect.scatter.add.f32 [tilespmem:s1], [sflag:$0xD], $0x80, s18, s0, $0xb8;
	[tilespmem:$0x1E080] =	vst v63  }
0x121: {  	_ =	swait.ge [sflag:s17], $0x2800  }
0x122: {  	[sflag:s17] =	ssyncset.done $0x0  }
0x123: {  	s6 =	simm.s32 $0xB;
	[sflag:s17] =	ssyncadd.s32 $0xFFFFD800  }
0x124: {  	[spmem:s29] =	stream.indirect.scatter.add.f32 [tilespmem:s11], [sflag:$0xE], $0x80, s28, s0, $0xb8;
	[tilespmem:$0x1E080] =	vst v63  }
0x125: {  	_ =	swait.ge [sflag:s6], $0x2800  }
0x126: {  	[sflag:s6] =	ssyncset.done $0x0  }
0x127: {  	s12 =	simm.s32 $0xC;
	s2 =	simm.s32 $0x500;
	[sflag:s6] =	ssyncadd.s32 $0xFFFFD800  }
0x128: {  	[spmem:s29] =	stream.indirect.scatter.add.f32 [tilespmem:s31], [sflag:$0xF], $0x80, s2, s0, $0xb8;
	[tilespmem:$0x1E080] =	vst v63  }
0x129: {  	_ =	swait.ge [sflag:s12], $0x2800  }
0x12a: {  	[sflag:s12] =	ssyncset.done $0x0  }
0x12b: {  	s13 =	simm.s32 $0x580;
	s9 =	simm.s32 $0xD;
	[sflag:s12] =	ssyncadd.s32 $0xFFFFD800  }
0x12c: {  	[spmem:s29] =	stream.indirect.scatter.add.f32 [tilespmem:s7], [sflag:$0x10], $0x80, s13, s0, $0xb8;
	[tilespmem:$0x1E080] =	vst v63  }
0x12d: {  	_ =	swait.ge [sflag:s9], $0x2800  }
0x12e: {  	s25 =	sshrl.u32 s23, $0x3;
	[sflag:s9] =	ssyncset.done $0x0  }
0x12f: {  	s3 =	sadd.s32 s26, s25;
	[sflag:s9] =	ssyncadd.s32 $0xFFFFD800  }
0x130: {  	[tilespmem:s4], [sflag:$0x1] =	stream.linear.gather [hbm4b:s3+s4], $0x50, $0x38;
	[tilespmem:$0x1E080] =	vst v63  }
0x131: {  	s3 =	rddreg [dreg:$0x12]  }
0x132: {  	s30 =	simm.s32 $0xE;
	s25 =	sadd.s32 s3, s25  }
0x133: {  	[tilespmem:s18], [sflag:$0x1] =	stream.linear.gather [hbm4b:s25+s4], $0x50, $0x38;
	[tilespmem:$0x1E080] =	vst v63  }
0x134: {  	_ =	swait.ge [sflag:s30], $0x2800  }
0x135: {  	s24 =	smov.u32 s22;
	s15 =	rddreg [dreg:$0x11];
	[sflag:s30] =	ssyncset.done $0x0  }
0x136: {  	s16 =	rddreg [dreg:$0x10];
	[sflag:s30] =	ssyncadd.s32 $0xFFFFD800;
	s25 =	sadd.s32 s24, s15  }
0x137: {  	[tilespmem:s8], [sflag:$0x2] =	stream.linear.gather [hbm4b:s25+s4], $0x50, $0x38;
	[tilespmem:$0x1E080] =	vst v63  }
0x138: {  	s10 =	simm.s32 $0x480;
	s18 =	sadd.s32 s24, s16;
	s15 =	simm.s32 $0xF  }
0x139: {  	[tilespmem:s10], [sflag:$0x2] =	stream.linear.gather [hbm4b:s18+s4], $0x50, $0x38;
	[tilespmem:$0x1E080] =	vst v63  }
0x13a: {  	s28 =	smov.u32 s26;
	_ =	swait.ge [sflag:s15], $0x2800  }
0x13b: {  	s10 =	simm.s32 $0x100;
	s26 =	rddreg [dreg:$0xf];
	[sflag:s15] =	ssyncset.done $0x0  }
0x13c: {  	s3 =	rddreg [dreg:$0xe];
	[sflag:s15] =	ssyncadd.s32 $0xFFFFD800;
	s25 =	sadd.s32 s24, s26  }
0x13d: {  	[tilespmem:s10], [sflag:$0x3] =	stream.linear.gather [hbm4b:s25+s4], $0x50, $0x38;
	[tilespmem:$0x1E080] =	vst v63  }
0x13e: {  	s8 =	sadd.s32 s24, s3  }
0x13f: {  	[tilespmem:s2], [sflag:$0x3] =	stream.linear.gather [hbm4b:s8+s4], $0x50, $0x38;
	[tilespmem:$0x1E080] =	vst v63  }
0x140: {  	s2 =	simm.s32 $0x10  }
0x141: {  	_ =	swait.ge [sflag:s2], $0x2800  }
0x142: {  	s16 =	rddreg [dreg:$0xd];
	[sflag:s2] =	ssyncset.done $0x0  }
0x143: {  	s18 =	rddreg [dreg:$0xc];
	[sflag:s2] =	ssyncadd.s32 $0xFFFFD800;
	s25 =	sadd.s32 s24, s16  }
0x144: {  	[tilespmem:s21], [sflag:$0x4] =	stream.linear.gather [hbm4b:s25+s4], $0x50, $0x38;
	[tilespmem:$0x1E080] =	vst v63  }
0x145: {  	s21 =	sadd.s32 s24, s18;
	s25 =	simm.s32 $0x5  }
0x146: {  	[tilespmem:s13], [sflag:$0x4] =	stream.linear.gather [hbm4b:s21+s4], $0x50, $0x38;
	[tilespmem:$0x1E080] =	vst v63  }
0x147: {  	_ =	swait.ge [sflag:s25], $0x50  }
0x148: {  	[sflag:s25] =	ssyncset.done $0x0  }
0x149: {  	[sflag:s25] =	ssyncadd.s32 $0xFFFFFFB0  }
0x14a: {  	_ =	swait.ge [sflag:s25], $0x50  }
0x14b: {  	[sflag:s25] =	ssyncset.done $0x0  }
0x14c: {  	s26 =	simm.s32 $0x200;
	[sflag:s25] =	ssyncadd.s32 $0xFFFFFFB0  }
0x14d: {  	[tilespmem:s1], [sflag:$0x9] =	stream.indirect.gather [hbm4b:s5+s0], $0x80, s26, s0, $0xb8;
	[tilespmem:$0x1E080] =	vst v63  }
0x14e: {  	_ =	swait.ge [sflag:s19], $0x50  }
0x14f: {  	[sflag:s19] =	ssyncset.done $0x0  }
0x150: {  	[sflag:s19] =	ssyncadd.s32 $0xFFFFFFB0  }
0x151: {  	_ =	swait.ge [sflag:s19], $0x50  }
0x152: {  	[sflag:s19] =	ssyncset.done $0x0  }
0x153: {  	s18 =	simm.s32 $0x280;
	[sflag:s19] =	ssyncadd.s32 $0xFFFFFFB0  }
0x154: {  	[tilespmem:s11], [sflag:$0xA] =	stream.indirect.gather [hbm4b:s5+s0], $0x80, s18, s0, $0xb8;
	[tilespmem:$0x1E080] =	vst v63  }
0x155: {  	_ =	swait.ge [sflag:s20], $0x50  }
0x156: {  	[sflag:s20] =	ssyncset.done $0x0  }
0x157: {  	[sflag:s20] =	ssyncadd.s32 $0xFFFFFFB0  }
0x158: {  	_ =	swait.ge [sflag:s20], $0x50  }
0x159: {  	[sflag:s20] =	ssyncset.done $0x0  }
0x15a: {  	s16 =	simm.s32 $0x300;
	s13 =	simm.s32 $0x8;
	[sflag:s20] =	ssyncadd.s32 $0xFFFFFFB0  }
0x15b: {  	[tilespmem:s31], [sflag:$0xB] =	stream.indirect.gather [hbm4b:s5+s0], $0x80, s16, s0, $0xb8;
	[tilespmem:$0x1E080] =	vst v63  }
0x15c: {  	_ =	swait.ge [sflag:s13], $0x50  }
0x15d: {  	[sflag:s13] =	ssyncset.done $0x0  }
0x15e: {  	[sflag:s13] =	ssyncadd.s32 $0xFFFFFFB0  }
0x15f: {  	_ =	swait.ge [sflag:s13], $0x50  }
0x160: {  	[sflag:s13] =	ssyncset.done $0x0  }
0x161: {  	s3 =	simm.s32 $0x380;
	[sflag:s13] =	ssyncadd.s32 $0xFFFFFFB0  }
0x162: {  	[tilespmem:s7], [sflag:$0xC] =	stream.indirect.gather [hbm4b:s5+s0], $0x80, s3, s0, $0xb8;
	[tilespmem:$0x1E080] =	vst v63  }
0x163: {  	_ =	swait.ge [sflag:s14], $0x2800  }
0x164: {  	[sflag:s14] =	ssyncset.done $0x0  }
0x165: {  	s13 =	simm.s32 $0x600;
	[sflag:s14] =	ssyncadd.s32 $0xFFFFD800  }
0x166: {  	[spmem:s29] =	stream.indirect.scatter.add.f32 [tilespmem:s1], [sflag:$0xD], $0x80, s13, s0, $0xb8;
	[tilespmem:$0x1E080] =	vst v63  }
0x167: {  	_ =	swait.ge [sflag:s17], $0x2800  }
0x168: {  	[sflag:s17] =	ssyncset.done $0x0  }
0x169: {  	s1 =	simm.s32 $0x680;
	[sflag:s17] =	ssyncadd.s32 $0xFFFFD800  }
0x16a: {  	[spmem:s29] =	stream.indirect.scatter.add.f32 [tilespmem:s11], [sflag:$0xE], $0x80, s1, s0, $0xb8;
	[tilespmem:$0x1E080] =	vst v63  }
0x16b: {  	_ =	swait.ge [sflag:s6], $0x2800  }
0x16c: {  	[sflag:s6] =	ssyncset.done $0x0  }
0x16d: {  	[sflag:s6] =	ssyncadd.s32 $0xFFFFD800;
	s6 =	simm.s32 $0x700  }
0x16e: {  	[spmem:s29] =	stream.indirect.scatter.add.f32 [tilespmem:s31], [sflag:$0xF], $0x80, s6, s0, $0xb8;
	[tilespmem:$0x1E080] =	vst v63  }
0x16f: {  	_ =	swait.ge [sflag:s12], $0x2800  }
0x170: {  	[sflag:s12] =	ssyncset.done $0x0  }
0x171: {  	s14 =	simm.s32 $0x780;
	[sflag:s12] =	ssyncadd.s32 $0xFFFFD800  }
0x172: {  	[spmem:s29] =	stream.indirect.scatter.add.f32 [tilespmem:s7], [sflag:$0x10], $0x80, s14, s0, $0xb8;
	[tilespmem:$0x1E080] =	vst v63  }
0x173: {  	_ =	swait.ge [sflag:s9], $0x2800  }
0x174: {  	s17 =	rddreg [dreg:$0xb];
	[sflag:s9] =	ssyncset.done $0x0  }
0x175: {  	s21 =	rddreg [dreg:$0xa];
	[sflag:s9] =	ssyncadd.s32 $0xFFFFD800;
	s25 =	sadd.s32 s24, s17  }
0x176: {  	[tilespmem:s26], [sflag:$0x5] =	stream.linear.gather [hbm4b:s25+s4], $0x50, $0x38;
	[tilespmem:$0x1E080] =	vst v63  }
0x177: {  	s7 =	sadd.s32 s24, s21  }
0x178: {  	[tilespmem:s13], [sflag:$0x5] =	stream.linear.gather [hbm4b:s7+s4], $0x50, $0x38;
	[tilespmem:$0x1E080] =	vst v63  }
0x179: {  	_ =	swait.ge [sflag:s30], $0x2800  }
0x17a: {  	s8 =	rddreg [dreg:$0x9];
	[sflag:s30] =	ssyncset.done $0x0  }
0x17b: {  	s9 =	rddreg [dreg:$0x8];
	[sflag:s30] =	ssyncadd.s32 $0xFFFFD800;
	s25 =	sadd.s32 s24, s8  }
0x17c: {  	[tilespmem:s18], [sflag:$0x6] =	stream.linear.gather [hbm4b:s25+s4], $0x50, $0x38;
	[tilespmem:$0x1E080] =	vst v63  }
0x17d: {  	p1 =	sne.s32 s22, $0x410;
	s11 =	sadd.s32 s24, s9  }
0x17e: {  	[tilespmem:s1], [sflag:$0x6] =	stream.linear.gather [hbm4b:s11+s4], $0x50, $0x38;
	[tilespmem:$0x1E080] =	vst v63  }
0x17f: {  	s22 =	sadd.s32 $0x50, s22;
	s23 =	sadd.s32 $0x280, s23;
	_ =	swait.ge [sflag:s15], $0x2800  }
0x180: {  	s31 =	simm.s32 $0x280;
	s12 =	rddreg [dreg:$0x7];
	[sflag:s15] =	ssyncset.done $0x0  }
0x181: {  	s14 =	rddreg [dreg:$0x6];
	[sflag:s15] =	ssyncadd.s32 $0xFFFFD800;
	s25 =	sadd.s32 s24, s12  }
0x182: {  	[tilespmem:s16], [sflag:$0x7] =	stream.linear.gather [hbm4b:s25+s4], $0x50, $0x38;
	[tilespmem:$0x1E080] =	vst v63  }
0x183: {  	s21 =	simm.s32 $0x300;
	s26 =	smov.u32 s28;
	s16 =	sadd.s32 s24, s14  }
0x184: {  	[tilespmem:s6], [sflag:$0x7] =	stream.linear.gather [hbm4b:s16+s4], $0x50, $0x38;
	[tilespmem:$0x1E080] =	vst v63  }
.Ltmp3:
0x185: {  	s28 =	simm.s32 $0x480;
	_ =	swait.ge [sflag:s2], $0x2800;
	(pc) =	sbr.rel @p1 .LBB2_6-.Ltmp3, $4  }
0x186: {  	s13 =	simm.s32 $0x680;
	s30 =	simm.s32 $0x700;
	s17 =	rddreg [dreg:$0x5]  }
0x187: {  	s11 =	simm.s32 $0x380;
	s18 =	rddreg [dreg:$0x4];
	[sflag:s2] =	ssyncset.done $0x0  }
0x188: {  	[sflag:s2] =	ssyncadd.s32 $0xFFFFD800;
	s25 =	sadd.s32 s24, s17;
	s24 =	sadd.s32 s24, s18  }
0x189: {  	[tilespmem:s3], [sflag:$0x8] =	stream.linear.gather [hbm4b:s25+s4], $0x50, $0x38;
	[tilespmem:$0x1E080] =	vst v63  }
0x18a: {  	s1 =	simm.s32 $0x780  }
0x18b: {  	[tilespmem:s1], [sflag:$0x8] =	stream.linear.gather [hbm4b:s24+s4], $0x50, $0x38;
	[tilespmem:$0x1E080] =	vst v63  }
0x18c: {  	s1 =	simm.s32 $0x1  }
0x18d: {  	_ =	swait.ge [sflag:s1], $0x50  }
0x18e: {  	[sflag:s1] =	ssyncset.done $0x0  }
0x18f: {  	[sflag:s1] =	ssyncadd.s32 $0xFFFFFFB0  }
0x190: {  	_ =	swait.ge [sflag:s1], $0x50  }
0x191: {  	[sflag:s1] =	ssyncset.done $0x0  }
0x192: {  	s8 =	simm.s32 $0x800;
	s2 =	simm.s32 $0x2;
	[sflag:s1] =	ssyncadd.s32 $0xFFFFFFB0  }
0x193: {  	[tilespmem:s8], [sflag:$0x9] =	stream.indirect.gather [hbm4b:s5+s0], $0x80, s4, s0, $0xb8;
	[tilespmem:$0x1E080] =	vst v63  }
0x194: {  	_ =	swait.ge [sflag:s2], $0x50  }
0x195: {  	[sflag:s2] =	ssyncset.done $0x0  }
0x196: {  	[sflag:s2] =	ssyncadd.s32 $0xFFFFFFB0  }
0x197: {  	_ =	swait.ge [sflag:s2], $0x50  }
0x198: {  	s23 =	simm.s32 $0x3000;
	[sflag:s2] =	ssyncset.done $0x0  }
0x199: {  	s3 =	simm.s32 $0x80;
	s25 =	simm.s32 $0x3;
	[sflag:s2] =	ssyncadd.s32 $0xFFFFFFB0  }
0x19a: {  	[tilespmem:s23], [sflag:$0xA] =	stream.indirect.gather [hbm4b:s5+s0], $0x80, s3, s0, $0xb8;
	[tilespmem:$0x1E080] =	vst v63  }
0x19b: {  	_ =	swait.ge [sflag:s25], $0x50  }
0x19c: {  	[sflag:s25] =	ssyncset.done $0x0  }
0x19d: {  	[sflag:s25] =	ssyncadd.s32 $0xFFFFFFB0  }
0x19e: {  	_ =	swait.ge [sflag:s25], $0x50  }
0x19f: {  	[sflag:s25] =	ssyncset.done $0x0  }
0x1a0: {  	s22 =	simm.s32 $0x5800;
	s14 =	simm.s32 $0x4;
	[sflag:s25] =	ssyncadd.s32 $0xFFFFFFB0  }
0x1a1: {  	[tilespmem:s22], [sflag:$0xB] =	stream.indirect.gather [hbm4b:s5+s0], $0x80, s10, s0, $0xb8;
	[tilespmem:$0x1E080] =	vst v63  }
0x1a2: {  	_ =	swait.ge [sflag:s14], $0x50  }
0x1a3: {  	[sflag:s14] =	ssyncset.done $0x0  }
0x1a4: {  	[sflag:s14] =	ssyncadd.s32 $0xFFFFFFB0  }
0x1a5: {  	_ =	swait.ge [sflag:s14], $0x50  }
0x1a6: {  	[sflag:s14] =	ssyncset.done $0x0  }
0x1a7: {  	s6 =	simm.s32 $0x180;
	s24 =	simm.s32 $0x8000;
	[sflag:s14] =	ssyncadd.s32 $0xFFFFFFB0  }
0x1a8: {  	[tilespmem:s24], [sflag:$0xC] =	stream.indirect.gather [hbm4b:s5+s0], $0x80, s6, s0, $0xb8;
	[tilespmem:$0x1E080] =	vst v63  }
0x1a9: {  	s24 =	simm.s32 $0x9  }
0x1aa: {  	_ =	swait.ge [sflag:s24], $0x2800  }
0x1ab: {  	[sflag:s24] =	ssyncset.done $0x0  }
0x1ac: {  	s7 =	simm.s32 $0x400;
	s17 =	simm.s32 $0xA;
	[sflag:s24] =	ssyncadd.s32 $0xFFFFD800  }
0x1ad: {  	[spmem:s29] =	stream.indirect.scatter.add.f32 [tilespmem:s8], [sflag:$0xD], $0x80, s7, s0, $0xb8;
	[tilespmem:$0x1E080] =	vst v63  }
0x1ae: {  	_ =	swait.ge [sflag:s17], $0x2800  }
0x1af: {  	[sflag:s17] =	ssyncset.done $0x0  }
0x1b0: {  	s7 =	simm.s32 $0xB;
	[sflag:s17] =	ssyncadd.s32 $0xFFFFD800  }
0x1b1: {  	[spmem:s29] =	stream.indirect.scatter.add.f32 [tilespmem:s23], [sflag:$0xE], $0x80, s28, s0, $0xb8;
	[tilespmem:$0x1E080] =	vst v63  }
0x1b2: {  	_ =	swait.ge [sflag:s7], $0x2800  }
0x1b3: {  	[sflag:s7] =	ssyncset.done $0x0  }
0x1b4: {  	s9 =	simm.s32 $0x5800;
	s12 =	simm.s32 $0x500;
	[sflag:s7] =	ssyncadd.s32 $0xFFFFD800  }
0x1b5: {  	[spmem:s29] =	stream.indirect.scatter.add.f32 [tilespmem:s9], [sflag:$0xF], $0x80, s12, s0, $0xb8;
	[tilespmem:$0x1E080] =	vst v63  }
0x1b6: {  	s12 =	simm.s32 $0xC  }
0x1b7: {  	_ =	swait.ge [sflag:s12], $0x2800  }
0x1b8: {  	s18 =	simm.s32 $0x8000;
	[sflag:s12] =	ssyncset.done $0x0  }
0x1b9: {  	s22 =	simm.s32 $0x580;
	s9 =	simm.s32 $0xD;
	[sflag:s12] =	ssyncadd.s32 $0xFFFFD800  }
0x1ba: {  	[spmem:s29] =	stream.indirect.scatter.add.f32 [tilespmem:s18], [sflag:$0x10], $0x80, s22, s0, $0xb8;
	[tilespmem:$0x1E080] =	vst v63  }
0x1bb: {  	_ =	swait.ge [sflag:s9], $0x2800  }
0x1bc: {  	s22 =	sld [smem:$0x7ED]  }
0x1bd: {  	[sflag:s9] =	ssyncset.done $0x0  }
0x1be: {  	s6 =	sld [smem:$0x7EE];
	[sflag:s9] =	ssyncadd.s32 $0xFFFFD800  }
0x1bf: {  	[tilespmem:s4], [sflag:$0x1] =	stream.linear.gather [hbm4b:s22+s4], $0x50, $0x38;
	[tilespmem:$0x1E080] =	vst v63  }
0x1c0: {  	s16 =	simm.s32 $0x400  }
0x1c1: {  	[tilespmem:s16], [sflag:$0x1] =	stream.linear.gather [hbm4b:s6+s4], $0x50, $0x38;
	[tilespmem:$0x1E080] =	vst v63  }
0x1c2: {  	s16 =	simm.s32 $0xE  }
0x1c3: {  	_ =	swait.ge [sflag:s16], $0x2800  }
0x1c4: {  	s6 =	sld [smem:$0x7EF]  }
0x1c5: {  	[sflag:s16] =	ssyncset.done $0x0  }
0x1c6: {  	s15 =	simm.s32 $0x80;
	[sflag:s16] =	ssyncadd.s32 $0xFFFFD800  }
0x1c7: {  	[tilespmem:s15], [sflag:$0x2] =	stream.linear.gather [hbm4b:s6+s4], $0x50, $0x38;
	[tilespmem:$0x1E080] =	vst v63  }
0x1c8: {  	s15 =	sld [smem:$0x7F0];
	_ =	sdelay $0x2  }
0x1c9: {  	[tilespmem:s28], [sflag:$0x2] =	stream.linear.gather [hbm4b:s15+s4], $0x50, $0x38;
	[tilespmem:$0x1E080] =	vst v63  }
0x1ca: {  	s15 =	simm.s32 $0xF  }
0x1cb: {  	_ =	swait.ge [sflag:s15], $0x2800  }
0x1cc: {  	s6 =	sld [smem:$0x7F1]  }
0x1cd: {  	[sflag:s15] =	ssyncset.done $0x0  }
0x1ce: {  	[sflag:s15] =	ssyncadd.s32 $0xFFFFD800  }
0x1cf: {  	[tilespmem:s10], [sflag:$0x3] =	stream.linear.gather [hbm4b:s6+s4], $0x50, $0x38;
	[tilespmem:$0x1E080] =	vst v63  }
0x1d0: {  	s6 =	sld [smem:$0x7F2];
	_ =	sdelay $0x1  }
0x1d1: {  	s3 =	simm.s32 $0x500  }
0x1d2: {  	[tilespmem:s3], [sflag:$0x3] =	stream.linear.gather [hbm4b:s6+s4], $0x50, $0x38;
	[tilespmem:$0x1E080] =	vst v63  }
0x1d3: {  	s6 =	simm.s32 $0x10  }
0x1d4: {  	_ =	swait.ge [sflag:s6], $0x2800  }
0x1d5: {  	s22 =	sld [smem:$0x7F3]  }
0x1d6: {  	[sflag:s6] =	ssyncset.done $0x0  }
0x1d7: {  	s3 =	simm.s32 $0x180;
	[sflag:s6] =	ssyncadd.s32 $0xFFFFD800  }
0x1d8: {  	[tilespmem:s3], [sflag:$0x4] =	stream.linear.gather [hbm4b:s22+s4], $0x50, $0x38;
	[tilespmem:$0x1E080] =	vst v63  }
0x1d9: {  	s3 =	sld [smem:$0x7F4];
	_ =	sdelay $0x1  }
0x1da: {  	s18 =	simm.s32 $0x580  }
0x1db: {  	[tilespmem:s18], [sflag:$0x4] =	stream.linear.gather [hbm4b:s3+s4], $0x50, $0x38;
	[tilespmem:$0x1E080] =	vst v63  }
0x1dc: {  	s18 =	simm.s32 $0x5  }
0x1dd: {  	_ =	swait.ge [sflag:s18], $0x50  }
0x1de: {  	[sflag:s18] =	ssyncset.done $0x0  }
0x1df: {  	[sflag:s18] =	ssyncadd.s32 $0xFFFFFFB0  }
0x1e0: {  	_ =	swait.ge [sflag:s18], $0x50  }
0x1e1: {  	[sflag:s18] =	ssyncset.done $0x0  }
0x1e2: {  	s22 =	simm.s32 $0x200;
	[sflag:s18] =	ssyncadd.s32 $0xFFFFFFB0  }
0x1e3: {  	[tilespmem:s8], [sflag:$0x9] =	stream.indirect.gather [hbm4b:s5+s0], $0x80, s22, s0, $0xb8;
	[tilespmem:$0x1E080] =	vst v63  }
0x1e4: {  	_ =	swait.ge [sflag:s19], $0x50  }
0x1e5: {  	[sflag:s19] =	ssyncset.done $0x0  }
0x1e6: {  	[sflag:s19] =	ssyncadd.s32 $0xFFFFFFB0  }
0x1e7: {  	_ =	swait.ge [sflag:s19], $0x50  }
0x1e8: {  	[sflag:s19] =	ssyncset.done $0x0  }
0x1e9: {  	[sflag:s19] =	ssyncadd.s32 $0xFFFFFFB0  }
0x1ea: {  	[tilespmem:s23], [sflag:$0xA] =	stream.indirect.gather [hbm4b:s5+s0], $0x80, s31, s0, $0xb8;
	[tilespmem:$0x1E080] =	vst v63  }
0x1eb: {  	_ =	swait.ge [sflag:s20], $0x50  }
0x1ec: {  	[sflag:s20] =	ssyncset.done $0x0  }
0x1ed: {  	[sflag:s20] =	ssyncadd.s32 $0xFFFFFFB0  }
0x1ee: {  	_ =	swait.ge [sflag:s20], $0x50  }
0x1ef: {  	[sflag:s20] =	ssyncset.done $0x0  }
0x1f0: {  	[sflag:s20] =	ssyncadd.s32 $0xFFFFFFB0;
	s20 =	simm.s32 $0x5800  }
0x1f1: {  	[tilespmem:s20], [sflag:$0xB] =	stream.indirect.gather [hbm4b:s5+s0], $0x80, s21, s0, $0xb8;
	[tilespmem:$0x1E080] =	vst v63  }
0x1f2: {  	s21 =	simm.s32 $0x8  }
0x1f3: {  	_ =	swait.ge [sflag:s21], $0x50  }
0x1f4: {  	[sflag:s21] =	ssyncset.done $0x0  }
0x1f5: {  	[sflag:s21] =	ssyncadd.s32 $0xFFFFFFB0  }
0x1f6: {  	_ =	swait.ge [sflag:s21], $0x50  }
0x1f7: {  	[sflag:s21] =	ssyncset.done $0x0  }
0x1f8: {  	s22 =	simm.s32 $0x8000;
	[sflag:s21] =	ssyncadd.s32 $0xFFFFFFB0  }
0x1f9: {  	[tilespmem:s22], [sflag:$0xC] =	stream.indirect.gather [hbm4b:s5+s0], $0x80, s11, s0, $0xb8;
	[tilespmem:$0x1E080] =	vst v63  }
0x1fa: {  	_ =	swait.ge [sflag:s24], $0x2800  }
0x1fb: {  	[sflag:s24] =	ssyncset.done $0x0  }
0x1fc: {  	s3 =	simm.s32 $0x600;
	[sflag:s24] =	ssyncadd.s32 $0xFFFFD800  }
0x1fd: {  	[spmem:s29] =	stream.indirect.scatter.add.f32 [tilespmem:s8], [sflag:$0xD], $0x80, s3, s0, $0xb8;
	[tilespmem:$0x1E080] =	vst v63  }
0x1fe: {  	_ =	swait.ge [sflag:s17], $0x2800  }
0x1ff: {  	[sflag:s17] =	ssyncset.done $0x0  }
0x200: {  	[sflag:s17] =	ssyncadd.s32 $0xFFFFD800  }
0x201: {  	[spmem:s29] =	stream.indirect.scatter.add.f32 [tilespmem:s23], [sflag:$0xE], $0x80, s13, s0, $0xb8;
	[tilespmem:$0x1E080] =	vst v63  }
0x202: {  	_ =	swait.ge [sflag:s7], $0x2800  }
0x203: {  	[sflag:s7] =	ssyncset.done $0x0  }
0x204: {  	[sflag:s7] =	ssyncadd.s32 $0xFFFFD800  }
0x205: {  	[spmem:s29] =	stream.indirect.scatter.add.f32 [tilespmem:s20], [sflag:$0xF], $0x80, s30, s0, $0xb8;
	[tilespmem:$0x1E080] =	vst v63  }
0x206: {  	_ =	swait.ge [sflag:s12], $0x2800  }
0x207: {  	[sflag:s12] =	ssyncset.done $0x0  }
0x208: {  	s31 =	simm.s32 $0x780;
	[sflag:s12] =	ssyncadd.s32 $0xFFFFD800  }
0x209: {  	[spmem:s29] =	stream.indirect.scatter.add.f32 [tilespmem:s22], [sflag:$0x10], $0x80, s31, s0, $0xb8;
	[tilespmem:$0x1E080] =	vst v63  }
0x20a: {  	_ =	swait.ge [sflag:s9], $0x2800  }
0x20b: {  	s11 =	sld [smem:$0x7F7]  }
0x20c: {  	[sflag:s9] =	ssyncset.done $0x0  }
0x20d: {  	s13 =	simm.s32 $0x200;
	s19 =	sld [smem:$0x7F8];
	[sflag:s9] =	ssyncadd.s32 $0xFFFFD800  }
0x20e: {  	[tilespmem:s13], [sflag:$0x5] =	stream.linear.gather [hbm4b:s11+s4], $0x50, $0x38;
	[tilespmem:$0x1E080] =	vst v63  }
0x20f: {  	_ = 	snop  }
0x210: {  	[tilespmem:s3], [sflag:$0x5] =	stream.linear.gather [hbm4b:s19+s4], $0x50, $0x38;
	[tilespmem:$0x1E080] =	vst v63  }
0x211: {  	_ =	swait.ge [sflag:s16], $0x2800  }
0x212: {  	[sflag:s16] =	ssyncset.done $0x0  }
0x213: {  	[sflag:s16] =	ssyncadd.s32 $0xFFFFD800  }
0x214: {  	_ =	swait.ge [sflag:s15], $0x2800  }
0x215: {  	[sflag:s15] =	ssyncset.done $0x0  }
0x216: {  	[sflag:s15] =	ssyncadd.s32 $0xFFFFD800  }
0x217: {  	_ =	swait.ge [sflag:s6], $0x2800  }
0x218: {  	[sflag:s6] =	ssyncset.done $0x0  }
0x219: {  	[sflag:s6] =	ssyncadd.s32 $0xFFFFD800  }
0x21a: {  	_ =	swait.ge [sflag:s1], $0x50  }
0x21b: {  	[sflag:s1] =	ssyncset.done $0x0  }
0x21c: {  	[sflag:s1] =	ssyncadd.s32 $0xFFFFFFB0  }
0x21d: {  	_ =	swait.ge [sflag:s1], $0x50  }
0x21e: {  	[sflag:s1] =	ssyncset.done $0x0  }
0x21f: {  	[sflag:s1] =	ssyncadd.s32 $0xFFFFFFB0  }
0x220: {  	[tilespmem:s8], [sflag:$0x9] =	stream.indirect.gather [hbm4b:s5+s0], $0x80, s4, s0, $0xb8;
	[tilespmem:$0x1E080] =	vst v63  }
0x221: {  	_ =	swait.ge [sflag:s24], $0x2800  }
0x222: {  	[sflag:s24] =	ssyncset.done $0x0  }
0x223: {  	s20 =	simm.s32 $0x400;
	[sflag:s24] =	ssyncadd.s32 $0xFFFFD800  }
0x224: {  	[spmem:s29] =	stream.indirect.scatter.add.f32 [tilespmem:s8], [sflag:$0xD], $0x80, s20, s0, $0xb8;
	[tilespmem:$0x1E080] =	vst v63  }
0x225: {  	_ =	swait.ge [sflag:s9], $0x2800  }
0x226: {  	[sflag:s9] =	ssyncset.done $0x0  }
0x227: {  	[sflag:s9] =	ssyncadd.s32 $0xFFFFD800  }
0x228: {  	_ =	swait.ge [sflag:s2], $0x50  }
0x229: {  	[sflag:s2] =	ssyncset.done $0x0  }
0x22a: {  	[sflag:s2] =	ssyncadd.s32 $0xFFFFFFB0  }
0x22b: {  	_ =	swait.ge [sflag:s2], $0x50  }
0x22c: {  	[sflag:s2] =	ssyncset.done $0x0  }
0x22d: {  	s21 =	simm.s32 $0x80;
	[sflag:s2] =	ssyncadd.s32 $0xFFFFFFB0  }
0x22e: {  	[tilespmem:s23], [sflag:$0xA] =	stream.indirect.gather [hbm4b:s5+s0], $0x80, s21, s0, $0xb8;
	[tilespmem:$0x1E080] =	vst v63  }
0x22f: {  	_ =	swait.ge [sflag:s17], $0x2800  }
0x230: {  	[sflag:s17] =	ssyncset.done $0x0  }
0x231: {  	[sflag:s17] =	ssyncadd.s32 $0xFFFFD800  }
0x232: {  	[spmem:s29] =	stream.indirect.scatter.add.f32 [tilespmem:s23], [sflag:$0xE], $0x80, s28, s0, $0xb8;
	[tilespmem:$0x1E080] =	vst v63  }
0x233: {  	_ =	swait.ge [sflag:s16], $0x2800  }
0x234: {  	[sflag:s16] =	ssyncset.done $0x0  }
0x235: {  	[sflag:s16] =	ssyncadd.s32 $0xFFFFD800  }
0x236: {  	_ =	swait.ge [sflag:s25], $0x50  }
0x237: {  	[sflag:s25] =	ssyncset.done $0x0  }
0x238: {  	[sflag:s25] =	ssyncadd.s32 $0xFFFFFFB0  }
0x239: {  	_ =	swait.ge [sflag:s25], $0x50  }
0x23a: {  	[sflag:s25] =	ssyncset.done $0x0  }
0x23b: {  	s22 =	simm.s32 $0x5800;
	[sflag:s25] =	ssyncadd.s32 $0xFFFFFFB0  }
0x23c: {  	[tilespmem:s22], [sflag:$0xB] =	stream.indirect.gather [hbm4b:s5+s0], $0x80, s10, s0, $0xb8;
	[tilespmem:$0x1E080] =	vst v63  }
0x23d: {  	_ =	swait.ge [sflag:s7], $0x2800  }
0x23e: {  	[sflag:s7] =	ssyncset.done $0x0  }
0x23f: {  	s23 =	simm.s32 $0x500;
	[sflag:s7] =	ssyncadd.s32 $0xFFFFD800  }
0x240: {  	[spmem:s29] =	stream.indirect.scatter.add.f32 [tilespmem:s22], [sflag:$0xF], $0x80, s23, s0, $0xb8;
	[tilespmem:$0x1E080] =	vst v63  }
0x241: {  	_ =	swait.ge [sflag:s15], $0x2800  }
0x242: {  	[sflag:s15] =	ssyncset.done $0x0  }
0x243: {  	[sflag:s15] =	ssyncadd.s32 $0xFFFFD800  }
0x244: {  	_ =	swait.ge [sflag:s14], $0x50  }
0x245: {  	[sflag:s14] =	ssyncset.done $0x0  }
0x246: {  	[sflag:s14] =	ssyncadd.s32 $0xFFFFFFB0  }
0x247: {  	_ =	swait.ge [sflag:s14], $0x50  }
0x248: {  	[sflag:s14] =	ssyncset.done $0x0  }
0x249: {  	s30 =	simm.s32 $0x180;
	s25 =	simm.s32 $0x8000;
	[sflag:s14] =	ssyncadd.s32 $0xFFFFFFB0  }
0x24a: {  	[tilespmem:s25], [sflag:$0xC] =	stream.indirect.gather [hbm4b:s5+s0], $0x80, s30, s0, $0xb8;
	[tilespmem:$0x1E080] =	vst v63  }
0x24b: {  	_ =	swait.ge [sflag:s12], $0x2800  }
0x24c: {  	[sflag:s12] =	ssyncset.done $0x0  }
0x24d: {  	s31 =	simm.s32 $0x580;
	[sflag:s12] =	ssyncadd.s32 $0xFFFFD800  }
0x24e: {  	[spmem:s29] =	stream.indirect.scatter.add.f32 [tilespmem:s25], [sflag:$0x10], $0x80, s31, s0, $0xb8;
	[tilespmem:$0x1E080] =	vst v63  }
0x24f: {  	_ =	swait.ge [sflag:s6], $0x2800  }
0x250: {  	[sflag:s6] =	ssyncset.done $0x0  }
0x251: {  	[sflag:s6] =	ssyncadd.s32 $0xFFFFD800  }
0x252: {  	_ =	swait.ge [sflag:s18], $0x50  }
0x253: {  	[sflag:s18] =	ssyncset.done $0x0  }
0x254: {  	[sflag:s18] =	ssyncadd.s32 $0xFFFFFFB0  }
0x255: {  	_ =	swait.ge [sflag:s18], $0x50  }
0x256: {  	[sflag:s18] =	ssyncset.done $0x0  }
0x257: {  	[sflag:s18] =	ssyncadd.s32 $0xFFFFFFB0  }
0x258: {  	[tilespmem:s8], [sflag:$0x9] =	stream.indirect.gather [hbm4b:s5+s0], $0x80, s13, s0, $0xb8;
	[tilespmem:$0x1E080] =	vst v63  }
0x259: {  	_ =	swait.ge [sflag:s24], $0x2800  }
0x25a: {  	[sflag:s24] =	ssyncset.done $0x0  }
0x25b: {  	[sflag:s24] =	ssyncadd.s32 $0xFFFFD800  }
0x25c: {  	[spmem:s29] =	stream.indirect.scatter.add.f32 [tilespmem:s8], [sflag:$0xD], $0x80, s3, s0, $0xb8;
	[tilespmem:$0x1E080] =	vst v63  }
0x25d: {  	_ =	swait.ge [sflag:s9], $0x2800  }
0x25e: {  	[sflag:s9] =	ssyncset.done $0x0  }
0x25f: {  	[sflag:s9] =	ssyncadd.s32 $0xFFFFD800  }
0x260: {  	[bflag:$0x0] =	sbarrier.arrive $0xFFFF  }
0x261: {  	s28 =	sld [smem:$0x7FD];
	_ =	sdelay $0x1  }
0x262: {  	s3 =	simm.s32 $0x11  }
0x263: {  	[tilespmem:s8], [sflag:$0x11] =	stream.linear.gather [spmem:s28], $0x2800, $0x38;
	[tilespmem:$0x1E080] =	vst v63  }
0x264: {  	_ =	swait.ge [sflag:s3], $0x2800  }
0x265: {  	s23 =	sld [smem:$0x7FB]  }
0x266: {  	[sflag:s3] =	ssyncset.done $0x0  }
0x267: {  	[sflag:s3] =	ssyncadd.s32 $0xFFFFD800  }
0x268: {  	[hbm4b:s23+s4] =	stream.linear.scatter [tilespmem:s8], [sflag:$0x11], $0x2800, $0x38;
	[tilespmem:$0x1E080] =	vst v63  }
.Ltmp4:
0x269: {  	_ =	swait.ge [sflag:s3], $0x2800;
	(pc) =	sbr.rel @!p0 .LBB2_9-.Ltmp4, $4  }
0x26a: {  	s25 =	sld [smem:$0x7FC]  }
0x26b: {  	s11 =	simm.s32 $0x3;
	s1 =	simm.s32 $0x800  }
0x26c: {  	s2 =	simm.s32 $0x1;
	s9 =	simm.s32 $0x4;
	s24 =	smov.u32 s28  }
0x26d: {  	s8 =	simm.s32 $0x2;
	[sflag:s3] =	ssyncset.done $0x0;
	s22 =	sadd.s32 $0xFFFFFFFF, s25  }
.LBB2_8:
0x26e: {  	[sflag:s3] =	ssyncadd.s32 $0xFFFFD800;
	s23 =	sadd.s32 $0x5000, s23;
	s24 =	sadd.s32 $0x28000, s24  }
0x26f: {  	[tilespmem:s1], [sflag:$0x11] =	stream.linear.gather [spmem:s24], $0x2800, $0x38;
	[tilespmem:$0x1E080] =	vst v63  }
0x270: {  	p0 =	sne.s32 s22, $0x1;
	s22 =	sadd.s32 $0xFFFFFFFF, s22;
	_ =	swait.ge [sflag:s3], $0x2800  }
.Ltmp5:
0x271: {  	[sflag:s3] =	ssyncset.done $0x0;
	(pc) =	sbr.rel @p0 .LBB2_8-.Ltmp5, $4  }
0x272: {  	[sflag:s3] =	ssyncadd.s32 $0xFFFFD800  }
0x273: {  	[hbm4b:s23+s4] =	stream.linear.scatter [tilespmem:s1], [sflag:$0x11], $0x2800, $0x38;
	[tilespmem:$0x1E080] =	vst v63  }
0x274: {  	_ =	swait.ge [sflag:s3], $0x2800  }
0x275: {  	[sflag:s3] =	ssyncset.done $0x0  }
.LBB2_9:
0x276: {  	s7 =	sld [smem:$0x7EB]  }
0x277: {  	s22 =	sld [smem:$0x7F9];
	_ =	sdelay $0x1  }
0x278: {  	s7 =	sadd.s32 $0x1, s7  }
0x279: {  	p0 =	sne.s32 s7, s22  }
.Ltmp6:
0x27a: {  	_ = 	snop;
	(pc) =	sbr.rel @p0 .LBB2_1-.Ltmp6, $3  }
0x27b: {  	_ =	sdelay $0x1  }
0x27c: {  	[sflag:s3] =	ssyncadd.s32 $0xFFFFD800  }
0x27d: {  	s30 =	rddreg [dreg:$0x12];
	s23 =	simm.s32 $0x80;
	s22 =	simm.s32 $0x400  }
0x27e: {  	_ =	sfence.sel $0x180000  }
0x27f: {  	[bflag:$0x0] =	sbarrier.arrive $0xFFFF  }
0x280: {  	_ =	strace $0x9000004D  }
0x281: {  	s0 =	stileid.u32;
	[bflag:$0x2] =	sbarrier.arrive $0xFFFF  }
0x282: {  	p0 =	sne.s32 s0, $0x0;
	s0 =	rddreg [dreg:$0x3]  }
0x283: {  	s0 =	sadd.s32 @!p0 $0x100000, s0  }
0x284: {  	[sflag:s0] =	ssyncadd.tile.s32 @!p0 $0x1;
	_ =	shalt  }
.Lfunc_end2:
_tile_overlayer_lowered:
.L_overlay_start_2:
0x285: {  	(tag) =	ssettag $0x2  }
0x286: {  	s0 =	rddreg [dreg:$0x0];
	s2 =	stileid.u32  }
0x287: {  	s1 =	rddreg [dreg:$0x1];
	p0 =	sne.s32 s2, $0x0  }
0x288: {  	s3 =	rddreg [dreg:$0x2];
	[bflag:$0x3] =	sbarrier.arrive $0xFFFF;
	s2 =	simm.s32 @!p0 $0x1C11  }
0x289: {  	[timem:s3], [sflag:s2] =	dma.local @!p0 [hbm:s0], s1  }
0x28a: {  	s0 =	simm.s32 @!p0 $0x11  }
0x28b: {  	_ =	swait.ge @!p0 [sflag:s0], s1  }
0x28c: {  	s1 =	ssub.s32 @!p0 $0x0, s1;
	[sflag:s0] =	ssyncset.done @!p0 $0x0  }
0x28d: {  	[sflag:s0] =	ssyncadd.s32 @!p0 s1  }
0x28e: {  	[bflag:$0x3] =	sbarrier.arrive $0xFFFF  }
0x28f: {  	_ =	shalt  }

</sc_bundles>
